<compile_context>
chip_gen: v7x
topology: tpu7x:2x2x1
jax: 0.10.2.dev20260603
libtpu: 0.0.44.dev20260713+nightly
codegen_flags: <defaults>
</compile_context>

<pallas_src>
import functools

import jax
import jax.numpy as jnp
from jax import lax
from jax.experimental import pallas as pl
from jax.experimental.pallas import tpu as pltpu
from jax.experimental.pallas import tpu_sc as plsc

N = 10000
E = 320000
D = 128
H = 128
O_DIM = 10
L = 3
EPS = 1e-5

NC = 2
NS = 16
NW = NC * NS
EW = E // NW
CHUNK = 40
NCH = EW // CHUNK
NBUF = 5
NGRP = NCH // NBUF
STAGE = 2000
N_PAD = 10112
ROWS_PER_TILE = N_PAD // NS
ZR = 24

_mesh = functools.partial(
    plsc.VectorSubcoreMesh, core_axis_name="c", subcore_axis_name="s"
)


def _sc_params():
    return pltpu.CompilerParams(needs_layout_passes=False)


def _deg_body(dst_hbm, out_hbm, idx_v, deg_v, sem):
    c = lax.axis_index("c")
    s = lax.axis_index("s")
    wid = s * NC + c

    zeros16 = jnp.zeros((16,), jnp.float32)
    ones16 = jnp.ones((16,), jnp.float32)

    @pl.loop(0, N, step=16)
    def _(i):
        deg_v[pl.ds(i, 16)] = zeros16

    base = wid * EW

    @pl.loop(0, EW, step=STAGE)
    def _(j):
        pltpu.async_copy(dst_hbm.at[pl.ds(base + j, STAGE)], idx_v, sem).wait()

        @pl.loop(0, STAGE, step=16)
        def _(k):
            idx = idx_v[pl.ds(k, 16)]
            plsc.addupdate_scatter(deg_v, [idx], ones16)

    pltpu.sync_copy(deg_v, out_hbm.at[pl.ds(wid * N, N)])


def _sc_degree(dst):
    k = pl.kernel(
        _deg_body,
        out_type=jax.ShapeDtypeStruct((NW * N,), jnp.float32),
        mesh=_mesh(),
        scratch_types=[
            pltpu.VMEM((STAGE,), jnp.int32),
            pltpu.VMEM((N,), jnp.float32),
            pltpu.SemaphoreType.DMA,
        ],
        compiler_params=_sc_params(),
    )
    return k(dst)


def _scatter_body(t_hbm, src_hbm, dst_hbm, out_hbm, *refs):
    srcb = refs[0:NBUF]
    dstb = refs[NBUF:2 * NBUF]
    rows = refs[2 * NBUF]
    zbuf = refs[2 * NBUF + 1]
    acc = refs[2 * NBUF + 2]
    isem = refs[2 * NBUF + 3:2 * NBUF + 3 + NBUF]
    gsem = refs[2 * NBUF + 3 + NBUF:2 * NBUF + 3 + 2 * NBUF]
    ssem = refs[2 * NBUF + 3 + 2 * NBUF:]

    c = lax.axis_index("c")
    s = lax.axis_index("s")
    wid = s * NC + c
    row0 = s * ROWS_PER_TILE
    base = wid * EW

    zeros16 = jnp.zeros((16,), jnp.float32)

    @pl.loop(0, ZR)
    def _(i):
        @pl.loop(0, H, step=16)
        def _(j):
            zbuf[i, pl.ds(j, 16)] = zeros16

    @pl.loop(0, (ROWS_PER_TILE // ZR) * ZR, step=ZR)
    def _(r):
        pltpu.sync_copy(zbuf, acc.at[pl.ds(row0 + r, ZR)])
    _rem = ROWS_PER_TILE - (ROWS_PER_TILE // ZR) * ZR
    if _rem:
        pltpu.sync_copy(
            zbuf.at[pl.ds(0, _rem)],
            acc.at[pl.ds(row0 + (ROWS_PER_TILE // ZR) * ZR, _rem)],
        )

    def load_idx_issue_gather(off, b):
        i1 = pltpu.async_copy(src_hbm.at[pl.ds(off, CHUNK)], srcb[b],
                              isem[b])
        i2 = pltpu.async_copy(dst_hbm.at[pl.ds(off, CHUNK)], dstb[b],
                              isem[b])
        i1.wait()
        i2.wait()
        return pltpu.async_copy(t_hbm.at[srcb[b]], rows.at[b], gsem[b])

    for b in range(NBUF):
        load_idx_issue_gather(base + b * CHUNK, b)

    plsc.subcore_barrier()

    def _drain_gather(b):
        pltpu.make_async_copy(t_hbm.at[srcb[b]], rows.at[b], gsem[b]).wait()

    def _process(g, issue_next):
        shs = []
        for b in range(NBUF):
            _drain_gather(b)
            shs.append(pltpu.async_copy(rows.at[b], acc.at[dstb[b]],
                                        ssem[b], add=True))
        for b in range(NBUF):
            shs[b].wait()
            if issue_next:
                load_idx_issue_gather(base + (g + 1) * NBUF * CHUNK
                                      + b * CHUNK, b)

    @pl.loop(0, NGRP - 1)
    def _(g):
        _process(g, True)

    _process(NGRP - 1, False)

    plsc.subcore_barrier()

    pltpu.sync_copy(
        acc.at[pl.ds(row0, ROWS_PER_TILE)],
        out_hbm.at[c, pl.ds(row0, ROWS_PER_TILE)],
    )


def _sc_scatter(t, src, dst):
    k = pl.kernel(
        _scatter_body,
        out_type=jax.ShapeDtypeStruct((NC, N_PAD, H), jnp.float32),
        mesh=_mesh(),
        scratch_types=(
            [pltpu.VMEM((CHUNK,), jnp.int32)] * NBUF
            + [pltpu.VMEM((CHUNK,), jnp.int32)] * NBUF
            + [
                pltpu.VMEM((NBUF, CHUNK, H), jnp.float32),
                pltpu.VMEM((ZR, H), jnp.float32),
                pltpu.VMEM_SHARED((N_PAD, H), jnp.float32),
            ]
            + [pltpu.SemaphoreType.DMA] * (3 * NBUF)
        ),
        compiler_params=_sc_params(),
    )
    return k(t, src, dst)


def _pre_body(x_ref, win_ref, bin_ref, degp_ref, wc0_ref,
              h_ref, t_ref, dinv_ref):
    deg = jnp.sum(degp_ref[...], axis=0) + 1.0
    dinv = lax.rsqrt(jnp.maximum(deg, 1.0))
    h = jnp.maximum(
        jnp.dot(x_ref[...], win_ref[...], preferred_element_type=jnp.float32)
        + bin_ref[...][None, :],
        0.0,
    )
    t = jnp.dot(h, wc0_ref[...], preferred_element_type=jnp.float32)
    h_ref[...] = h
    t_ref[...] = t * dinv[:, None]
    dinv_ref[...] = dinv


def _tc_pre(x, w_in, b_in, degp, wc0):
    return pl.pallas_call(
        _pre_body,
        out_shape=[
            jax.ShapeDtypeStruct((N, H), jnp.float32),
            jax.ShapeDtypeStruct((N, H), jnp.float32),
            jax.ShapeDtypeStruct((N,), jnp.float32),
        ],
    )(x, w_in, b_in, degp, wc0)


def _post_body(has_res, is_final, *refs):
    if has_res and not is_final:
        sp_ref, t_ref, hres_ref, dinv_ref, g_ref, b_ref, bc_ref, wn_ref, \
            h_ref, tn_ref = refs
    elif not has_res and not is_final:
        sp_ref, t_ref, dinv_ref, g_ref, b_ref, bc_ref, wn_ref, \
            h_ref, tn_ref = refs
        hres_ref = None
    else:
        sp_ref, t_ref, hres_ref, dinv_ref, g_ref, b_ref, bc_ref, wout_ref, \
            bout_ref, out_ref = refs

    dinv = dinv_ref[...]
    t = t_ref[...]
    s = sp_ref[0, :N, :] + sp_ref[1, :N, :] + t
    agg = s * dinv[:, None] + bc_ref[...][None, :]
    mu = jnp.mean(agg, axis=0)
    ctr = agg - mu[None, :]
    var = jnp.mean(ctr * ctr, axis=0)
    hbn = ctr * lax.rsqrt(var + EPS) * g_ref[...][None, :] + b_ref[...][None, :]
    h = jnp.maximum(hbn, 0.0)
    if hres_ref is not None:
        h = h + hres_ref[...]
    if is_final:
        out_ref[...] = (
            jnp.dot(h, wout_ref[...], preferred_element_type=jnp.float32)
            + bout_ref[...][None, :]
        )
    else:
        h_ref[...] = h
        tn = jnp.dot(h, wn_ref[...], preferred_element_type=jnp.float32)
        tn_ref[...] = tn * dinv[:, None]


def _tc_post(sp, t, hres, dinv, g, b, bci, wnext, has_res):
    body = functools.partial(_post_body, has_res, False)
    args = (sp, t, hres, dinv, g, b, bci, wnext) if has_res else (
        sp, t, dinv, g, b, bci, wnext)
    return pl.pallas_call(
        body,
        out_shape=[
            jax.ShapeDtypeStruct((N, H), jnp.float32),
            jax.ShapeDtypeStruct((N, H), jnp.float32),
        ],
    )(*args)


def _tc_final(sp, t, hres, dinv, g, b, bci, w_out, b_out):
    body = functools.partial(_post_body, True, True)
    return pl.pallas_call(
        body,
        out_shape=jax.ShapeDtypeStruct((N, O_DIM), jnp.float32),
    )(sp, t, hres, dinv, g, b, bci, w_out, b_out)


def kernel(x, edge_index, W_in, b_in, Wc, bc, gamma, beta, W_out, b_out):
    src = edge_index[0]
    dst = edge_index[1]

    degp = _sc_degree(dst).reshape(NW, N)
    h, t, dinv = _tc_pre(x, W_in, b_in, degp, Wc[0])

    for i in range(L):
        sp = _sc_scatter(t, src, dst)
        if i < L - 1:
            h, t = _tc_post(sp, t, h, dinv, gamma[i], beta[i], bc[i],
                            Wc[i + 1], has_res=(i > 0))
        else:
            out = _tc_final(sp, t, h, dinv, gamma[i], beta[i], bc[i],
                            W_out, b_out)
    return out

# --- scband reference (transcript-rebuilt; emitter-appended) ---
"""Pipeline reference for scband-node-gnnmodel-89704686944683 (READ-ONLY COPY).

The authoritative reference and input builder live on the scoring server;
editing this copy changes nothing except your own understanding.
"""

import jax, jax.numpy as jnp
import numpy as np

N = 10000
E = 320000
D = 128
H = 128
O = 10
L = 3
EPS = 1e-5


def setup_inputs(seed: int = 0) -> dict:
    key = jax.random.key(seed)
    ks = jax.random.split(key, 12)
    inp = {}
    inp["x"] = jax.random.normal(ks[0], (N, D), dtype=jnp.float32)
    inp["edge_index"] = jax.random.randint(ks[1], (2, E), 0, N, dtype=jnp.int32)
    # learned parameters (sized per init_kwargs)
    inp["W_in"] = jax.random.normal(ks[2], (D, H), dtype=jnp.float32) / np.sqrt(D)
    inp["b_in"] = jnp.zeros((H,), dtype=jnp.float32)
    inp["Wc"] = jax.random.normal(ks[3], (L, H, H), dtype=jnp.float32) / np.sqrt(H)
    inp["bc"] = jnp.zeros((L, H), dtype=jnp.float32)
    inp["gamma"] = jnp.ones((L, H), dtype=jnp.float32)
    inp["beta"] = jnp.zeros((L, H), dtype=jnp.float32)
    inp["W_out"] = jax.random.normal(ks[4], (H, O), dtype=jnp.float32) / np.sqrt(H)
    inp["b_out"] = jnp.zeros((O,), dtype=jnp.float32)
    return inp


def reference(x, edge_index, W_in, b_in, Wc, bc, gamma, beta, W_out, b_out):
    src = edge_index[0]
    dst = edge_index[1]
    # GCN normalization with self loops (shared across layers; graph is static)
    loop = jnp.arange(N, dtype=src.dtype)
    src_sl = jnp.concatenate([src, loop])
    dst_sl = jnp.concatenate([dst, loop])
    deg = jax.ops.segment_sum(jnp.ones(src_sl.shape[0], jnp.float32), dst_sl, num_segments=N)
    dinv = jax.lax.rsqrt(jnp.maximum(deg, 1.0))
    norm = dinv[src_sl] * dinv[dst_sl]

    # input projection + relu
    h = jax.nn.relu(x @ W_in + b_in)

    for i in range(L):
        h_res = h
        # GCNConv: h' = D^-1/2 (A+I) D^-1/2 (h W) + b
        m = h @ Wc[i]
        msg = m[src_sl] * norm[:, None]
        agg = jax.ops.segment_sum(msg, dst_sl, num_segments=N) + bc[i]
        # BatchNorm1d over nodes (batch statistics)
        mu = jnp.mean(agg, axis=0)
        var = jnp.var(agg, axis=0)
        hbn = (agg - mu) * jax.lax.rsqrt(var + EPS) * gamma[i] + beta[i]
        h = jax.nn.relu(hbn)
        # dropout is identity in eval mode
        if i > 0:
            h = h + h_res

    return h @ W_out + b_out

if __name__ == "__main__":
    import jax
    _d = setup_inputs()
    print(jax.jit(kernel)(*tuple(_d.values())))

</pallas_src>

<mosaic_0001>
#map = affine_map<(d0, d1) -> (0)>
module attributes {stable_mosaic.version = 14 : i64} {
  func.func @_deg_body(%arg0: i32, %arg1: i32, %arg2: memref<320000xi32, #tpu.memory_space<hbm>>, %arg3: memref<320000xf32, #tpu.memory_space<hbm>>, %arg4: memref<2000xi32, #tpu.memory_space<vmem>>, %arg5: memref<10000xf32, #tpu.memory_space<vmem>>, %arg6: memref<!tpu.dma_semaphore, #tpu.memory_space<semaphore_mem>>) attributes {dimension_semantics = [#tpu.dimension_semantics<core_parallel>, #tpu.dimension_semantics<subcore_parallel>], iteration_bounds = array<i64: 2, 16>, scalar_prefetch = 0 : i64, scratch_operands = 3 : i64, tpu.core_type = #tpu.core_type<sc_vector_subcore>, window_params = [{transform_indices = #map}, {transform_indices = #map}]} {
    %mul3A = arith.constant 2 : i32
    %mul3A_0 = arith.muli %arg1, %mul3A : i32
    %add3A = arith.addi %mul3A_0, %arg0 : i32
    %broadcast_in_dim3A = arith.constant 0.000000e+00 : f32
    %broadcast_in_dim3A_1 = vector.broadcast %broadcast_in_dim3A : f32 to vector<16xf32>
    %broadcast_in_dim3A_2 = arith.constant 1.000000e+00 : f32
    %broadcast_in_dim3A_3 = vector.broadcast %broadcast_in_dim3A_2 : f32 to vector<16xf32>
    %scan3A = arith.constant 0 : i32
    %scan3A_4 = arith.constant 625 : i32
    %scan3A_5 = arith.addi %scan3A, %scan3A_4 : i32
    %scan3A_6 = arith.constant 1 : i32
    scf.for %scan3A_17 = %scan3A to %scan3A_5 step %scan3A_6  : i32 {
      %mul3A_18 = arith.constant 16 : i32
      %mul3A_19 = arith.muli %scan3A_17, %mul3A_18 : i32
      %add3A_20 = arith.constant 0 : i32
      %add3A_21 = arith.addi %add3A_20, %mul3A_19 : i32
      %swap3A = arith.index_cast %add3A_21 : i32 to index
      %swap3A_22 = tpu.vector_load %arg5[%swap3A] {strides = array<i32>} : memref<10000xf32, #tpu.memory_space<vmem>>, vector<16xf32>,
      tpu.vector_store %arg5[%swap3A], %broadcast_in_dim3A_1 {strides = array<i32>} : memref<10000xf32, #tpu.memory_space<vmem>>, vector<16xf32>,
    }
    %scan3A_7 = arith.constant 625 : i32
    %mul3A_8 = arith.constant 10000 : i32
    %mul3A_9 = arith.muli %add3A, %mul3A_8 : i32
    %scan3A_10 = arith.constant 0 : i32
    %scan3A_11 = arith.constant 5 : i32
    %scan3A_12 = arith.addi %scan3A_10, %scan3A_11 : i32
    %scan3A_13 = arith.constant 1 : i32
    scf.for %scan3A_17 = %scan3A_10 to %scan3A_12 step %scan3A_13  : i32 {
      %mul3A_18 = arith.constant 2000 : i32
      %mul3A_19 = arith.muli %scan3A_17, %mul3A_18 : i32
      %add3A_20 = arith.constant 0 : i32
      %add3A_21 = arith.addi %add3A_20, %mul3A_19 : i32
      %add3A_22 = arith.addi %mul3A_9, %add3A_21 : i32
      %dma_start3A = tpu.memref_slice %arg2[%add3A_22] : memref<320000xi32, #tpu.memory_space<hbm>> -> memref<2000xi32, #tpu.memory_space<hbm>>
      %dma_start3A_23 = tpu.memref_slice %arg2[%add3A_22] : memref<320000xi32, #tpu.memory_space<hbm>> -> memref<2000xi32, #tpu.memory_space<hbm>>
      tpu.enqueue_dma source(%dma_start3A_23 : memref<2000xi32, #tpu.memory_space<hbm>>) target(%arg4 : memref<2000xi32, #tpu.memory_space<vmem>>) target_semaphore(%arg6 : memref<!tpu.dma_semaphore, #tpu.memory_space<semaphore_mem>>)
      %dma_wait3A = tpu.memref_slice %arg2[%add3A_22] : memref<320000xi32, #tpu.memory_space<hbm>> -> memref<2000xi32, #tpu.memory_space<hbm>>
      %dma_wait3A_24 = tpu.memref_slice %arg2[%add3A_22] : memref<320000xi32, #tpu.memory_space<hbm>> -> memref<2000xi32, #tpu.memory_space<hbm>>
      tpu.wait_dma2 semaphore(%arg6 : memref<!tpu.dma_semaphore, #tpu.memory_space<semaphore_mem>>) src(%dma_wait3A_24 : memref<2000xi32, #tpu.memory_space<hbm>>) dst(%arg4 : memref<2000xi32, #tpu.memory_space<vmem>>)
      %scan3A_25 = arith.constant 0 : i32
      %scan3A_26 = arith.constant 125 : i32
      %scan3A_27 = arith.addi %scan3A_25, %scan3A_26 : i32
      %scan3A_28 = arith.constant 1 : i32
      scf.for %scan3A_30 = %scan3A_25 to %scan3A_27 step %scan3A_28  : i32 {
        %mul3A_31 = arith.constant 16 : i32
        %mul3A_32 = arith.muli %scan3A_30, %mul3A_31 : i32
        %add3A_33 = arith.constant 0 : i32
        %add3A_34 = arith.addi %add3A_33, %mul3A_32 : i32
        %get3A = arith.index_cast %add3A_34 : i32 to index
        %get3A_35 = tpu.vector_load %arg4[%get3A] {strides = array<i32>} : memref<2000xi32, #tpu.memory_space<vmem>>, vector<16xi32>,
        tpu.vector_store_idx %arg5[%get3A_35], %broadcast_in_dim3A_3 {add = true} : memref<10000xf32, #tpu.memory_space<vmem>>[vector<16xi32>], vector<16xf32>,
      }
      %scan3A_29 = arith.constant 125 : i32
    }
    %scan3A_14 = arith.constant 5 : i32
    %mul3A_15 = arith.constant 10000 : i32
    %mul3A_16 = arith.muli %add3A, %mul3A_15 : i32
    "tpu.region"() ({
      %run_scoped3A = tpu.sem_alloc : memref<!tpu.dma_semaphore, #tpu.memory_space<semaphore_mem>>
      %dma_start3A = tpu.memref_slice %arg3[%mul3A_16] : memref<320000xf32, #tpu.memory_space<hbm>> -> memref<10000xf32, #tpu.memory_space<hbm>>
      %dma_start3A_17 = tpu.memref_slice %arg3[%mul3A_16] : memref<320000xf32, #tpu.memory_space<hbm>> -> memref<10000xf32, #tpu.memory_space<hbm>>
      tpu.enqueue_dma source(%arg5 : memref<10000xf32, #tpu.memory_space<vmem>>) target(%dma_start3A_17 : memref<10000xf32, #tpu.memory_space<hbm>>) target_semaphore(%run_scoped3A : memref<!tpu.dma_semaphore, #tpu.memory_space<semaphore_mem>>)
      %dma_wait3A = tpu.memref_slice %arg3[%mul3A_16] : memref<320000xf32, #tpu.memory_space<hbm>> -> memref<10000xf32, #tpu.memory_space<hbm>>
      %dma_wait3A_18 = tpu.memref_slice %arg3[%mul3A_16] : memref<320000xf32, #tpu.memory_space<hbm>> -> memref<10000xf32, #tpu.memory_space<hbm>>
      tpu.wait_dma2 semaphore(%run_scoped3A : memref<!tpu.dma_semaphore, #tpu.memory_space<semaphore_mem>>) src(%arg5 : memref<10000xf32, #tpu.memory_space<vmem>>) dst(%dma_wait3A_18 : memref<10000xf32, #tpu.memory_space<hbm>>)
      tpu.yield
    }) : () -> ()
    return
  }
}

#map = affine_map<(d0, d1) -> (0, 0)>
#map1 = affine_map<(d0, d1) -> (0)>
#map2 = affine_map<(d0, d1) -> (0, 0, 0)>
module attributes {stable_mosaic.version = 14 : i64} {
  func.func @_scatter_body(%arg0: i32, %arg1: i32, %arg2: memref<10000x128xf32, #tpu.memory_space<hbm>>, %arg3: memref<320000xi32, #tpu.memory_space<hbm>>, %arg4: memref<320000xi32, #tpu.memory_space<hbm>>, %arg5: memref<2x10112x128xf32, #tpu.memory_space<hbm>>, %arg6: memref<40xi32, #tpu.memory_space<vmem>>, %arg7: memref<40xi32, #tpu.memory_space<vmem>>, %arg8: memref<40xi32, #tpu.memory_space<vmem>>, %arg9: memref<40xi32, #tpu.memory_space<vmem>>, %arg10: memref<40xi32, #tpu.memory_space<vmem>>, %arg11: memref<40xi32, #tpu.memory_space<vmem>>, %arg12: memref<40xi32, #tpu.memory_space<vmem>>, %arg13: memref<40xi32, #tpu.memory_space<vmem>>, %arg14: memref<40xi32, #tpu.memory_space<vmem>>, %arg15: memref<40xi32, #tpu.memory_space<vmem>>, %arg16: memref<5x40x128xf32, #tpu.memory_space<vmem>>, %arg17: memref<24x128xf32, #tpu.memory_space<vmem>>, %arg18: memref<10112x128xf32, #tpu.memory_space<vmem_shared>>, %arg19: memref<!tpu.dma_semaphore, #tpu.memory_space<semaphore_mem>>, %arg20: memref<!tpu.dma_semaphore, #tpu.memory_space<semaphore_mem>>, %arg21: memref<!tpu.dma_semaphore, #tpu.memory_space<semaphore_mem>>, %arg22: memref<!tpu.dma_semaphore, #tpu.memory_space<semaphore_mem>>, %arg23: memref<!tpu.dma_semaphore, #tpu.memory_space<semaphore_mem>>, %arg24: memref<!tpu.dma_semaphore, #tpu.memory_space<semaphore_mem>>, %arg25: memref<!tpu.dma_semaphore, #tpu.memory_space<semaphore_mem>>, %arg26: memref<!tpu.dma_semaphore, #tpu.memory_space<semaphore_mem>>, %arg27: memref<!tpu.dma_semaphore, #tpu.memory_space<semaphore_mem>>, %arg28: memref<!tpu.dma_semaphore, #tpu.memory_space<semaphore_mem>>, %arg29: memref<!tpu.dma_semaphore, #tpu.memory_space<semaphore_mem>>, %arg30: memref<!tpu.dma_semaphore, #tpu.memory_space<semaphore_mem>>, %arg31: memref<!tpu.dma_semaphore, #tpu.memory_space<semaphore_mem>>, %arg32: memref<!tpu.dma_semaphore, #tpu.memory_space<semaphore_mem>>, %arg33: memref<!tpu.dma_semaphore, #tpu.memory_space<semaphore_mem>>) attributes {dimension_semantics = [#tpu.dimension_semantics<core_parallel>, #tpu.dimension_semantics<subcore_parallel>], iteration_bounds = array<i64: 2, 16>, scalar_prefetch = 0 : i64, scratch_operands = 28 : i64, tpu.core_type = #tpu.core_type<sc_vector_subcore>, window_params = [{transform_indices = #map}, {transform_indices = #map1}, {transform_indices = #map1}, {transform_indices = #map2}]} {
    %mul3A = arith.constant 2 : i32
    %mul3A_0 = arith.muli %arg1, %mul3A : i32
    %add3A = arith.addi %mul3A_0, %arg0 : i32
    %mul3A_1 = arith.constant 632 : i32
    %mul3A_2 = arith.muli %arg1, %mul3A_1 : i32
    %mul3A_3 = arith.constant 10000 : i32
    %mul3A_4 = arith.muli %add3A, %mul3A_3 : i32
    %broadcast_in_dim3A = arith.constant 0.000000e+00 : f32
    %broadcast_in_dim3A_5 = vector.broadcast %broadcast_in_dim3A : f32 to vector<16xf32>
    %scan3A = arith.constant 0 : i32
    %scan3A_6 = arith.constant 24 : i32
    %scan3A_7 = arith.addi %scan3A, %scan3A_6 : i32
    %scan3A_8 = arith.constant 1 : i32
    scf.for %scan3A_231 = %scan3A to %scan3A_7 step %scan3A_8  : i32 {
      %mul3A_232 = arith.constant 1 : i32
      %mul3A_233 = arith.muli %scan3A_231, %mul3A_232 : i32
      %add3A_234 = arith.constant 0 : i32
      %add3A_235 = arith.addi %add3A_234, %mul3A_233 : i32
      %scan3A_236 = arith.constant 0 : i32
      %scan3A_237 = arith.constant 8 : i32
      %scan3A_238 = arith.addi %scan3A_236, %scan3A_237 : i32
      %scan3A_239 = arith.constant 1 : i32
      scf.for %scan3A_241 = %scan3A_236 to %scan3A_238 step %scan3A_239  : i32 {
        %mul3A_242 = arith.constant 16 : i32
        %mul3A_243 = arith.muli %scan3A_241, %mul3A_242 : i32
        %add3A_244 = arith.constant 0 : i32
        %add3A_245 = arith.addi %add3A_244, %mul3A_243 : i32
        %swap3A = arith.index_cast %add3A_235 : i32 to index
        %swap3A_246 = arith.index_cast %add3A_245 : i32 to index
        %swap3A_247 = tpu.vector_load %arg17[%swap3A, %swap3A_246] {strides = array<i32>} : memref<24x128xf32, #tpu.memory_space<vmem>>, vector<16xf32>,
        tpu.vector_store %arg17[%swap3A, %swap3A_246], %broadcast_in_dim3A_5 {strides = array<i32>} : memref<24x128xf32, #tpu.memory_space<vmem>>, vector<16xf32>,
      }
      %scan3A_240 = arith.constant 8 : i32
    }
    %scan3A_9 = arith.constant 24 : i32
    %scan3A_10 = arith.constant 0 : i32
    %scan3A_11 = arith.constant 26 : i32
    %scan3A_12 = arith.addi %scan3A_10, %scan3A_11 : i32
    %scan3A_13 = arith.constant 1 : i32
    scf.for %scan3A_231 = %scan3A_10 to %scan3A_12 step %scan3A_13  : i32 {
      %mul3A_232 = arith.constant 24 : i32
      %mul3A_233 = arith.muli %scan3A_231, %mul3A_232 : i32
      %add3A_234 = arith.constant 0 : i32
      %add3A_235 = arith.addi %add3A_234, %mul3A_233 : i32
      %add3A_236 = arith.addi %mul3A_2, %add3A_235 : i32
      "tpu.region"() ({
        %run_scoped3A = tpu.sem_alloc : memref<!tpu.dma_semaphore, #tpu.memory_space<semaphore_mem>>
        %dma_start3A_237 = arith.constant 0 : i32
        %dma_start3A_238 = tpu.memref_slice %arg18[%add3A_236, %dma_start3A_237] : memref<10112x128xf32, #tpu.memory_space<vmem_shared>> -> memref<24x128xf32, #tpu.memory_space<vmem_shared>>
        %dma_start3A_239 = arith.constant 0 : i32
        %dma_start3A_240 = tpu.memref_slice %arg18[%add3A_236, %dma_start3A_239] : memref<10112x128xf32, #tpu.memory_space<vmem_shared>> -> memref<24x128xf32, #tpu.memory_space<vmem_shared>>
        tpu.enqueue_dma source(%arg17 : memref<24x128xf32, #tpu.memory_space<vmem>>) target(%dma_start3A_240 : memref<24x128xf32, #tpu.memory_space<vmem_shared>>) target_semaphore(%run_scoped3A : memref<!tpu.dma_semaphore, #tpu.memory_space<semaphore_mem>>)
        %dma_wait3A_241 = arith.constant 0 : i32
        %dma_wait3A_242 = tpu.memref_slice %arg18[%add3A_236, %dma_wait3A_241] : memref<10112x128xf32, #tpu.memory_space<vmem_shared>> -> memref<24x128xf32, #tpu.memory_space<vmem_shared>>
        %dma_wait3A_243 = arith.constant 0 : i32
        %dma_wait3A_244 = tpu.memref_slice %arg18[%add3A_236, %dma_wait3A_243] : memref<10112x128xf32, #tpu.memory_space<vmem_shared>> -> memref<24x128xf32, #tpu.memory_space<vmem_shared>>
        tpu.wait_dma2 semaphore(%run_scoped3A : memref<!tpu.dma_semaphore, #tpu.memory_space<semaphore_mem>>) src(%arg17 : memref<24x128xf32, #tpu.memory_space<vmem>>) dst(%dma_wait3A_244 : memref<24x128xf32, #tpu.memory_space<vmem_shared>>)
        tpu.yield
      }) : () -> ()
    }
    %scan3A_14 = arith.constant 26 : i32
    %add3A_15 = arith.constant 624 : i32
    %add3A_16 = arith.addi %mul3A_2, %add3A_15 : i32
    "tpu.region"() ({
      %run_scoped3A = tpu.sem_alloc : memref<!tpu.dma_semaphore, #tpu.memory_space<semaphore_mem>>
      %dma_start3A_231 = arith.constant 0 : i32
      %dma_start3A_232 = arith.constant 0 : i32
      %dma_start3A_233 = tpu.memref_slice %arg17[%dma_start3A_231, %dma_start3A_232] : memref<24x128xf32, #tpu.memory_space<vmem>> -> memref<8x128xf32, #tpu.memory_space<vmem>>
      %dma_start3A_234 = arith.constant 0 : i32
      %dma_start3A_235 = tpu.memref_slice %arg18[%add3A_16, %dma_start3A_234] : memref<10112x128xf32, #tpu.memory_space<vmem_shared>> -> memref<8x128xf32, #tpu.memory_space<vmem_shared>>
      %dma_start3A_236 = arith.constant 0 : i32
      %dma_start3A_237 = tpu.memref_slice %arg18[%add3A_16, %dma_start3A_236] : memref<10112x128xf32, #tpu.memory_space<vmem_shared>> -> memref<8x128xf32, #tpu.memory_space<vmem_shared>>
      %dma_start3A_238 = arith.constant 0 : i32
      %dma_start3A_239 = arith.constant 0 : i32
      %dma_start3A_240 = tpu.memref_slice %arg17[%dma_start3A_238, %dma_start3A_239] : memref<24x128xf32, #tpu.memory_space<vmem>> -> memref<8x128xf32, #tpu.memory_space<vmem>>
      tpu.enqueue_dma source(%dma_start3A_240 : memref<8x128xf32, #tpu.memory_space<vmem>>) target(%dma_start3A_237 : memref<8x128xf32, #tpu.memory_space<vmem_shared>>) target_semaphore(%run_scoped3A : memref<!tpu.dma_semaphore, #tpu.memory_space<semaphore_mem>>)
      %dma_wait3A_241 = arith.constant 0 : i32
      %dma_wait3A_242 = arith.constant 0 : i32
      %dma_wait3A_243 = tpu.memref_slice %arg17[%dma_wait3A_241, %dma_wait3A_242] : memref<24x128xf32, #tpu.memory_space<vmem>> -> memref<8x128xf32, #tpu.memory_space<vmem>>
      %dma_wait3A_244 = arith.constant 0 : i32
      %dma_wait3A_245 = tpu.memref_slice %arg18[%add3A_16, %dma_wait3A_244] : memref<10112x128xf32, #tpu.memory_space<vmem_shared>> -> memref<8x128xf32, #tpu.memory_space<vmem_shared>>
      %dma_wait3A_246 = arith.constant 0 : i32
      %dma_wait3A_247 = tpu.memref_slice %arg18[%add3A_16, %dma_wait3A_246] : memref<10112x128xf32, #tpu.memory_space<vmem_shared>> -> memref<8x128xf32, #tpu.memory_space<vmem_shared>>
      %dma_wait3A_248 = arith.constant 0 : i32
      %dma_wait3A_249 = arith.constant 0 : i32
      %dma_wait3A_250 = tpu.memref_slice %arg17[%dma_wait3A_248, %dma_wait3A_249] : memref<24x128xf32, #tpu.memory_space<vmem>> -> memref<8x128xf32, #tpu.memory_space<vmem>>
      tpu.wait_dma2 semaphore(%run_scoped3A : memref<!tpu.dma_semaphore, #tpu.memory_space<semaphore_mem>>) src(%dma_wait3A_250 : memref<8x128xf32, #tpu.memory_space<vmem>>) dst(%dma_wait3A_247 : memref<8x128xf32, #tpu.memory_space<vmem_shared>>)
      tpu.yield
    }) : () -> ()
    %add3A_17 = arith.constant 0 : i32
    %add3A_18 = arith.addi %mul3A_4, %add3A_17 : i32
    %dma_start3A = tpu.memref_slice %arg3[%add3A_18] : memref<320000xi32, #tpu.memory_space<hbm>> -> memref<40xi32, #tpu.memory_space<hbm>>
    %dma_start3A_19 = tpu.memref_slice %arg3[%add3A_18] : memref<320000xi32, #tpu.memory_space<hbm>> -> memref<40xi32, #tpu.memory_space<hbm>>
    tpu.enqueue_dma source(%dma_start3A_19 : memref<40xi32, #tpu.memory_space<hbm>>) target(%arg6 : memref<40xi32, #tpu.memory_space<vmem>>) target_semaphore(%arg19 : memref<!tpu.dma_semaphore, #tpu.memory_space<semaphore_mem>>)
    %dma_start3A_20 = tpu.memref_slice %arg4[%add3A_18] : memref<320000xi32, #tpu.memory_space<hbm>> -> memref<40xi32, #tpu.memory_space<hbm>>
    %dma_start3A_21 = tpu.memref_slice %arg4[%add3A_18] : memref<320000xi32, #tpu.memory_space<hbm>> -> memref<40xi32, #tpu.memory_space<hbm>>
    tpu.enqueue_dma source(%dma_start3A_21 : memref<40xi32, #tpu.memory_space<hbm>>) target(%arg11 : memref<40xi32, #tpu.memory_space<vmem>>) target_semaphore(%arg19 : memref<!tpu.dma_semaphore, #tpu.memory_space<semaphore_mem>>)
    %dma_wait3A = tpu.memref_slice %arg3[%add3A_18] : memref<320000xi32, #tpu.memory_space<hbm>> -> memref<40xi32, #tpu.memory_space<hbm>>
    %dma_wait3A_22 = tpu.memref_slice %arg3[%add3A_18] : memref<320000xi32, #tpu.memory_space<hbm>> -> memref<40xi32, #tpu.memory_space<hbm>>
    tpu.wait_dma2 semaphore(%arg19 : memref<!tpu.dma_semaphore, #tpu.memory_space<semaphore_mem>>) src(%dma_wait3A_22 : memref<40xi32, #tpu.memory_space<hbm>>) dst(%arg6 : memref<40xi32, #tpu.memory_space<vmem>>)
    %dma_wait3A_23 = tpu.memref_slice %arg4[%add3A_18] : memref<320000xi32, #tpu.memory_space<hbm>> -> memref<40xi32, #tpu.memory_space<hbm>>
    %dma_wait3A_24 = tpu.memref_slice %arg4[%add3A_18] : memref<320000xi32, #tpu.memory_space<hbm>> -> memref<40xi32, #tpu.memory_space<hbm>>
    tpu.wait_dma2 semaphore(%arg19 : memref<!tpu.dma_semaphore, #tpu.memory_space<semaphore_mem>>) src(%dma_wait3A_24 : memref<40xi32, #tpu.memory_space<hbm>>) dst(%arg11 : memref<40xi32, #tpu.memory_space<vmem>>)
    %dma_start3A_25 = arith.constant 0 : i32
    %dma_start3A_26 = arith.constant 0 : i32
    %dma_start3A_27 = arith.constant 0 : i32
    %dma_start3A_28 = tpu.memref_slice %arg16[%dma_start3A_25, %dma_start3A_26, %dma_start3A_27] : memref<5x40x128xf32, #tpu.memory_space<vmem>> -> memref<1x40x128xf32, #tpu.memory_space<vmem>>
    %dma_start3A_29 = tpu.memref_squeeze %dma_start3A_28 : memref<1x40x128xf32, #tpu.memory_space<vmem>> -> memref<40x128xf32, #tpu.memory_space<vmem>>
    %dma_start3A_30 = arith.constant 0 : i32
    %dma_start3A_31 = arith.constant 0 : i32
    %dma_start3A_32 = tpu.memref_slice %arg2[%dma_start3A_30, %dma_start3A_31] : memref<10000x128xf32, #tpu.memory_space<hbm>> -> memref<10000x128xf32, #tpu.memory_space<hbm>>
    tpu.enqueue_indirect_dma source(%dma_start3A_32 : memref<10000x128xf32, #tpu.memory_space<hbm>>) target(%dma_start3A_29 : memref<40x128xf32, #tpu.memory_space<vmem>>) offsets(%arg6 : memref<40xi32, #tpu.memory_space<vmem>>) semaphore(%arg24 : memref<!tpu.dma_semaphore, #tpu.memory_space<semaphore_mem>>)
    %add3A_33 = arith.constant 40 : i32
    %add3A_34 = arith.addi %mul3A_4, %add3A_33 : i32
    %dma_start3A_35 = tpu.memref_slice %arg3[%add3A_34] : memref<320000xi32, #tpu.memory_space<hbm>> -> memref<40xi32, #tpu.memory_space<hbm>>
    %dma_start3A_36 = tpu.memref_slice %arg3[%add3A_34] : memref<320000xi32, #tpu.memory_space<hbm>> -> memref<40xi32, #tpu.memory_space<hbm>>
    tpu.enqueue_dma source(%dma_start3A_36 : memref<40xi32, #tpu.memory_space<hbm>>) target(%arg7 : memref<40xi32, #tpu.memory_space<vmem>>) target_semaphore(%arg20 : memref<!tpu.dma_semaphore, #tpu.memory_space<semaphore_mem>>)
    %dma_start3A_37 = tpu.memref_slice %arg4[%add3A_34] : memref<320000xi32, #tpu.memory_space<hbm>> -> memref<40xi32, #tpu.memory_space<hbm>>
    %dma_start3A_38 = tpu.memref_slice %arg4[%add3A_34] : memref<320000xi32, #tpu.memory_space<hbm>> -> memref<40xi32, #tpu.memory_space<hbm>>
    tpu.enqueue_dma source(%dma_start3A_38 : memref<40xi32, #tpu.memory_space<hbm>>) target(%arg12 : memref<40xi32, #tpu.memory_space<vmem>>) target_semaphore(%arg20 : memref<!tpu.dma_semaphore, #tpu.memory_space<semaphore_mem>>)
    %dma_wait3A_39 = tpu.memref_slice %arg3[%add3A_34] : memref<320000xi32, #tpu.memory_space<hbm>> -> memref<40xi32, #tpu.memory_space<hbm>>
    %dma_wait3A_40 = tpu.memref_slice %arg3[%add3A_34] : memref<320000xi32, #tpu.memory_space<hbm>> -> memref<40xi32, #tpu.memory_space<hbm>>
    tpu.wait_dma2 semaphore(%arg20 : memref<!tpu.dma_semaphore, #tpu.memory_space<semaphore_mem>>) src(%dma_wait3A_40 : memref<40xi32, #tpu.memory_space<hbm>>) dst(%arg7 : memref<40xi32, #tpu.memory_space<vmem>>)
    %dma_wait3A_41 = tpu.memref_slice %arg4[%add3A_34] : memref<320000xi32, #tpu.memory_space<hbm>> -> memref<40xi32, #tpu.memory_space<hbm>>
    %dma_wait3A_42 = tpu.memref_slice %arg4[%add3A_34] : memref<320000xi32, #tpu.memory_space<hbm>> -> memref<40xi32, #tpu.memory_space<hbm>>
    tpu.wait_dma2 semaphore(%arg20 : memref<!tpu.dma_semaphore, #tpu.memory_space<semaphore_mem>>) src(%dma_wait3A_42 : memref<40xi32, #tpu.memory_space<hbm>>) dst(%arg12 : memref<40xi32, #tpu.memory_space<vmem>>)
    %dma_start3A_43 = arith.constant 1 : i32
    %dma_start3A_44 = arith.constant 0 : i32
    %dma_start3A_45 = arith.constant 0 : i32
    %dma_start3A_46 = tpu.memref_slice %arg16[%dma_start3A_43, %dma_start3A_44, %dma_start3A_45] : memref<5x40x128xf32, #tpu.memory_space<vmem>> -> memref<1x40x128xf32, #tpu.memory_space<vmem>>
    %dma_start3A_47 = tpu.memref_squeeze %dma_start3A_46 : memref<1x40x128xf32, #tpu.memory_space<vmem>> -> memref<40x128xf32, #tpu.memory_space<vmem>>
    %dma_start3A_48 = arith.constant 0 : i32
    %dma_start3A_49 = arith.constant 0 : i32
    %dma_start3A_50 = tpu.memref_slice %arg2[%dma_start3A_48, %dma_start3A_49] : memref<10000x128xf32, #tpu.memory_space<hbm>> -> memref<10000x128xf32, #tpu.memory_space<hbm>>
    tpu.enqueue_indirect_dma source(%dma_start3A_50 : memref<10000x128xf32, #tpu.memory_space<hbm>>) target(%dma_start3A_47 : memref<40x128xf32, #tpu.memory_space<vmem>>) offsets(%arg7 : memref<40xi32, #tpu.memory_space<vmem>>) semaphore(%arg25 : memref<!tpu.dma_semaphore, #tpu.memory_space<semaphore_mem>>)
    %add3A_51 = arith.constant 80 : i32
    %add3A_52 = arith.addi %mul3A_4, %add3A_51 : i32
    %dma_start3A_53 = tpu.memref_slice %arg3[%add3A_52] : memref<320000xi32, #tpu.memory_space<hbm>> -> memref<40xi32, #tpu.memory_space<hbm>>
    %dma_start3A_54 = tpu.memref_slice %arg3[%add3A_52] : memref<320000xi32, #tpu.memory_space<hbm>> -> memref<40xi32, #tpu.memory_space<hbm>>
    tpu.enqueue_dma source(%dma_start3A_54 : memref<40xi32, #tpu.memory_space<hbm>>) target(%arg8 : memref<40xi32, #tpu.memory_space<vmem>>) target_semaphore(%arg21 : memref<!tpu.dma_semaphore, #tpu.memory_space<semaphore_mem>>)
    %dma_start3A_55 = tpu.memref_slice %arg4[%add3A_52] : memref<320000xi32, #tpu.memory_space<hbm>> -> memref<40xi32, #tpu.memory_space<hbm>>
    %dma_start3A_56 = tpu.memref_slice %arg4[%add3A_52] : memref<320000xi32, #tpu.memory_space<hbm>> -> memref<40xi32, #tpu.memory_space<hbm>>
    tpu.enqueue_dma source(%dma_start3A_56 : memref<40xi32, #tpu.memory_space<hbm>>) target(%arg13 : memref<40xi32, #tpu.memory_space<vmem>>) target_semaphore(%arg21 : memref<!tpu.dma_semaphore, #tpu.memory_space<semaphore_mem>>)
    %dma_wait3A_57 = tpu.memref_slice %arg3[%add3A_52] : memref<320000xi32, #tpu.memory_space<hbm>> -> memref<40xi32, #tpu.memory_space<hbm>>
    %dma_wait3A_58 = tpu.memref_slice %arg3[%add3A_52] : memref<320000xi32, #tpu.memory_space<hbm>> -> memref<40xi32, #tpu.memory_space<hbm>>
    tpu.wait_dma2 semaphore(%arg21 : memref<!tpu.dma_semaphore, #tpu.memory_space<semaphore_mem>>) src(%dma_wait3A_58 : memref<40xi32, #tpu.memory_space<hbm>>) dst(%arg8 : memref<40xi32, #tpu.memory_space<vmem>>)
    %dma_wait3A_59 = tpu.memref_slice %arg4[%add3A_52] : memref<320000xi32, #tpu.memory_space<hbm>> -> memref<40xi32, #tpu.memory_space<hbm>>
    %dma_wait3A_60 = tpu.memref_slice %arg4[%add3A_52] : memref<320000xi32, #tpu.memory_space<hbm>> -> memref<40xi32, #tpu.memory_space<hbm>>
    tpu.wait_dma2 semaphore(%arg21 : memref<!tpu.dma_semaphore, #tpu.memory_space<semaphore_mem>>) src(%dma_wait3A_60 : memref<40xi32, #tpu.memory_space<hbm>>) dst(%arg13 : memref<40xi32, #tpu.memory_space<vmem>>)
    %dma_start3A_61 = arith.constant 2 : i32
    %dma_start3A_62 = arith.constant 0 : i32
    %dma_start3A_63 = arith.constant 0 : i32
    %dma_start3A_64 = tpu.memref_slice %arg16[%dma_start3A_61, %dma_start3A_62, %dma_start3A_63] : memref<5x40x128xf32, #tpu.memory_space<vmem>> -> memref<1x40x128xf32, #tpu.memory_space<vmem>>
    %dma_start3A_65 = tpu.memref_squeeze %dma_start3A_64 : memref<1x40x128xf32, #tpu.memory_space<vmem>> -> memref<40x128xf32, #tpu.memory_space<vmem>>
    %dma_start3A_66 = arith.constant 0 : i32
    %dma_start3A_67 = arith.constant 0 : i32
    %dma_start3A_68 = tpu.memref_slice %arg2[%dma_start3A_66, %dma_start3A_67] : memref<10000x128xf32, #tpu.memory_space<hbm>> -> memref<10000x128xf32, #tpu.memory_space<hbm>>
    tpu.enqueue_indirect_dma source(%dma_start3A_68 : memref<10000x128xf32, #tpu.memory_space<hbm>>) target(%dma_start3A_65 : memref<40x128xf32, #tpu.memory_space<vmem>>) offsets(%arg8 : memref<40xi32, #tpu.memory_space<vmem>>) semaphore(%arg26 : memref<!tpu.dma_semaphore, #tpu.memory_space<semaphore_mem>>)
    %add3A_69 = arith.constant 120 : i32
    %add3A_70 = arith.addi %mul3A_4, %add3A_69 : i32
    %dma_start3A_71 = tpu.memref_slice %arg3[%add3A_70] : memref<320000xi32, #tpu.memory_space<hbm>> -> memref<40xi32, #tpu.memory_space<hbm>>
    %dma_start3A_72 = tpu.memref_slice %arg3[%add3A_70] : memref<320000xi32, #tpu.memory_space<hbm>> -> memref<40xi32, #tpu.memory_space<hbm>>
    tpu.enqueue_dma source(%dma_start3A_72 : memref<40xi32, #tpu.memory_space<hbm>>) target(%arg9 : memref<40xi32, #tpu.memory_space<vmem>>) target_semaphore(%arg22 : memref<!tpu.dma_semaphore, #tpu.memory_space<semaphore_mem>>)
    %dma_start3A_73 = tpu.memref_slice %arg4[%add3A_70] : memref<320000xi32, #tpu.memory_space<hbm>> -> memref<40xi32, #tpu.memory_space<hbm>>
    %dma_start3A_74 = tpu.memref_slice %arg4[%add3A_70] : memref<320000xi32, #tpu.memory_space<hbm>> -> memref<40xi32, #tpu.memory_space<hbm>>
    tpu.enqueue_dma source(%dma_start3A_74 : memref<40xi32, #tpu.memory_space<hbm>>) target(%arg14 : memref<40xi32, #tpu.memory_space<vmem>>) target_semaphore(%arg22 : memref<!tpu.dma_semaphore, #tpu.memory_space<semaphore_mem>>)
    %dma_wait3A_75 = tpu.memref_slice %arg3[%add3A_70] : memref<320000xi32, #tpu.memory_space<hbm>> -> memref<40xi32, #tpu.memory_space<hbm>>
    %dma_wait3A_76 = tpu.memref_slice %arg3[%add3A_70] : memref<320000xi32, #tpu.memory_space<hbm>> -> memref<40xi32, #tpu.memory_space<hbm>>
    tpu.wait_dma2 semaphore(%arg22 : memref<!tpu.dma_semaphore, #tpu.memory_space<semaphore_mem>>) src(%dma_wait3A_76 : memref<40xi32, #tpu.memory_space<hbm>>) dst(%arg9 : memref<40xi32, #tpu.memory_space<vmem>>)
    %dma_wait3A_77 = tpu.memref_slice %arg4[%add3A_70] : memref<320000xi32, #tpu.memory_space<hbm>> -> memref<40xi32, #tpu.memory_space<hbm>>
    %dma_wait3A_78 = tpu.memref_slice %arg4[%add3A_70] : memref<320000xi32, #tpu.memory_space<hbm>> -> memref<40xi32, #tpu.memory_space<hbm>>
    tpu.wait_dma2 semaphore(%arg22 : memref<!tpu.dma_semaphore, #tpu.memory_space<semaphore_mem>>) src(%dma_wait3A_78 : memref<40xi32, #tpu.memory_space<hbm>>) dst(%arg14 : memref<40xi32, #tpu.memory_space<vmem>>)
    %dma_start3A_79 = arith.constant 3 : i32
    %dma_start3A_80 = arith.constant 0 : i32
    %dma_start3A_81 = arith.constant 0 : i32
    %dma_start3A_82 = tpu.memref_slice %arg16[%dma_start3A_79, %dma_start3A_80, %dma_start3A_81] : memref<5x40x128xf32, #tpu.memory_space<vmem>> -> memref<1x40x128xf32, #tpu.memory_space<vmem>>
    %dma_start3A_83 = tpu.memref_squeeze %dma_start3A_82 : memref<1x40x128xf32, #tpu.memory_space<vmem>> -> memref<40x128xf32, #tpu.memory_space<vmem>>
    %dma_start3A_84 = arith.constant 0 : i32
    %dma_start3A_85 = arith.constant 0 : i32
    %dma_start3A_86 = tpu.memref_slice %arg2[%dma_start3A_84, %dma_start3A_85] : memref<10000x128xf32, #tpu.memory_space<hbm>> -> memref<10000x128xf32, #tpu.memory_space<hbm>>
    tpu.enqueue_indirect_dma source(%dma_start3A_86 : memref<10000x128xf32, #tpu.memory_space<hbm>>) target(%dma_start3A_83 : memref<40x128xf32, #tpu.memory_space<vmem>>) offsets(%arg9 : memref<40xi32, #tpu.memory_space<vmem>>) semaphore(%arg27 : memref<!tpu.dma_semaphore, #tpu.memory_space<semaphore_mem>>)
    %add3A_87 = arith.constant 160 : i32
    %add3A_88 = arith.addi %mul3A_4, %add3A_87 : i32
    %dma_start3A_89 = tpu.memref_slice %arg3[%add3A_88] : memref<320000xi32, #tpu.memory_space<hbm>> -> memref<40xi32, #tpu.memory_space<hbm>>
    %dma_start3A_90 = tpu.memref_slice %arg3[%add3A_88] : memref<320000xi32, #tpu.memory_space<hbm>> -> memref<40xi32, #tpu.memory_space<hbm>>
    tpu.enqueue_dma source(%dma_start3A_90 : memref<40xi32, #tpu.memory_space<hbm>>) target(%arg10 : memref<40xi32, #tpu.memory_space<vmem>>) target_semaphore(%arg23 : memref<!tpu.dma_semaphore, #tpu.memory_space<semaphore_mem>>)
    %dma_start3A_91 = tpu.memref_slice %arg4[%add3A_88] : memref<320000xi32, #tpu.memory_space<hbm>> -> memref<40xi32, #tpu.memory_space<hbm>>
    %dma_start3A_92 = tpu.memref_slice %arg4[%add3A_88] : memref<320000xi32, #tpu.memory_space<hbm>> -> memref<40xi32, #tpu.memory_space<hbm>>
    tpu.enqueue_dma source(%dma_start3A_92 : memref<40xi32, #tpu.memory_space<hbm>>) target(%arg15 : memref<40xi32, #tpu.memory_space<vmem>>) target_semaphore(%arg23 : memref<!tpu.dma_semaphore, #tpu.memory_space<semaphore_mem>>)
    %dma_wait3A_93 = tpu.memref_slice %arg3[%add3A_88] : memref<320000xi32, #tpu.memory_space<hbm>> -> memref<40xi32, #tpu.memory_space<hbm>>
    %dma_wait3A_94 = tpu.memref_slice %arg3[%add3A_88] : memref<320000xi32, #tpu.memory_space<hbm>> -> memref<40xi32, #tpu.memory_space<hbm>>
    tpu.wait_dma2 semaphore(%arg23 : memref<!tpu.dma_semaphore, #tpu.memory_space<semaphore_mem>>) src(%dma_wait3A_94 : memref<40xi32, #tpu.memory_space<hbm>>) dst(%arg10 : memref<40xi32, #tpu.memory_space<vmem>>)
    %dma_wait3A_95 = tpu.memref_slice %arg4[%add3A_88] : memref<320000xi32, #tpu.memory_space<hbm>> -> memref<40xi32, #tpu.memory_space<hbm>>
    %dma_wait3A_96 = tpu.memref_slice %arg4[%add3A_88] : memref<320000xi32, #tpu.memory_space<hbm>> -> memref<40xi32, #tpu.memory_space<hbm>>
    tpu.wait_dma2 semaphore(%arg23 : memref<!tpu.dma_semaphore, #tpu.memory_space<semaphore_mem>>) src(%dma_wait3A_96 : memref<40xi32, #tpu.memory_space<hbm>>) dst(%arg15 : memref<40xi32, #tpu.memory_space<vmem>>)
    %dma_start3A_97 = arith.constant 4 : i32
    %dma_start3A_98 = arith.constant 0 : i32
    %dma_start3A_99 = arith.constant 0 : i32
    %dma_start3A_100 = tpu.memref_slice %arg16[%dma_start3A_97, %dma_start3A_98, %dma_start3A_99] : memref<5x40x128xf32, #tpu.memory_space<vmem>> -> memref<1x40x128xf32, #tpu.memory_space<vmem>>
    %dma_start3A_101 = tpu.memref_squeeze %dma_start3A_100 : memref<1x40x128xf32, #tpu.memory_space<vmem>> -> memref<40x128xf32, #tpu.memory_space<vmem>>
    %dma_start3A_102 = arith.constant 0 : i32
    %dma_start3A_103 = arith.constant 0 : i32
    %dma_start3A_104 = tpu.memref_slice %arg2[%dma_start3A_102, %dma_start3A_103] : memref<10000x128xf32, #tpu.memory_space<hbm>> -> memref<10000x128xf32, #tpu.memory_space<hbm>>
    tpu.enqueue_indirect_dma source(%dma_start3A_104 : memref<10000x128xf32, #tpu.memory_space<hbm>>) target(%dma_start3A_101 : memref<40x128xf32, #tpu.memory_space<vmem>>) offsets(%arg10 : memref<40xi32, #tpu.memory_space<vmem>>) semaphore(%arg28 : memref<!tpu.dma_semaphore, #tpu.memory_space<semaphore_mem>>)
    %barrier3A = arith.constant 0 : index
    tpu.barrier barrier_id(%barrier3A)
    %scan3A_105 = arith.constant 0 : i32
    %scan3A_106 = arith.constant 49 : i32
    %scan3A_107 = arith.addi %scan3A_105, %scan3A_106 : i32
    %scan3A_108 = arith.constant 1 : i32
    scf.for %scan3A_231 = %scan3A_105 to %scan3A_107 step %scan3A_108  : i32 {
      %mul3A_232 = arith.constant 1 : i32
      %mul3A_233 = arith.muli %scan3A_231, %mul3A_232 : i32
      %add3A_234 = arith.constant 0 : i32
      %add3A_235 = arith.addi %add3A_234, %mul3A_233 : i32
      %dma_wait3A_236 = arith.constant 0 : i32
      %dma_wait3A_237 = arith.constant 0 : i32
      %dma_wait3A_238 = arith.constant 0 : i32
      %dma_wait3A_239 = tpu.memref_slice %arg16[%dma_wait3A_236, %dma_wait3A_237, %dma_wait3A_238] : memref<5x40x128xf32, #tpu.memory_space<vmem>> -> memref<1x40x128xf32, #tpu.memory_space<vmem>>
      %dma_wait3A_240 = tpu.memref_squeeze %dma_wait3A_239 : memref<1x40x128xf32, #tpu.memory_space<vmem>> -> memref<40x128xf32, #tpu.memory_space<vmem>>
      %dma_wait3A_241 = arith.constant 0 : i32
      %dma_wait3A_242 = arith.constant 0 : i32
      %dma_wait3A_243 = tpu.memref_slice %arg2[%dma_wait3A_241, %dma_wait3A_242] : memref<10000x128xf32, #tpu.memory_space<hbm>> -> memref<10000x128xf32, #tpu.memory_space<hbm>>
      tpu.wait_indirect_dma semaphore(%arg24 : memref<!tpu.dma_semaphore, #tpu.memory_space<semaphore_mem>>) src(%dma_wait3A_243 : memref<10000x128xf32, #tpu.memory_space<hbm>>) dst(%dma_wait3A_240 : memref<40x128xf32, #tpu.memory_space<vmem>>)
      %dma_start3A_244 = arith.constant 0 : i32
      %dma_start3A_245 = arith.constant 0 : i32
      %dma_start3A_246 = arith.constant 0 : i32
      %dma_start3A_247 = tpu.memref_slice %arg16[%dma_start3A_244, %dma_start3A_245, %dma_start3A_246] : memref<5x40x128xf32, #tpu.memory_space<vmem>> -> memref<1x40x128xf32, #tpu.memory_space<vmem>>
      %dma_start3A_248 = tpu.memref_squeeze %dma_start3A_247 : memref<1x40x128xf32, #tpu.memory_space<vmem>> -> memref<40x128xf32, #tpu.memory_space<vmem>>
      %dma_start3A_249 = arith.constant 0 : i32
      %dma_start3A_250 = arith.constant 0 : i32
      %dma_start3A_251 = tpu.memref_slice %arg18[%dma_start3A_249, %dma_start3A_250] : memref<10112x128xf32, #tpu.memory_space<vmem_shared>> -> memref<10112x128xf32, #tpu.memory_space<vmem_shared>>
      tpu.enqueue_indirect_dma source(%dma_start3A_248 : memref<40x128xf32, #tpu.memory_space<vmem>>) target(%dma_start3A_251 : memref<10112x128xf32, #tpu.memory_space<vmem_shared>>) offsets(%arg11 : memref<40xi32, #tpu.memory_space<vmem>>) semaphore(%arg29 : memref<!tpu.dma_semaphore, #tpu.memory_space<semaphore_mem>>) {add = true}
      %dma_wait3A_252 = arith.constant 1 : i32
      %dma_wait3A_253 = arith.constant 0 : i32
      %dma_wait3A_254 = arith.constant 0 : i32
      %dma_wait3A_255 = tpu.memref_slice %arg16[%dma_wait3A_252, %dma_wait3A_253, %dma_wait3A_254] : memref<5x40x128xf32, #tpu.memory_space<vmem>> -> memref<1x40x128xf32, #tpu.memory_space<vmem>>
      %dma_wait3A_256 = tpu.memref_squeeze %dma_wait3A_255 : memref<1x40x128xf32, #tpu.memory_space<vmem>> -> memref<40x128xf32, #tpu.memory_space<vmem>>
      %dma_wait3A_257 = arith.constant 0 : i32
      %dma_wait3A_258 = arith.constant 0 : i32
      %dma_wait3A_259 = tpu.memref_slice %arg2[%dma_wait3A_257, %dma_wait3A_258] : memref<10000x128xf32, #tpu.memory_space<hbm>> -> memref<10000x128xf32, #tpu.memory_space<hbm>>
      tpu.wait_indirect_dma semaphore(%arg25 : memref<!tpu.dma_semaphore, #tpu.memory_space<semaphore_mem>>) src(%dma_wait3A_259 : memref<10000x128xf32, #tpu.memory_space<hbm>>) dst(%dma_wait3A_256 : memref<40x128xf32, #tpu.memory_space<vmem>>)
      %dma_start3A_260 = arith.constant 1 : i32
      %dma_start3A_261 = arith.constant 0 : i32
      %dma_start3A_262 = arith.constant 0 : i32
      %dma_start3A_263 = tpu.memref_slice %arg16[%dma_start3A_260, %dma_start3A_261, %dma_start3A_262] : memref<5x40x128xf32, #tpu.memory_space<vmem>> -> memref<1x40x128xf32, #tpu.memory_space<vmem>>
      %dma_start3A_264 = tpu.memref_squeeze %dma_start3A_263 : memref<1x40x128xf32, #tpu.memory_space<vmem>> -> memref<40x128xf32, #tpu.memory_space<vmem>>
      %dma_start3A_265 = arith.constant 0 : i32
      %dma_start3A_266 = arith.constant 0 : i32
      %dma_start3A_267 = tpu.memref_slice %arg18[%dma_start3A_265, %dma_start3A_266] : memref<10112x128xf32, #tpu.memory_space<vmem_shared>> -> memref<10112x128xf32, #tpu.memory_space<vmem_shared>>
      tpu.enqueue_indirect_dma source(%dma_start3A_264 : memref<40x128xf32, #tpu.memory_space<vmem>>) target(%dma_start3A_267 : memref<10112x128xf32, #tpu.memory_space<vmem_shared>>) offsets(%arg12 : memref<40xi32, #tpu.memory_space<vmem>>) semaphore(%arg30 : memref<!tpu.dma_semaphore, #tpu.memory_space<semaphore_mem>>) {add = true}
      %dma_wait3A_268 = arith.constant 2 : i32
      %dma_wait3A_269 = arith.constant 0 : i32
      %dma_wait3A_270 = arith.constant 0 : i32
      %dma_wait3A_271 = tpu.memref_slice %arg16[%dma_wait3A_268, %dma_wait3A_269, %dma_wait3A_270] : memref<5x40x128xf32, #tpu.memory_space<vmem>> -> memref<1x40x128xf32, #tpu.memory_space<vmem>>
      %dma_wait3A_272 = tpu.memref_squeeze %dma_wait3A_271 : memref<1x40x128xf32, #tpu.memory_space<vmem>> -> memref<40x128xf32, #tpu.memory_space<vmem>>
      %dma_wait3A_273 = arith.constant 0 : i32
      %dma_wait3A_274 = arith.constant 0 : i32
      %dma_wait3A_275 = tpu.memref_slice %arg2[%dma_wait3A_273, %dma_wait3A_274] : memref<10000x128xf32, #tpu.memory_space<hbm>> -> memref<10000x128xf32, #tpu.memory_space<hbm>>
      tpu.wait_indirect_dma semaphore(%arg26 : memref<!tpu.dma_semaphore, #tpu.memory_space<semaphore_mem>>) src(%dma_wait3A_275 : memref<10000x128xf32, #tpu.memory_space<hbm>>) dst(%dma_wait3A_272 : memref<40x128xf32, #tpu.memory_space<vmem>>)
      %dma_start3A_276 = arith.constant 2 : i32
      %dma_start3A_277 = arith.constant 0 : i32
      %dma_start3A_278 = arith.constant 0 : i32
      %dma_start3A_279 = tpu.memref_slice %arg16[%dma_start3A_276, %dma_start3A_277, %dma_start3A_278] : memref<5x40x128xf32, #tpu.memory_space<vmem>> -> memref<1x40x128xf32, #tpu.memory_space<vmem>>
      %dma_start3A_280 = tpu.memref_squeeze %dma_start3A_279 : memref<1x40x128xf32, #tpu.memory_space<vmem>> -> memref<40x128xf32, #tpu.memory_space<vmem>>
      %dma_start3A_281 = arith.constant 0 : i32
      %dma_start3A_282 = arith.constant 0 : i32
      %dma_start3A_283 = tpu.memref_slice %arg18[%dma_start3A_281, %dma_start3A_282] : memref<10112x128xf32, #tpu.memory_space<vmem_shared>> -> memref<10112x128xf32, #tpu.memory_space<vmem_shared>>
      tpu.enqueue_indirect_dma source(%dma_start3A_280 : memref<40x128xf32, #tpu.memory_space<vmem>>) target(%dma_start3A_283 : memref<10112x128xf32, #tpu.memory_space<vmem_shared>>) offsets(%arg13 : memref<40xi32, #tpu.memory_space<vmem>>) semaphore(%arg31 : memref<!tpu.dma_semaphore, #tpu.memory_space<semaphore_mem>>) {add = true}
      %dma_wait3A_284 = arith.constant 3 : i32
      %dma_wait3A_285 = arith.constant 0 : i32
      %dma_wait3A_286 = arith.constant 0 : i32
      %dma_wait3A_287 = tpu.memref_slice %arg16[%dma_wait3A_284, %dma_wait3A_285, %dma_wait3A_286] : memref<5x40x128xf32, #tpu.memory_space<vmem>> -> memref<1x40x128xf32, #tpu.memory_space<vmem>>
      %dma_wait3A_288 = tpu.memref_squeeze %dma_wait3A_287 : memref<1x40x128xf32, #tpu.memory_space<vmem>> -> memref<40x128xf32, #tpu.memory_space<vmem>>
      %dma_wait3A_289 = arith.constant 0 : i32
      %dma_wait3A_290 = arith.constant 0 : i32
      %dma_wait3A_291 = tpu.memref_slice %arg2[%dma_wait3A_289, %dma_wait3A_290] : memref<10000x128xf32, #tpu.memory_space<hbm>> -> memref<10000x128xf32, #tpu.memory_space<hbm>>
      tpu.wait_indirect_dma semaphore(%arg27 : memref<!tpu.dma_semaphore, #tpu.memory_space<semaphore_mem>>) src(%dma_wait3A_291 : memref<10000x128xf32, #tpu.memory_space<hbm>>) dst(%dma_wait3A_288 : memref<40x128xf32, #tpu.memory_space<vmem>>)
      %dma_start3A_292 = arith.constant 3 : i32
      %dma_start3A_293 = arith.constant 0 : i32
      %dma_start3A_294 = arith.constant 0 : i32
      %dma_start3A_295 = tpu.memref_slice %arg16[%dma_start3A_292, %dma_start3A_293, %dma_start3A_294] : memref<5x40x128xf32, #tpu.memory_space<vmem>> -> memref<1x40x128xf32, #tpu.memory_space<vmem>>
      %dma_start3A_296 = tpu.memref_squeeze %dma_start3A_295 : memref<1x40x128xf32, #tpu.memory_space<vmem>> -> memref<40x128xf32, #tpu.memory_space<vmem>>
      %dma_start3A_297 = arith.constant 0 : i32
      %dma_start3A_298 = arith.constant 0 : i32
      %dma_start3A_299 = tpu.memref_slice %arg18[%dma_start3A_297, %dma_start3A_298] : memref<10112x128xf32, #tpu.memory_space<vmem_shared>> -> memref<10112x128xf32, #tpu.memory_space<vmem_shared>>
      tpu.enqueue_indirect_dma source(%dma_start3A_296 : memref<40x128xf32, #tpu.memory_space<vmem>>) target(%dma_start3A_299 : memref<10112x128xf32, #tpu.memory_space<vmem_shared>>) offsets(%arg14 : memref<40xi32, #tpu.memory_space<vmem>>) semaphore(%arg32 : memref<!tpu.dma_semaphore, #tpu.memory_space<semaphore_mem>>) {add = true}
      %dma_wait3A_300 = arith.constant 4 : i32
      %dma_wait3A_301 = arith.constant 0 : i32
      %dma_wait3A_302 = arith.constant 0 : i32
      %dma_wait3A_303 = tpu.memref_slice %arg16[%dma_wait3A_300, %dma_wait3A_301, %dma_wait3A_302] : memref<5x40x128xf32, #tpu.memory_space<vmem>> -> memref<1x40x128xf32, #tpu.memory_space<vmem>>
      %dma_wait3A_304 = tpu.memref_squeeze %dma_wait3A_303 : memref<1x40x128xf32, #tpu.memory_space<vmem>> -> memref<40x128xf32, #tpu.memory_space<vmem>>
      %dma_wait3A_305 = arith.constant 0 : i32
      %dma_wait3A_306 = arith.constant 0 : i32
      %dma_wait3A_307 = tpu.memref_slice %arg2[%dma_wait3A_305, %dma_wait3A_306] : memref<10000x128xf32, #tpu.memory_space<hbm>> -> memref<10000x128xf32, #tpu.memory_space<hbm>>
      tpu.wait_indirect_dma semaphore(%arg28 : memref<!tpu.dma_semaphore, #tpu.memory_space<semaphore_mem>>) src(%dma_wait3A_307 : memref<10000x128xf32, #tpu.memory_space<hbm>>) dst(%dma_wait3A_304 : memref<40x128xf32, #tpu.memory_space<vmem>>)
      %dma_start3A_308 = arith.constant 4 : i32
      %dma_start3A_309 = arith.constant 0 : i32
      %dma_start3A_310 = arith.constant 0 : i32
      %dma_start3A_311 = tpu.memref_slice %arg16[%dma_start3A_308, %dma_start3A_309, %dma_start3A_310] : memref<5x40x128xf32, #tpu.memory_space<vmem>> -> memref<1x40x128xf32, #tpu.memory_space<vmem>>
      %dma_start3A_312 = tpu.memref_squeeze %dma_start3A_311 : memref<1x40x128xf32, #tpu.memory_space<vmem>> -> memref<40x128xf32, #tpu.memory_space<vmem>>
      %dma_start3A_313 = arith.constant 0 : i32
      %dma_start3A_314 = arith.constant 0 : i32
      %dma_start3A_315 = tpu.memref_slice %arg18[%dma_start3A_313, %dma_start3A_314] : memref<10112x128xf32, #tpu.memory_space<vmem_shared>> -> memref<10112x128xf32, #tpu.memory_space<vmem_shared>>
      tpu.enqueue_indirect_dma source(%dma_start3A_312 : memref<40x128xf32, #tpu.memory_space<vmem>>) target(%dma_start3A_315 : memref<10112x128xf32, #tpu.memory_space<vmem_shared>>) offsets(%arg15 : memref<40xi32, #tpu.memory_space<vmem>>) semaphore(%arg33 : memref<!tpu.dma_semaphore, #tpu.memory_space<semaphore_mem>>) {add = true}
      %dma_wait3A_316 = arith.constant 0 : i32
      %dma_wait3A_317 = arith.constant 0 : i32
      %dma_wait3A_318 = arith.constant 0 : i32
      %dma_wait3A_319 = tpu.memref_slice %arg16[%dma_wait3A_316, %dma_wait3A_317, %dma_wait3A_318] : memref<5x40x128xf32, #tpu.memory_space<vmem>> -> memref<1x40x128xf32, #tpu.memory_space<vmem>>
      %dma_wait3A_320 = tpu.memref_squeeze %dma_wait3A_319 : memref<1x40x128xf32, #tpu.memory_space<vmem>> -> memref<40x128xf32, #tpu.memory_space<vmem>>
      %dma_wait3A_321 = arith.constant 0 : i32
      %dma_wait3A_322 = arith.constant 0 : i32
      %dma_wait3A_323 = tpu.memref_slice %arg18[%dma_wait3A_321, %dma_wait3A_322] : memref<10112x128xf32, #tpu.memory_space<vmem_shared>> -> memref<10112x128xf32, #tpu.memory_space<vmem_shared>>
      tpu.wait_indirect_dma semaphore(%arg29 : memref<!tpu.dma_semaphore, #tpu.memory_space<semaphore_mem>>) src(%dma_wait3A_320 : memref<40x128xf32, #tpu.memory_space<vmem>>) dst(%dma_wait3A_323 : memref<10112x128xf32, #tpu.memory_space<vmem_shared>>)
      %add3A_324 = arith.constant 1 : i32
      %add3A_325 = arith.addi %add3A_235, %add3A_324 : i32
      %mul3A_326 = arith.constant 5 : i32
      %mul3A_327 = arith.muli %add3A_325, %mul3A_326 : i32
      %mul3A_328 = arith.constant 40 : i32
      %mul3A_329 = arith.muli %mul3A_327, %mul3A_328 : i32
      %add3A_330 = arith.addi %mul3A_4, %mul3A_329 : i32
      %add3A_331 = arith.constant 0 : i32
      %add3A_332 = arith.addi %add3A_330, %add3A_331 : i32
      %dma_start3A_333 = tpu.memref_slice %arg3[%add3A_332] : memref<320000xi32, #tpu.memory_space<hbm>> -> memref<40xi32, #tpu.memory_space<hbm>>
      %dma_start3A_334 = tpu.memref_slice %arg3[%add3A_332] : memref<320000xi32, #tpu.memory_space<hbm>> -> memref<40xi32, #tpu.memory_space<hbm>>
      tpu.enqueue_dma source(%dma_start3A_334 : memref<40xi32, #tpu.memory_space<hbm>>) target(%arg6 : memref<40xi32, #tpu.memory_space<vmem>>) target_semaphore(%arg19 : memref<!tpu.dma_semaphore, #tpu.memory_space<semaphore_mem>>)
      %dma_start3A_335 = tpu.memref_slice %arg4[%add3A_332] : memref<320000xi32, #tpu.memory_space<hbm>> -> memref<40xi32, #tpu.memory_space<hbm>>
      %dma_start3A_336 = tpu.memref_slice %arg4[%add3A_332] : memref<320000xi32, #tpu.memory_space<hbm>> -> memref<40xi32, #tpu.memory_space<hbm>>
      tpu.enqueue_dma source(%dma_start3A_336 : memref<40xi32, #tpu.memory_space<hbm>>) target(%arg11 : memref<40xi32, #tpu.memory_space<vmem>>) target_semaphore(%arg19 : memref<!tpu.dma_semaphore, #tpu.memory_space<semaphore_mem>>)
      %dma_wait3A_337 = tpu.memref_slice %arg3[%add3A_332] : memref<320000xi32, #tpu.memory_space<hbm>> -> memref<40xi32, #tpu.memory_space<hbm>>
      %dma_wait3A_338 = tpu.memref_slice %arg3[%add3A_332] : memref<320000xi32, #tpu.memory_space<hbm>> -> memref<40xi32, #tpu.memory_space<hbm>>
      tpu.wait_dma2 semaphore(%arg19 : memref<!tpu.dma_semaphore, #tpu.memory_space<semaphore_mem>>) src(%dma_wait3A_338 : memref<40xi32, #tpu.memory_space<hbm>>) dst(%arg6 : memref<40xi32, #tpu.memory_space<vmem>>)
      %dma_wait3A_339 = tpu.memref_slice %arg4[%add3A_332] : memref<320000xi32, #tpu.memory_space<hbm>> -> memref<40xi32, #tpu.memory_space<hbm>>
      %dma_wait3A_340 = tpu.memref_slice %arg4[%add3A_332] : memref<320000xi32, #tpu.memory_space<hbm>> -> memref<40xi32, #tpu.memory_space<hbm>>
      tpu.wait_dma2 semaphore(%arg19 : memref<!tpu.dma_semaphore, #tpu.memory_space<semaphore_mem>>) src(%dma_wait3A_340 : memref<40xi32, #tpu.memory_space<hbm>>) dst(%arg11 : memref<40xi32, #tpu.memory_space<vmem>>)
      %dma_start3A_341 = arith.constant 0 : i32
      %dma_start3A_342 = arith.constant 0 : i32
      %dma_start3A_343 = arith.constant 0 : i32
      %dma_start3A_344 = tpu.memref_slice %arg16[%dma_start3A_341, %dma_start3A_342, %dma_start3A_343] : memref<5x40x128xf32, #tpu.memory_space<vmem>> -> memref<1x40x128xf32, #tpu.memory_space<vmem>>
      %dma_start3A_345 = tpu.memref_squeeze %dma_start3A_344 : memref<1x40x128xf32, #tpu.memory_space<vmem>> -> memref<40x128xf32, #tpu.memory_space<vmem>>
      %dma_start3A_346 = arith.constant 0 : i32
      %dma_start3A_347 = arith.constant 0 : i32
      %dma_start3A_348 = tpu.memref_slice %arg2[%dma_start3A_346, %dma_start3A_347] : memref<10000x128xf32, #tpu.memory_space<hbm>> -> memref<10000x128xf32, #tpu.memory_space<hbm>>
      tpu.enqueue_indirect_dma source(%dma_start3A_348 : memref<10000x128xf32, #tpu.memory_space<hbm>>) target(%dma_start3A_345 : memref<40x128xf32, #tpu.memory_space<vmem>>) offsets(%arg6 : memref<40xi32, #tpu.memory_space<vmem>>) semaphore(%arg24 : memref<!tpu.dma_semaphore, #tpu.memory_space<semaphore_mem>>)
      %dma_wait3A_349 = arith.constant 1 : i32
      %dma_wait3A_350 = arith.constant 0 : i32
      %dma_wait3A_351 = arith.constant 0 : i32
      %dma_wait3A_352 = tpu.memref_slice %arg16[%dma_wait3A_349, %dma_wait3A_350, %dma_wait3A_351] : memref<5x40x128xf32, #tpu.memory_space<vmem>> -> memref<1x40x128xf32, #tpu.memory_space<vmem>>
      %dma_wait3A_353 = tpu.memref_squeeze %dma_wait3A_352 : memref<1x40x128xf32, #tpu.memory_space<vmem>> -> memref<40x128xf32, #tpu.memory_space<vmem>>
      %dma_wait3A_354 = arith.constant 0 : i32
      %dma_wait3A_355 = arith.constant 0 : i32
      %dma_wait3A_356 = tpu.memref_slice %arg18[%dma_wait3A_354, %dma_wait3A_355] : memref<10112x128xf32, #tpu.memory_space<vmem_shared>> -> memref<10112x128xf32, #tpu.memory_space<vmem_shared>>
      tpu.wait_indirect_dma semaphore(%arg30 : memref<!tpu.dma_semaphore, #tpu.memory_space<semaphore_mem>>) src(%dma_wait3A_353 : memref<40x128xf32, #tpu.memory_space<vmem>>) dst(%dma_wait3A_356 : memref<10112x128xf32, #tpu.memory_space<vmem_shared>>)
      %add3A_357 = arith.constant 1 : i32
      %add3A_358 = arith.addi %add3A_235, %add3A_357 : i32
      %mul3A_359 = arith.constant 5 : i32
      %mul3A_360 = arith.muli %add3A_358, %mul3A_359 : i32
      %mul3A_361 = arith.constant 40 : i32
      %mul3A_362 = arith.muli %mul3A_360, %mul3A_361 : i32
      %add3A_363 = arith.addi %mul3A_4, %mul3A_362 : i32
      %add3A_364 = arith.constant 40 : i32
      %add3A_365 = arith.addi %add3A_363, %add3A_364 : i32
      %dma_start3A_366 = tpu.memref_slice %arg3[%add3A_365] : memref<320000xi32, #tpu.memory_space<hbm>> -> memref<40xi32, #tpu.memory_space<hbm>>
      %dma_start3A_367 = tpu.memref_slice %arg3[%add3A_365] : memref<320000xi32, #tpu.memory_space<hbm>> -> memref<40xi32, #tpu.memory_space<hbm>>
      tpu.enqueue_dma source(%dma_start3A_367 : memref<40xi32, #tpu.memory_space<hbm>>) target(%arg7 : memref<40xi32, #tpu.memory_space<vmem>>) target_semaphore(%arg20 : memref<!tpu.dma_semaphore, #tpu.memory_space<semaphore_mem>>)
      %dma_start3A_368 = tpu.memref_slice %arg4[%add3A_365] : memref<320000xi32, #tpu.memory_space<hbm>> -> memref<40xi32, #tpu.memory_space<hbm>>
      %dma_start3A_369 = tpu.memref_slice %arg4[%add3A_365] : memref<320000xi32, #tpu.memory_space<hbm>> -> memref<40xi32, #tpu.memory_space<hbm>>
      tpu.enqueue_dma source(%dma_start3A_369 : memref<40xi32, #tpu.memory_space<hbm>>) target(%arg12 : memref<40xi32, #tpu.memory_space<vmem>>) target_semaphore(%arg20 : memref<!tpu.dma_semaphore, #tpu.memory_space<semaphore_mem>>)
      %dma_wait3A_370 = tpu.memref_slice %arg3[%add3A_365] : memref<320000xi32, #tpu.memory_space<hbm>> -> memref<40xi32, #tpu.memory_space<hbm>>
      %dma_wait3A_371 = tpu.memref_slice %arg3[%add3A_365] : memref<320000xi32, #tpu.memory_space<hbm>> -> memref<40xi32, #tpu.memory_space<hbm>>
      tpu.wait_dma2 semaphore(%arg20 : memref<!tpu.dma_semaphore, #tpu.memory_space<semaphore_mem>>) src(%dma_wait3A_371 : memref<40xi32, #tpu.memory_space<hbm>>) dst(%arg7 : memref<40xi32, #tpu.memory_space<vmem>>)
      %dma_wait3A_372 = tpu.memref_slice %arg4[%add3A_365] : memref<320000xi32, #tpu.memory_space<hbm>> -> memref<40xi32, #tpu.memory_space<hbm>>
      %dma_wait3A_373 = tpu.memref_slice %arg4[%add3A_365] : memref<320000xi32, #tpu.memory_space<hbm>> -> memref<40xi32, #tpu.memory_space<hbm>>
      tpu.wait_dma2 semaphore(%arg20 : memref<!tpu.dma_semaphore, #tpu.memory_space<semaphore_mem>>) src(%dma_wait3A_373 : memref<40xi32, #tpu.memory_space<hbm>>) dst(%arg12 : memref<40xi32, #tpu.memory_space<vmem>>)
      %dma_start3A_374 = arith.constant 1 : i32
      %dma_start3A_375 = arith.constant 0 : i32
      %dma_start3A_376 = arith.constant 0 : i32
      %dma_start3A_377 = tpu.memref_slice %arg16[%dma_start3A_374, %dma_start3A_375, %dma_start3A_376] : memref<5x40x128xf32, #tpu.memory_space<vmem>> -> memref<1x40x128xf32, #tpu.memory_space<vmem>>
      %dma_start3A_378 = tpu.memref_squeeze %dma_start3A_377 : memref<1x40x128xf32, #tpu.memory_space<vmem>> -> memref<40x128xf32, #tpu.memory_space<vmem>>
      %dma_start3A_379 = arith.constant 0 : i32
      %dma_start3A_380 = arith.constant 0 : i32
      %dma_start3A_381 = tpu.memref_slice %arg2[%dma_start3A_379, %dma_start3A_380] : memref<10000x128xf32, #tpu.memory_space<hbm>> -> memref<10000x128xf32, #tpu.memory_space<hbm>>
      tpu.enqueue_indirect_dma source(%dma_start3A_381 : memref<10000x128xf32, #tpu.memory_space<hbm>>) target(%dma_start3A_378 : memref<40x128xf32, #tpu.memory_space<vmem>>) offsets(%arg7 : memref<40xi32, #tpu.memory_space<vmem>>) semaphore(%arg25 : memref<!tpu.dma_semaphore, #tpu.memory_space<semaphore_mem>>)
      %dma_wait3A_382 = arith.constant 2 : i32
      %dma_wait3A_383 = arith.constant 0 : i32
      %dma_wait3A_384 = arith.constant 0 : i32
      %dma_wait3A_385 = tpu.memref_slice %arg16[%dma_wait3A_382, %dma_wait3A_383, %dma_wait3A_384] : memref<5x40x128xf32, #tpu.memory_space<vmem>> -> memref<1x40x128xf32, #tpu.memory_space<vmem>>
      %dma_wait3A_386 = tpu.memref_squeeze %dma_wait3A_385 : memref<1x40x128xf32, #tpu.memory_space<vmem>> -> memref<40x128xf32, #tpu.memory_space<vmem>>
      %dma_wait3A_387 = arith.constant 0 : i32
      %dma_wait3A_388 = arith.constant 0 : i32
      %dma_wait3A_389 = tpu.memref_slice %arg18[%dma_wait3A_387, %dma_wait3A_388] : memref<10112x128xf32, #tpu.memory_space<vmem_shared>> -> memref<10112x128xf32, #tpu.memory_space<vmem_shared>>
      tpu.wait_indirect_dma semaphore(%arg31 : memref<!tpu.dma_semaphore, #tpu.memory_space<semaphore_mem>>) src(%dma_wait3A_386 : memref<40x128xf32, #tpu.memory_space<vmem>>) dst(%dma_wait3A_389 : memref<10112x128xf32, #tpu.memory_space<vmem_shared>>)
      %add3A_390 = arith.constant 1 : i32
      %add3A_391 = arith.addi %add3A_235, %add3A_390 : i32
      %mul3A_392 = arith.constant 5 : i32
      %mul3A_393 = arith.muli %add3A_391, %mul3A_392 : i32
      %mul3A_394 = arith.constant 40 : i32
      %mul3A_395 = arith.muli %mul3A_393, %mul3A_394 : i32
      %add3A_396 = arith.addi %mul3A_4, %mul3A_395 : i32
      %add3A_397 = arith.constant 80 : i32
      %add3A_398 = arith.addi %add3A_396, %add3A_397 : i32
      %dma_start3A_399 = tpu.memref_slice %arg3[%add3A_398] : memref<320000xi32, #tpu.memory_space<hbm>> -> memref<40xi32, #tpu.memory_space<hbm>>
      %dma_start3A_400 = tpu.memref_slice %arg3[%add3A_398] : memref<320000xi32, #tpu.memory_space<hbm>> -> memref<40xi32, #tpu.memory_space<hbm>>
      tpu.enqueue_dma source(%dma_start3A_400 : memref<40xi32, #tpu.memory_space<hbm>>) target(%arg8 : memref<40xi32, #tpu.memory_space<vmem>>) target_semaphore(%arg21 : memref<!tpu.dma_semaphore, #tpu.memory_space<semaphore_mem>>)
      %dma_start3A_401 = tpu.memref_slice %arg4[%add3A_398] : memref<320000xi32, #tpu.memory_space<hbm>> -> memref<40xi32, #tpu.memory_space<hbm>>
      %dma_start3A_402 = tpu.memref_slice %arg4[%add3A_398] : memref<320000xi32, #tpu.memory_space<hbm>> -> memref<40xi32, #tpu.memory_space<hbm>>
      tpu.enqueue_dma source(%dma_start3A_402 : memref<40xi32, #tpu.memory_space<hbm>>) target(%arg13 : memref<40xi32, #tpu.memory_space<vmem>>) target_semaphore(%arg21 : memref<!tpu.dma_semaphore, #tpu.memory_space<semaphore_mem>>)
      %dma_wait3A_403 = tpu.memref_slice %arg3[%add3A_398] : memref<320000xi32, #tpu.memory_space<hbm>> -> memref<40xi32, #tpu.memory_space<hbm>>
      %dma_wait3A_404 = tpu.memref_slice %arg3[%add3A_398] : memref<320000xi32, #tpu.memory_space<hbm>> -> memref<40xi32, #tpu.memory_space<hbm>>
      tpu.wait_dma2 semaphore(%arg21 : memref<!tpu.dma_semaphore, #tpu.memory_space<semaphore_mem>>) src(%dma_wait3A_404 : memref<40xi32, #tpu.memory_space<hbm>>) dst(%arg8 : memref<40xi32, #tpu.memory_space<vmem>>)
      %dma_wait3A_405 = tpu.memref_slice %arg4[%add3A_398] : memref<320000xi32, #tpu.memory_space<hbm>> -> memref<40xi32, #tpu.memory_space<hbm>>
      %dma_wait3A_406 = tpu.memref_slice %arg4[%add3A_398] : memref<320000xi32, #tpu.memory_space<hbm>> -> memref<40xi32, #tpu.memory_space<hbm>>
      tpu.wait_dma2 semaphore(%arg21 : memref<!tpu.dma_semaphore, #tpu.memory_space<semaphore_mem>>) src(%dma_wait3A_406 : memref<40xi32, #tpu.memory_space<hbm>>) dst(%arg13 : memref<40xi32, #tpu.memory_space<vmem>>)
      %dma_start3A_407 = arith.constant 2 : i32
      %dma_start3A_408 = arith.constant 0 : i32
      %dma_start3A_409 = arith.constant 0 : i32
      %dma_start3A_410 = tpu.memref_slice %arg16[%dma_start3A_407, %dma_start3A_408, %dma_start3A_409] : memref<5x40x128xf32, #tpu.memory_space<vmem>> -> memref<1x40x128xf32, #tpu.memory_space<vmem>>
      %dma_start3A_411 = tpu.memref_squeeze %dma_start3A_410 : memref<1x40x128xf32, #tpu.memory_space<vmem>> -> memref<40x128xf32, #tpu.memory_space<vmem>>
      %dma_start3A_412 = arith.constant 0 : i32
      %dma_start3A_413 = arith.constant 0 : i32
      %dma_start3A_414 = tpu.memref_slice %arg2[%dma_start3A_412, %dma_start3A_413] : memref<10000x128xf32, #tpu.memory_space<hbm>> -> memref<10000x128xf32, #tpu.memory_space<hbm>>
      tpu.enqueue_indirect_dma source(%dma_start3A_414 : memref<10000x128xf32, #tpu.memory_space<hbm>>) target(%dma_start3A_411 : memref<40x128xf32, #tpu.memory_space<vmem>>) offsets(%arg8 : memref<40xi32, #tpu.memory_space<vmem>>) semaphore(%arg26 : memref<!tpu.dma_semaphore, #tpu.memory_space<semaphore_mem>>)
      %dma_wait3A_415 = arith.constant 3 : i32
      %dma_wait3A_416 = arith.constant 0 : i32
      %dma_wait3A_417 = arith.constant 0 : i32
      %dma_wait3A_418 = tpu.memref_slice %arg16[%dma_wait3A_415, %dma_wait3A_416, %dma_wait3A_417] : memref<5x40x128xf32, #tpu.memory_space<vmem>> -> memref<1x40x128xf32, #tpu.memory_space<vmem>>
      %dma_wait3A_419 = tpu.memref_squeeze %dma_wait3A_418 : memref<1x40x128xf32, #tpu.memory_space<vmem>> -> memref<40x128xf32, #tpu.memory_space<vmem>>
      %dma_wait3A_420 = arith.constant 0 : i32
      %dma_wait3A_421 = arith.constant 0 : i32
      %dma_wait3A_422 = tpu.memref_slice %arg18[%dma_wait3A_420, %dma_wait3A_421] : memref<10112x128xf32, #tpu.memory_space<vmem_shared>> -> memref<10112x128xf32, #tpu.memory_space<vmem_shared>>
      tpu.wait_indirect_dma semaphore(%arg32 : memref<!tpu.dma_semaphore, #tpu.memory_space<semaphore_mem>>) src(%dma_wait3A_419 : memref<40x128xf32, #tpu.memory_space<vmem>>) dst(%dma_wait3A_422 : memref<10112x128xf32, #tpu.memory_space<vmem_shared>>)
      %add3A_423 = arith.constant 1 : i32
      %add3A_424 = arith.addi %add3A_235, %add3A_423 : i32
      %mul3A_425 = arith.constant 5 : i32
      %mul3A_426 = arith.muli %add3A_424, %mul3A_425 : i32
      %mul3A_427 = arith.constant 40 : i32
      %mul3A_428 = arith.muli %mul3A_426, %mul3A_427 : i32
      %add3A_429 = arith.addi %mul3A_4, %mul3A_428 : i32
      %add3A_430 = arith.constant 120 : i32
      %add3A_431 = arith.addi %add3A_429, %add3A_430 : i32
      %dma_start3A_432 = tpu.memref_slice %arg3[%add3A_431] : memref<320000xi32, #tpu.memory_space<hbm>> -> memref<40xi32, #tpu.memory_space<hbm>>
      %dma_start3A_433 = tpu.memref_slice %arg3[%add3A_431] : memref<320000xi32, #tpu.memory_space<hbm>> -> memref<40xi32, #tpu.memory_space<hbm>>
      tpu.enqueue_dma source(%dma_start3A_433 : memref<40xi32, #tpu.memory_space<hbm>>) target(%arg9 : memref<40xi32, #tpu.memory_space<vmem>>) target_semaphore(%arg22 : memref<!tpu.dma_semaphore, #tpu.memory_space<semaphore_mem>>)
      %dma_start3A_434 = tpu.memref_slice %arg4[%add3A_431] : memref<320000xi32, #tpu.memory_space<hbm>> -> memref<40xi32, #tpu.memory_space<hbm>>
      %dma_start3A_435 = tpu.memref_slice %arg4[%add3A_431] : memref<320000xi32, #tpu.memory_space<hbm>> -> memref<40xi32, #tpu.memory_space<hbm>>
      tpu.enqueue_dma source(%dma_start3A_435 : memref<40xi32, #tpu.memory_space<hbm>>) target(%arg14 : memref<40xi32, #tpu.memory_space<vmem>>) target_semaphore(%arg22 : memref<!tpu.dma_semaphore, #tpu.memory_space<semaphore_mem>>)
      %dma_wait3A_436 = tpu.memref_slice %arg3[%add3A_431] : memref<320000xi32, #tpu.memory_space<hbm>> -> memref<40xi32, #tpu.memory_space<hbm>>
      %dma_wait3A_437 = tpu.memref_slice %arg3[%add3A_431] : memref<320000xi32, #tpu.memory_space<hbm>> -> memref<40xi32, #tpu.memory_space<hbm>>
      tpu.wait_dma2 semaphore(%arg22 : memref<!tpu.dma_semaphore, #tpu.memory_space<semaphore_mem>>) src(%dma_wait3A_437 : memref<40xi32, #tpu.memory_space<hbm>>) dst(%arg9 : memref<40xi32, #tpu.memory_space<vmem>>)
      %dma_wait3A_438 = tpu.memref_slice %arg4[%add3A_431] : memref<320000xi32, #tpu.memory_space<hbm>> -> memref<40xi32, #tpu.memory_space<hbm>>
      %dma_wait3A_439 = tpu.memref_slice %arg4[%add3A_431] : memref<320000xi32, #tpu.memory_space<hbm>> -> memref<40xi32, #tpu.memory_space<hbm>>
      tpu.wait_dma2 semaphore(%arg22 : memref<!tpu.dma_semaphore, #tpu.memory_space<semaphore_mem>>) src(%dma_wait3A_439 : memref<40xi32, #tpu.memory_space<hbm>>) dst(%arg14 : memref<40xi32, #tpu.memory_space<vmem>>)
      %dma_start3A_440 = arith.constant 3 : i32
      %dma_start3A_441 = arith.constant 0 : i32
      %dma_start3A_442 = arith.constant 0 : i32
      %dma_start3A_443 = tpu.memref_slice %arg16[%dma_start3A_440, %dma_start3A_441, %dma_start3A_442] : memref<5x40x128xf32, #tpu.memory_space<vmem>> -> memref<1x40x128xf32, #tpu.memory_space<vmem>>
      %dma_start3A_444 = tpu.memref_squeeze %dma_start3A_443 : memref<1x40x128xf32, #tpu.memory_space<vmem>> -> memref<40x128xf32, #tpu.memory_space<vmem>>
      %dma_start3A_445 = arith.constant 0 : i32
      %dma_start3A_446 = arith.constant 0 : i32
      %dma_start3A_447 = tpu.memref_slice %arg2[%dma_start3A_445, %dma_start3A_446] : memref<10000x128xf32, #tpu.memory_space<hbm>> -> memref<10000x128xf32, #tpu.memory_space<hbm>>
      tpu.enqueue_indirect_dma source(%dma_start3A_447 : memref<10000x128xf32, #tpu.memory_space<hbm>>) target(%dma_start3A_444 : memref<40x128xf32, #tpu.memory_space<vmem>>) offsets(%arg9 : memref<40xi32, #tpu.memory_space<vmem>>) semaphore(%arg27 : memref<!tpu.dma_semaphore, #tpu.memory_space<semaphore_mem>>)
      %dma_wait3A_448 = arith.constant 4 : i32
      %dma_wait3A_449 = arith.constant 0 : i32
      %dma_wait3A_450 = arith.constant 0 : i32
      %dma_wait3A_451 = tpu.memref_slice %arg16[%dma_wait3A_448, %dma_wait3A_449, %dma_wait3A_450] : memref<5x40x128xf32, #tpu.memory_space<vmem>> -> memref<1x40x128xf32, #tpu.memory_space<vmem>>
      %dma_wait3A_452 = tpu.memref_squeeze %dma_wait3A_451 : memref<1x40x128xf32, #tpu.memory_space<vmem>> -> memref<40x128xf32, #tpu.memory_space<vmem>>
      %dma_wait3A_453 = arith.constant 0 : i32
      %dma_wait3A_454 = arith.constant 0 : i32
      %dma_wait3A_455 = tpu.memref_slice %arg18[%dma_wait3A_453, %dma_wait3A_454] : memref<10112x128xf32, #tpu.memory_space<vmem_shared>> -> memref<10112x128xf32, #tpu.memory_space<vmem_shared>>
      tpu.wait_indirect_dma semaphore(%arg33 : memref<!tpu.dma_semaphore, #tpu.memory_space<semaphore_mem>>) src(%dma_wait3A_452 : memref<40x128xf32, #tpu.memory_space<vmem>>) dst(%dma_wait3A_455 : memref<10112x128xf32, #tpu.memory_space<vmem_shared>>)
      %add3A_456 = arith.constant 1 : i32
      %add3A_457 = arith.addi %add3A_235, %add3A_456 : i32
      %mul3A_458 = arith.constant 5 : i32
      %mul3A_459 = arith.muli %add3A_457, %mul3A_458 : i32
      %mul3A_460 = arith.constant 40 : i32
      %mul3A_461 = arith.muli %mul3A_459, %mul3A_460 : i32
      %add3A_462 = arith.addi %mul3A_4, %mul3A_461 : i32
      %add3A_463 = arith.constant 160 : i32
      %add3A_464 = arith.addi %add3A_462, %add3A_463 : i32
      %dma_start3A_465 = tpu.memref_slice %arg3[%add3A_464] : memref<320000xi32, #tpu.memory_space<hbm>> -> memref<40xi32, #tpu.memory_space<hbm>>
      %dma_start3A_466 = tpu.memref_slice %arg3[%add3A_464] : memref<320000xi32, #tpu.memory_space<hbm>> -> memref<40xi32, #tpu.memory_space<hbm>>
      tpu.enqueue_dma source(%dma_start3A_466 : memref<40xi32, #tpu.memory_space<hbm>>) target(%arg10 : memref<40xi32, #tpu.memory_space<vmem>>) target_semaphore(%arg23 : memref<!tpu.dma_semaphore, #tpu.memory_space<semaphore_mem>>)
      %dma_start3A_467 = tpu.memref_slice %arg4[%add3A_464] : memref<320000xi32, #tpu.memory_space<hbm>> -> memref<40xi32, #tpu.memory_space<hbm>>
      %dma_start3A_468 = tpu.memref_slice %arg4[%add3A_464] : memref<320000xi32, #tpu.memory_space<hbm>> -> memref<40xi32, #tpu.memory_space<hbm>>
      tpu.enqueue_dma source(%dma_start3A_468 : memref<40xi32, #tpu.memory_space<hbm>>) target(%arg15 : memref<40xi32, #tpu.memory_space<vmem>>) target_semaphore(%arg23 : memref<!tpu.dma_semaphore, #tpu.memory_space<semaphore_mem>>)
      %dma_wait3A_469 = tpu.memref_slice %arg3[%add3A_464] : memref<320000xi32, #tpu.memory_space<hbm>> -> memref<40xi32, #tpu.memory_space<hbm>>
      %dma_wait3A_470 = tpu.memref_slice %arg3[%add3A_464] : memref<320000xi32, #tpu.memory_space<hbm>> -> memref<40xi32, #tpu.memory_space<hbm>>
      tpu.wait_dma2 semaphore(%arg23 : memref<!tpu.dma_semaphore, #tpu.memory_space<semaphore_mem>>) src(%dma_wait3A_470 : memref<40xi32, #tpu.memory_space<hbm>>) dst(%arg10 : memref<40xi32, #tpu.memory_space<vmem>>)
      %dma_wait3A_471 = tpu.memref_slice %arg4[%add3A_464] : memref<320000xi32, #tpu.memory_space<hbm>> -> memref<40xi32, #tpu.memory_space<hbm>>
      %dma_wait3A_472 = tpu.memref_slice %arg4[%add3A_464] : memref<320000xi32, #tpu.memory_space<hbm>> -> memref<40xi32, #tpu.memory_space<hbm>>
      tpu.wait_dma2 semaphore(%arg23 : memref<!tpu.dma_semaphore, #tpu.memory_space<semaphore_mem>>) src(%dma_wait3A_472 : memref<40xi32, #tpu.memory_space<hbm>>) dst(%arg15 : memref<40xi32, #tpu.memory_space<vmem>>)
      %dma_start3A_473 = arith.constant 4 : i32
      %dma_start3A_474 = arith.constant 0 : i32
      %dma_start3A_475 = arith.constant 0 : i32
      %dma_start3A_476 = tpu.memref_slice %arg16[%dma_start3A_473, %dma_start3A_474, %dma_start3A_475] : memref<5x40x128xf32, #tpu.memory_space<vmem>> -> memref<1x40x128xf32, #tpu.memory_space<vmem>>
      %dma_start3A_477 = tpu.memref_squeeze %dma_start3A_476 : memref<1x40x128xf32, #tpu.memory_space<vmem>> -> memref<40x128xf32, #tpu.memory_space<vmem>>
      %dma_start3A_478 = arith.constant 0 : i32
      %dma_start3A_479 = arith.constant 0 : i32
      %dma_start3A_480 = tpu.memref_slice %arg2[%dma_start3A_478, %dma_start3A_479] : memref<10000x128xf32, #tpu.memory_space<hbm>> -> memref<10000x128xf32, #tpu.memory_space<hbm>>
      tpu.enqueue_indirect_dma source(%dma_start3A_480 : memref<10000x128xf32, #tpu.memory_space<hbm>>) target(%dma_start3A_477 : memref<40x128xf32, #tpu.memory_space<vmem>>) offsets(%arg10 : memref<40xi32, #tpu.memory_space<vmem>>) semaphore(%arg28 : memref<!tpu.dma_semaphore, #tpu.memory_space<semaphore_mem>>)
    }
    %scan3A_109 = arith.constant 49 : i32
    %dma_wait3A_110 = arith.constant 0 : i32
    %dma_wait3A_111 = arith.constant 0 : i32
    %dma_wait3A_112 = arith.constant 0 : i32
    %dma_wait3A_113 = tpu.memref_slice %arg16[%dma_wait3A_110, %dma_wait3A_111, %dma_wait3A_112] : memref<5x40x128xf32, #tpu.memory_space<vmem>> -> memref<1x40x128xf32, #tpu.memory_space<vmem>>
    %dma_wait3A_114 = tpu.memref_squeeze %dma_wait3A_113 : memref<1x40x128xf32, #tpu.memory_space<vmem>> -> memref<40x128xf32, #tpu.memory_space<vmem>>
    %dma_wait3A_115 = arith.constant 0 : i32
    %dma_wait3A_116 = arith.constant 0 : i32
    %dma_wait3A_117 = tpu.memref_slice %arg2[%dma_wait3A_115, %dma_wait3A_116] : memref<10000x128xf32, #tpu.memory_space<hbm>> -> memref<10000x128xf32, #tpu.memory_space<hbm>>
    tpu.wait_indirect_dma semaphore(%arg24 : memref<!tpu.dma_semaphore, #tpu.memory_space<semaphore_mem>>) src(%dma_wait3A_117 : memref<10000x128xf32, #tpu.memory_space<hbm>>) dst(%dma_wait3A_114 : memref<40x128xf32, #tpu.memory_space<vmem>>)
    %dma_start3A_118 = arith.constant 0 : i32
    %dma_start3A_119 = arith.constant 0 : i32
    %dma_start3A_120 = arith.constant 0 : i32
    %dma_start3A_121 = tpu.memref_slice %arg16[%dma_start3A_118, %dma_start3A_119, %dma_start3A_120] : memref<5x40x128xf32, #tpu.memory_space<vmem>> -> memref<1x40x128xf32, #tpu.memory_space<vmem>>
    %dma_start3A_122 = tpu.memref_squeeze %dma_start3A_121 : memref<1x40x128xf32, #tpu.memory_space<vmem>> -> memref<40x128xf32, #tpu.memory_space<vmem>>
    %dma_start3A_123 = arith.constant 0 : i32
    %dma_start3A_124 = arith.constant 0 : i32
    %dma_start3A_125 = tpu.memref_slice %arg18[%dma_start3A_123, %dma_start3A_124] : memref<10112x128xf32, #tpu.memory_space<vmem_shared>> -> memref<10112x128xf32, #tpu.memory_space<vmem_shared>>
    tpu.enqueue_indirect_dma source(%dma_start3A_122 : memref<40x128xf32, #tpu.memory_space<vmem>>) target(%dma_start3A_125 : memref<10112x128xf32, #tpu.memory_space<vmem_shared>>) offsets(%arg11 : memref<40xi32, #tpu.memory_space<vmem>>) semaphore(%arg29 : memref<!tpu.dma_semaphore, #tpu.memory_space<semaphore_mem>>) {add = true}
    %dma_wait3A_126 = arith.constant 1 : i32
    %dma_wait3A_127 = arith.constant 0 : i32
    %dma_wait3A_128 = arith.constant 0 : i32
    %dma_wait3A_129 = tpu.memref_slice %arg16[%dma_wait3A_126, %dma_wait3A_127, %dma_wait3A_128] : memref<5x40x128xf32, #tpu.memory_space<vmem>> -> memref<1x40x128xf32, #tpu.memory_space<vmem>>
    %dma_wait3A_130 = tpu.memref_squeeze %dma_wait3A_129 : memref<1x40x128xf32, #tpu.memory_space<vmem>> -> memref<40x128xf32, #tpu.memory_space<vmem>>
    %dma_wait3A_131 = arith.constant 0 : i32
    %dma_wait3A_132 = arith.constant 0 : i32
    %dma_wait3A_133 = tpu.memref_slice %arg2[%dma_wait3A_131, %dma_wait3A_132] : memref<10000x128xf32, #tpu.memory_space<hbm>> -> memref<10000x128xf32, #tpu.memory_space<hbm>>
    tpu.wait_indirect_dma semaphore(%arg25 : memref<!tpu.dma_semaphore, #tpu.memory_space<semaphore_mem>>) src(%dma_wait3A_133 : memref<10000x128xf32, #tpu.memory_space<hbm>>) dst(%dma_wait3A_130 : memref<40x128xf32, #tpu.memory_space<vmem>>)
    %dma_start3A_134 = arith.constant 1 : i32
    %dma_start3A_135 = arith.constant 0 : i32
    %dma_start3A_136 = arith.constant 0 : i32
    %dma_start3A_137 = tpu.memref_slice %arg16[%dma_start3A_134, %dma_start3A_135, %dma_start3A_136] : memref<5x40x128xf32, #tpu.memory_space<vmem>> -> memref<1x40x128xf32, #tpu.memory_space<vmem>>
    %dma_start3A_138 = tpu.memref_squeeze %dma_start3A_137 : memref<1x40x128xf32, #tpu.memory_space<vmem>> -> memref<40x128xf32, #tpu.memory_space<vmem>>
    %dma_start3A_139 = arith.constant 0 : i32
    %dma_start3A_140 = arith.constant 0 : i32
    %dma_start3A_141 = tpu.memref_slice %arg18[%dma_start3A_139, %dma_start3A_140] : memref<10112x128xf32, #tpu.memory_space<vmem_shared>> -> memref<10112x128xf32, #tpu.memory_space<vmem_shared>>
    tpu.enqueue_indirect_dma source(%dma_start3A_138 : memref<40x128xf32, #tpu.memory_space<vmem>>) target(%dma_start3A_141 : memref<10112x128xf32, #tpu.memory_space<vmem_shared>>) offsets(%arg12 : memref<40xi32, #tpu.memory_space<vmem>>) semaphore(%arg30 : memref<!tpu.dma_semaphore, #tpu.memory_space<semaphore_mem>>) {add = true}
    %dma_wait3A_142 = arith.constant 2 : i32
    %dma_wait3A_143 = arith.constant 0 : i32
    %dma_wait3A_144 = arith.constant 0 : i32
    %dma_wait3A_145 = tpu.memref_slice %arg16[%dma_wait3A_142, %dma_wait3A_143, %dma_wait3A_144] : memref<5x40x128xf32, #tpu.memory_space<vmem>> -> memref<1x40x128xf32, #tpu.memory_space<vmem>>
    %dma_wait3A_146 = tpu.memref_squeeze %dma_wait3A_145 : memref<1x40x128xf32, #tpu.memory_space<vmem>> -> memref<40x128xf32, #tpu.memory_space<vmem>>
    %dma_wait3A_147 = arith.constant 0 : i32
    %dma_wait3A_148 = arith.constant 0 : i32
    %dma_wait3A_149 = tpu.memref_slice %arg2[%dma_wait3A_147, %dma_wait3A_148] : memref<10000x128xf32, #tpu.memory_space<hbm>> -> memref<10000x128xf32, #tpu.memory_space<hbm>>
    tpu.wait_indirect_dma semaphore(%arg26 : memref<!tpu.dma_semaphore, #tpu.memory_space<semaphore_mem>>) src(%dma_wait3A_149 : memref<10000x128xf32, #tpu.memory_space<hbm>>) dst(%dma_wait3A_146 : memref<40x128xf32, #tpu.memory_space<vmem>>)
    %dma_start3A_150 = arith.constant 2 : i32
    %dma_start3A_151 = arith.constant 0 : i32
    %dma_start3A_152 = arith.constant 0 : i32
    %dma_start3A_153 = tpu.memref_slice %arg16[%dma_start3A_150, %dma_start3A_151, %dma_start3A_152] : memref<5x40x128xf32, #tpu.memory_space<vmem>> -> memref<1x40x128xf32, #tpu.memory_space<vmem>>
    %dma_start3A_154 = tpu.memref_squeeze %dma_start3A_153 : memref<1x40x128xf32, #tpu.memory_space<vmem>> -> memref<40x128xf32, #tpu.memory_space<vmem>>
    %dma_start3A_155 = arith.constant 0 : i32
    %dma_start3A_156 = arith.constant 0 : i32
    %dma_start3A_157 = tpu.memref_slice %arg18[%dma_start3A_155, %dma_start3A_156] : memref<10112x128xf32, #tpu.memory_space<vmem_shared>> -> memref<10112x128xf32, #tpu.memory_space<vmem_shared>>
    tpu.enqueue_indirect_dma source(%dma_start3A_154 : memref<40x128xf32, #tpu.memory_space<vmem>>) target(%dma_start3A_157 : memref<10112x128xf32, #tpu.memory_space<vmem_shared>>) offsets(%arg13 : memref<40xi32, #tpu.memory_space<vmem>>) semaphore(%arg31 : memref<!tpu.dma_semaphore, #tpu.memory_space<semaphore_mem>>) {add = true}
    %dma_wait3A_158 = arith.constant 3 : i32
    %dma_wait3A_159 = arith.constant 0 : i32
    %dma_wait3A_160 = arith.constant 0 : i32
    %dma_wait3A_161 = tpu.memref_slice %arg16[%dma_wait3A_158, %dma_wait3A_159, %dma_wait3A_160] : memref<5x40x128xf32, #tpu.memory_space<vmem>> -> memref<1x40x128xf32, #tpu.memory_space<vmem>>
    %dma_wait3A_162 = tpu.memref_squeeze %dma_wait3A_161 : memref<1x40x128xf32, #tpu.memory_space<vmem>> -> memref<40x128xf32, #tpu.memory_space<vmem>>
    %dma_wait3A_163 = arith.constant 0 : i32
    %dma_wait3A_164 = arith.constant 0 : i32
    %dma_wait3A_165 = tpu.memref_slice %arg2[%dma_wait3A_163, %dma_wait3A_164] : memref<10000x128xf32, #tpu.memory_space<hbm>> -> memref<10000x128xf32, #tpu.memory_space<hbm>>
    tpu.wait_indirect_dma semaphore(%arg27 : memref<!tpu.dma_semaphore, #tpu.memory_space<semaphore_mem>>) src(%dma_wait3A_165 : memref<10000x128xf32, #tpu.memory_space<hbm>>) dst(%dma_wait3A_162 : memref<40x128xf32, #tpu.memory_space<vmem>>)
    %dma_start3A_166 = arith.constant 3 : i32
    %dma_start3A_167 = arith.constant 0 : i32
    %dma_start3A_168 = arith.constant 0 : i32
    %dma_start3A_169 = tpu.memref_slice %arg16[%dma_start3A_166, %dma_start3A_167, %dma_start3A_168] : memref<5x40x128xf32, #tpu.memory_space<vmem>> -> memref<1x40x128xf32, #tpu.memory_space<vmem>>
    %dma_start3A_170 = tpu.memref_squeeze %dma_start3A_169 : memref<1x40x128xf32, #tpu.memory_space<vmem>> -> memref<40x128xf32, #tpu.memory_space<vmem>>
    %dma_start3A_171 = arith.constant 0 : i32
    %dma_start3A_172 = arith.constant 0 : i32
    %dma_start3A_173 = tpu.memref_slice %arg18[%dma_start3A_171, %dma_start3A_172] : memref<10112x128xf32, #tpu.memory_space<vmem_shared>> -> memref<10112x128xf32, #tpu.memory_space<vmem_shared>>
    tpu.enqueue_indirect_dma source(%dma_start3A_170 : memref<40x128xf32, #tpu.memory_space<vmem>>) target(%dma_start3A_173 : memref<10112x128xf32, #tpu.memory_space<vmem_shared>>) offsets(%arg14 : memref<40xi32, #tpu.memory_space<vmem>>) semaphore(%arg32 : memref<!tpu.dma_semaphore, #tpu.memory_space<semaphore_mem>>) {add = true}
    %dma_wait3A_174 = arith.constant 4 : i32
    %dma_wait3A_175 = arith.constant 0 : i32
    %dma_wait3A_176 = arith.constant 0 : i32
    %dma_wait3A_177 = tpu.memref_slice %arg16[%dma_wait3A_174, %dma_wait3A_175, %dma_wait3A_176] : memref<5x40x128xf32, #tpu.memory_space<vmem>> -> memref<1x40x128xf32, #tpu.memory_space<vmem>>
    %dma_wait3A_178 = tpu.memref_squeeze %dma_wait3A_177 : memref<1x40x128xf32, #tpu.memory_space<vmem>> -> memref<40x128xf32, #tpu.memory_space<vmem>>
    %dma_wait3A_179 = arith.constant 0 : i32
    %dma_wait3A_180 = arith.constant 0 : i32
    %dma_wait3A_181 = tpu.memref_slice %arg2[%dma_wait3A_179, %dma_wait3A_180] : memref<10000x128xf32, #tpu.memory_space<hbm>> -> memref<10000x128xf32, #tpu.memory_space<hbm>>
    tpu.wait_indirect_dma semaphore(%arg28 : memref<!tpu.dma_semaphore, #tpu.memory_space<semaphore_mem>>) src(%dma_wait3A_181 : memref<10000x128xf32, #tpu.memory_space<hbm>>) dst(%dma_wait3A_178 : memref<40x128xf32, #tpu.memory_space<vmem>>)
    %dma_start3A_182 = arith.constant 4 : i32
    %dma_start3A_183 = arith.constant 0 : i32
    %dma_start3A_184 = arith.constant 0 : i32
    %dma_start3A_185 = tpu.memref_slice %arg16[%dma_start3A_182, %dma_start3A_183, %dma_start3A_184] : memref<5x40x128xf32, #tpu.memory_space<vmem>> -> memref<1x40x128xf32, #tpu.memory_space<vmem>>
    %dma_start3A_186 = tpu.memref_squeeze %dma_start3A_185 : memref<1x40x128xf32, #tpu.memory_space<vmem>> -> memref<40x128xf32, #tpu.memory_space<vmem>>
    %dma_start3A_187 = arith.constant 0 : i32
    %dma_start3A_188 = arith.constant 0 : i32
    %dma_start3A_189 = tpu.memref_slice %arg18[%dma_start3A_187, %dma_start3A_188] : memref<10112x128xf32, #tpu.memory_space<vmem_shared>> -> memref<10112x128xf32, #tpu.memory_space<vmem_shared>>
    tpu.enqueue_indirect_dma source(%dma_start3A_186 : memref<40x128xf32, #tpu.memory_space<vmem>>) target(%dma_start3A_189 : memref<10112x128xf32, #tpu.memory_space<vmem_shared>>) offsets(%arg15 : memref<40xi32, #tpu.memory_space<vmem>>) semaphore(%arg33 : memref<!tpu.dma_semaphore, #tpu.memory_space<semaphore_mem>>) {add = true}
    %dma_wait3A_190 = arith.constant 0 : i32
    %dma_wait3A_191 = arith.constant 0 : i32
    %dma_wait3A_192 = arith.constant 0 : i32
    %dma_wait3A_193 = tpu.memref_slice %arg16[%dma_wait3A_190, %dma_wait3A_191, %dma_wait3A_192] : memref<5x40x128xf32, #tpu.memory_space<vmem>> -> memref<1x40x128xf32, #tpu.memory_space<vmem>>
    %dma_wait3A_194 = tpu.memref_squeeze %dma_wait3A_193 : memref<1x40x128xf32, #tpu.memory_space<vmem>> -> memref<40x128xf32, #tpu.memory_space<vmem>>
    %dma_wait3A_195 = arith.constant 0 : i32
    %dma_wait3A_196 = arith.constant 0 : i32
    %dma_wait3A_197 = tpu.memref_slice %arg18[%dma_wait3A_195, %dma_wait3A_196] : memref<10112x128xf32, #tpu.memory_space<vmem_shared>> -> memref<10112x128xf32, #tpu.memory_space<vmem_shared>>
    tpu.wait_indirect_dma semaphore(%arg29 : memref<!tpu.dma_semaphore, #tpu.memory_space<semaphore_mem>>) src(%dma_wait3A_194 : memref<40x128xf32, #tpu.memory_space<vmem>>) dst(%dma_wait3A_197 : memref<10112x128xf32, #tpu.memory_space<vmem_shared>>)
    %dma_wait3A_198 = arith.constant 1 : i32
    %dma_wait3A_199 = arith.constant 0 : i32
    %dma_wait3A_200 = arith.constant 0 : i32
    %dma_wait3A_201 = tpu.memref_slice %arg16[%dma_wait3A_198, %dma_wait3A_199, %dma_wait3A_200] : memref<5x40x128xf32, #tpu.memory_space<vmem>> -> memref<1x40x128xf32, #tpu.memory_space<vmem>>
    %dma_wait3A_202 = tpu.memref_squeeze %dma_wait3A_201 : memref<1x40x128xf32, #tpu.memory_space<vmem>> -> memref<40x128xf32, #tpu.memory_space<vmem>>
    %dma_wait3A_203 = arith.constant 0 : i32
    %dma_wait3A_204 = arith.constant 0 : i32
    %dma_wait3A_205 = tpu.memref_slice %arg18[%dma_wait3A_203, %dma_wait3A_204] : memref<10112x128xf32, #tpu.memory_space<vmem_shared>> -> memref<10112x128xf32, #tpu.memory_space<vmem_shared>>
    tpu.wait_indirect_dma semaphore(%arg30 : memref<!tpu.dma_semaphore, #tpu.memory_space<semaphore_mem>>) src(%dma_wait3A_202 : memref<40x128xf32, #tpu.memory_space<vmem>>) dst(%dma_wait3A_205 : memref<10112x128xf32, #tpu.memory_space<vmem_shared>>)
    %dma_wait3A_206 = arith.constant 2 : i32
    %dma_wait3A_207 = arith.constant 0 : i32
    %dma_wait3A_208 = arith.constant 0 : i32
    %dma_wait3A_209 = tpu.memref_slice %arg16[%dma_wait3A_206, %dma_wait3A_207, %dma_wait3A_208] : memref<5x40x128xf32, #tpu.memory_space<vmem>> -> memref<1x40x128xf32, #tpu.memory_space<vmem>>
    %dma_wait3A_210 = tpu.memref_squeeze %dma_wait3A_209 : memref<1x40x128xf32, #tpu.memory_space<vmem>> -> memref<40x128xf32, #tpu.memory_space<vmem>>
    %dma_wait3A_211 = arith.constant 0 : i32
    %dma_wait3A_212 = arith.constant 0 : i32
    %dma_wait3A_213 = tpu.memref_slice %arg18[%dma_wait3A_211, %dma_wait3A_212] : memref<10112x128xf32, #tpu.memory_space<vmem_shared>> -> memref<10112x128xf32, #tpu.memory_space<vmem_shared>>
    tpu.wait_indirect_dma semaphore(%arg31 : memref<!tpu.dma_semaphore, #tpu.memory_space<semaphore_mem>>) src(%dma_wait3A_210 : memref<40x128xf32, #tpu.memory_space<vmem>>) dst(%dma_wait3A_213 : memref<10112x128xf32, #tpu.memory_space<vmem_shared>>)
    %dma_wait3A_214 = arith.constant 3 : i32
    %dma_wait3A_215 = arith.constant 0 : i32
    %dma_wait3A_216 = arith.constant 0 : i32
    %dma_wait3A_217 = tpu.memref_slice %arg16[%dma_wait3A_214, %dma_wait3A_215, %dma_wait3A_216] : memref<5x40x128xf32, #tpu.memory_space<vmem>> -> memref<1x40x128xf32, #tpu.memory_space<vmem>>
    %dma_wait3A_218 = tpu.memref_squeeze %dma_wait3A_217 : memref<1x40x128xf32, #tpu.memory_space<vmem>> -> memref<40x128xf32, #tpu.memory_space<vmem>>
    %dma_wait3A_219 = arith.constant 0 : i32
    %dma_wait3A_220 = arith.constant 0 : i32
    %dma_wait3A_221 = tpu.memref_slice %arg18[%dma_wait3A_219, %dma_wait3A_220] : memref<10112x128xf32, #tpu.memory_space<vmem_shared>> -> memref<10112x128xf32, #tpu.memory_space<vmem_shared>>
    tpu.wait_indirect_dma semaphore(%arg32 : memref<!tpu.dma_semaphore, #tpu.memory_space<semaphore_mem>>) src(%dma_wait3A_218 : memref<40x128xf32, #tpu.memory_space<vmem>>) dst(%dma_wait3A_221 : memref<10112x128xf32, #tpu.memory_space<vmem_shared>>)
    %dma_wait3A_222 = arith.constant 4 : i32
    %dma_wait3A_223 = arith.constant 0 : i32
    %dma_wait3A_224 = arith.constant 0 : i32
    %dma_wait3A_225 = tpu.memref_slice %arg16[%dma_wait3A_222, %dma_wait3A_223, %dma_wait3A_224] : memref<5x40x128xf32, #tpu.memory_space<vmem>> -> memref<1x40x128xf32, #tpu.memory_space<vmem>>
    %dma_wait3A_226 = tpu.memref_squeeze %dma_wait3A_225 : memref<1x40x128xf32, #tpu.memory_space<vmem>> -> memref<40x128xf32, #tpu.memory_space<vmem>>
    %dma_wait3A_227 = arith.constant 0 : i32
    %dma_wait3A_228 = arith.constant 0 : i32
    %dma_wait3A_229 = tpu.memref_slice %arg18[%dma_wait3A_227, %dma_wait3A_228] : memref<10112x128xf32, #tpu.memory_space<vmem_shared>> -> memref<10112x128xf32, #tpu.memory_space<vmem_shared>>
    tpu.wait_indirect_dma semaphore(%arg33 : memref<!tpu.dma_semaphore, #tpu.memory_space<semaphore_mem>>) src(%dma_wait3A_226 : memref<40x128xf32, #tpu.memory_space<vmem>>) dst(%dma_wait3A_229 : memref<10112x128xf32, #tpu.memory_space<vmem_shared>>)
    %barrier3A_230 = arith.constant 0 : index
    tpu.barrier barrier_id(%barrier3A_230)
    "tpu.region"() ({
      %run_scoped3A = tpu.sem_alloc : memref<!tpu.dma_semaphore, #tpu.memory_space<semaphore_mem>>
      %dma_start3A_231 = arith.constant 0 : i32
      %dma_start3A_232 = tpu.memref_slice %arg5[%arg0, %mul3A_2, %dma_start3A_231] : memref<2x10112x128xf32, #tpu.memory_space<hbm>> -> memref<1x632x128xf32, #tpu.memory_space<hbm>>
      %dma_start3A_233 = tpu.memref_squeeze %dma_start3A_232 : memref<1x632x128xf32, #tpu.memory_space<hbm>> -> memref<632x128xf32, #tpu.memory_space<hbm>>
      %dma_start3A_234 = arith.constant 0 : i32
      %dma_start3A_235 = tpu.memref_slice %arg18[%mul3A_2, %dma_start3A_234] : memref<10112x128xf32, #tpu.memory_space<vmem_shared>> -> memref<632x128xf32, #tpu.memory_space<vmem_shared>>
      tpu.enqueue_dma source(%dma_start3A_235 : memref<632x128xf32, #tpu.memory_space<vmem_shared>>) target(%dma_start3A_233 : memref<632x128xf32, #tpu.memory_space<hbm>>) target_semaphore(%run_scoped3A : memref<!tpu.dma_semaphore, #tpu.memory_space<semaphore_mem>>)
      %dma_wait3A_236 = arith.constant 0 : i32
      %dma_wait3A_237 = tpu.memref_slice %arg5[%arg0, %mul3A_2, %dma_wait3A_236] : memref<2x10112x128xf32, #tpu.memory_space<hbm>> -> memref<1x632x128xf32, #tpu.memory_space<hbm>>
      %dma_wait3A_238 = tpu.memref_squeeze %dma_wait3A_237 : memref<1x632x128xf32, #tpu.memory_space<hbm>> -> memref<632x128xf32, #tpu.memory_space<hbm>>
      %dma_wait3A_239 = arith.constant 0 : i32
      %dma_wait3A_240 = tpu.memref_slice %arg18[%mul3A_2, %dma_wait3A_239] : memref<10112x128xf32, #tpu.memory_space<vmem_shared>> -> memref<632x128xf32, #tpu.memory_space<vmem_shared>>
      tpu.wait_dma2 semaphore(%run_scoped3A : memref<!tpu.dma_semaphore, #tpu.memory_space<semaphore_mem>>) src(%dma_wait3A_240 : memref<632x128xf32, #tpu.memory_space<vmem_shared>>) dst(%dma_wait3A_238 : memref<632x128xf32, #tpu.memory_space<hbm>>)
      tpu.yield
    }) : () -> ()
    return
  }
}

#map = affine_map<(d0, d1) -> (0, 0)>
#map1 = affine_map<(d0, d1) -> (0)>
#map2 = affine_map<(d0, d1) -> (0, 0, 0)>
module attributes {stable_mosaic.version = 14 : i64} {
  func.func @_scatter_body(%arg0: i32, %arg1: i32, %arg2: memref<10000x128xf32, #tpu.memory_space<hbm>>, %arg3: memref<320000xi32, #tpu.memory_space<hbm>>, %arg4: memref<320000xi32, #tpu.memory_space<hbm>>, %arg5: memref<2x10112x128xf32, #tpu.memory_space<hbm>>, %arg6: memref<40xi32, #tpu.memory_space<vmem>>, %arg7: memref<40xi32, #tpu.memory_space<vmem>>, %arg8: memref<40xi32, #tpu.memory_space<vmem>>, %arg9: memref<40xi32, #tpu.memory_space<vmem>>, %arg10: memref<40xi32, #tpu.memory_space<vmem>>, %arg11: memref<40xi32, #tpu.memory_space<vmem>>, %arg12: memref<40xi32, #tpu.memory_space<vmem>>, %arg13: memref<40xi32, #tpu.memory_space<vmem>>, %arg14: memref<40xi32, #tpu.memory_space<vmem>>, %arg15: memref<40xi32, #tpu.memory_space<vmem>>, %arg16: memref<5x40x128xf32, #tpu.memory_space<vmem>>, %arg17: memref<24x128xf32, #tpu.memory_space<vmem>>, %arg18: memref<10112x128xf32, #tpu.memory_space<vmem_shared>>, %arg19: memref<!tpu.dma_semaphore, #tpu.memory_space<semaphore_mem>>, %arg20: memref<!tpu.dma_semaphore, #tpu.memory_space<semaphore_mem>>, %arg21: memref<!tpu.dma_semaphore, #tpu.memory_space<semaphore_mem>>, %arg22: memref<!tpu.dma_semaphore, #tpu.memory_space<semaphore_mem>>, %arg23: memref<!tpu.dma_semaphore, #tpu.memory_space<semaphore_mem>>, %arg24: memref<!tpu.dma_semaphore, #tpu.memory_space<semaphore_mem>>, %arg25: memref<!tpu.dma_semaphore, #tpu.memory_space<semaphore_mem>>, %arg26: memref<!tpu.dma_semaphore, #tpu.memory_space<semaphore_mem>>, %arg27: memref<!tpu.dma_semaphore, #tpu.memory_space<semaphore_mem>>, %arg28: memref<!tpu.dma_semaphore, #tpu.memory_space<semaphore_mem>>, %arg29: memref<!tpu.dma_semaphore, #tpu.memory_space<semaphore_mem>>, %arg30: memref<!tpu.dma_semaphore, #tpu.memory_space<semaphore_mem>>, %arg31: memref<!tpu.dma_semaphore, #tpu.memory_space<semaphore_mem>>, %arg32: memref<!tpu.dma_semaphore, #tpu.memory_space<semaphore_mem>>, %arg33: memref<!tpu.dma_semaphore, #tpu.memory_space<semaphore_mem>>) attributes {dimension_semantics = [#tpu.dimension_semantics<core_parallel>, #tpu.dimension_semantics<subcore_parallel>], iteration_bounds = array<i64: 2, 16>, scalar_prefetch = 0 : i64, scratch_operands = 28 : i64, tpu.core_type = #tpu.core_type<sc_vector_subcore>, window_params = [{transform_indices = #map}, {transform_indices = #map1}, {transform_indices = #map1}, {transform_indices = #map2}]} {
    %mul3A = arith.constant 2 : i32
    %mul3A_0 = arith.muli %arg1, %mul3A : i32
    %add3A = arith.addi %mul3A_0, %arg0 : i32
    %mul3A_1 = arith.constant 632 : i32
    %mul3A_2 = arith.muli %arg1, %mul3A_1 : i32
    %mul3A_3 = arith.constant 10000 : i32
    %mul3A_4 = arith.muli %add3A, %mul3A_3 : i32
    %broadcast_in_dim3A = arith.constant 0.000000e+00 : f32
    %broadcast_in_dim3A_5 = vector.broadcast %broadcast_in_dim3A : f32 to vector<16xf32>
    %scan3A = arith.constant 0 : i32
    %scan3A_6 = arith.constant 24 : i32
    %scan3A_7 = arith.addi %scan3A, %scan3A_6 : i32
    %scan3A_8 = arith.constant 1 : i32
    scf.for %scan3A_231 = %scan3A to %scan3A_7 step %scan3A_8  : i32 {
      %mul3A_232 = arith.constant 1 : i32
      %mul3A_233 = arith.muli %scan3A_231, %mul3A_232 : i32
      %add3A_234 = arith.constant 0 : i32
      %add3A_235 = arith.addi %add3A_234, %mul3A_233 : i32
      %scan3A_236 = arith.constant 0 : i32
      %scan3A_237 = arith.constant 8 : i32
      %scan3A_238 = arith.addi %scan3A_236, %scan3A_237 : i32
      %scan3A_239 = arith.constant 1 : i32
      scf.for %scan3A_241 = %scan3A_236 to %scan3A_238 step %scan3A_239  : i32 {
        %mul3A_242 = arith.constant 16 : i32
        %mul3A_243 = arith.muli %scan3A_241, %mul3A_242 : i32
        %add3A_244 = arith.constant 0 : i32
        %add3A_245 = arith.addi %add3A_244, %mul3A_243 : i32
        %swap3A = arith.index_cast %add3A_235 : i32 to index
        %swap3A_246 = arith.index_cast %add3A_245 : i32 to index
        %swap3A_247 = tpu.vector_load %arg17[%swap3A, %swap3A_246] {strides = array<i32>} : memref<24x128xf32, #tpu.memory_space<vmem>>, vector<16xf32>,
        tpu.vector_store %arg17[%swap3A, %swap3A_246], %broadcast_in_dim3A_5 {strides = array<i32>} : memref<24x128xf32, #tpu.memory_space<vmem>>, vector<16xf32>,
      }
      %scan3A_240 = arith.constant 8 : i32
    }
    %scan3A_9 = arith.constant 24 : i32
    %scan3A_10 = arith.constant 0 : i32
    %scan3A_11 = arith.constant 26 : i32
    %scan3A_12 = arith.addi %scan3A_10, %scan3A_11 : i32
    %scan3A_13 = arith.constant 1 : i32
    scf.for %scan3A_231 = %scan3A_10 to %scan3A_12 step %scan3A_13  : i32 {
      %mul3A_232 = arith.constant 24 : i32
      %mul3A_233 = arith.muli %scan3A_231, %mul3A_232 : i32
      %add3A_234 = arith.constant 0 : i32
      %add3A_235 = arith.addi %add3A_234, %mul3A_233 : i32
      %add3A_236 = arith.addi %mul3A_2, %add3A_235 : i32
      "tpu.region"() ({
        %run_scoped3A = tpu.sem_alloc : memref<!tpu.dma_semaphore, #tpu.memory_space<semaphore_mem>>
        %dma_start3A_237 = arith.constant 0 : i32
        %dma_start3A_238 = tpu.memref_slice %arg18[%add3A_236, %dma_start3A_237] : memref<10112x128xf32, #tpu.memory_space<vmem_shared>> -> memref<24x128xf32, #tpu.memory_space<vmem_shared>>
        %dma_start3A_239 = arith.constant 0 : i32
        %dma_start3A_240 = tpu.memref_slice %arg18[%add3A_236, %dma_start3A_239] : memref<10112x128xf32, #tpu.memory_space<vmem_shared>> -> memref<24x128xf32, #tpu.memory_space<vmem_shared>>
        tpu.enqueue_dma source(%arg17 : memref<24x128xf32, #tpu.memory_space<vmem>>) target(%dma_start3A_240 : memref<24x128xf32, #tpu.memory_space<vmem_shared>>) target_semaphore(%run_scoped3A : memref<!tpu.dma_semaphore, #tpu.memory_space<semaphore_mem>>)
        %dma_wait3A_241 = arith.constant 0 : i32
        %dma_wait3A_242 = tpu.memref_slice %arg18[%add3A_236, %dma_wait3A_241] : memref<10112x128xf32, #tpu.memory_space<vmem_shared>> -> memref<24x128xf32, #tpu.memory_space<vmem_shared>>
        %dma_wait3A_243 = arith.constant 0 : i32
        %dma_wait3A_244 = tpu.memref_slice %arg18[%add3A_236, %dma_wait3A_243] : memref<10112x128xf32, #tpu.memory_space<vmem_shared>> -> memref<24x128xf32, #tpu.memory_space<vmem_shared>>
        tpu.wait_dma2 semaphore(%run_scoped3A : memref<!tpu.dma_semaphore, #tpu.memory_space<semaphore_mem>>) src(%arg17 : memref<24x128xf32, #tpu.memory_space<vmem>>) dst(%dma_wait3A_244 : memref<24x128xf32, #tpu.memory_space<vmem_shared>>)
        tpu.yield
      }) : () -> ()
    }
    %scan3A_14 = arith.constant 26 : i32
    %add3A_15 = arith.constant 624 : i32
    %add3A_16 = arith.addi %mul3A_2, %add3A_15 : i32
    "tpu.region"() ({
      %run_scoped3A = tpu.sem_alloc : memref<!tpu.dma_semaphore, #tpu.memory_space<semaphore_mem>>
      %dma_start3A_231 = arith.constant 0 : i32
      %dma_start3A_232 = arith.constant 0 : i32
      %dma_start3A_233 = tpu.memref_slice %arg17[%dma_start3A_231, %dma_start3A_232] : memref<24x128xf32, #tpu.memory_space<vmem>> -> memref<8x128xf32, #tpu.memory_space<vmem>>
      %dma_start3A_234 = arith.constant 0 : i32
      %dma_start3A_235 = tpu.memref_slice %arg18[%add3A_16, %dma_start3A_234] : memref<10112x128xf32, #tpu.memory_space<vmem_shared>> -> memref<8x128xf32, #tpu.memory_space<vmem_shared>>
      %dma_start3A_236 = arith.constant 0 : i32
      %dma_start3A_237 = tpu.memref_slice %arg18[%add3A_16, %dma_start3A_236] : memref<10112x128xf32, #tpu.memory_space<vmem_shared>> -> memref<8x128xf32, #tpu.memory_space<vmem_shared>>
      %dma_start3A_238 = arith.constant 0 : i32
      %dma_start3A_239 = arith.constant 0 : i32
      %dma_start3A_240 = tpu.memref_slice %arg17[%dma_start3A_238, %dma_start3A_239] : memref<24x128xf32, #tpu.memory_space<vmem>> -> memref<8x128xf32, #tpu.memory_space<vmem>>
      tpu.enqueue_dma source(%dma_start3A_240 : memref<8x128xf32, #tpu.memory_space<vmem>>) target(%dma_start3A_237 : memref<8x128xf32, #tpu.memory_space<vmem_shared>>) target_semaphore(%run_scoped3A : memref<!tpu.dma_semaphore, #tpu.memory_space<semaphore_mem>>)
      %dma_wait3A_241 = arith.constant 0 : i32
      %dma_wait3A_242 = arith.constant 0 : i32
      %dma_wait3A_243 = tpu.memref_slice %arg17[%dma_wait3A_241, %dma_wait3A_242] : memref<24x128xf32, #tpu.memory_space<vmem>> -> memref<8x128xf32, #tpu.memory_space<vmem>>
      %dma_wait3A_244 = arith.constant 0 : i32
      %dma_wait3A_245 = tpu.memref_slice %arg18[%add3A_16, %dma_wait3A_244] : memref<10112x128xf32, #tpu.memory_space<vmem_shared>> -> memref<8x128xf32, #tpu.memory_space<vmem_shared>>
      %dma_wait3A_246 = arith.constant 0 : i32
      %dma_wait3A_247 = tpu.memref_slice %arg18[%add3A_16, %dma_wait3A_246] : memref<10112x128xf32, #tpu.memory_space<vmem_shared>> -> memref<8x128xf32, #tpu.memory_space<vmem_shared>>
      %dma_wait3A_248 = arith.constant 0 : i32
      %dma_wait3A_249 = arith.constant 0 : i32
      %dma_wait3A_250 = tpu.memref_slice %arg17[%dma_wait3A_248, %dma_wait3A_249] : memref<24x128xf32, #tpu.memory_space<vmem>> -> memref<8x128xf32, #tpu.memory_space<vmem>>
      tpu.wait_dma2 semaphore(%run_scoped3A : memref<!tpu.dma_semaphore, #tpu.memory_space<semaphore_mem>>) src(%dma_wait3A_250 : memref<8x128xf32, #tpu.memory_space<vmem>>) dst(%dma_wait3A_247 : memref<8x128xf32, #tpu.memory_space<vmem_shared>>)
      tpu.yield
    }) : () -> ()
    %add3A_17 = arith.constant 0 : i32
    %add3A_18 = arith.addi %mul3A_4, %add3A_17 : i32
    %dma_start3A = tpu.memref_slice %arg3[%add3A_18] : memref<320000xi32, #tpu.memory_space<hbm>> -> memref<40xi32, #tpu.memory_space<hbm>>
    %dma_start3A_19 = tpu.memref_slice %arg3[%add3A_18] : memref<320000xi32, #tpu.memory_space<hbm>> -> memref<40xi32, #tpu.memory_space<hbm>>
    tpu.enqueue_dma source(%dma_start3A_19 : memref<40xi32, #tpu.memory_space<hbm>>) target(%arg6 : memref<40xi32, #tpu.memory_space<vmem>>) target_semaphore(%arg19 : memref<!tpu.dma_semaphore, #tpu.memory_space<semaphore_mem>>)
    %dma_start3A_20 = tpu.memref_slice %arg4[%add3A_18] : memref<320000xi32, #tpu.memory_space<hbm>> -> memref<40xi32, #tpu.memory_space<hbm>>
    %dma_start3A_21 = tpu.memref_slice %arg4[%add3A_18] : memref<320000xi32, #tpu.memory_space<hbm>> -> memref<40xi32, #tpu.memory_space<hbm>>
    tpu.enqueue_dma source(%dma_start3A_21 : memref<40xi32, #tpu.memory_space<hbm>>) target(%arg11 : memref<40xi32, #tpu.memory_space<vmem>>) target_semaphore(%arg19 : memref<!tpu.dma_semaphore, #tpu.memory_space<semaphore_mem>>)
    %dma_wait3A = tpu.memref_slice %arg3[%add3A_18] : memref<320000xi32, #tpu.memory_space<hbm>> -> memref<40xi32, #tpu.memory_space<hbm>>
    %dma_wait3A_22 = tpu.memref_slice %arg3[%add3A_18] : memref<320000xi32, #tpu.memory_space<hbm>> -> memref<40xi32, #tpu.memory_space<hbm>>
    tpu.wait_dma2 semaphore(%arg19 : memref<!tpu.dma_semaphore, #tpu.memory_space<semaphore_mem>>) src(%dma_wait3A_22 : memref<40xi32, #tpu.memory_space<hbm>>) dst(%arg6 : memref<40xi32, #tpu.memory_space<vmem>>)
    %dma_wait3A_23 = tpu.memref_slice %arg4[%add3A_18] : memref<320000xi32, #tpu.memory_space<hbm>> -> memref<40xi32, #tpu.memory_space<hbm>>
    %dma_wait3A_24 = tpu.memref_slice %arg4[%add3A_18] : memref<320000xi32, #tpu.memory_space<hbm>> -> memref<40xi32, #tpu.memory_space<hbm>>
    tpu.wait_dma2 semaphore(%arg19 : memref<!tpu.dma_semaphore, #tpu.memory_space<semaphore_mem>>) src(%dma_wait3A_24 : memref<40xi32, #tpu.memory_space<hbm>>) dst(%arg11 : memref<40xi32, #tpu.memory_space<vmem>>)
    %dma_start3A_25 = arith.constant 0 : i32
    %dma_start3A_26 = arith.constant 0 : i32
    %dma_start3A_27 = arith.constant 0 : i32
    %dma_start3A_28 = tpu.memref_slice %arg16[%dma_start3A_25, %dma_start3A_26, %dma_start3A_27] : memref<5x40x128xf32, #tpu.memory_space<vmem>> -> memref<1x40x128xf32, #tpu.memory_space<vmem>>
    %dma_start3A_29 = tpu.memref_squeeze %dma_start3A_28 : memref<1x40x128xf32, #tpu.memory_space<vmem>> -> memref<40x128xf32, #tpu.memory_space<vmem>>
    %dma_start3A_30 = arith.constant 0 : i32
    %dma_start3A_31 = arith.constant 0 : i32
    %dma_start3A_32 = tpu.memref_slice %arg2[%dma_start3A_30, %dma_start3A_31] : memref<10000x128xf32, #tpu.memory_space<hbm>> -> memref<10000x128xf32, #tpu.memory_space<hbm>>
    tpu.enqueue_indirect_dma source(%dma_start3A_32 : memref<10000x128xf32, #tpu.memory_space<hbm>>) target(%dma_start3A_29 : memref<40x128xf32, #tpu.memory_space<vmem>>) offsets(%arg6 : memref<40xi32, #tpu.memory_space<vmem>>) semaphore(%arg24 : memref<!tpu.dma_semaphore, #tpu.memory_space<semaphore_mem>>)
    %add3A_33 = arith.constant 40 : i32
    %add3A_34 = arith.addi %mul3A_4, %add3A_33 : i32
    %dma_start3A_35 = tpu.memref_slice %arg3[%add3A_34] : memref<320000xi32, #tpu.memory_space<hbm>> -> memref<40xi32, #tpu.memory_space<hbm>>
    %dma_start3A_36 = tpu.memref_slice %arg3[%add3A_34] : memref<320000xi32, #tpu.memory_space<hbm>> -> memref<40xi32, #tpu.memory_space<hbm>>
    tpu.enqueue_dma source(%dma_start3A_36 : memref<40xi32, #tpu.memory_space<hbm>>) target(%arg7 : memref<40xi32, #tpu.memory_space<vmem>>) target_semaphore(%arg20 : memref<!tpu.dma_semaphore, #tpu.memory_space<semaphore_mem>>)
    %dma_start3A_37 = tpu.memref_slice %arg4[%add3A_34] : memref<320000xi32, #tpu.memory_space<hbm>> -> memref<40xi32, #tpu.memory_space<hbm>>
    %dma_start3A_38 = tpu.memref_slice %arg4[%add3A_34] : memref<320000xi32, #tpu.memory_space<hbm>> -> memref<40xi32, #tpu.memory_space<hbm>>
    tpu.enqueue_dma source(%dma_start3A_38 : memref<40xi32, #tpu.memory_space<hbm>>) target(%arg12 : memref<40xi32, #tpu.memory_space<vmem>>) target_semaphore(%arg20 : memref<!tpu.dma_semaphore, #tpu.memory_space<semaphore_mem>>)
    %dma_wait3A_39 = tpu.memref_slice %arg3[%add3A_34] : memref<320000xi32, #tpu.memory_space<hbm>> -> memref<40xi32, #tpu.memory_space<hbm>>
    %dma_wait3A_40 = tpu.memref_slice %arg3[%add3A_34] : memref<320000xi32, #tpu.memory_space<hbm>> -> memref<40xi32, #tpu.memory_space<hbm>>
    tpu.wait_dma2 semaphore(%arg20 : memref<!tpu.dma_semaphore, #tpu.memory_space<semaphore_mem>>) src(%dma_wait3A_40 : memref<40xi32, #tpu.memory_space<hbm>>) dst(%arg7 : memref<40xi32, #tpu.memory_space<vmem>>)
    %dma_wait3A_41 = tpu.memref_slice %arg4[%add3A_34] : memref<320000xi32, #tpu.memory_space<hbm>> -> memref<40xi32, #tpu.memory_space<hbm>>
    %dma_wait3A_42 = tpu.memref_slice %arg4[%add3A_34] : memref<320000xi32, #tpu.memory_space<hbm>> -> memref<40xi32, #tpu.memory_space<hbm>>
    tpu.wait_dma2 semaphore(%arg20 : memref<!tpu.dma_semaphore, #tpu.memory_space<semaphore_mem>>) src(%dma_wait3A_42 : memref<40xi32, #tpu.memory_space<hbm>>) dst(%arg12 : memref<40xi32, #tpu.memory_space<vmem>>)
    %dma_start3A_43 = arith.constant 1 : i32
    %dma_start3A_44 = arith.constant 0 : i32
    %dma_start3A_45 = arith.constant 0 : i32
    %dma_start3A_46 = tpu.memref_slice %arg16[%dma_start3A_43, %dma_start3A_44, %dma_start3A_45] : memref<5x40x128xf32, #tpu.memory_space<vmem>> -> memref<1x40x128xf32, #tpu.memory_space<vmem>>
    %dma_start3A_47 = tpu.memref_squeeze %dma_start3A_46 : memref<1x40x128xf32, #tpu.memory_space<vmem>> -> memref<40x128xf32, #tpu.memory_space<vmem>>
    %dma_start3A_48 = arith.constant 0 : i32
    %dma_start3A_49 = arith.constant 0 : i32
    %dma_start3A_50 = tpu.memref_slice %arg2[%dma_start3A_48, %dma_start3A_49] : memref<10000x128xf32, #tpu.memory_space<hbm>> -> memref<10000x128xf32, #tpu.memory_space<hbm>>
    tpu.enqueue_indirect_dma source(%dma_start3A_50 : memref<10000x128xf32, #tpu.memory_space<hbm>>) target(%dma_start3A_47 : memref<40x128xf32, #tpu.memory_space<vmem>>) offsets(%arg7 : memref<40xi32, #tpu.memory_space<vmem>>) semaphore(%arg25 : memref<!tpu.dma_semaphore, #tpu.memory_space<semaphore_mem>>)
    %add3A_51 = arith.constant 80 : i32
    %add3A_52 = arith.addi %mul3A_4, %add3A_51 : i32
    %dma_start3A_53 = tpu.memref_slice %arg3[%add3A_52] : memref<320000xi32, #tpu.memory_space<hbm>> -> memref<40xi32, #tpu.memory_space<hbm>>
    %dma_start3A_54 = tpu.memref_slice %arg3[%add3A_52] : memref<320000xi32, #tpu.memory_space<hbm>> -> memref<40xi32, #tpu.memory_space<hbm>>
    tpu.enqueue_dma source(%dma_start3A_54 : memref<40xi32, #tpu.memory_space<hbm>>) target(%arg8 : memref<40xi32, #tpu.memory_space<vmem>>) target_semaphore(%arg21 : memref<!tpu.dma_semaphore, #tpu.memory_space<semaphore_mem>>)
    %dma_start3A_55 = tpu.memref_slice %arg4[%add3A_52] : memref<320000xi32, #tpu.memory_space<hbm>> -> memref<40xi32, #tpu.memory_space<hbm>>
    %dma_start3A_56 = tpu.memref_slice %arg4[%add3A_52] : memref<320000xi32, #tpu.memory_space<hbm>> -> memref<40xi32, #tpu.memory_space<hbm>>
    tpu.enqueue_dma source(%dma_start3A_56 : memref<40xi32, #tpu.memory_space<hbm>>) target(%arg13 : memref<40xi32, #tpu.memory_space<vmem>>) target_semaphore(%arg21 : memref<!tpu.dma_semaphore, #tpu.memory_space<semaphore_mem>>)
    %dma_wait3A_57 = tpu.memref_slice %arg3[%add3A_52] : memref<320000xi32, #tpu.memory_space<hbm>> -> memref<40xi32, #tpu.memory_space<hbm>>
    %dma_wait3A_58 = tpu.memref_slice %arg3[%add3A_52] : memref<320000xi32, #tpu.memory_space<hbm>> -> memref<40xi32, #tpu.memory_space<hbm>>
    tpu.wait_dma2 semaphore(%arg21 : memref<!tpu.dma_semaphore, #tpu.memory_space<semaphore_mem>>) src(%dma_wait3A_58 : memref<40xi32, #tpu.memory_space<hbm>>) dst(%arg8 : memref<40xi32, #tpu.memory_space<vmem>>)
    %dma_wait3A_59 = tpu.memref_slice %arg4[%add3A_52] : memref<320000xi32, #tpu.memory_space<hbm>> -> memref<40xi32, #tpu.memory_space<hbm>>
    %dma_wait3A_60 = tpu.memref_slice %arg4[%add3A_52] : memref<320000xi32, #tpu.memory_space<hbm>> -> memref<40xi32, #tpu.memory_space<hbm>>
    tpu.wait_dma2 semaphore(%arg21 : memref<!tpu.dma_semaphore, #tpu.memory_space<semaphore_mem>>) src(%dma_wait3A_60 : memref<40xi32, #tpu.memory_space<hbm>>) dst(%arg13 : memref<40xi32, #tpu.memory_space<vmem>>)
    %dma_start3A_61 = arith.constant 2 : i32
    %dma_start3A_62 = arith.constant 0 : i32
    %dma_start3A_63 = arith.constant 0 : i32
    %dma_start3A_64 = tpu.memref_slice %arg16[%dma_start3A_61, %dma_start3A_62, %dma_start3A_63] : memref<5x40x128xf32, #tpu.memory_space<vmem>> -> memref<1x40x128xf32, #tpu.memory_space<vmem>>
    %dma_start3A_65 = tpu.memref_squeeze %dma_start3A_64 : memref<1x40x128xf32, #tpu.memory_space<vmem>> -> memref<40x128xf32, #tpu.memory_space<vmem>>
    %dma_start3A_66 = arith.constant 0 : i32
    %dma_start3A_67 = arith.constant 0 : i32
    %dma_start3A_68 = tpu.memref_slice %arg2[%dma_start3A_66, %dma_start3A_67] : memref<10000x128xf32, #tpu.memory_space<hbm>> -> memref<10000x128xf32, #tpu.memory_space<hbm>>
    tpu.enqueue_indirect_dma source(%dma_start3A_68 : memref<10000x128xf32, #tpu.memory_space<hbm>>) target(%dma_start3A_65 : memref<40x128xf32, #tpu.memory_space<vmem>>) offsets(%arg8 : memref<40xi32, #tpu.memory_space<vmem>>) semaphore(%arg26 : memref<!tpu.dma_semaphore, #tpu.memory_space<semaphore_mem>>)
    %add3A_69 = arith.constant 120 : i32
    %add3A_70 = arith.addi %mul3A_4, %add3A_69 : i32
    %dma_start3A_71 = tpu.memref_slice %arg3[%add3A_70] : memref<320000xi32, #tpu.memory_space<hbm>> -> memref<40xi32, #tpu.memory_space<hbm>>
    %dma_start3A_72 = tpu.memref_slice %arg3[%add3A_70] : memref<320000xi32, #tpu.memory_space<hbm>> -> memref<40xi32, #tpu.memory_space<hbm>>
    tpu.enqueue_dma source(%dma_start3A_72 : memref<40xi32, #tpu.memory_space<hbm>>) target(%arg9 : memref<40xi32, #tpu.memory_space<vmem>>) target_semaphore(%arg22 : memref<!tpu.dma_semaphore, #tpu.memory_space<semaphore_mem>>)
    %dma_start3A_73 = tpu.memref_slice %arg4[%add3A_70] : memref<320000xi32, #tpu.memory_space<hbm>> -> memref<40xi32, #tpu.memory_space<hbm>>
    %dma_start3A_74 = tpu.memref_slice %arg4[%add3A_70] : memref<320000xi32, #tpu.memory_space<hbm>> -> memref<40xi32, #tpu.memory_space<hbm>>
    tpu.enqueue_dma source(%dma_start3A_74 : memref<40xi32, #tpu.memory_space<hbm>>) target(%arg14 : memref<40xi32, #tpu.memory_space<vmem>>) target_semaphore(%arg22 : memref<!tpu.dma_semaphore, #tpu.memory_space<semaphore_mem>>)
    %dma_wait3A_75 = tpu.memref_slice %arg3[%add3A_70] : memref<320000xi32, #tpu.memory_space<hbm>> -> memref<40xi32, #tpu.memory_space<hbm>>
    %dma_wait3A_76 = tpu.memref_slice %arg3[%add3A_70] : memref<320000xi32, #tpu.memory_space<hbm>> -> memref<40xi32, #tpu.memory_space<hbm>>
    tpu.wait_dma2 semaphore(%arg22 : memref<!tpu.dma_semaphore, #tpu.memory_space<semaphore_mem>>) src(%dma_wait3A_76 : memref<40xi32, #tpu.memory_space<hbm>>) dst(%arg9 : memref<40xi32, #tpu.memory_space<vmem>>)
    %dma_wait3A_77 = tpu.memref_slice %arg4[%add3A_70] : memref<320000xi32, #tpu.memory_space<hbm>> -> memref<40xi32, #tpu.memory_space<hbm>>
    %dma_wait3A_78 = tpu.memref_slice %arg4[%add3A_70] : memref<320000xi32, #tpu.memory_space<hbm>> -> memref<40xi32, #tpu.memory_space<hbm>>
    tpu.wait_dma2 semaphore(%arg22 : memref<!tpu.dma_semaphore, #tpu.memory_space<semaphore_mem>>) src(%dma_wait3A_78 : memref<40xi32, #tpu.memory_space<hbm>>) dst(%arg14 : memref<40xi32, #tpu.memory_space<vmem>>)
    %dma_start3A_79 = arith.constant 3 : i32
    %dma_start3A_80 = arith.constant 0 : i32
    %dma_start3A_81 = arith.constant 0 : i32
    %dma_start3A_82 = tpu.memref_slice %arg16[%dma_start3A_79, %dma_start3A_80, %dma_start3A_81] : memref<5x40x128xf32, #tpu.memory_space<vmem>> -> memref<1x40x128xf32, #tpu.memory_space<vmem>>
    %dma_start3A_83 = tpu.memref_squeeze %dma_start3A_82 : memref<1x40x128xf32, #tpu.memory_space<vmem>> -> memref<40x128xf32, #tpu.memory_space<vmem>>
    %dma_start3A_84 = arith.constant 0 : i32
    %dma_start3A_85 = arith.constant 0 : i32
    %dma_start3A_86 = tpu.memref_slice %arg2[%dma_start3A_84, %dma_start3A_85] : memref<10000x128xf32, #tpu.memory_space<hbm>> -> memref<10000x128xf32, #tpu.memory_space<hbm>>
    tpu.enqueue_indirect_dma source(%dma_start3A_86 : memref<10000x128xf32, #tpu.memory_space<hbm>>) target(%dma_start3A_83 : memref<40x128xf32, #tpu.memory_space<vmem>>) offsets(%arg9 : memref<40xi32, #tpu.memory_space<vmem>>) semaphore(%arg27 : memref<!tpu.dma_semaphore, #tpu.memory_space<semaphore_mem>>)
    %add3A_87 = arith.constant 160 : i32
    %add3A_88 = arith.addi %mul3A_4, %add3A_87 : i32
    %dma_start3A_89 = tpu.memref_slice %arg3[%add3A_88] : memref<320000xi32, #tpu.memory_space<hbm>> -> memref<40xi32, #tpu.memory_space<hbm>>
    %dma_start3A_90 = tpu.memref_slice %arg3[%add3A_88] : memref<320000xi32, #tpu.memory_space<hbm>> -> memref<40xi32, #tpu.memory_space<hbm>>
    tpu.enqueue_dma source(%dma_start3A_90 : memref<40xi32, #tpu.memory_space<hbm>>) target(%arg10 : memref<40xi32, #tpu.memory_space<vmem>>) target_semaphore(%arg23 : memref<!tpu.dma_semaphore, #tpu.memory_space<semaphore_mem>>)
    %dma_start3A_91 = tpu.memref_slice %arg4[%add3A_88] : memref<320000xi32, #tpu.memory_space<hbm>> -> memref<40xi32, #tpu.memory_space<hbm>>
    %dma_start3A_92 = tpu.memref_slice %arg4[%add3A_88] : memref<320000xi32, #tpu.memory_space<hbm>> -> memref<40xi32, #tpu.memory_space<hbm>>
    tpu.enqueue_dma source(%dma_start3A_92 : memref<40xi32, #tpu.memory_space<hbm>>) target(%arg15 : memref<40xi32, #tpu.memory_space<vmem>>) target_semaphore(%arg23 : memref<!tpu.dma_semaphore, #tpu.memory_space<semaphore_mem>>)
    %dma_wait3A_93 = tpu.memref_slice %arg3[%add3A_88] : memref<320000xi32, #tpu.memory_space<hbm>> -> memref<40xi32, #tpu.memory_space<hbm>>
    %dma_wait3A_94 = tpu.memref_slice %arg3[%add3A_88] : memref<320000xi32, #tpu.memory_space<hbm>> -> memref<40xi32, #tpu.memory_space<hbm>>
    tpu.wait_dma2 semaphore(%arg23 : memref<!tpu.dma_semaphore, #tpu.memory_space<semaphore_mem>>) src(%dma_wait3A_94 : memref<40xi32, #tpu.memory_space<hbm>>) dst(%arg10 : memref<40xi32, #tpu.memory_space<vmem>>)
    %dma_wait3A_95 = tpu.memref_slice %arg4[%add3A_88] : memref<320000xi32, #tpu.memory_space<hbm>> -> memref<40xi32, #tpu.memory_space<hbm>>
    %dma_wait3A_96 = tpu.memref_slice %arg4[%add3A_88] : memref<320000xi32, #tpu.memory_space<hbm>> -> memref<40xi32, #tpu.memory_space<hbm>>
    tpu.wait_dma2 semaphore(%arg23 : memref<!tpu.dma_semaphore, #tpu.memory_space<semaphore_mem>>) src(%dma_wait3A_96 : memref<40xi32, #tpu.memory_space<hbm>>) dst(%arg15 : memref<40xi32, #tpu.memory_space<vmem>>)
    %dma_start3A_97 = arith.constant 4 : i32
    %dma_start3A_98 = arith.constant 0 : i32
    %dma_start3A_99 = arith.constant 0 : i32
    %dma_start3A_100 = tpu.memref_slice %arg16[%dma_start3A_97, %dma_start3A_98, %dma_start3A_99] : memref<5x40x128xf32, #tpu.memory_space<vmem>> -> memref<1x40x128xf32, #tpu.memory_space<vmem>>
    %dma_start3A_101 = tpu.memref_squeeze %dma_start3A_100 : memref<1x40x128xf32, #tpu.memory_space<vmem>> -> memref<40x128xf32, #tpu.memory_space<vmem>>
    %dma_start3A_102 = arith.constant 0 : i32
    %dma_start3A_103 = arith.constant 0 : i32
    %dma_start3A_104 = tpu.memref_slice %arg2[%dma_start3A_102, %dma_start3A_103] : memref<10000x128xf32, #tpu.memory_space<hbm>> -> memref<10000x128xf32, #tpu.memory_space<hbm>>
    tpu.enqueue_indirect_dma source(%dma_start3A_104 : memref<10000x128xf32, #tpu.memory_space<hbm>>) target(%dma_start3A_101 : memref<40x128xf32, #tpu.memory_space<vmem>>) offsets(%arg10 : memref<40xi32, #tpu.memory_space<vmem>>) semaphore(%arg28 : memref<!tpu.dma_semaphore, #tpu.memory_space<semaphore_mem>>)
    %barrier3A = arith.constant 0 : index
    tpu.barrier barrier_id(%barrier3A)
    %scan3A_105 = arith.constant 0 : i32
    %scan3A_106 = arith.constant 49 : i32
    %scan3A_107 = arith.addi %scan3A_105, %scan3A_106 : i32
    %scan3A_108 = arith.constant 1 : i32
    scf.for %scan3A_231 = %scan3A_105 to %scan3A_107 step %scan3A_108  : i32 {
      %mul3A_232 = arith.constant 1 : i32
      %mul3A_233 = arith.muli %scan3A_231, %mul3A_232 : i32
      %add3A_234 = arith.constant 0 : i32
      %add3A_235 = arith.addi %add3A_234, %mul3A_233 : i32
      %dma_wait3A_236 = arith.constant 0 : i32
      %dma_wait3A_237 = arith.constant 0 : i32
      %dma_wait3A_238 = arith.constant 0 : i32
      %dma_wait3A_239 = tpu.memref_slice %arg16[%dma_wait3A_236, %dma_wait3A_237, %dma_wait3A_238] : memref<5x40x128xf32, #tpu.memory_space<vmem>> -> memref<1x40x128xf32, #tpu.memory_space<vmem>>
      %dma_wait3A_240 = tpu.memref_squeeze %dma_wait3A_239 : memref<1x40x128xf32, #tpu.memory_space<vmem>> -> memref<40x128xf32, #tpu.memory_space<vmem>>
      %dma_wait3A_241 = arith.constant 0 : i32
      %dma_wait3A_242 = arith.constant 0 : i32
      %dma_wait3A_243 = tpu.memref_slice %arg2[%dma_wait3A_241, %dma_wait3A_242] : memref<10000x128xf32, #tpu.memory_space<hbm>> -> memref<10000x128xf32, #tpu.memory_space<hbm>>
      tpu.wait_indirect_dma semaphore(%arg24 : memref<!tpu.dma_semaphore, #tpu.memory_space<semaphore_mem>>) src(%dma_wait3A_243 : memref<10000x128xf32, #tpu.memory_space<hbm>>) dst(%dma_wait3A_240 : memref<40x128xf32, #tpu.memory_space<vmem>>)
      %dma_start3A_244 = arith.constant 0 : i32
      %dma_start3A_245 = arith.constant 0 : i32
      %dma_start3A_246 = arith.constant 0 : i32
      %dma_start3A_247 = tpu.memref_slice %arg16[%dma_start3A_244, %dma_start3A_245, %dma_start3A_246] : memref<5x40x128xf32, #tpu.memory_space<vmem>> -> memref<1x40x128xf32, #tpu.memory_space<vmem>>
      %dma_start3A_248 = tpu.memref_squeeze %dma_start3A_247 : memref<1x40x128xf32, #tpu.memory_space<vmem>> -> memref<40x128xf32, #tpu.memory_space<vmem>>
      %dma_start3A_249 = arith.constant 0 : i32
      %dma_start3A_250 = arith.constant 0 : i32
      %dma_start3A_251 = tpu.memref_slice %arg18[%dma_start3A_249, %dma_start3A_250] : memref<10112x128xf32, #tpu.memory_space<vmem_shared>> -> memref<10112x128xf32, #tpu.memory_space<vmem_shared>>
      tpu.enqueue_indirect_dma source(%dma_start3A_248 : memref<40x128xf32, #tpu.memory_space<vmem>>) target(%dma_start3A_251 : memref<10112x128xf32, #tpu.memory_space<vmem_shared>>) offsets(%arg11 : memref<40xi32, #tpu.memory_space<vmem>>) semaphore(%arg29 : memref<!tpu.dma_semaphore, #tpu.memory_space<semaphore_mem>>) {add = true}
      %dma_wait3A_252 = arith.constant 1 : i32
      %dma_wait3A_253 = arith.constant 0 : i32
      %dma_wait3A_254 = arith.constant 0 : i32
      %dma_wait3A_255 = tpu.memref_slice %arg16[%dma_wait3A_252, %dma_wait3A_253, %dma_wait3A_254] : memref<5x40x128xf32, #tpu.memory_space<vmem>> -> memref<1x40x128xf32, #tpu.memory_space<vmem>>
      %dma_wait3A_256 = tpu.memref_squeeze %dma_wait3A_255 : memref<1x40x128xf32, #tpu.memory_space<vmem>> -> memref<40x128xf32, #tpu.memory_space<vmem>>
      %dma_wait3A_257 = arith.constant 0 : i32
      %dma_wait3A_258 = arith.constant 0 : i32
      %dma_wait3A_259 = tpu.memref_slice %arg2[%dma_wait3A_257, %dma_wait3A_258] : memref<10000x128xf32, #tpu.memory_space<hbm>> -> memref<10000x128xf32, #tpu.memory_space<hbm>>
      tpu.wait_indirect_dma semaphore(%arg25 : memref<!tpu.dma_semaphore, #tpu.memory_space<semaphore_mem>>) src(%dma_wait3A_259 : memref<10000x128xf32, #tpu.memory_space<hbm>>) dst(%dma_wait3A_256 : memref<40x128xf32, #tpu.memory_space<vmem>>)
      %dma_start3A_260 = arith.constant 1 : i32
      %dma_start3A_261 = arith.constant 0 : i32
      %dma_start3A_262 = arith.constant 0 : i32
      %dma_start3A_263 = tpu.memref_slice %arg16[%dma_start3A_260, %dma_start3A_261, %dma_start3A_262] : memref<5x40x128xf32, #tpu.memory_space<vmem>> -> memref<1x40x128xf32, #tpu.memory_space<vmem>>
      %dma_start3A_264 = tpu.memref_squeeze %dma_start3A_263 : memref<1x40x128xf32, #tpu.memory_space<vmem>> -> memref<40x128xf32, #tpu.memory_space<vmem>>
      %dma_start3A_265 = arith.constant 0 : i32
      %dma_start3A_266 = arith.constant 0 : i32
      %dma_start3A_267 = tpu.memref_slice %arg18[%dma_start3A_265, %dma_start3A_266] : memref<10112x128xf32, #tpu.memory_space<vmem_shared>> -> memref<10112x128xf32, #tpu.memory_space<vmem_shared>>
      tpu.enqueue_indirect_dma source(%dma_start3A_264 : memref<40x128xf32, #tpu.memory_space<vmem>>) target(%dma_start3A_267 : memref<10112x128xf32, #tpu.memory_space<vmem_shared>>) offsets(%arg12 : memref<40xi32, #tpu.memory_space<vmem>>) semaphore(%arg30 : memref<!tpu.dma_semaphore, #tpu.memory_space<semaphore_mem>>) {add = true}
      %dma_wait3A_268 = arith.constant 2 : i32
      %dma_wait3A_269 = arith.constant 0 : i32
      %dma_wait3A_270 = arith.constant 0 : i32
      %dma_wait3A_271 = tpu.memref_slice %arg16[%dma_wait3A_268, %dma_wait3A_269, %dma_wait3A_270] : memref<5x40x128xf32, #tpu.memory_space<vmem>> -> memref<1x40x128xf32, #tpu.memory_space<vmem>>
      %dma_wait3A_272 = tpu.memref_squeeze %dma_wait3A_271 : memref<1x40x128xf32, #tpu.memory_space<vmem>> -> memref<40x128xf32, #tpu.memory_space<vmem>>
      %dma_wait3A_273 = arith.constant 0 : i32
      %dma_wait3A_274 = arith.constant 0 : i32
      %dma_wait3A_275 = tpu.memref_slice %arg2[%dma_wait3A_273, %dma_wait3A_274] : memref<10000x128xf32, #tpu.memory_space<hbm>> -> memref<10000x128xf32, #tpu.memory_space<hbm>>
      tpu.wait_indirect_dma semaphore(%arg26 : memref<!tpu.dma_semaphore, #tpu.memory_space<semaphore_mem>>) src(%dma_wait3A_275 : memref<10000x128xf32, #tpu.memory_space<hbm>>) dst(%dma_wait3A_272 : memref<40x128xf32, #tpu.memory_space<vmem>>)
      %dma_start3A_276 = arith.constant 2 : i32
      %dma_start3A_277 = arith.constant 0 : i32
      %dma_start3A_278 = arith.constant 0 : i32
      %dma_start3A_279 = tpu.memref_slice %arg16[%dma_start3A_276, %dma_start3A_277, %dma_start3A_278] : memref<5x40x128xf32, #tpu.memory_space<vmem>> -> memref<1x40x128xf32, #tpu.memory_space<vmem>>
      %dma_start3A_280 = tpu.memref_squeeze %dma_start3A_279 : memref<1x40x128xf32, #tpu.memory_space<vmem>> -> memref<40x128xf32, #tpu.memory_space<vmem>>
      %dma_start3A_281 = arith.constant 0 : i32
      %dma_start3A_282 = arith.constant 0 : i32
      %dma_start3A_283 = tpu.memref_slice %arg18[%dma_start3A_281, %dma_start3A_282] : memref<10112x128xf32, #tpu.memory_space<vmem_shared>> -> memref<10112x128xf32, #tpu.memory_space<vmem_shared>>
      tpu.enqueue_indirect_dma source(%dma_start3A_280 : memref<40x128xf32, #tpu.memory_space<vmem>>) target(%dma_start3A_283 : memref<10112x128xf32, #tpu.memory_space<vmem_shared>>) offsets(%arg13 : memref<40xi32, #tpu.memory_space<vmem>>) semaphore(%arg31 : memref<!tpu.dma_semaphore, #tpu.memory_space<semaphore_mem>>) {add = true}
      %dma_wait3A_284 = arith.constant 3 : i32
      %dma_wait3A_285 = arith.constant 0 : i32
      %dma_wait3A_286 = arith.constant 0 : i32
      %dma_wait3A_287 = tpu.memref_slice %arg16[%dma_wait3A_284, %dma_wait3A_285, %dma_wait3A_286] : memref<5x40x128xf32, #tpu.memory_space<vmem>> -> memref<1x40x128xf32, #tpu.memory_space<vmem>>
      %dma_wait3A_288 = tpu.memref_squeeze %dma_wait3A_287 : memref<1x40x128xf32, #tpu.memory_space<vmem>> -> memref<40x128xf32, #tpu.memory_space<vmem>>
      %dma_wait3A_289 = arith.constant 0 : i32
      %dma_wait3A_290 = arith.constant 0 : i32
      %dma_wait3A_291 = tpu.memref_slice %arg2[%dma_wait3A_289, %dma_wait3A_290] : memref<10000x128xf32, #tpu.memory_space<hbm>> -> memref<10000x128xf32, #tpu.memory_space<hbm>>
      tpu.wait_indirect_dma semaphore(%arg27 : memref<!tpu.dma_semaphore, #tpu.memory_space<semaphore_mem>>) src(%dma_wait3A_291 : memref<10000x128xf32, #tpu.memory_space<hbm>>) dst(%dma_wait3A_288 : memref<40x128xf32, #tpu.memory_space<vmem>>)
      %dma_start3A_292 = arith.constant 3 : i32
      %dma_start3A_293 = arith.constant 0 : i32
      %dma_start3A_294 = arith.constant 0 : i32
      %dma_start3A_295 = tpu.memref_slice %arg16[%dma_start3A_292, %dma_start3A_293, %dma_start3A_294] : memref<5x40x128xf32, #tpu.memory_space<vmem>> -> memref<1x40x128xf32, #tpu.memory_space<vmem>>
      %dma_start3A_296 = tpu.memref_squeeze %dma_start3A_295 : memref<1x40x128xf32, #tpu.memory_space<vmem>> -> memref<40x128xf32, #tpu.memory_space<vmem>>
      %dma_start3A_297 = arith.constant 0 : i32
      %dma_start3A_298 = arith.constant 0 : i32
      %dma_start3A_299 = tpu.memref_slice %arg18[%dma_start3A_297, %dma_start3A_298] : memref<10112x128xf32, #tpu.memory_space<vmem_shared>> -> memref<10112x128xf32, #tpu.memory_space<vmem_shared>>
      tpu.enqueue_indirect_dma source(%dma_start3A_296 : memref<40x128xf32, #tpu.memory_space<vmem>>) target(%dma_start3A_299 : memref<10112x128xf32, #tpu.memory_space<vmem_shared>>) offsets(%arg14 : memref<40xi32, #tpu.memory_space<vmem>>) semaphore(%arg32 : memref<!tpu.dma_semaphore, #tpu.memory_space<semaphore_mem>>) {add = true}
      %dma_wait3A_300 = arith.constant 4 : i32
      %dma_wait3A_301 = arith.constant 0 : i32
      %dma_wait3A_302 = arith.constant 0 : i32
      %dma_wait3A_303 = tpu.memref_slice %arg16[%dma_wait3A_300, %dma_wait3A_301, %dma_wait3A_302] : memref<5x40x128xf32, #tpu.memory_space<vmem>> -> memref<1x40x128xf32, #tpu.memory_space<vmem>>
      %dma_wait3A_304 = tpu.memref_squeeze %dma_wait3A_303 : memref<1x40x128xf32, #tpu.memory_space<vmem>> -> memref<40x128xf32, #tpu.memory_space<vmem>>
      %dma_wait3A_305 = arith.constant 0 : i32
      %dma_wait3A_306 = arith.constant 0 : i32
      %dma_wait3A_307 = tpu.memref_slice %arg2[%dma_wait3A_305, %dma_wait3A_306] : memref<10000x128xf32, #tpu.memory_space<hbm>> -> memref<10000x128xf32, #tpu.memory_space<hbm>>
      tpu.wait_indirect_dma semaphore(%arg28 : memref<!tpu.dma_semaphore, #tpu.memory_space<semaphore_mem>>) src(%dma_wait3A_307 : memref<10000x128xf32, #tpu.memory_space<hbm>>) dst(%dma_wait3A_304 : memref<40x128xf32, #tpu.memory_space<vmem>>)
      %dma_start3A_308 = arith.constant 4 : i32
      %dma_start3A_309 = arith.constant 0 : i32
      %dma_start3A_310 = arith.constant 0 : i32
      %dma_start3A_311 = tpu.memref_slice %arg16[%dma_start3A_308, %dma_start3A_309, %dma_start3A_310] : memref<5x40x128xf32, #tpu.memory_space<vmem>> -> memref<1x40x128xf32, #tpu.memory_space<vmem>>
      %dma_start3A_312 = tpu.memref_squeeze %dma_start3A_311 : memref<1x40x128xf32, #tpu.memory_space<vmem>> -> memref<40x128xf32, #tpu.memory_space<vmem>>
      %dma_start3A_313 = arith.constant 0 : i32
      %dma_start3A_314 = arith.constant 0 : i32
      %dma_start3A_315 = tpu.memref_slice %arg18[%dma_start3A_313, %dma_start3A_314] : memref<10112x128xf32, #tpu.memory_space<vmem_shared>> -> memref<10112x128xf32, #tpu.memory_space<vmem_shared>>
      tpu.enqueue_indirect_dma source(%dma_start3A_312 : memref<40x128xf32, #tpu.memory_space<vmem>>) target(%dma_start3A_315 : memref<10112x128xf32, #tpu.memory_space<vmem_shared>>) offsets(%arg15 : memref<40xi32, #tpu.memory_space<vmem>>) semaphore(%arg33 : memref<!tpu.dma_semaphore, #tpu.memory_space<semaphore_mem>>) {add = true}
      %dma_wait3A_316 = arith.constant 0 : i32
      %dma_wait3A_317 = arith.constant 0 : i32
      %dma_wait3A_318 = arith.constant 0 : i32
      %dma_wait3A_319 = tpu.memref_slice %arg16[%dma_wait3A_316, %dma_wait3A_317, %dma_wait3A_318] : memref<5x40x128xf32, #tpu.memory_space<vmem>> -> memref<1x40x128xf32, #tpu.memory_space<vmem>>
      %dma_wait3A_320 = tpu.memref_squeeze %dma_wait3A_319 : memref<1x40x128xf32, #tpu.memory_space<vmem>> -> memref<40x128xf32, #tpu.memory_space<vmem>>
      %dma_wait3A_321 = arith.constant 0 : i32
      %dma_wait3A_322 = arith.constant 0 : i32
      %dma_wait3A_323 = tpu.memref_slice %arg18[%dma_wait3A_321, %dma_wait3A_322] : memref<10112x128xf32, #tpu.memory_space<vmem_shared>> -> memref<10112x128xf32, #tpu.memory_space<vmem_shared>>
      tpu.wait_indirect_dma semaphore(%arg29 : memref<!tpu.dma_semaphore, #tpu.memory_space<semaphore_mem>>) src(%dma_wait3A_320 : memref<40x128xf32, #tpu.memory_space<vmem>>) dst(%dma_wait3A_323 : memref<10112x128xf32, #tpu.memory_space<vmem_shared>>)
      %add3A_324 = arith.constant 1 : i32
      %add3A_325 = arith.addi %add3A_235, %add3A_324 : i32
      %mul3A_326 = arith.constant 5 : i32
      %mul3A_327 = arith.muli %add3A_325, %mul3A_326 : i32
      %mul3A_328 = arith.constant 40 : i32
      %mul3A_329 = arith.muli %mul3A_327, %mul3A_328 : i32
      %add3A_330 = arith.addi %mul3A_4, %mul3A_329 : i32
      %add3A_331 = arith.constant 0 : i32
      %add3A_332 = arith.addi %add3A_330, %add3A_331 : i32
      %dma_start3A_333 = tpu.memref_slice %arg3[%add3A_332] : memref<320000xi32, #tpu.memory_space<hbm>> -> memref<40xi32, #tpu.memory_space<hbm>>
      %dma_start3A_334 = tpu.memref_slice %arg3[%add3A_332] : memref<320000xi32, #tpu.memory_space<hbm>> -> memref<40xi32, #tpu.memory_space<hbm>>
      tpu.enqueue_dma source(%dma_start3A_334 : memref<40xi32, #tpu.memory_space<hbm>>) target(%arg6 : memref<40xi32, #tpu.memory_space<vmem>>) target_semaphore(%arg19 : memref<!tpu.dma_semaphore, #tpu.memory_space<semaphore_mem>>)
      %dma_start3A_335 = tpu.memref_slice %arg4[%add3A_332] : memref<320000xi32, #tpu.memory_space<hbm>> -> memref<40xi32, #tpu.memory_space<hbm>>
      %dma_start3A_336 = tpu.memref_slice %arg4[%add3A_332] : memref<320000xi32, #tpu.memory_space<hbm>> -> memref<40xi32, #tpu.memory_space<hbm>>
      tpu.enqueue_dma source(%dma_start3A_336 : memref<40xi32, #tpu.memory_space<hbm>>) target(%arg11 : memref<40xi32, #tpu.memory_space<vmem>>) target_semaphore(%arg19 : memref<!tpu.dma_semaphore, #tpu.memory_space<semaphore_mem>>)
      %dma_wait3A_337 = tpu.memref_slice %arg3[%add3A_332] : memref<320000xi32, #tpu.memory_space<hbm>> -> memref<40xi32, #tpu.memory_space<hbm>>
      %dma_wait3A_338 = tpu.memref_slice %arg3[%add3A_332] : memref<320000xi32, #tpu.memory_space<hbm>> -> memref<40xi32, #tpu.memory_space<hbm>>
      tpu.wait_dma2 semaphore(%arg19 : memref<!tpu.dma_semaphore, #tpu.memory_space<semaphore_mem>>) src(%dma_wait3A_338 : memref<40xi32, #tpu.memory_space<hbm>>) dst(%arg6 : memref<40xi32, #tpu.memory_space<vmem>>)
      %dma_wait3A_339 = tpu.memref_slice %arg4[%add3A_332] : memref<320000xi32, #tpu.memory_space<hbm>> -> memref<40xi32, #tpu.memory_space<hbm>>
      %dma_wait3A_340 = tpu.memref_slice %arg4[%add3A_332] : memref<320000xi32, #tpu.memory_space<hbm>> -> memref<40xi32, #tpu.memory_space<hbm>>
      tpu.wait_dma2 semaphore(%arg19 : memref<!tpu.dma_semaphore, #tpu.memory_space<semaphore_mem>>) src(%dma_wait3A_340 : memref<40xi32, #tpu.memory_space<hbm>>) dst(%arg11 : memref<40xi32, #tpu.memory_space<vmem>>)
      %dma_start3A_341 = arith.constant 0 : i32
      %dma_start3A_342 = arith.constant 0 : i32
      %dma_start3A_343 = arith.constant 0 : i32
      %dma_start3A_344 = tpu.memref_slice %arg16[%dma_start3A_341, %dma_start3A_342, %dma_start3A_343] : memref<5x40x128xf32, #tpu.memory_space<vmem>> -> memref<1x40x128xf32, #tpu.memory_space<vmem>>
      %dma_start3A_345 = tpu.memref_squeeze %dma_start3A_344 : memref<1x40x128xf32, #tpu.memory_space<vmem>> -> memref<40x128xf32, #tpu.memory_space<vmem>>
      %dma_start3A_346 = arith.constant 0 : i32
      %dma_start3A_347 = arith.constant 0 : i32
      %dma_start3A_348 = tpu.memref_slice %arg2[%dma_start3A_346, %dma_start3A_347] : memref<10000x128xf32, #tpu.memory_space<hbm>> -> memref<10000x128xf32, #tpu.memory_space<hbm>>
      tpu.enqueue_indirect_dma source(%dma_start3A_348 : memref<10000x128xf32, #tpu.memory_space<hbm>>) target(%dma_start3A_345 : memref<40x128xf32, #tpu.memory_space<vmem>>) offsets(%arg6 : memref<40xi32, #tpu.memory_space<vmem>>) semaphore(%arg24 : memref<!tpu.dma_semaphore, #tpu.memory_space<semaphore_mem>>)
      %dma_wait3A_349 = arith.constant 1 : i32
      %dma_wait3A_350 = arith.constant 0 : i32
      %dma_wait3A_351 = arith.constant 0 : i32
      %dma_wait3A_352 = tpu.memref_slice %arg16[%dma_wait3A_349, %dma_wait3A_350, %dma_wait3A_351] : memref<5x40x128xf32, #tpu.memory_space<vmem>> -> memref<1x40x128xf32, #tpu.memory_space<vmem>>
      %dma_wait3A_353 = tpu.memref_squeeze %dma_wait3A_352 : memref<1x40x128xf32, #tpu.memory_space<vmem>> -> memref<40x128xf32, #tpu.memory_space<vmem>>
      %dma_wait3A_354 = arith.constant 0 : i32
      %dma_wait3A_355 = arith.constant 0 : i32
      %dma_wait3A_356 = tpu.memref_slice %arg18[%dma_wait3A_354, %dma_wait3A_355] : memref<10112x128xf32, #tpu.memory_space<vmem_shared>> -> memref<10112x128xf32, #tpu.memory_space<vmem_shared>>
      tpu.wait_indirect_dma semaphore(%arg30 : memref<!tpu.dma_semaphore, #tpu.memory_space<semaphore_mem>>) src(%dma_wait3A_353 : memref<40x128xf32, #tpu.memory_space<vmem>>) dst(%dma_wait3A_356 : memref<10112x128xf32, #tpu.memory_space<vmem_shared>>)
      %add3A_357 = arith.constant 1 : i32
      %add3A_358 = arith.addi %add3A_235, %add3A_357 : i32
      %mul3A_359 = arith.constant 5 : i32
      %mul3A_360 = arith.muli %add3A_358, %mul3A_359 : i32
      %mul3A_361 = arith.constant 40 : i32
      %mul3A_362 = arith.muli %mul3A_360, %mul3A_361 : i32
      %add3A_363 = arith.addi %mul3A_4, %mul3A_362 : i32
      %add3A_364 = arith.constant 40 : i32
      %add3A_365 = arith.addi %add3A_363, %add3A_364 : i32
      %dma_start3A_366 = tpu.memref_slice %arg3[%add3A_365] : memref<320000xi32, #tpu.memory_space<hbm>> -> memref<40xi32, #tpu.memory_space<hbm>>
      %dma_start3A_367 = tpu.memref_slice %arg3[%add3A_365] : memref<320000xi32, #tpu.memory_space<hbm>> -> memref<40xi32, #tpu.memory_space<hbm>>
      tpu.enqueue_dma source(%dma_start3A_367 : memref<40xi32, #tpu.memory_space<hbm>>) target(%arg7 : memref<40xi32, #tpu.memory_space<vmem>>) target_semaphore(%arg20 : memref<!tpu.dma_semaphore, #tpu.memory_space<semaphore_mem>>)
      %dma_start3A_368 = tpu.memref_slice %arg4[%add3A_365] : memref<320000xi32, #tpu.memory_space<hbm>> -> memref<40xi32, #tpu.memory_space<hbm>>
      %dma_start3A_369 = tpu.memref_slice %arg4[%add3A_365] : memref<320000xi32, #tpu.memory_space<hbm>> -> memref<40xi32, #tpu.memory_space<hbm>>
      tpu.enqueue_dma source(%dma_start3A_369 : memref<40xi32, #tpu.memory_space<hbm>>) target(%arg12 : memref<40xi32, #tpu.memory_space<vmem>>) target_semaphore(%arg20 : memref<!tpu.dma_semaphore, #tpu.memory_space<semaphore_mem>>)
      %dma_wait3A_370 = tpu.memref_slice %arg3[%add3A_365] : memref<320000xi32, #tpu.memory_space<hbm>> -> memref<40xi32, #tpu.memory_space<hbm>>
      %dma_wait3A_371 = tpu.memref_slice %arg3[%add3A_365] : memref<320000xi32, #tpu.memory_space<hbm>> -> memref<40xi32, #tpu.memory_space<hbm>>
      tpu.wait_dma2 semaphore(%arg20 : memref<!tpu.dma_semaphore, #tpu.memory_space<semaphore_mem>>) src(%dma_wait3A_371 : memref<40xi32, #tpu.memory_space<hbm>>) dst(%arg7 : memref<40xi32, #tpu.memory_space<vmem>>)
      %dma_wait3A_372 = tpu.memref_slice %arg4[%add3A_365] : memref<320000xi32, #tpu.memory_space<hbm>> -> memref<40xi32, #tpu.memory_space<hbm>>
      %dma_wait3A_373 = tpu.memref_slice %arg4[%add3A_365] : memref<320000xi32, #tpu.memory_space<hbm>> -> memref<40xi32, #tpu.memory_space<hbm>>
      tpu.wait_dma2 semaphore(%arg20 : memref<!tpu.dma_semaphore, #tpu.memory_space<semaphore_mem>>) src(%dma_wait3A_373 : memref<40xi32, #tpu.memory_space<hbm>>) dst(%arg12 : memref<40xi32, #tpu.memory_space<vmem>>)
      %dma_start3A_374 = arith.constant 1 : i32
      %dma_start3A_375 = arith.constant 0 : i32
      %dma_start3A_376 = arith.constant 0 : i32
      %dma_start3A_377 = tpu.memref_slice %arg16[%dma_start3A_374, %dma_start3A_375, %dma_start3A_376] : memref<5x40x128xf32, #tpu.memory_space<vmem>> -> memref<1x40x128xf32, #tpu.memory_space<vmem>>
      %dma_start3A_378 = tpu.memref_squeeze %dma_start3A_377 : memref<1x40x128xf32, #tpu.memory_space<vmem>> -> memref<40x128xf32, #tpu.memory_space<vmem>>
      %dma_start3A_379 = arith.constant 0 : i32
      %dma_start3A_380 = arith.constant 0 : i32
      %dma_start3A_381 = tpu.memref_slice %arg2[%dma_start3A_379, %dma_start3A_380] : memref<10000x128xf32, #tpu.memory_space<hbm>> -> memref<10000x128xf32, #tpu.memory_space<hbm>>
      tpu.enqueue_indirect_dma source(%dma_start3A_381 : memref<10000x128xf32, #tpu.memory_space<hbm>>) target(%dma_start3A_378 : memref<40x128xf32, #tpu.memory_space<vmem>>) offsets(%arg7 : memref<40xi32, #tpu.memory_space<vmem>>) semaphore(%arg25 : memref<!tpu.dma_semaphore, #tpu.memory_space<semaphore_mem>>)
      %dma_wait3A_382 = arith.constant 2 : i32
      %dma_wait3A_383 = arith.constant 0 : i32
      %dma_wait3A_384 = arith.constant 0 : i32
      %dma_wait3A_385 = tpu.memref_slice %arg16[%dma_wait3A_382, %dma_wait3A_383, %dma_wait3A_384] : memref<5x40x128xf32, #tpu.memory_space<vmem>> -> memref<1x40x128xf32, #tpu.memory_space<vmem>>
      %dma_wait3A_386 = tpu.memref_squeeze %dma_wait3A_385 : memref<1x40x128xf32, #tpu.memory_space<vmem>> -> memref<40x128xf32, #tpu.memory_space<vmem>>
      %dma_wait3A_387 = arith.constant 0 : i32
      %dma_wait3A_388 = arith.constant 0 : i32
      %dma_wait3A_389 = tpu.memref_slice %arg18[%dma_wait3A_387, %dma_wait3A_388] : memref<10112x128xf32, #tpu.memory_space<vmem_shared>> -> memref<10112x128xf32, #tpu.memory_space<vmem_shared>>
      tpu.wait_indirect_dma semaphore(%arg31 : memref<!tpu.dma_semaphore, #tpu.memory_space<semaphore_mem>>) src(%dma_wait3A_386 : memref<40x128xf32, #tpu.memory_space<vmem>>) dst(%dma_wait3A_389 : memref<10112x128xf32, #tpu.memory_space<vmem_shared>>)
      %add3A_390 = arith.constant 1 : i32
      %add3A_391 = arith.addi %add3A_235, %add3A_390 : i32
      %mul3A_392 = arith.constant 5 : i32
      %mul3A_393 = arith.muli %add3A_391, %mul3A_392 : i32
      %mul3A_394 = arith.constant 40 : i32
      %mul3A_395 = arith.muli %mul3A_393, %mul3A_394 : i32
      %add3A_396 = arith.addi %mul3A_4, %mul3A_395 : i32
      %add3A_397 = arith.constant 80 : i32
      %add3A_398 = arith.addi %add3A_396, %add3A_397 : i32
      %dma_start3A_399 = tpu.memref_slice %arg3[%add3A_398] : memref<320000xi32, #tpu.memory_space<hbm>> -> memref<40xi32, #tpu.memory_space<hbm>>
      %dma_start3A_400 = tpu.memref_slice %arg3[%add3A_398] : memref<320000xi32, #tpu.memory_space<hbm>> -> memref<40xi32, #tpu.memory_space<hbm>>
      tpu.enqueue_dma source(%dma_start3A_400 : memref<40xi32, #tpu.memory_space<hbm>>) target(%arg8 : memref<40xi32, #tpu.memory_space<vmem>>) target_semaphore(%arg21 : memref<!tpu.dma_semaphore, #tpu.memory_space<semaphore_mem>>)
      %dma_start3A_401 = tpu.memref_slice %arg4[%add3A_398] : memref<320000xi32, #tpu.memory_space<hbm>> -> memref<40xi32, #tpu.memory_space<hbm>>
      %dma_start3A_402 = tpu.memref_slice %arg4[%add3A_398] : memref<320000xi32, #tpu.memory_space<hbm>> -> memref<40xi32, #tpu.memory_space<hbm>>
      tpu.enqueue_dma source(%dma_start3A_402 : memref<40xi32, #tpu.memory_space<hbm>>) target(%arg13 : memref<40xi32, #tpu.memory_space<vmem>>) target_semaphore(%arg21 : memref<!tpu.dma_semaphore, #tpu.memory_space<semaphore_mem>>)
      %dma_wait3A_403 = tpu.memref_slice %arg3[%add3A_398] : memref<320000xi32, #tpu.memory_space<hbm>> -> memref<40xi32, #tpu.memory_space<hbm>>
      %dma_wait3A_404 = tpu.memref_slice %arg3[%add3A_398] : memref<320000xi32, #tpu.memory_space<hbm>> -> memref<40xi32, #tpu.memory_space<hbm>>
      tpu.wait_dma2 semaphore(%arg21 : memref<!tpu.dma_semaphore, #tpu.memory_space<semaphore_mem>>) src(%dma_wait3A_404 : memref<40xi32, #tpu.memory_space<hbm>>) dst(%arg8 : memref<40xi32, #tpu.memory_space<vmem>>)
      %dma_wait3A_405 = tpu.memref_slice %arg4[%add3A_398] : memref<320000xi32, #tpu.memory_space<hbm>> -> memref<40xi32, #tpu.memory_space<hbm>>
      %dma_wait3A_406 = tpu.memref_slice %arg4[%add3A_398] : memref<320000xi32, #tpu.memory_space<hbm>> -> memref<40xi32, #tpu.memory_space<hbm>>
      tpu.wait_dma2 semaphore(%arg21 : memref<!tpu.dma_semaphore, #tpu.memory_space<semaphore_mem>>) src(%dma_wait3A_406 : memref<40xi32, #tpu.memory_space<hbm>>) dst(%arg13 : memref<40xi32, #tpu.memory_space<vmem>>)
      %dma_start3A_407 = arith.constant 2 : i32
      %dma_start3A_408 = arith.constant 0 : i32
      %dma_start3A_409 = arith.constant 0 : i32
      %dma_start3A_410 = tpu.memref_slice %arg16[%dma_start3A_407, %dma_start3A_408, %dma_start3A_409] : memref<5x40x128xf32, #tpu.memory_space<vmem>> -> memref<1x40x128xf32, #tpu.memory_space<vmem>>
      %dma_start3A_411 = tpu.memref_squeeze %dma_start3A_410 : memref<1x40x128xf32, #tpu.memory_space<vmem>> -> memref<40x128xf32, #tpu.memory_space<vmem>>
      %dma_start3A_412 = arith.constant 0 : i32
      %dma_start3A_413 = arith.constant 0 : i32
      %dma_start3A_414 = tpu.memref_slice %arg2[%dma_start3A_412, %dma_start3A_413] : memref<10000x128xf32, #tpu.memory_space<hbm>> -> memref<10000x128xf32, #tpu.memory_space<hbm>>
      tpu.enqueue_indirect_dma source(%dma_start3A_414 : memref<10000x128xf32, #tpu.memory_space<hbm>>) target(%dma_start3A_411 : memref<40x128xf32, #tpu.memory_space<vmem>>) offsets(%arg8 : memref<40xi32, #tpu.memory_space<vmem>>) semaphore(%arg26 : memref<!tpu.dma_semaphore, #tpu.memory_space<semaphore_mem>>)
      %dma_wait3A_415 = arith.constant 3 : i32
      %dma_wait3A_416 = arith.constant 0 : i32
      %dma_wait3A_417 = arith.constant 0 : i32
      %dma_wait3A_418 = tpu.memref_slice %arg16[%dma_wait3A_415, %dma_wait3A_416, %dma_wait3A_417] : memref<5x40x128xf32, #tpu.memory_space<vmem>> -> memref<1x40x128xf32, #tpu.memory_space<vmem>>
      %dma_wait3A_419 = tpu.memref_squeeze %dma_wait3A_418 : memref<1x40x128xf32, #tpu.memory_space<vmem>> -> memref<40x128xf32, #tpu.memory_space<vmem>>
      %dma_wait3A_420 = arith.constant 0 : i32
      %dma_wait3A_421 = arith.constant 0 : i32
      %dma_wait3A_422 = tpu.memref_slice %arg18[%dma_wait3A_420, %dma_wait3A_421] : memref<10112x128xf32, #tpu.memory_space<vmem_shared>> -> memref<10112x128xf32, #tpu.memory_space<vmem_shared>>
      tpu.wait_indirect_dma semaphore(%arg32 : memref<!tpu.dma_semaphore, #tpu.memory_space<semaphore_mem>>) src(%dma_wait3A_419 : memref<40x128xf32, #tpu.memory_space<vmem>>) dst(%dma_wait3A_422 : memref<10112x128xf32, #tpu.memory_space<vmem_shared>>)
      %add3A_423 = arith.constant 1 : i32
      %add3A_424 = arith.addi %add3A_235, %add3A_423 : i32
      %mul3A_425 = arith.constant 5 : i32
      %mul3A_426 = arith.muli %add3A_424, %mul3A_425 : i32
      %mul3A_427 = arith.constant 40 : i32
      %mul3A_428 = arith.muli %mul3A_426, %mul3A_427 : i32
      %add3A_429 = arith.addi %mul3A_4, %mul3A_428 : i32
      %add3A_430 = arith.constant 120 : i32
      %add3A_431 = arith.addi %add3A_429, %add3A_430 : i32
      %dma_start3A_432 = tpu.memref_slice %arg3[%add3A_431] : memref<320000xi32, #tpu.memory_space<hbm>> -> memref<40xi32, #tpu.memory_space<hbm>>
      %dma_start3A_433 = tpu.memref_slice %arg3[%add3A_431] : memref<320000xi32, #tpu.memory_space<hbm>> -> memref<40xi32, #tpu.memory_space<hbm>>
      tpu.enqueue_dma source(%dma_start3A_433 : memref<40xi32, #tpu.memory_space<hbm>>) target(%arg9 : memref<40xi32, #tpu.memory_space<vmem>>) target_semaphore(%arg22 : memref<!tpu.dma_semaphore, #tpu.memory_space<semaphore_mem>>)
      %dma_start3A_434 = tpu.memref_slice %arg4[%add3A_431] : memref<320000xi32, #tpu.memory_space<hbm>> -> memref<40xi32, #tpu.memory_space<hbm>>
      %dma_start3A_435 = tpu.memref_slice %arg4[%add3A_431] : memref<320000xi32, #tpu.memory_space<hbm>> -> memref<40xi32, #tpu.memory_space<hbm>>
      tpu.enqueue_dma source(%dma_start3A_435 : memref<40xi32, #tpu.memory_space<hbm>>) target(%arg14 : memref<40xi32, #tpu.memory_space<vmem>>) target_semaphore(%arg22 : memref<!tpu.dma_semaphore, #tpu.memory_space<semaphore_mem>>)
      %dma_wait3A_436 = tpu.memref_slice %arg3[%add3A_431] : memref<320000xi32, #tpu.memory_space<hbm>> -> memref<40xi32, #tpu.memory_space<hbm>>
      %dma_wait3A_437 = tpu.memref_slice %arg3[%add3A_431] : memref<320000xi32, #tpu.memory_space<hbm>> -> memref<40xi32, #tpu.memory_space<hbm>>
      tpu.wait_dma2 semaphore(%arg22 : memref<!tpu.dma_semaphore, #tpu.memory_space<semaphore_mem>>) src(%dma_wait3A_437 : memref<40xi32, #tpu.memory_space<hbm>>) dst(%arg9 : memref<40xi32, #tpu.memory_space<vmem>>)
      %dma_wait3A_438 = tpu.memref_slice %arg4[%add3A_431] : memref<320000xi32, #tpu.memory_space<hbm>> -> memref<40xi32, #tpu.memory_space<hbm>>
      %dma_wait3A_439 = tpu.memref_slice %arg4[%add3A_431] : memref<320000xi32, #tpu.memory_space<hbm>> -> memref<40xi32, #tpu.memory_space<hbm>>
      tpu.wait_dma2 semaphore(%arg22 : memref<!tpu.dma_semaphore, #tpu.memory_space<semaphore_mem>>) src(%dma_wait3A_439 : memref<40xi32, #tpu.memory_space<hbm>>) dst(%arg14 : memref<40xi32, #tpu.memory_space<vmem>>)
      %dma_start3A_440 = arith.constant 3 : i32
      %dma_start3A_441 = arith.constant 0 : i32
      %dma_start3A_442 = arith.constant 0 : i32
      %dma_start3A_443 = tpu.memref_slice %arg16[%dma_start3A_440, %dma_start3A_441, %dma_start3A_442] : memref<5x40x128xf32, #tpu.memory_space<vmem>> -> memref<1x40x128xf32, #tpu.memory_space<vmem>>
      %dma_start3A_444 = tpu.memref_squeeze %dma_start3A_443 : memref<1x40x128xf32, #tpu.memory_space<vmem>> -> memref<40x128xf32, #tpu.memory_space<vmem>>
      %dma_start3A_445 = arith.constant 0 : i32
      %dma_start3A_446 = arith.constant 0 : i32
      %dma_start3A_447 = tpu.memref_slice %arg2[%dma_start3A_445, %dma_start3A_446] : memref<10000x128xf32, #tpu.memory_space<hbm>> -> memref<10000x128xf32, #tpu.memory_space<hbm>>
      tpu.enqueue_indirect_dma source(%dma_start3A_447 : memref<10000x128xf32, #tpu.memory_space<hbm>>) target(%dma_start3A_444 : memref<40x128xf32, #tpu.memory_space<vmem>>) offsets(%arg9 : memref<40xi32, #tpu.memory_space<vmem>>) semaphore(%arg27 : memref<!tpu.dma_semaphore, #tpu.memory_space<semaphore_mem>>)
      %dma_wait3A_448 = arith.constant 4 : i32
      %dma_wait3A_449 = arith.constant 0 : i32
      %dma_wait3A_450 = arith.constant 0 : i32
      %dma_wait3A_451 = tpu.memref_slice %arg16[%dma_wait3A_448, %dma_wait3A_449, %dma_wait3A_450] : memref<5x40x128xf32, #tpu.memory_space<vmem>> -> memref<1x40x128xf32, #tpu.memory_space<vmem>>
      %dma_wait3A_452 = tpu.memref_squeeze %dma_wait3A_451 : memref<1x40x128xf32, #tpu.memory_space<vmem>> -> memref<40x128xf32, #tpu.memory_space<vmem>>
      %dma_wait3A_453 = arith.constant 0 : i32
      %dma_wait3A_454 = arith.constant 0 : i32
      %dma_wait3A_455 = tpu.memref_slice %arg18[%dma_wait3A_453, %dma_wait3A_454] : memref<10112x128xf32, #tpu.memory_space<vmem_shared>> -> memref<10112x128xf32, #tpu.memory_space<vmem_shared>>
      tpu.wait_indirect_dma semaphore(%arg33 : memref<!tpu.dma_semaphore, #tpu.memory_space<semaphore_mem>>) src(%dma_wait3A_452 : memref<40x128xf32, #tpu.memory_space<vmem>>) dst(%dma_wait3A_455 : memref<10112x128xf32, #tpu.memory_space<vmem_shared>>)
      %add3A_456 = arith.constant 1 : i32
      %add3A_457 = arith.addi %add3A_235, %add3A_456 : i32
      %mul3A_458 = arith.constant 5 : i32
      %mul3A_459 = arith.muli %add3A_457, %mul3A_458 : i32
      %mul3A_460 = arith.constant 40 : i32
      %mul3A_461 = arith.muli %mul3A_459, %mul3A_460 : i32
      %add3A_462 = arith.addi %mul3A_4, %mul3A_461 : i32
      %add3A_463 = arith.constant 160 : i32
      %add3A_464 = arith.addi %add3A_462, %add3A_463 : i32
      %dma_start3A_465 = tpu.memref_slice %arg3[%add3A_464] : memref<320000xi32, #tpu.memory_space<hbm>> -> memref<40xi32, #tpu.memory_space<hbm>>
      %dma_start3A_466 = tpu.memref_slice %arg3[%add3A_464] : memref<320000xi32, #tpu.memory_space<hbm>> -> memref<40xi32, #tpu.memory_space<hbm>>
      tpu.enqueue_dma source(%dma_start3A_466 : memref<40xi32, #tpu.memory_space<hbm>>) target(%arg10 : memref<40xi32, #tpu.memory_space<vmem>>) target_semaphore(%arg23 : memref<!tpu.dma_semaphore, #tpu.memory_space<semaphore_mem>>)
      %dma_start3A_467 = tpu.memref_slice %arg4[%add3A_464] : memref<320000xi32, #tpu.memory_space<hbm>> -> memref<40xi32, #tpu.memory_space<hbm>>
      %dma_start3A_468 = tpu.memref_slice %arg4[%add3A_464] : memref<320000xi32, #tpu.memory_space<hbm>> -> memref<40xi32, #tpu.memory_space<hbm>>
      tpu.enqueue_dma source(%dma_start3A_468 : memref<40xi32, #tpu.memory_space<hbm>>) target(%arg15 : memref<40xi32, #tpu.memory_space<vmem>>) target_semaphore(%arg23 : memref<!tpu.dma_semaphore, #tpu.memory_space<semaphore_mem>>)
      %dma_wait3A_469 = tpu.memref_slice %arg3[%add3A_464] : memref<320000xi32, #tpu.memory_space<hbm>> -> memref<40xi32, #tpu.memory_space<hbm>>
      %dma_wait3A_470 = tpu.memref_slice %arg3[%add3A_464] : memref<320000xi32, #tpu.memory_space<hbm>> -> memref<40xi32, #tpu.memory_space<hbm>>
      tpu.wait_dma2 semaphore(%arg23 : memref<!tpu.dma_semaphore, #tpu.memory_space<semaphore_mem>>) src(%dma_wait3A_470 : memref<40xi32, #tpu.memory_space<hbm>>) dst(%arg10 : memref<40xi32, #tpu.memory_space<vmem>>)
      %dma_wait3A_471 = tpu.memref_slice %arg4[%add3A_464] : memref<320000xi32, #tpu.memory_space<hbm>> -> memref<40xi32, #tpu.memory_space<hbm>>
      %dma_wait3A_472 = tpu.memref_slice %arg4[%add3A_464] : memref<320000xi32, #tpu.memory_space<hbm>> -> memref<40xi32, #tpu.memory_space<hbm>>
      tpu.wait_dma2 semaphore(%arg23 : memref<!tpu.dma_semaphore, #tpu.memory_space<semaphore_mem>>) src(%dma_wait3A_472 : memref<40xi32, #tpu.memory_space<hbm>>) dst(%arg15 : memref<40xi32, #tpu.memory_space<vmem>>)
      %dma_start3A_473 = arith.constant 4 : i32
      %dma_start3A_474 = arith.constant 0 : i32
      %dma_start3A_475 = arith.constant 0 : i32
      %dma_start3A_476 = tpu.memref_slice %arg16[%dma_start3A_473, %dma_start3A_474, %dma_start3A_475] : memref<5x40x128xf32, #tpu.memory_space<vmem>> -> memref<1x40x128xf32, #tpu.memory_space<vmem>>
      %dma_start3A_477 = tpu.memref_squeeze %dma_start3A_476 : memref<1x40x128xf32, #tpu.memory_space<vmem>> -> memref<40x128xf32, #tpu.memory_space<vmem>>
      %dma_start3A_478 = arith.constant 0 : i32
      %dma_start3A_479 = arith.constant 0 : i32
      %dma_start3A_480 = tpu.memref_slice %arg2[%dma_start3A_478, %dma_start3A_479] : memref<10000x128xf32, #tpu.memory_space<hbm>> -> memref<10000x128xf32, #tpu.memory_space<hbm>>
      tpu.enqueue_indirect_dma source(%dma_start3A_480 : memref<10000x128xf32, #tpu.memory_space<hbm>>) target(%dma_start3A_477 : memref<40x128xf32, #tpu.memory_space<vmem>>) offsets(%arg10 : memref<40xi32, #tpu.memory_space<vmem>>) semaphore(%arg28 : memref<!tpu.dma_semaphore, #tpu.memory_space<semaphore_mem>>)
    }
    %scan3A_109 = arith.constant 49 : i32
    %dma_wait3A_110 = arith.constant 0 : i32
    %dma_wait3A_111 = arith.constant 0 : i32
    %dma_wait3A_112 = arith.constant 0 : i32
    %dma_wait3A_113 = tpu.memref_slice %arg16[%dma_wait3A_110, %dma_wait3A_111, %dma_wait3A_112] : memref<5x40x128xf32, #tpu.memory_space<vmem>> -> memref<1x40x128xf32, #tpu.memory_space<vmem>>
    %dma_wait3A_114 = tpu.memref_squeeze %dma_wait3A_113 : memref<1x40x128xf32, #tpu.memory_space<vmem>> -> memref<40x128xf32, #tpu.memory_space<vmem>>
    %dma_wait3A_115 = arith.constant 0 : i32
    %dma_wait3A_116 = arith.constant 0 : i32
    %dma_wait3A_117 = tpu.memref_slice %arg2[%dma_wait3A_115, %dma_wait3A_116] : memref<10000x128xf32, #tpu.memory_space<hbm>> -> memref<10000x128xf32, #tpu.memory_space<hbm>>
    tpu.wait_indirect_dma semaphore(%arg24 : memref<!tpu.dma_semaphore, #tpu.memory_space<semaphore_mem>>) src(%dma_wait3A_117 : memref<10000x128xf32, #tpu.memory_space<hbm>>) dst(%dma_wait3A_114 : memref<40x128xf32, #tpu.memory_space<vmem>>)
    %dma_start3A_118 = arith.constant 0 : i32
    %dma_start3A_119 = arith.constant 0 : i32
    %dma_start3A_120 = arith.constant 0 : i32
    %dma_start3A_121 = tpu.memref_slice %arg16[%dma_start3A_118, %dma_start3A_119, %dma_start3A_120] : memref<5x40x128xf32, #tpu.memory_space<vmem>> -> memref<1x40x128xf32, #tpu.memory_space<vmem>>
    %dma_start3A_122 = tpu.memref_squeeze %dma_start3A_121 : memref<1x40x128xf32, #tpu.memory_space<vmem>> -> memref<40x128xf32, #tpu.memory_space<vmem>>
    %dma_start3A_123 = arith.constant 0 : i32
    %dma_start3A_124 = arith.constant 0 : i32
    %dma_start3A_125 = tpu.memref_slice %arg18[%dma_start3A_123, %dma_start3A_124] : memref<10112x128xf32, #tpu.memory_space<vmem_shared>> -> memref<10112x128xf32, #tpu.memory_space<vmem_shared>>
    tpu.enqueue_indirect_dma source(%dma_start3A_122 : memref<40x128xf32, #tpu.memory_space<vmem>>) target(%dma_start3A_125 : memref<10112x128xf32, #tpu.memory_space<vmem_shared>>) offsets(%arg11 : memref<40xi32, #tpu.memory_space<vmem>>) semaphore(%arg29 : memref<!tpu.dma_semaphore, #tpu.memory_space<semaphore_mem>>) {add = true}
    %dma_wait3A_126 = arith.constant 1 : i32
    %dma_wait3A_127 = arith.constant 0 : i32
    %dma_wait3A_128 = arith.constant 0 : i32
    %dma_wait3A_129 = tpu.memref_slice %arg16[%dma_wait3A_126, %dma_wait3A_127, %dma_wait3A_128] : memref<5x40x128xf32, #tpu.memory_space<vmem>> -> memref<1x40x128xf32, #tpu.memory_space<vmem>>
    %dma_wait3A_130 = tpu.memref_squeeze %dma_wait3A_129 : memref<1x40x128xf32, #tpu.memory_space<vmem>> -> memref<40x128xf32, #tpu.memory_space<vmem>>
    %dma_wait3A_131 = arith.constant 0 : i32
    %dma_wait3A_132 = arith.constant 0 : i32
    %dma_wait3A_133 = tpu.memref_slice %arg2[%dma_wait3A_131, %dma_wait3A_132] : memref<10000x128xf32, #tpu.memory_space<hbm>> -> memref<10000x128xf32, #tpu.memory_space<hbm>>
    tpu.wait_indirect_dma semaphore(%arg25 : memref<!tpu.dma_semaphore, #tpu.memory_space<semaphore_mem>>) src(%dma_wait3A_133 : memref<10000x128xf32, #tpu.memory_space<hbm>>) dst(%dma_wait3A_130 : memref<40x128xf32, #tpu.memory_space<vmem>>)
    %dma_start3A_134 = arith.constant 1 : i32
    %dma_start3A_135 = arith.constant 0 : i32
    %dma_start3A_136 = arith.constant 0 : i32
    %dma_start3A_137 = tpu.memref_slice %arg16[%dma_start3A_134, %dma_start3A_135, %dma_start3A_136] : memref<5x40x128xf32, #tpu.memory_space<vmem>> -> memref<1x40x128xf32, #tpu.memory_space<vmem>>
    %dma_start3A_138 = tpu.memref_squeeze %dma_start3A_137 : memref<1x40x128xf32, #tpu.memory_space<vmem>> -> memref<40x128xf32, #tpu.memory_space<vmem>>
    %dma_start3A_139 = arith.constant 0 : i32
    %dma_start3A_140 = arith.constant 0 : i32
    %dma_start3A_141 = tpu.memref_slice %arg18[%dma_start3A_139, %dma_start3A_140] : memref<10112x128xf32, #tpu.memory_space<vmem_shared>> -> memref<10112x128xf32, #tpu.memory_space<vmem_shared>>
    tpu.enqueue_indirect_dma source(%dma_start3A_138 : memref<40x128xf32, #tpu.memory_space<vmem>>) target(%dma_start3A_141 : memref<10112x128xf32, #tpu.memory_space<vmem_shared>>) offsets(%arg12 : memref<40xi32, #tpu.memory_space<vmem>>) semaphore(%arg30 : memref<!tpu.dma_semaphore, #tpu.memory_space<semaphore_mem>>) {add = true}
    %dma_wait3A_142 = arith.constant 2 : i32
    %dma_wait3A_143 = arith.constant 0 : i32
    %dma_wait3A_144 = arith.constant 0 : i32
    %dma_wait3A_145 = tpu.memref_slice %arg16[%dma_wait3A_142, %dma_wait3A_143, %dma_wait3A_144] : memref<5x40x128xf32, #tpu.memory_space<vmem>> -> memref<1x40x128xf32, #tpu.memory_space<vmem>>
    %dma_wait3A_146 = tpu.memref_squeeze %dma_wait3A_145 : memref<1x40x128xf32, #tpu.memory_space<vmem>> -> memref<40x128xf32, #tpu.memory_space<vmem>>
    %dma_wait3A_147 = arith.constant 0 : i32
    %dma_wait3A_148 = arith.constant 0 : i32
    %dma_wait3A_149 = tpu.memref_slice %arg2[%dma_wait3A_147, %dma_wait3A_148] : memref<10000x128xf32, #tpu.memory_space<hbm>> -> memref<10000x128xf32, #tpu.memory_space<hbm>>
    tpu.wait_indirect_dma semaphore(%arg26 : memref<!tpu.dma_semaphore, #tpu.memory_space<semaphore_mem>>) src(%dma_wait3A_149 : memref<10000x128xf32, #tpu.memory_space<hbm>>) dst(%dma_wait3A_146 : memref<40x128xf32, #tpu.memory_space<vmem>>)
    %dma_start3A_150 = arith.constant 2 : i32
    %dma_start3A_151 = arith.constant 0 : i32
    %dma_start3A_152 = arith.constant 0 : i32
    %dma_start3A_153 = tpu.memref_slice %arg16[%dma_start3A_150, %dma_start3A_151, %dma_start3A_152] : memref<5x40x128xf32, #tpu.memory_space<vmem>> -> memref<1x40x128xf32, #tpu.memory_space<vmem>>
    %dma_start3A_154 = tpu.memref_squeeze %dma_start3A_153 : memref<1x40x128xf32, #tpu.memory_space<vmem>> -> memref<40x128xf32, #tpu.memory_space<vmem>>
    %dma_start3A_155 = arith.constant 0 : i32
    %dma_start3A_156 = arith.constant 0 : i32
    %dma_start3A_157 = tpu.memref_slice %arg18[%dma_start3A_155, %dma_start3A_156] : memref<10112x128xf32, #tpu.memory_space<vmem_shared>> -> memref<10112x128xf32, #tpu.memory_space<vmem_shared>>
    tpu.enqueue_indirect_dma source(%dma_start3A_154 : memref<40x128xf32, #tpu.memory_space<vmem>>) target(%dma_start3A_157 : memref<10112x128xf32, #tpu.memory_space<vmem_shared>>) offsets(%arg13 : memref<40xi32, #tpu.memory_space<vmem>>) semaphore(%arg31 : memref<!tpu.dma_semaphore, #tpu.memory_space<semaphore_mem>>) {add = true}
    %dma_wait3A_158 = arith.constant 3 : i32
    %dma_wait3A_159 = arith.constant 0 : i32
    %dma_wait3A_160 = arith.constant 0 : i32
    %dma_wait3A_161 = tpu.memref_slice %arg16[%dma_wait3A_158, %dma_wait3A_159, %dma_wait3A_160] : memref<5x40x128xf32, #tpu.memory_space<vmem>> -> memref<1x40x128xf32, #tpu.memory_space<vmem>>
    %dma_wait3A_162 = tpu.memref_squeeze %dma_wait3A_161 : memref<1x40x128xf32, #tpu.memory_space<vmem>> -> memref<40x128xf32, #tpu.memory_space<vmem>>
    %dma_wait3A_163 = arith.constant 0 : i32
    %dma_wait3A_164 = arith.constant 0 : i32
    %dma_wait3A_165 = tpu.memref_slice %arg2[%dma_wait3A_163, %dma_wait3A_164] : memref<10000x128xf32, #tpu.memory_space<hbm>> -> memref<10000x128xf32, #tpu.memory_space<hbm>>
    tpu.wait_indirect_dma semaphore(%arg27 : memref<!tpu.dma_semaphore, #tpu.memory_space<semaphore_mem>>) src(%dma_wait3A_165 : memref<10000x128xf32, #tpu.memory_space<hbm>>) dst(%dma_wait3A_162 : memref<40x128xf32, #tpu.memory_space<vmem>>)
    %dma_start3A_166 = arith.constant 3 : i32
    %dma_start3A_167 = arith.constant 0 : i32
    %dma_start3A_168 = arith.constant 0 : i32
    %dma_start3A_169 = tpu.memref_slice %arg16[%dma_start3A_166, %dma_start3A_167, %dma_start3A_168] : memref<5x40x128xf32, #tpu.memory_space<vmem>> -> memref<1x40x128xf32, #tpu.memory_space<vmem>>
    %dma_start3A_170 = tpu.memref_squeeze %dma_start3A_169 : memref<1x40x128xf32, #tpu.memory_space<vmem>> -> memref<40x128xf32, #tpu.memory_space<vmem>>
    %dma_start3A_171 = arith.constant 0 : i32
    %dma_start3A_172 = arith.constant 0 : i32
    %dma_start3A_173 = tpu.memref_slice %arg18[%dma_start3A_171, %dma_start3A_172] : memref<10112x128xf32, #tpu.memory_space<vmem_shared>> -> memref<10112x128xf32, #tpu.memory_space<vmem_shared>>
    tpu.enqueue_indirect_dma source(%dma_start3A_170 : memref<40x128xf32, #tpu.memory_space<vmem>>) target(%dma_start3A_173 : memref<10112x128xf32, #tpu.memory_space<vmem_shared>>) offsets(%arg14 : memref<40xi32, #tpu.memory_space<vmem>>) semaphore(%arg32 : memref<!tpu.dma_semaphore, #tpu.memory_space<semaphore_mem>>) {add = true}
    %dma_wait3A_174 = arith.constant 4 : i32
    %dma_wait3A_175 = arith.constant 0 : i32
    %dma_wait3A_176 = arith.constant 0 : i32
    %dma_wait3A_177 = tpu.memref_slice %arg16[%dma_wait3A_174, %dma_wait3A_175, %dma_wait3A_176] : memref<5x40x128xf32, #tpu.memory_space<vmem>> -> memref<1x40x128xf32, #tpu.memory_space<vmem>>
    %dma_wait3A_178 = tpu.memref_squeeze %dma_wait3A_177 : memref<1x40x128xf32, #tpu.memory_space<vmem>> -> memref<40x128xf32, #tpu.memory_space<vmem>>
    %dma_wait3A_179 = arith.constant 0 : i32
    %dma_wait3A_180 = arith.constant 0 : i32
    %dma_wait3A_181 = tpu.memref_slice %arg2[%dma_wait3A_179, %dma_wait3A_180] : memref<10000x128xf32, #tpu.memory_space<hbm>> -> memref<10000x128xf32, #tpu.memory_space<hbm>>
    tpu.wait_indirect_dma semaphore(%arg28 : memref<!tpu.dma_semaphore, #tpu.memory_space<semaphore_mem>>) src(%dma_wait3A_181 : memref<10000x128xf32, #tpu.memory_space<hbm>>) dst(%dma_wait3A_178 : memref<40x128xf32, #tpu.memory_space<vmem>>)
    %dma_start3A_182 = arith.constant 4 : i32
    %dma_start3A_183 = arith.constant 0 : i32
    %dma_start3A_184 = arith.constant 0 : i32
    %dma_start3A_185 = tpu.memref_slice %arg16[%dma_start3A_182, %dma_start3A_183, %dma_start3A_184] : memref<5x40x128xf32, #tpu.memory_space<vmem>> -> memref<1x40x128xf32, #tpu.memory_space<vmem>>
    %dma_start3A_186 = tpu.memref_squeeze %dma_start3A_185 : memref<1x40x128xf32, #tpu.memory_space<vmem>> -> memref<40x128xf32, #tpu.memory_space<vmem>>
    %dma_start3A_187 = arith.constant 0 : i32
    %dma_start3A_188 = arith.constant 0 : i32
    %dma_start3A_189 = tpu.memref_slice %arg18[%dma_start3A_187, %dma_start3A_188] : memref<10112x128xf32, #tpu.memory_space<vmem_shared>> -> memref<10112x128xf32, #tpu.memory_space<vmem_shared>>
    tpu.enqueue_indirect_dma source(%dma_start3A_186 : memref<40x128xf32, #tpu.memory_space<vmem>>) target(%dma_start3A_189 : memref<10112x128xf32, #tpu.memory_space<vmem_shared>>) offsets(%arg15 : memref<40xi32, #tpu.memory_space<vmem>>) semaphore(%arg33 : memref<!tpu.dma_semaphore, #tpu.memory_space<semaphore_mem>>) {add = true}
    %dma_wait3A_190 = arith.constant 0 : i32
    %dma_wait3A_191 = arith.constant 0 : i32
    %dma_wait3A_192 = arith.constant 0 : i32
    %dma_wait3A_193 = tpu.memref_slice %arg16[%dma_wait3A_190, %dma_wait3A_191, %dma_wait3A_192] : memref<5x40x128xf32, #tpu.memory_space<vmem>> -> memref<1x40x128xf32, #tpu.memory_space<vmem>>
    %dma_wait3A_194 = tpu.memref_squeeze %dma_wait3A_193 : memref<1x40x128xf32, #tpu.memory_space<vmem>> -> memref<40x128xf32, #tpu.memory_space<vmem>>
    %dma_wait3A_195 = arith.constant 0 : i32
    %dma_wait3A_196 = arith.constant 0 : i32
    %dma_wait3A_197 = tpu.memref_slice %arg18[%dma_wait3A_195, %dma_wait3A_196] : memref<10112x128xf32, #tpu.memory_space<vmem_shared>> -> memref<10112x128xf32, #tpu.memory_space<vmem_shared>>
    tpu.wait_indirect_dma semaphore(%arg29 : memref<!tpu.dma_semaphore, #tpu.memory_space<semaphore_mem>>) src(%dma_wait3A_194 : memref<40x128xf32, #tpu.memory_space<vmem>>) dst(%dma_wait3A_197 : memref<10112x128xf32, #tpu.memory_space<vmem_shared>>)
    %dma_wait3A_198 = arith.constant 1 : i32
    %dma_wait3A_199 = arith.constant 0 : i32
    %dma_wait3A_200 = arith.constant 0 : i32
    %dma_wait3A_201 = tpu.memref_slice %arg16[%dma_wait3A_198, %dma_wait3A_199, %dma_wait3A_200] : memref<5x40x128xf32, #tpu.memory_space<vmem>> -> memref<1x40x128xf32, #tpu.memory_space<vmem>>
    %dma_wait3A_202 = tpu.memref_squeeze %dma_wait3A_201 : memref<1x40x128xf32, #tpu.memory_space<vmem>> -> memref<40x128xf32, #tpu.memory_space<vmem>>
    %dma_wait3A_203 = arith.constant 0 : i32
    %dma_wait3A_204 = arith.constant 0 : i32
    %dma_wait3A_205 = tpu.memref_slice %arg18[%dma_wait3A_203, %dma_wait3A_204] : memref<10112x128xf32, #tpu.memory_space<vmem_shared>> -> memref<10112x128xf32, #tpu.memory_space<vmem_shared>>
    tpu.wait_indirect_dma semaphore(%arg30 : memref<!tpu.dma_semaphore, #tpu.memory_space<semaphore_mem>>) src(%dma_wait3A_202 : memref<40x128xf32, #tpu.memory_space<vmem>>) dst(%dma_wait3A_205 : memref<10112x128xf32, #tpu.memory_space<vmem_shared>>)
    %dma_wait3A_206 = arith.constant 2 : i32
    %dma_wait3A_207 = arith.constant 0 : i32
    %dma_wait3A_208 = arith.constant 0 : i32
    %dma_wait3A_209 = tpu.memref_slice %arg16[%dma_wait3A_206, %dma_wait3A_207, %dma_wait3A_208] : memref<5x40x128xf32, #tpu.memory_space<vmem>> -> memref<1x40x128xf32, #tpu.memory_space<vmem>>
    %dma_wait3A_210 = tpu.memref_squeeze %dma_wait3A_209 : memref<1x40x128xf32, #tpu.memory_space<vmem>> -> memref<40x128xf32, #tpu.memory_space<vmem>>
    %dma_wait3A_211 = arith.constant 0 : i32
    %dma_wait3A_212 = arith.constant 0 : i32
    %dma_wait3A_213 = tpu.memref_slice %arg18[%dma_wait3A_211, %dma_wait3A_212] : memref<10112x128xf32, #tpu.memory_space<vmem_shared>> -> memref<10112x128xf32, #tpu.memory_space<vmem_shared>>
    tpu.wait_indirect_dma semaphore(%arg31 : memref<!tpu.dma_semaphore, #tpu.memory_space<semaphore_mem>>) src(%dma_wait3A_210 : memref<40x128xf32, #tpu.memory_space<vmem>>) dst(%dma_wait3A_213 : memref<10112x128xf32, #tpu.memory_space<vmem_shared>>)
    %dma_wait3A_214 = arith.constant 3 : i32
    %dma_wait3A_215 = arith.constant 0 : i32
    %dma_wait3A_216 = arith.constant 0 : i32
    %dma_wait3A_217 = tpu.memref_slice %arg16[%dma_wait3A_214, %dma_wait3A_215, %dma_wait3A_216] : memref<5x40x128xf32, #tpu.memory_space<vmem>> -> memref<1x40x128xf32, #tpu.memory_space<vmem>>
    %dma_wait3A_218 = tpu.memref_squeeze %dma_wait3A_217 : memref<1x40x128xf32, #tpu.memory_space<vmem>> -> memref<40x128xf32, #tpu.memory_space<vmem>>
    %dma_wait3A_219 = arith.constant 0 : i32
    %dma_wait3A_220 = arith.constant 0 : i32
    %dma_wait3A_221 = tpu.memref_slice %arg18[%dma_wait3A_219, %dma_wait3A_220] : memref<10112x128xf32, #tpu.memory_space<vmem_shared>> -> memref<10112x128xf32, #tpu.memory_space<vmem_shared>>
    tpu.wait_indirect_dma semaphore(%arg32 : memref<!tpu.dma_semaphore, #tpu.memory_space<semaphore_mem>>) src(%dma_wait3A_218 : memref<40x128xf32, #tpu.memory_space<vmem>>) dst(%dma_wait3A_221 : memref<10112x128xf32, #tpu.memory_space<vmem_shared>>)
    %dma_wait3A_222 = arith.constant 4 : i32
    %dma_wait3A_223 = arith.constant 0 : i32
    %dma_wait3A_224 = arith.constant 0 : i32
    %dma_wait3A_225 = tpu.memref_slice %arg16[%dma_wait3A_222, %dma_wait3A_223, %dma_wait3A_224] : memref<5x40x128xf32, #tpu.memory_space<vmem>> -> memref<1x40x128xf32, #tpu.memory_space<vmem>>
    %dma_wait3A_226 = tpu.memref_squeeze %dma_wait3A_225 : memref<1x40x128xf32, #tpu.memory_space<vmem>> -> memref<40x128xf32, #tpu.memory_space<vmem>>
    %dma_wait3A_227 = arith.constant 0 : i32
    %dma_wait3A_228 = arith.constant 0 : i32
    %dma_wait3A_229 = tpu.memref_slice %arg18[%dma_wait3A_227, %dma_wait3A_228] : memref<10112x128xf32, #tpu.memory_space<vmem_shared>> -> memref<10112x128xf32, #tpu.memory_space<vmem_shared>>
    tpu.wait_indirect_dma semaphore(%arg33 : memref<!tpu.dma_semaphore, #tpu.memory_space<semaphore_mem>>) src(%dma_wait3A_226 : memref<40x128xf32, #tpu.memory_space<vmem>>) dst(%dma_wait3A_229 : memref<10112x128xf32, #tpu.memory_space<vmem_shared>>)
    %barrier3A_230 = arith.constant 0 : index
    tpu.barrier barrier_id(%barrier3A_230)
    "tpu.region"() ({
      %run_scoped3A = tpu.sem_alloc : memref<!tpu.dma_semaphore, #tpu.memory_space<semaphore_mem>>
      %dma_start3A_231 = arith.constant 0 : i32
      %dma_start3A_232 = tpu.memref_slice %arg5[%arg0, %mul3A_2, %dma_start3A_231] : memref<2x10112x128xf32, #tpu.memory_space<hbm>> -> memref<1x632x128xf32, #tpu.memory_space<hbm>>
      %dma_start3A_233 = tpu.memref_squeeze %dma_start3A_232 : memref<1x632x128xf32, #tpu.memory_space<hbm>> -> memref<632x128xf32, #tpu.memory_space<hbm>>
      %dma_start3A_234 = arith.constant 0 : i32
      %dma_start3A_235 = tpu.memref_slice %arg18[%mul3A_2, %dma_start3A_234] : memref<10112x128xf32, #tpu.memory_space<vmem_shared>> -> memref<632x128xf32, #tpu.memory_space<vmem_shared>>
      tpu.enqueue_dma source(%dma_start3A_235 : memref<632x128xf32, #tpu.memory_space<vmem_shared>>) target(%dma_start3A_233 : memref<632x128xf32, #tpu.memory_space<hbm>>) target_semaphore(%run_scoped3A : memref<!tpu.dma_semaphore, #tpu.memory_space<semaphore_mem>>)
      %dma_wait3A_236 = arith.constant 0 : i32
      %dma_wait3A_237 = tpu.memref_slice %arg5[%arg0, %mul3A_2, %dma_wait3A_236] : memref<2x10112x128xf32, #tpu.memory_space<hbm>> -> memref<1x632x128xf32, #tpu.memory_space<hbm>>
      %dma_wait3A_238 = tpu.memref_squeeze %dma_wait3A_237 : memref<1x632x128xf32, #tpu.memory_space<hbm>> -> memref<632x128xf32, #tpu.memory_space<hbm>>
      %dma_wait3A_239 = arith.constant 0 : i32
      %dma_wait3A_240 = tpu.memref_slice %arg18[%mul3A_2, %dma_wait3A_239] : memref<10112x128xf32, #tpu.memory_space<vmem_shared>> -> memref<632x128xf32, #tpu.memory_space<vmem_shared>>
      tpu.wait_dma2 semaphore(%run_scoped3A : memref<!tpu.dma_semaphore, #tpu.memory_space<semaphore_mem>>) src(%dma_wait3A_240 : memref<632x128xf32, #tpu.memory_space<vmem_shared>>) dst(%dma_wait3A_238 : memref<632x128xf32, #tpu.memory_space<hbm>>)
      tpu.yield
    }) : () -> ()
    return
  }
}

#map = affine_map<(d0, d1) -> (0, 0)>
#map1 = affine_map<(d0, d1) -> (0)>
#map2 = affine_map<(d0, d1) -> (0, 0, 0)>
module attributes {stable_mosaic.version = 14 : i64} {
  func.func @_scatter_body(%arg0: i32, %arg1: i32, %arg2: memref<10000x128xf32, #tpu.memory_space<hbm>>, %arg3: memref<320000xi32, #tpu.memory_space<hbm>>, %arg4: memref<320000xi32, #tpu.memory_space<hbm>>, %arg5: memref<2x10112x128xf32, #tpu.memory_space<hbm>>, %arg6: memref<40xi32, #tpu.memory_space<vmem>>, %arg7: memref<40xi32, #tpu.memory_space<vmem>>, %arg8: memref<40xi32, #tpu.memory_space<vmem>>, %arg9: memref<40xi32, #tpu.memory_space<vmem>>, %arg10: memref<40xi32, #tpu.memory_space<vmem>>, %arg11: memref<40xi32, #tpu.memory_space<vmem>>, %arg12: memref<40xi32, #tpu.memory_space<vmem>>, %arg13: memref<40xi32, #tpu.memory_space<vmem>>, %arg14: memref<40xi32, #tpu.memory_space<vmem>>, %arg15: memref<40xi32, #tpu.memory_space<vmem>>, %arg16: memref<5x40x128xf32, #tpu.memory_space<vmem>>, %arg17: memref<24x128xf32, #tpu.memory_space<vmem>>, %arg18: memref<10112x128xf32, #tpu.memory_space<vmem_shared>>, %arg19: memref<!tpu.dma_semaphore, #tpu.memory_space<semaphore_mem>>, %arg20: memref<!tpu.dma_semaphore, #tpu.memory_space<semaphore_mem>>, %arg21: memref<!tpu.dma_semaphore, #tpu.memory_space<semaphore_mem>>, %arg22: memref<!tpu.dma_semaphore, #tpu.memory_space<semaphore_mem>>, %arg23: memref<!tpu.dma_semaphore, #tpu.memory_space<semaphore_mem>>, %arg24: memref<!tpu.dma_semaphore, #tpu.memory_space<semaphore_mem>>, %arg25: memref<!tpu.dma_semaphore, #tpu.memory_space<semaphore_mem>>, %arg26: memref<!tpu.dma_semaphore, #tpu.memory_space<semaphore_mem>>, %arg27: memref<!tpu.dma_semaphore, #tpu.memory_space<semaphore_mem>>, %arg28: memref<!tpu.dma_semaphore, #tpu.memory_space<semaphore_mem>>, %arg29: memref<!tpu.dma_semaphore, #tpu.memory_space<semaphore_mem>>, %arg30: memref<!tpu.dma_semaphore, #tpu.memory_space<semaphore_mem>>, %arg31: memref<!tpu.dma_semaphore, #tpu.memory_space<semaphore_mem>>, %arg32: memref<!tpu.dma_semaphore, #tpu.memory_space<semaphore_mem>>, %arg33: memref<!tpu.dma_semaphore, #tpu.memory_space<semaphore_mem>>) attributes {dimension_semantics = [#tpu.dimension_semantics<core_parallel>, #tpu.dimension_semantics<subcore_parallel>], iteration_bounds = array<i64: 2, 16>, scalar_prefetch = 0 : i64, scratch_operands = 28 : i64, tpu.core_type = #tpu.core_type<sc_vector_subcore>, window_params = [{transform_indices = #map}, {transform_indices = #map1}, {transform_indices = #map1}, {transform_indices = #map2}]} {
    %mul3A = arith.constant 2 : i32
    %mul3A_0 = arith.muli %arg1, %mul3A : i32
    %add3A = arith.addi %mul3A_0, %arg0 : i32
    %mul3A_1 = arith.constant 632 : i32
    %mul3A_2 = arith.muli %arg1, %mul3A_1 : i32
    %mul3A_3 = arith.constant 10000 : i32
    %mul3A_4 = arith.muli %add3A, %mul3A_3 : i32
    %broadcast_in_dim3A = arith.constant 0.000000e+00 : f32
    %broadcast_in_dim3A_5 = vector.broadcast %broadcast_in_dim3A : f32 to vector<16xf32>
    %scan3A = arith.constant 0 : i32
    %scan3A_6 = arith.constant 24 : i32
    %scan3A_7 = arith.addi %scan3A, %scan3A_6 : i32
    %scan3A_8 = arith.constant 1 : i32
    scf.for %scan3A_231 = %scan3A to %scan3A_7 step %scan3A_8  : i32 {
      %mul3A_232 = arith.constant 1 : i32
      %mul3A_233 = arith.muli %scan3A_231, %mul3A_232 : i32
      %add3A_234 = arith.constant 0 : i32
      %add3A_235 = arith.addi %add3A_234, %mul3A_233 : i32
      %scan3A_236 = arith.constant 0 : i32
      %scan3A_237 = arith.constant 8 : i32
      %scan3A_238 = arith.addi %scan3A_236, %scan3A_237 : i32
      %scan3A_239 = arith.constant 1 : i32
      scf.for %scan3A_241 = %scan3A_236 to %scan3A_238 step %scan3A_239  : i32 {
        %mul3A_242 = arith.constant 16 : i32
        %mul3A_243 = arith.muli %scan3A_241, %mul3A_242 : i32
        %add3A_244 = arith.constant 0 : i32
        %add3A_245 = arith.addi %add3A_244, %mul3A_243 : i32
        %swap3A = arith.index_cast %add3A_235 : i32 to index
        %swap3A_246 = arith.index_cast %add3A_245 : i32 to index
        %swap3A_247 = tpu.vector_load %arg17[%swap3A, %swap3A_246] {strides = array<i32>} : memref<24x128xf32, #tpu.memory_space<vmem>>, vector<16xf32>,
        tpu.vector_store %arg17[%swap3A, %swap3A_246], %broadcast_in_dim3A_5 {strides = array<i32>} : memref<24x128xf32, #tpu.memory_space<vmem>>, vector<16xf32>,
      }
      %scan3A_240 = arith.constant 8 : i32
    }
    %scan3A_9 = arith.constant 24 : i32
    %scan3A_10 = arith.constant 0 : i32
    %scan3A_11 = arith.constant 26 : i32
    %scan3A_12 = arith.addi %scan3A_10, %scan3A_11 : i32
    %scan3A_13 = arith.constant 1 : i32
    scf.for %scan3A_231 = %scan3A_10 to %scan3A_12 step %scan3A_13  : i32 {
      %mul3A_232 = arith.constant 24 : i32
      %mul3A_233 = arith.muli %scan3A_231, %mul3A_232 : i32
      %add3A_234 = arith.constant 0 : i32
      %add3A_235 = arith.addi %add3A_234, %mul3A_233 : i32
      %add3A_236 = arith.addi %mul3A_2, %add3A_235 : i32
      "tpu.region"() ({
        %run_scoped3A = tpu.sem_alloc : memref<!tpu.dma_semaphore, #tpu.memory_space<semaphore_mem>>
        %dma_start3A_237 = arith.constant 0 : i32
        %dma_start3A_238 = tpu.memref_slice %arg18[%add3A_236, %dma_start3A_237] : memref<10112x128xf32, #tpu.memory_space<vmem_shared>> -> memref<24x128xf32, #tpu.memory_space<vmem_shared>>
        %dma_start3A_239 = arith.constant 0 : i32
        %dma_start3A_240 = tpu.memref_slice %arg18[%add3A_236, %dma_start3A_239] : memref<10112x128xf32, #tpu.memory_space<vmem_shared>> -> memref<24x128xf32, #tpu.memory_space<vmem_shared>>
        tpu.enqueue_dma source(%arg17 : memref<24x128xf32, #tpu.memory_space<vmem>>) target(%dma_start3A_240 : memref<24x128xf32, #tpu.memory_space<vmem_shared>>) target_semaphore(%run_scoped3A : memref<!tpu.dma_semaphore, #tpu.memory_space<semaphore_mem>>)
        %dma_wait3A_241 = arith.constant 0 : i32
        %dma_wait3A_242 = tpu.memref_slice %arg18[%add3A_236, %dma_wait3A_241] : memref<10112x128xf32, #tpu.memory_space<vmem_shared>> -> memref<24x128xf32, #tpu.memory_space<vmem_shared>>
        %dma_wait3A_243 = arith.constant 0 : i32
        %dma_wait3A_244 = tpu.memref_slice %arg18[%add3A_236, %dma_wait3A_243] : memref<10112x128xf32, #tpu.memory_space<vmem_shared>> -> memref<24x128xf32, #tpu.memory_space<vmem_shared>>
        tpu.wait_dma2 semaphore(%run_scoped3A : memref<!tpu.dma_semaphore, #tpu.memory_space<semaphore_mem>>) src(%arg17 : memref<24x128xf32, #tpu.memory_space<vmem>>) dst(%dma_wait3A_244 : memref<24x128xf32, #tpu.memory_space<vmem_shared>>)
        tpu.yield
      }) : () -> ()
    }
    %scan3A_14 = arith.constant 26 : i32
    %add3A_15 = arith.constant 624 : i32
    %add3A_16 = arith.addi %mul3A_2, %add3A_15 : i32
    "tpu.region"() ({
      %run_scoped3A = tpu.sem_alloc : memref<!tpu.dma_semaphore, #tpu.memory_space<semaphore_mem>>
      %dma_start3A_231 = arith.constant 0 : i32
      %dma_start3A_232 = arith.constant 0 : i32
      %dma_start3A_233 = tpu.memref_slice %arg17[%dma_start3A_231, %dma_start3A_232] : memref<24x128xf32, #tpu.memory_space<vmem>> -> memref<8x128xf32, #tpu.memory_space<vmem>>
      %dma_start3A_234 = arith.constant 0 : i32
      %dma_start3A_235 = tpu.memref_slice %arg18[%add3A_16, %dma_start3A_234] : memref<10112x128xf32, #tpu.memory_space<vmem_shared>> -> memref<8x128xf32, #tpu.memory_space<vmem_shared>>
      %dma_start3A_236 = arith.constant 0 : i32
      %dma_start3A_237 = tpu.memref_slice %arg18[%add3A_16, %dma_start3A_236] : memref<10112x128xf32, #tpu.memory_space<vmem_shared>> -> memref<8x128xf32, #tpu.memory_space<vmem_shared>>
      %dma_start3A_238 = arith.constant 0 : i32
      %dma_start3A_239 = arith.constant 0 : i32
      %dma_start3A_240 = tpu.memref_slice %arg17[%dma_start3A_238, %dma_start3A_239] : memref<24x128xf32, #tpu.memory_space<vmem>> -> memref<8x128xf32, #tpu.memory_space<vmem>>
      tpu.enqueue_dma source(%dma_start3A_240 : memref<8x128xf32, #tpu.memory_space<vmem>>) target(%dma_start3A_237 : memref<8x128xf32, #tpu.memory_space<vmem_shared>>) target_semaphore(%run_scoped3A : memref<!tpu.dma_semaphore, #tpu.memory_space<semaphore_mem>>)
      %dma_wait3A_241 = arith.constant 0 : i32
      %dma_wait3A_242 = arith.constant 0 : i32
      %dma_wait3A_243 = tpu.memref_slice %arg17[%dma_wait3A_241, %dma_wait3A_242] : memref<24x128xf32, #tpu.memory_space<vmem>> -> memref<8x128xf32, #tpu.memory_space<vmem>>
      %dma_wait3A_244 = arith.constant 0 : i32
      %dma_wait3A_245 = tpu.memref_slice %arg18[%add3A_16, %dma_wait3A_244] : memref<10112x128xf32, #tpu.memory_space<vmem_shared>> -> memref<8x128xf32, #tpu.memory_space<vmem_shared>>
      %dma_wait3A_246 = arith.constant 0 : i32
      %dma_wait3A_247 = tpu.memref_slice %arg18[%add3A_16, %dma_wait3A_246] : memref<10112x128xf32, #tpu.memory_space<vmem_shared>> -> memref<8x128xf32, #tpu.memory_space<vmem_shared>>
      %dma_wait3A_248 = arith.constant 0 : i32
      %dma_wait3A_249 = arith.constant 0 : i32
      %dma_wait3A_250 = tpu.memref_slice %arg17[%dma_wait3A_248, %dma_wait3A_249] : memref<24x128xf32, #tpu.memory_space<vmem>> -> memref<8x128xf32, #tpu.memory_space<vmem>>
      tpu.wait_dma2 semaphore(%run_scoped3A : memref<!tpu.dma_semaphore, #tpu.memory_space<semaphore_mem>>) src(%dma_wait3A_250 : memref<8x128xf32, #tpu.memory_space<vmem>>) dst(%dma_wait3A_247 : memref<8x128xf32, #tpu.memory_space<vmem_shared>>)
      tpu.yield
    }) : () -> ()
    %add3A_17 = arith.constant 0 : i32
    %add3A_18 = arith.addi %mul3A_4, %add3A_17 : i32
    %dma_start3A = tpu.memref_slice %arg3[%add3A_18] : memref<320000xi32, #tpu.memory_space<hbm>> -> memref<40xi32, #tpu.memory_space<hbm>>
    %dma_start3A_19 = tpu.memref_slice %arg3[%add3A_18] : memref<320000xi32, #tpu.memory_space<hbm>> -> memref<40xi32, #tpu.memory_space<hbm>>
    tpu.enqueue_dma source(%dma_start3A_19 : memref<40xi32, #tpu.memory_space<hbm>>) target(%arg6 : memref<40xi32, #tpu.memory_space<vmem>>) target_semaphore(%arg19 : memref<!tpu.dma_semaphore, #tpu.memory_space<semaphore_mem>>)
    %dma_start3A_20 = tpu.memref_slice %arg4[%add3A_18] : memref<320000xi32, #tpu.memory_space<hbm>> -> memref<40xi32, #tpu.memory_space<hbm>>
    %dma_start3A_21 = tpu.memref_slice %arg4[%add3A_18] : memref<320000xi32, #tpu.memory_space<hbm>> -> memref<40xi32, #tpu.memory_space<hbm>>
    tpu.enqueue_dma source(%dma_start3A_21 : memref<40xi32, #tpu.memory_space<hbm>>) target(%arg11 : memref<40xi32, #tpu.memory_space<vmem>>) target_semaphore(%arg19 : memref<!tpu.dma_semaphore, #tpu.memory_space<semaphore_mem>>)
    %dma_wait3A = tpu.memref_slice %arg3[%add3A_18] : memref<320000xi32, #tpu.memory_space<hbm>> -> memref<40xi32, #tpu.memory_space<hbm>>
    %dma_wait3A_22 = tpu.memref_slice %arg3[%add3A_18] : memref<320000xi32, #tpu.memory_space<hbm>> -> memref<40xi32, #tpu.memory_space<hbm>>
    tpu.wait_dma2 semaphore(%arg19 : memref<!tpu.dma_semaphore, #tpu.memory_space<semaphore_mem>>) src(%dma_wait3A_22 : memref<40xi32, #tpu.memory_space<hbm>>) dst(%arg6 : memref<40xi32, #tpu.memory_space<vmem>>)
    %dma_wait3A_23 = tpu.memref_slice %arg4[%add3A_18] : memref<320000xi32, #tpu.memory_space<hbm>> -> memref<40xi32, #tpu.memory_space<hbm>>
    %dma_wait3A_24 = tpu.memref_slice %arg4[%add3A_18] : memref<320000xi32, #tpu.memory_space<hbm>> -> memref<40xi32, #tpu.memory_space<hbm>>
    tpu.wait_dma2 semaphore(%arg19 : memref<!tpu.dma_semaphore, #tpu.memory_space<semaphore_mem>>) src(%dma_wait3A_24 : memref<40xi32, #tpu.memory_space<hbm>>) dst(%arg11 : memref<40xi32, #tpu.memory_space<vmem>>)
    %dma_start3A_25 = arith.constant 0 : i32
    %dma_start3A_26 = arith.constant 0 : i32
    %dma_start3A_27 = arith.constant 0 : i32
    %dma_start3A_28 = tpu.memref_slice %arg16[%dma_start3A_25, %dma_start3A_26, %dma_start3A_27] : memref<5x40x128xf32, #tpu.memory_space<vmem>> -> memref<1x40x128xf32, #tpu.memory_space<vmem>>
    %dma_start3A_29 = tpu.memref_squeeze %dma_start3A_28 : memref<1x40x128xf32, #tpu.memory_space<vmem>> -> memref<40x128xf32, #tpu.memory_space<vmem>>
    %dma_start3A_30 = arith.constant 0 : i32
    %dma_start3A_31 = arith.constant 0 : i32
    %dma_start3A_32 = tpu.memref_slice %arg2[%dma_start3A_30, %dma_start3A_31] : memref<10000x128xf32, #tpu.memory_space<hbm>> -> memref<10000x128xf32, #tpu.memory_space<hbm>>
    tpu.enqueue_indirect_dma source(%dma_start3A_32 : memref<10000x128xf32, #tpu.memory_space<hbm>>) target(%dma_start3A_29 : memref<40x128xf32, #tpu.memory_space<vmem>>) offsets(%arg6 : memref<40xi32, #tpu.memory_space<vmem>>) semaphore(%arg24 : memref<!tpu.dma_semaphore, #tpu.memory_space<semaphore_mem>>)
    %add3A_33 = arith.constant 40 : i32
    %add3A_34 = arith.addi %mul3A_4, %add3A_33 : i32
    %dma_start3A_35 = tpu.memref_slice %arg3[%add3A_34] : memref<320000xi32, #tpu.memory_space<hbm>> -> memref<40xi32, #tpu.memory_space<hbm>>
    %dma_start3A_36 = tpu.memref_slice %arg3[%add3A_34] : memref<320000xi32, #tpu.memory_space<hbm>> -> memref<40xi32, #tpu.memory_space<hbm>>
    tpu.enqueue_dma source(%dma_start3A_36 : memref<40xi32, #tpu.memory_space<hbm>>) target(%arg7 : memref<40xi32, #tpu.memory_space<vmem>>) target_semaphore(%arg20 : memref<!tpu.dma_semaphore, #tpu.memory_space<semaphore_mem>>)
    %dma_start3A_37 = tpu.memref_slice %arg4[%add3A_34] : memref<320000xi32, #tpu.memory_space<hbm>> -> memref<40xi32, #tpu.memory_space<hbm>>
    %dma_start3A_38 = tpu.memref_slice %arg4[%add3A_34] : memref<320000xi32, #tpu.memory_space<hbm>> -> memref<40xi32, #tpu.memory_space<hbm>>
    tpu.enqueue_dma source(%dma_start3A_38 : memref<40xi32, #tpu.memory_space<hbm>>) target(%arg12 : memref<40xi32, #tpu.memory_space<vmem>>) target_semaphore(%arg20 : memref<!tpu.dma_semaphore, #tpu.memory_space<semaphore_mem>>)
    %dma_wait3A_39 = tpu.memref_slice %arg3[%add3A_34] : memref<320000xi32, #tpu.memory_space<hbm>> -> memref<40xi32, #tpu.memory_space<hbm>>
    %dma_wait3A_40 = tpu.memref_slice %arg3[%add3A_34] : memref<320000xi32, #tpu.memory_space<hbm>> -> memref<40xi32, #tpu.memory_space<hbm>>
    tpu.wait_dma2 semaphore(%arg20 : memref<!tpu.dma_semaphore, #tpu.memory_space<semaphore_mem>>) src(%dma_wait3A_40 : memref<40xi32, #tpu.memory_space<hbm>>) dst(%arg7 : memref<40xi32, #tpu.memory_space<vmem>>)
    %dma_wait3A_41 = tpu.memref_slice %arg4[%add3A_34] : memref<320000xi32, #tpu.memory_space<hbm>> -> memref<40xi32, #tpu.memory_space<hbm>>
    %dma_wait3A_42 = tpu.memref_slice %arg4[%add3A_34] : memref<320000xi32, #tpu.memory_space<hbm>> -> memref<40xi32, #tpu.memory_space<hbm>>
    tpu.wait_dma2 semaphore(%arg20 : memref<!tpu.dma_semaphore, #tpu.memory_space<semaphore_mem>>) src(%dma_wait3A_42 : memref<40xi32, #tpu.memory_space<hbm>>) dst(%arg12 : memref<40xi32, #tpu.memory_space<vmem>>)
    %dma_start3A_43 = arith.constant 1 : i32
    %dma_start3A_44 = arith.constant 0 : i32
    %dma_start3A_45 = arith.constant 0 : i32
    %dma_start3A_46 = tpu.memref_slice %arg16[%dma_start3A_43, %dma_start3A_44, %dma_start3A_45] : memref<5x40x128xf32, #tpu.memory_space<vmem>> -> memref<1x40x128xf32, #tpu.memory_space<vmem>>
    %dma_start3A_47 = tpu.memref_squeeze %dma_start3A_46 : memref<1x40x128xf32, #tpu.memory_space<vmem>> -> memref<40x128xf32, #tpu.memory_space<vmem>>
    %dma_start3A_48 = arith.constant 0 : i32
    %dma_start3A_49 = arith.constant 0 : i32
    %dma_start3A_50 = tpu.memref_slice %arg2[%dma_start3A_48, %dma_start3A_49] : memref<10000x128xf32, #tpu.memory_space<hbm>> -> memref<10000x128xf32, #tpu.memory_space<hbm>>
    tpu.enqueue_indirect_dma source(%dma_start3A_50 : memref<10000x128xf32, #tpu.memory_space<hbm>>) target(%dma_start3A_47 : memref<40x128xf32, #tpu.memory_space<vmem>>) offsets(%arg7 : memref<40xi32, #tpu.memory_space<vmem>>) semaphore(%arg25 : memref<!tpu.dma_semaphore, #tpu.memory_space<semaphore_mem>>)
    %add3A_51 = arith.constant 80 : i32
    %add3A_52 = arith.addi %mul3A_4, %add3A_51 : i32
    %dma_start3A_53 = tpu.memref_slice %arg3[%add3A_52] : memref<320000xi32, #tpu.memory_space<hbm>> -> memref<40xi32, #tpu.memory_space<hbm>>
    %dma_start3A_54 = tpu.memref_slice %arg3[%add3A_52] : memref<320000xi32, #tpu.memory_space<hbm>> -> memref<40xi32, #tpu.memory_space<hbm>>
    tpu.enqueue_dma source(%dma_start3A_54 : memref<40xi32, #tpu.memory_space<hbm>>) target(%arg8 : memref<40xi32, #tpu.memory_space<vmem>>) target_semaphore(%arg21 : memref<!tpu.dma_semaphore, #tpu.memory_space<semaphore_mem>>)
    %dma_start3A_55 = tpu.memref_slice %arg4[%add3A_52] : memref<320000xi32, #tpu.memory_space<hbm>> -> memref<40xi32, #tpu.memory_space<hbm>>
    %dma_start3A_56 = tpu.memref_slice %arg4[%add3A_52] : memref<320000xi32, #tpu.memory_space<hbm>> -> memref<40xi32, #tpu.memory_space<hbm>>
    tpu.enqueue_dma source(%dma_start3A_56 : memref<40xi32, #tpu.memory_space<hbm>>) target(%arg13 : memref<40xi32, #tpu.memory_space<vmem>>) target_semaphore(%arg21 : memref<!tpu.dma_semaphore, #tpu.memory_space<semaphore_mem>>)
    %dma_wait3A_57 = tpu.memref_slice %arg3[%add3A_52] : memref<320000xi32, #tpu.memory_space<hbm>> -> memref<40xi32, #tpu.memory_space<hbm>>
    %dma_wait3A_58 = tpu.memref_slice %arg3[%add3A_52] : memref<320000xi32, #tpu.memory_space<hbm>> -> memref<40xi32, #tpu.memory_space<hbm>>
    tpu.wait_dma2 semaphore(%arg21 : memref<!tpu.dma_semaphore, #tpu.memory_space<semaphore_mem>>) src(%dma_wait3A_58 : memref<40xi32, #tpu.memory_space<hbm>>) dst(%arg8 : memref<40xi32, #tpu.memory_space<vmem>>)
    %dma_wait3A_59 = tpu.memref_slice %arg4[%add3A_52] : memref<320000xi32, #tpu.memory_space<hbm>> -> memref<40xi32, #tpu.memory_space<hbm>>
    %dma_wait3A_60 = tpu.memref_slice %arg4[%add3A_52] : memref<320000xi32, #tpu.memory_space<hbm>> -> memref<40xi32, #tpu.memory_space<hbm>>
    tpu.wait_dma2 semaphore(%arg21 : memref<!tpu.dma_semaphore, #tpu.memory_space<semaphore_mem>>) src(%dma_wait3A_60 : memref<40xi32, #tpu.memory_space<hbm>>) dst(%arg13 : memref<40xi32, #tpu.memory_space<vmem>>)
    %dma_start3A_61 = arith.constant 2 : i32
    %dma_start3A_62 = arith.constant 0 : i32
    %dma_start3A_63 = arith.constant 0 : i32
    %dma_start3A_64 = tpu.memref_slice %arg16[%dma_start3A_61, %dma_start3A_62, %dma_start3A_63] : memref<5x40x128xf32, #tpu.memory_space<vmem>> -> memref<1x40x128xf32, #tpu.memory_space<vmem>>
    %dma_start3A_65 = tpu.memref_squeeze %dma_start3A_64 : memref<1x40x128xf32, #tpu.memory_space<vmem>> -> memref<40x128xf32, #tpu.memory_space<vmem>>
    %dma_start3A_66 = arith.constant 0 : i32
    %dma_start3A_67 = arith.constant 0 : i32
    %dma_start3A_68 = tpu.memref_slice %arg2[%dma_start3A_66, %dma_start3A_67] : memref<10000x128xf32, #tpu.memory_space<hbm>> -> memref<10000x128xf32, #tpu.memory_space<hbm>>
    tpu.enqueue_indirect_dma source(%dma_start3A_68 : memref<10000x128xf32, #tpu.memory_space<hbm>>) target(%dma_start3A_65 : memref<40x128xf32, #tpu.memory_space<vmem>>) offsets(%arg8 : memref<40xi32, #tpu.memory_space<vmem>>) semaphore(%arg26 : memref<!tpu.dma_semaphore, #tpu.memory_space<semaphore_mem>>)
    %add3A_69 = arith.constant 120 : i32
    %add3A_70 = arith.addi %mul3A_4, %add3A_69 : i32
    %dma_start3A_71 = tpu.memref_slice %arg3[%add3A_70] : memref<320000xi32, #tpu.memory_space<hbm>> -> memref<40xi32, #tpu.memory_space<hbm>>
    %dma_start3A_72 = tpu.memref_slice %arg3[%add3A_70] : memref<320000xi32, #tpu.memory_space<hbm>> -> memref<40xi32, #tpu.memory_space<hbm>>
    tpu.enqueue_dma source(%dma_start3A_72 : memref<40xi32, #tpu.memory_space<hbm>>) target(%arg9 : memref<40xi32, #tpu.memory_space<vmem>>) target_semaphore(%arg22 : memref<!tpu.dma_semaphore, #tpu.memory_space<semaphore_mem>>)
    %dma_start3A_73 = tpu.memref_slice %arg4[%add3A_70] : memref<320000xi32, #tpu.memory_space<hbm>> -> memref<40xi32, #tpu.memory_space<hbm>>
    %dma_start3A_74 = tpu.memref_slice %arg4[%add3A_70] : memref<320000xi32, #tpu.memory_space<hbm>> -> memref<40xi32, #tpu.memory_space<hbm>>
    tpu.enqueue_dma source(%dma_start3A_74 : memref<40xi32, #tpu.memory_space<hbm>>) target(%arg14 : memref<40xi32, #tpu.memory_space<vmem>>) target_semaphore(%arg22 : memref<!tpu.dma_semaphore, #tpu.memory_space<semaphore_mem>>)
    %dma_wait3A_75 = tpu.memref_slice %arg3[%add3A_70] : memref<320000xi32, #tpu.memory_space<hbm>> -> memref<40xi32, #tpu.memory_space<hbm>>
    %dma_wait3A_76 = tpu.memref_slice %arg3[%add3A_70] : memref<320000xi32, #tpu.memory_space<hbm>> -> memref<40xi32, #tpu.memory_space<hbm>>
    tpu.wait_dma2 semaphore(%arg22 : memref<!tpu.dma_semaphore, #tpu.memory_space<semaphore_mem>>) src(%dma_wait3A_76 : memref<40xi32, #tpu.memory_space<hbm>>) dst(%arg9 : memref<40xi32, #tpu.memory_space<vmem>>)
    %dma_wait3A_77 = tpu.memref_slice %arg4[%add3A_70] : memref<320000xi32, #tpu.memory_space<hbm>> -> memref<40xi32, #tpu.memory_space<hbm>>
    %dma_wait3A_78 = tpu.memref_slice %arg4[%add3A_70] : memref<320000xi32, #tpu.memory_space<hbm>> -> memref<40xi32, #tpu.memory_space<hbm>>
    tpu.wait_dma2 semaphore(%arg22 : memref<!tpu.dma_semaphore, #tpu.memory_space<semaphore_mem>>) src(%dma_wait3A_78 : memref<40xi32, #tpu.memory_space<hbm>>) dst(%arg14 : memref<40xi32, #tpu.memory_space<vmem>>)
    %dma_start3A_79 = arith.constant 3 : i32
    %dma_start3A_80 = arith.constant 0 : i32
    %dma_start3A_81 = arith.constant 0 : i32
    %dma_start3A_82 = tpu.memref_slice %arg16[%dma_start3A_79, %dma_start3A_80, %dma_start3A_81] : memref<5x40x128xf32, #tpu.memory_space<vmem>> -> memref<1x40x128xf32, #tpu.memory_space<vmem>>
    %dma_start3A_83 = tpu.memref_squeeze %dma_start3A_82 : memref<1x40x128xf32, #tpu.memory_space<vmem>> -> memref<40x128xf32, #tpu.memory_space<vmem>>
    %dma_start3A_84 = arith.constant 0 : i32
    %dma_start3A_85 = arith.constant 0 : i32
    %dma_start3A_86 = tpu.memref_slice %arg2[%dma_start3A_84, %dma_start3A_85] : memref<10000x128xf32, #tpu.memory_space<hbm>> -> memref<10000x128xf32, #tpu.memory_space<hbm>>
    tpu.enqueue_indirect_dma source(%dma_start3A_86 : memref<10000x128xf32, #tpu.memory_space<hbm>>) target(%dma_start3A_83 : memref<40x128xf32, #tpu.memory_space<vmem>>) offsets(%arg9 : memref<40xi32, #tpu.memory_space<vmem>>) semaphore(%arg27 : memref<!tpu.dma_semaphore, #tpu.memory_space<semaphore_mem>>)
    %add3A_87 = arith.constant 160 : i32
    %add3A_88 = arith.addi %mul3A_4, %add3A_87 : i32
    %dma_start3A_89 = tpu.memref_slice %arg3[%add3A_88] : memref<320000xi32, #tpu.memory_space<hbm>> -> memref<40xi32, #tpu.memory_space<hbm>>
    %dma_start3A_90 = tpu.memref_slice %arg3[%add3A_88] : memref<320000xi32, #tpu.memory_space<hbm>> -> memref<40xi32, #tpu.memory_space<hbm>>
    tpu.enqueue_dma source(%dma_start3A_90 : memref<40xi32, #tpu.memory_space<hbm>>) target(%arg10 : memref<40xi32, #tpu.memory_space<vmem>>) target_semaphore(%arg23 : memref<!tpu.dma_semaphore, #tpu.memory_space<semaphore_mem>>)
    %dma_start3A_91 = tpu.memref_slice %arg4[%add3A_88] : memref<320000xi32, #tpu.memory_space<hbm>> -> memref<40xi32, #tpu.memory_space<hbm>>
    %dma_start3A_92 = tpu.memref_slice %arg4[%add3A_88] : memref<320000xi32, #tpu.memory_space<hbm>> -> memref<40xi32, #tpu.memory_space<hbm>>
    tpu.enqueue_dma source(%dma_start3A_92 : memref<40xi32, #tpu.memory_space<hbm>>) target(%arg15 : memref<40xi32, #tpu.memory_space<vmem>>) target_semaphore(%arg23 : memref<!tpu.dma_semaphore, #tpu.memory_space<semaphore_mem>>)
    %dma_wait3A_93 = tpu.memref_slice %arg3[%add3A_88] : memref<320000xi32, #tpu.memory_space<hbm>> -> memref<40xi32, #tpu.memory_space<hbm>>
    %dma_wait3A_94 = tpu.memref_slice %arg3[%add3A_88] : memref<320000xi32, #tpu.memory_space<hbm>> -> memref<40xi32, #tpu.memory_space<hbm>>
    tpu.wait_dma2 semaphore(%arg23 : memref<!tpu.dma_semaphore, #tpu.memory_space<semaphore_mem>>) src(%dma_wait3A_94 : memref<40xi32, #tpu.memory_space<hbm>>) dst(%arg10 : memref<40xi32, #tpu.memory_space<vmem>>)
    %dma_wait3A_95 = tpu.memref_slice %arg4[%add3A_88] : memref<320000xi32, #tpu.memory_space<hbm>> -> memref<40xi32, #tpu.memory_space<hbm>>
    %dma_wait3A_96 = tpu.memref_slice %arg4[%add3A_88] : memref<320000xi32, #tpu.memory_space<hbm>> -> memref<40xi32, #tpu.memory_space<hbm>>
    tpu.wait_dma2 semaphore(%arg23 : memref<!tpu.dma_semaphore, #tpu.memory_space<semaphore_mem>>) src(%dma_wait3A_96 : memref<40xi32, #tpu.memory_space<hbm>>) dst(%arg15 : memref<40xi32, #tpu.memory_space<vmem>>)
    %dma_start3A_97 = arith.constant 4 : i32
    %dma_start3A_98 = arith.constant 0 : i32
    %dma_start3A_99 = arith.constant 0 : i32
    %dma_start3A_100 = tpu.memref_slice %arg16[%dma_start3A_97, %dma_start3A_98, %dma_start3A_99] : memref<5x40x128xf32, #tpu.memory_space<vmem>> -> memref<1x40x128xf32, #tpu.memory_space<vmem>>
    %dma_start3A_101 = tpu.memref_squeeze %dma_start3A_100 : memref<1x40x128xf32, #tpu.memory_space<vmem>> -> memref<40x128xf32, #tpu.memory_space<vmem>>
    %dma_start3A_102 = arith.constant 0 : i32
    %dma_start3A_103 = arith.constant 0 : i32
    %dma_start3A_104 = tpu.memref_slice %arg2[%dma_start3A_102, %dma_start3A_103] : memref<10000x128xf32, #tpu.memory_space<hbm>> -> memref<10000x128xf32, #tpu.memory_space<hbm>>
    tpu.enqueue_indirect_dma source(%dma_start3A_104 : memref<10000x128xf32, #tpu.memory_space<hbm>>) target(%dma_start3A_101 : memref<40x128xf32, #tpu.memory_space<vmem>>) offsets(%arg10 : memref<40xi32, #tpu.memory_space<vmem>>) semaphore(%arg28 : memref<!tpu.dma_semaphore, #tpu.memory_space<semaphore_mem>>)
    %barrier3A = arith.constant 0 : index
    tpu.barrier barrier_id(%barrier3A)
    %scan3A_105 = arith.constant 0 : i32
    %scan3A_106 = arith.constant 49 : i32
    %scan3A_107 = arith.addi %scan3A_105, %scan3A_106 : i32
    %scan3A_108 = arith.constant 1 : i32
    scf.for %scan3A_231 = %scan3A_105 to %scan3A_107 step %scan3A_108  : i32 {
      %mul3A_232 = arith.constant 1 : i32
      %mul3A_233 = arith.muli %scan3A_231, %mul3A_232 : i32
      %add3A_234 = arith.constant 0 : i32
      %add3A_235 = arith.addi %add3A_234, %mul3A_233 : i32
      %dma_wait3A_236 = arith.constant 0 : i32
      %dma_wait3A_237 = arith.constant 0 : i32
      %dma_wait3A_238 = arith.constant 0 : i32
      %dma_wait3A_239 = tpu.memref_slice %arg16[%dma_wait3A_236, %dma_wait3A_237, %dma_wait3A_238] : memref<5x40x128xf32, #tpu.memory_space<vmem>> -> memref<1x40x128xf32, #tpu.memory_space<vmem>>
      %dma_wait3A_240 = tpu.memref_squeeze %dma_wait3A_239 : memref<1x40x128xf32, #tpu.memory_space<vmem>> -> memref<40x128xf32, #tpu.memory_space<vmem>>
      %dma_wait3A_241 = arith.constant 0 : i32
      %dma_wait3A_242 = arith.constant 0 : i32
      %dma_wait3A_243 = tpu.memref_slice %arg2[%dma_wait3A_241, %dma_wait3A_242] : memref<10000x128xf32, #tpu.memory_space<hbm>> -> memref<10000x128xf32, #tpu.memory_space<hbm>>
      tpu.wait_indirect_dma semaphore(%arg24 : memref<!tpu.dma_semaphore, #tpu.memory_space<semaphore_mem>>) src(%dma_wait3A_243 : memref<10000x128xf32, #tpu.memory_space<hbm>>) dst(%dma_wait3A_240 : memref<40x128xf32, #tpu.memory_space<vmem>>)
      %dma_start3A_244 = arith.constant 0 : i32
      %dma_start3A_245 = arith.constant 0 : i32
      %dma_start3A_246 = arith.constant 0 : i32
      %dma_start3A_247 = tpu.memref_slice %arg16[%dma_start3A_244, %dma_start3A_245, %dma_start3A_246] : memref<5x40x128xf32, #tpu.memory_space<vmem>> -> memref<1x40x128xf32, #tpu.memory_space<vmem>>
      %dma_start3A_248 = tpu.memref_squeeze %dma_start3A_247 : memref<1x40x128xf32, #tpu.memory_space<vmem>> -> memref<40x128xf32, #tpu.memory_space<vmem>>
      %dma_start3A_249 = arith.constant 0 : i32
      %dma_start3A_250 = arith.constant 0 : i32
      %dma_start3A_251 = tpu.memref_slice %arg18[%dma_start3A_249, %dma_start3A_250] : memref<10112x128xf32, #tpu.memory_space<vmem_shared>> -> memref<10112x128xf32, #tpu.memory_space<vmem_shared>>
      tpu.enqueue_indirect_dma source(%dma_start3A_248 : memref<40x128xf32, #tpu.memory_space<vmem>>) target(%dma_start3A_251 : memref<10112x128xf32, #tpu.memory_space<vmem_shared>>) offsets(%arg11 : memref<40xi32, #tpu.memory_space<vmem>>) semaphore(%arg29 : memref<!tpu.dma_semaphore, #tpu.memory_space<semaphore_mem>>) {add = true}
      %dma_wait3A_252 = arith.constant 1 : i32
      %dma_wait3A_253 = arith.constant 0 : i32
      %dma_wait3A_254 = arith.constant 0 : i32
      %dma_wait3A_255 = tpu.memref_slice %arg16[%dma_wait3A_252, %dma_wait3A_253, %dma_wait3A_254] : memref<5x40x128xf32, #tpu.memory_space<vmem>> -> memref<1x40x128xf32, #tpu.memory_space<vmem>>
      %dma_wait3A_256 = tpu.memref_squeeze %dma_wait3A_255 : memref<1x40x128xf32, #tpu.memory_space<vmem>> -> memref<40x128xf32, #tpu.memory_space<vmem>>
      %dma_wait3A_257 = arith.constant 0 : i32
      %dma_wait3A_258 = arith.constant 0 : i32
      %dma_wait3A_259 = tpu.memref_slice %arg2[%dma_wait3A_257, %dma_wait3A_258] : memref<10000x128xf32, #tpu.memory_space<hbm>> -> memref<10000x128xf32, #tpu.memory_space<hbm>>
      tpu.wait_indirect_dma semaphore(%arg25 : memref<!tpu.dma_semaphore, #tpu.memory_space<semaphore_mem>>) src(%dma_wait3A_259 : memref<10000x128xf32, #tpu.memory_space<hbm>>) dst(%dma_wait3A_256 : memref<40x128xf32, #tpu.memory_space<vmem>>)
      %dma_start3A_260 = arith.constant 1 : i32
      %dma_start3A_261 = arith.constant 0 : i32
      %dma_start3A_262 = arith.constant 0 : i32
      %dma_start3A_263 = tpu.memref_slice %arg16[%dma_start3A_260, %dma_start3A_261, %dma_start3A_262] : memref<5x40x128xf32, #tpu.memory_space<vmem>> -> memref<1x40x128xf32, #tpu.memory_space<vmem>>
      %dma_start3A_264 = tpu.memref_squeeze %dma_start3A_263 : memref<1x40x128xf32, #tpu.memory_space<vmem>> -> memref<40x128xf32, #tpu.memory_space<vmem>>
      %dma_start3A_265 = arith.constant 0 : i32
      %dma_start3A_266 = arith.constant 0 : i32
      %dma_start3A_267 = tpu.memref_slice %arg18[%dma_start3A_265, %dma_start3A_266] : memref<10112x128xf32, #tpu.memory_space<vmem_shared>> -> memref<10112x128xf32, #tpu.memory_space<vmem_shared>>
      tpu.enqueue_indirect_dma source(%dma_start3A_264 : memref<40x128xf32, #tpu.memory_space<vmem>>) target(%dma_start3A_267 : memref<10112x128xf32, #tpu.memory_space<vmem_shared>>) offsets(%arg12 : memref<40xi32, #tpu.memory_space<vmem>>) semaphore(%arg30 : memref<!tpu.dma_semaphore, #tpu.memory_space<semaphore_mem>>) {add = true}
      %dma_wait3A_268 = arith.constant 2 : i32
      %dma_wait3A_269 = arith.constant 0 : i32
      %dma_wait3A_270 = arith.constant 0 : i32
      %dma_wait3A_271 = tpu.memref_slice %arg16[%dma_wait3A_268, %dma_wait3A_269, %dma_wait3A_270] : memref<5x40x128xf32, #tpu.memory_space<vmem>> -> memref<1x40x128xf32, #tpu.memory_space<vmem>>
      %dma_wait3A_272 = tpu.memref_squeeze %dma_wait3A_271 : memref<1x40x128xf32, #tpu.memory_space<vmem>> -> memref<40x128xf32, #tpu.memory_space<vmem>>
      %dma_wait3A_273 = arith.constant 0 : i32
      %dma_wait3A_274 = arith.constant 0 : i32
      %dma_wait3A_275 = tpu.memref_slice %arg2[%dma_wait3A_273, %dma_wait3A_274] : memref<10000x128xf32, #tpu.memory_space<hbm>> -> memref<10000x128xf32, #tpu.memory_space<hbm>>
      tpu.wait_indirect_dma semaphore(%arg26 : memref<!tpu.dma_semaphore, #tpu.memory_space<semaphore_mem>>) src(%dma_wait3A_275 : memref<10000x128xf32, #tpu.memory_space<hbm>>) dst(%dma_wait3A_272 : memref<40x128xf32, #tpu.memory_space<vmem>>)
      %dma_start3A_276 = arith.constant 2 : i32
      %dma_start3A_277 = arith.constant 0 : i32
      %dma_start3A_278 = arith.constant 0 : i32
      %dma_start3A_279 = tpu.memref_slice %arg16[%dma_start3A_276, %dma_start3A_277, %dma_start3A_278] : memref<5x40x128xf32, #tpu.memory_space<vmem>> -> memref<1x40x128xf32, #tpu.memory_space<vmem>>
      %dma_start3A_280 = tpu.memref_squeeze %dma_start3A_279 : memref<1x40x128xf32, #tpu.memory_space<vmem>> -> memref<40x128xf32, #tpu.memory_space<vmem>>
      %dma_start3A_281 = arith.constant 0 : i32
      %dma_start3A_282 = arith.constant 0 : i32
      %dma_start3A_283 = tpu.memref_slice %arg18[%dma_start3A_281, %dma_start3A_282] : memref<10112x128xf32, #tpu.memory_space<vmem_shared>> -> memref<10112x128xf32, #tpu.memory_space<vmem_shared>>
      tpu.enqueue_indirect_dma source(%dma_start3A_280 : memref<40x128xf32, #tpu.memory_space<vmem>>) target(%dma_start3A_283 : memref<10112x128xf32, #tpu.memory_space<vmem_shared>>) offsets(%arg13 : memref<40xi32, #tpu.memory_space<vmem>>) semaphore(%arg31 : memref<!tpu.dma_semaphore, #tpu.memory_space<semaphore_mem>>) {add = true}
      %dma_wait3A_284 = arith.constant 3 : i32
      %dma_wait3A_285 = arith.constant 0 : i32
      %dma_wait3A_286 = arith.constant 0 : i32
      %dma_wait3A_287 = tpu.memref_slice %arg16[%dma_wait3A_284, %dma_wait3A_285, %dma_wait3A_286] : memref<5x40x128xf32, #tpu.memory_space<vmem>> -> memref<1x40x128xf32, #tpu.memory_space<vmem>>
      %dma_wait3A_288 = tpu.memref_squeeze %dma_wait3A_287 : memref<1x40x128xf32, #tpu.memory_space<vmem>> -> memref<40x128xf32, #tpu.memory_space<vmem>>
      %dma_wait3A_289 = arith.constant 0 : i32
      %dma_wait3A_290 = arith.constant 0 : i32
      %dma_wait3A_291 = tpu.memref_slice %arg2[%dma_wait3A_289, %dma_wait3A_290] : memref<10000x128xf32, #tpu.memory_space<hbm>> -> memref<10000x128xf32, #tpu.memory_space<hbm>>
      tpu.wait_indirect_dma semaphore(%arg27 : memref<!tpu.dma_semaphore, #tpu.memory_space<semaphore_mem>>) src(%dma_wait3A_291 : memref<10000x128xf32, #tpu.memory_space<hbm>>) dst(%dma_wait3A_288 : memref<40x128xf32, #tpu.memory_space<vmem>>)
      %dma_start3A_292 = arith.constant 3 : i32
      %dma_start3A_293 = arith.constant 0 : i32
      %dma_start3A_294 = arith.constant 0 : i32
      %dma_start3A_295 = tpu.memref_slice %arg16[%dma_start3A_292, %dma_start3A_293, %dma_start3A_294] : memref<5x40x128xf32, #tpu.memory_space<vmem>> -> memref<1x40x128xf32, #tpu.memory_space<vmem>>
      %dma_start3A_296 = tpu.memref_squeeze %dma_start3A_295 : memref<1x40x128xf32, #tpu.memory_space<vmem>> -> memref<40x128xf32, #tpu.memory_space<vmem>>
      %dma_start3A_297 = arith.constant 0 : i32
      %dma_start3A_298 = arith.constant 0 : i32
      %dma_start3A_299 = tpu.memref_slice %arg18[%dma_start3A_297, %dma_start3A_298] : memref<10112x128xf32, #tpu.memory_space<vmem_shared>> -> memref<10112x128xf32, #tpu.memory_space<vmem_shared>>
      tpu.enqueue_indirect_dma source(%dma_start3A_296 : memref<40x128xf32, #tpu.memory_space<vmem>>) target(%dma_start3A_299 : memref<10112x128xf32, #tpu.memory_space<vmem_shared>>) offsets(%arg14 : memref<40xi32, #tpu.memory_space<vmem>>) semaphore(%arg32 : memref<!tpu.dma_semaphore, #tpu.memory_space<semaphore_mem>>) {add = true}
      %dma_wait3A_300 = arith.constant 4 : i32
      %dma_wait3A_301 = arith.constant 0 : i32
      %dma_wait3A_302 = arith.constant 0 : i32
      %dma_wait3A_303 = tpu.memref_slice %arg16[%dma_wait3A_300, %dma_wait3A_301, %dma_wait3A_302] : memref<5x40x128xf32, #tpu.memory_space<vmem>> -> memref<1x40x128xf32, #tpu.memory_space<vmem>>
      %dma_wait3A_304 = tpu.memref_squeeze %dma_wait3A_303 : memref<1x40x128xf32, #tpu.memory_space<vmem>> -> memref<40x128xf32, #tpu.memory_space<vmem>>
      %dma_wait3A_305 = arith.constant 0 : i32
      %dma_wait3A_306 = arith.constant 0 : i32
      %dma_wait3A_307 = tpu.memref_slice %arg2[%dma_wait3A_305, %dma_wait3A_306] : memref<10000x128xf32, #tpu.memory_space<hbm>> -> memref<10000x128xf32, #tpu.memory_space<hbm>>
      tpu.wait_indirect_dma semaphore(%arg28 : memref<!tpu.dma_semaphore, #tpu.memory_space<semaphore_mem>>) src(%dma_wait3A_307 : memref<10000x128xf32, #tpu.memory_space<hbm>>) dst(%dma_wait3A_304 : memref<40x128xf32, #tpu.memory_space<vmem>>)
      %dma_start3A_308 = arith.constant 4 : i32
      %dma_start3A_309 = arith.constant 0 : i32
      %dma_start3A_310 = arith.constant 0 : i32
      %dma_start3A_311 = tpu.memref_slice %arg16[%dma_start3A_308, %dma_start3A_309, %dma_start3A_310] : memref<5x40x128xf32, #tpu.memory_space<vmem>> -> memref<1x40x128xf32, #tpu.memory_space<vmem>>
      %dma_start3A_312 = tpu.memref_squeeze %dma_start3A_311 : memref<1x40x128xf32, #tpu.memory_space<vmem>> -> memref<40x128xf32, #tpu.memory_space<vmem>>
      %dma_start3A_313 = arith.constant 0 : i32
      %dma_start3A_314 = arith.constant 0 : i32
      %dma_start3A_315 = tpu.memref_slice %arg18[%dma_start3A_313, %dma_start3A_314] : memref<10112x128xf32, #tpu.memory_space<vmem_shared>> -> memref<10112x128xf32, #tpu.memory_space<vmem_shared>>
      tpu.enqueue_indirect_dma source(%dma_start3A_312 : memref<40x128xf32, #tpu.memory_space<vmem>>) target(%dma_start3A_315 : memref<10112x128xf32, #tpu.memory_space<vmem_shared>>) offsets(%arg15 : memref<40xi32, #tpu.memory_space<vmem>>) semaphore(%arg33 : memref<!tpu.dma_semaphore, #tpu.memory_space<semaphore_mem>>) {add = true}
      %dma_wait3A_316 = arith.constant 0 : i32
      %dma_wait3A_317 = arith.constant 0 : i32
      %dma_wait3A_318 = arith.constant 0 : i32
      %dma_wait3A_319 = tpu.memref_slice %arg16[%dma_wait3A_316, %dma_wait3A_317, %dma_wait3A_318] : memref<5x40x128xf32, #tpu.memory_space<vmem>> -> memref<1x40x128xf32, #tpu.memory_space<vmem>>
      %dma_wait3A_320 = tpu.memref_squeeze %dma_wait3A_319 : memref<1x40x128xf32, #tpu.memory_space<vmem>> -> memref<40x128xf32, #tpu.memory_space<vmem>>
      %dma_wait3A_321 = arith.constant 0 : i32
      %dma_wait3A_322 = arith.constant 0 : i32
      %dma_wait3A_323 = tpu.memref_slice %arg18[%dma_wait3A_321, %dma_wait3A_322] : memref<10112x128xf32, #tpu.memory_space<vmem_shared>> -> memref<10112x128xf32, #tpu.memory_space<vmem_shared>>
      tpu.wait_indirect_dma semaphore(%arg29 : memref<!tpu.dma_semaphore, #tpu.memory_space<semaphore_mem>>) src(%dma_wait3A_320 : memref<40x128xf32, #tpu.memory_space<vmem>>) dst(%dma_wait3A_323 : memref<10112x128xf32, #tpu.memory_space<vmem_shared>>)
      %add3A_324 = arith.constant 1 : i32
      %add3A_325 = arith.addi %add3A_235, %add3A_324 : i32
      %mul3A_326 = arith.constant 5 : i32
      %mul3A_327 = arith.muli %add3A_325, %mul3A_326 : i32
      %mul3A_328 = arith.constant 40 : i32
      %mul3A_329 = arith.muli %mul3A_327, %mul3A_328 : i32
      %add3A_330 = arith.addi %mul3A_4, %mul3A_329 : i32
      %add3A_331 = arith.constant 0 : i32
      %add3A_332 = arith.addi %add3A_330, %add3A_331 : i32
      %dma_start3A_333 = tpu.memref_slice %arg3[%add3A_332] : memref<320000xi32, #tpu.memory_space<hbm>> -> memref<40xi32, #tpu.memory_space<hbm>>
      %dma_start3A_334 = tpu.memref_slice %arg3[%add3A_332] : memref<320000xi32, #tpu.memory_space<hbm>> -> memref<40xi32, #tpu.memory_space<hbm>>
      tpu.enqueue_dma source(%dma_start3A_334 : memref<40xi32, #tpu.memory_space<hbm>>) target(%arg6 : memref<40xi32, #tpu.memory_space<vmem>>) target_semaphore(%arg19 : memref<!tpu.dma_semaphore, #tpu.memory_space<semaphore_mem>>)
      %dma_start3A_335 = tpu.memref_slice %arg4[%add3A_332] : memref<320000xi32, #tpu.memory_space<hbm>> -> memref<40xi32, #tpu.memory_space<hbm>>
      %dma_start3A_336 = tpu.memref_slice %arg4[%add3A_332] : memref<320000xi32, #tpu.memory_space<hbm>> -> memref<40xi32, #tpu.memory_space<hbm>>
      tpu.enqueue_dma source(%dma_start3A_336 : memref<40xi32, #tpu.memory_space<hbm>>) target(%arg11 : memref<40xi32, #tpu.memory_space<vmem>>) target_semaphore(%arg19 : memref<!tpu.dma_semaphore, #tpu.memory_space<semaphore_mem>>)
      %dma_wait3A_337 = tpu.memref_slice %arg3[%add3A_332] : memref<320000xi32, #tpu.memory_space<hbm>> -> memref<40xi32, #tpu.memory_space<hbm>>
      %dma_wait3A_338 = tpu.memref_slice %arg3[%add3A_332] : memref<320000xi32, #tpu.memory_space<hbm>> -> memref<40xi32, #tpu.memory_space<hbm>>
      tpu.wait_dma2 semaphore(%arg19 : memref<!tpu.dma_semaphore, #tpu.memory_space<semaphore_mem>>) src(%dma_wait3A_338 : memref<40xi32, #tpu.memory_space<hbm>>) dst(%arg6 : memref<40xi32, #tpu.memory_space<vmem>>)
      %dma_wait3A_339 = tpu.memref_slice %arg4[%add3A_332] : memref<320000xi32, #tpu.memory_space<hbm>> -> memref<40xi32, #tpu.memory_space<hbm>>
      %dma_wait3A_340 = tpu.memref_slice %arg4[%add3A_332] : memref<320000xi32, #tpu.memory_space<hbm>> -> memref<40xi32, #tpu.memory_space<hbm>>
      tpu.wait_dma2 semaphore(%arg19 : memref<!tpu.dma_semaphore, #tpu.memory_space<semaphore_mem>>) src(%dma_wait3A_340 : memref<40xi32, #tpu.memory_space<hbm>>) dst(%arg11 : memref<40xi32, #tpu.memory_space<vmem>>)
      %dma_start3A_341 = arith.constant 0 : i32
      %dma_start3A_342 = arith.constant 0 : i32
      %dma_start3A_343 = arith.constant 0 : i32
      %dma_start3A_344 = tpu.memref_slice %arg16[%dma_start3A_341, %dma_start3A_342, %dma_start3A_343] : memref<5x40x128xf32, #tpu.memory_space<vmem>> -> memref<1x40x128xf32, #tpu.memory_space<vmem>>
      %dma_start3A_345 = tpu.memref_squeeze %dma_start3A_344 : memref<1x40x128xf32, #tpu.memory_space<vmem>> -> memref<40x128xf32, #tpu.memory_space<vmem>>
      %dma_start3A_346 = arith.constant 0 : i32
      %dma_start3A_347 = arith.constant 0 : i32
      %dma_start3A_348 = tpu.memref_slice %arg2[%dma_start3A_346, %dma_start3A_347] : memref<10000x128xf32, #tpu.memory_space<hbm>> -> memref<10000x128xf32, #tpu.memory_space<hbm>>
      tpu.enqueue_indirect_dma source(%dma_start3A_348 : memref<10000x128xf32, #tpu.memory_space<hbm>>) target(%dma_start3A_345 : memref<40x128xf32, #tpu.memory_space<vmem>>) offsets(%arg6 : memref<40xi32, #tpu.memory_space<vmem>>) semaphore(%arg24 : memref<!tpu.dma_semaphore, #tpu.memory_space<semaphore_mem>>)
      %dma_wait3A_349 = arith.constant 1 : i32
      %dma_wait3A_350 = arith.constant 0 : i32
      %dma_wait3A_351 = arith.constant 0 : i32
      %dma_wait3A_352 = tpu.memref_slice %arg16[%dma_wait3A_349, %dma_wait3A_350, %dma_wait3A_351] : memref<5x40x128xf32, #tpu.memory_space<vmem>> -> memref<1x40x128xf32, #tpu.memory_space<vmem>>
      %dma_wait3A_353 = tpu.memref_squeeze %dma_wait3A_352 : memref<1x40x128xf32, #tpu.memory_space<vmem>> -> memref<40x128xf32, #tpu.memory_space<vmem>>
      %dma_wait3A_354 = arith.constant 0 : i32
      %dma_wait3A_355 = arith.constant 0 : i32
      %dma_wait3A_356 = tpu.memref_slice %arg18[%dma_wait3A_354, %dma_wait3A_355] : memref<10112x128xf32, #tpu.memory_space<vmem_shared>> -> memref<10112x128xf32, #tpu.memory_space<vmem_shared>>
      tpu.wait_indirect_dma semaphore(%arg30 : memref<!tpu.dma_semaphore, #tpu.memory_space<semaphore_mem>>) src(%dma_wait3A_353 : memref<40x128xf32, #tpu.memory_space<vmem>>) dst(%dma_wait3A_356 : memref<10112x128xf32, #tpu.memory_space<vmem_shared>>)
      %add3A_357 = arith.constant 1 : i32
      %add3A_358 = arith.addi %add3A_235, %add3A_357 : i32
      %mul3A_359 = arith.constant 5 : i32
      %mul3A_360 = arith.muli %add3A_358, %mul3A_359 : i32
      %mul3A_361 = arith.constant 40 : i32
      %mul3A_362 = arith.muli %mul3A_360, %mul3A_361 : i32
      %add3A_363 = arith.addi %mul3A_4, %mul3A_362 : i32
      %add3A_364 = arith.constant 40 : i32
      %add3A_365 = arith.addi %add3A_363, %add3A_364 : i32
      %dma_start3A_366 = tpu.memref_slice %arg3[%add3A_365] : memref<320000xi32, #tpu.memory_space<hbm>> -> memref<40xi32, #tpu.memory_space<hbm>>
      %dma_start3A_367 = tpu.memref_slice %arg3[%add3A_365] : memref<320000xi32, #tpu.memory_space<hbm>> -> memref<40xi32, #tpu.memory_space<hbm>>
      tpu.enqueue_dma source(%dma_start3A_367 : memref<40xi32, #tpu.memory_space<hbm>>) target(%arg7 : memref<40xi32, #tpu.memory_space<vmem>>) target_semaphore(%arg20 : memref<!tpu.dma_semaphore, #tpu.memory_space<semaphore_mem>>)
      %dma_start3A_368 = tpu.memref_slice %arg4[%add3A_365] : memref<320000xi32, #tpu.memory_space<hbm>> -> memref<40xi32, #tpu.memory_space<hbm>>
      %dma_start3A_369 = tpu.memref_slice %arg4[%add3A_365] : memref<320000xi32, #tpu.memory_space<hbm>> -> memref<40xi32, #tpu.memory_space<hbm>>
      tpu.enqueue_dma source(%dma_start3A_369 : memref<40xi32, #tpu.memory_space<hbm>>) target(%arg12 : memref<40xi32, #tpu.memory_space<vmem>>) target_semaphore(%arg20 : memref<!tpu.dma_semaphore, #tpu.memory_space<semaphore_mem>>)
      %dma_wait3A_370 = tpu.memref_slice %arg3[%add3A_365] : memref<320000xi32, #tpu.memory_space<hbm>> -> memref<40xi32, #tpu.memory_space<hbm>>
      %dma_wait3A_371 = tpu.memref_slice %arg3[%add3A_365] : memref<320000xi32, #tpu.memory_space<hbm>> -> memref<40xi32, #tpu.memory_space<hbm>>
      tpu.wait_dma2 semaphore(%arg20 : memref<!tpu.dma_semaphore, #tpu.memory_space<semaphore_mem>>) src(%dma_wait3A_371 : memref<40xi32, #tpu.memory_space<hbm>>) dst(%arg7 : memref<40xi32, #tpu.memory_space<vmem>>)
      %dma_wait3A_372 = tpu.memref_slice %arg4[%add3A_365] : memref<320000xi32, #tpu.memory_space<hbm>> -> memref<40xi32, #tpu.memory_space<hbm>>
      %dma_wait3A_373 = tpu.memref_slice %arg4[%add3A_365] : memref<320000xi32, #tpu.memory_space<hbm>> -> memref<40xi32, #tpu.memory_space<hbm>>
      tpu.wait_dma2 semaphore(%arg20 : memref<!tpu.dma_semaphore, #tpu.memory_space<semaphore_mem>>) src(%dma_wait3A_373 : memref<40xi32, #tpu.memory_space<hbm>>) dst(%arg12 : memref<40xi32, #tpu.memory_space<vmem>>)
      %dma_start3A_374 = arith.constant 1 : i32
      %dma_start3A_375 = arith.constant 0 : i32
      %dma_start3A_376 = arith.constant 0 : i32
      %dma_start3A_377 = tpu.memref_slice %arg16[%dma_start3A_374, %dma_start3A_375, %dma_start3A_376] : memref<5x40x128xf32, #tpu.memory_space<vmem>> -> memref<1x40x128xf32, #tpu.memory_space<vmem>>
      %dma_start3A_378 = tpu.memref_squeeze %dma_start3A_377 : memref<1x40x128xf32, #tpu.memory_space<vmem>> -> memref<40x128xf32, #tpu.memory_space<vmem>>
      %dma_start3A_379 = arith.constant 0 : i32
      %dma_start3A_380 = arith.constant 0 : i32
      %dma_start3A_381 = tpu.memref_slice %arg2[%dma_start3A_379, %dma_start3A_380] : memref<10000x128xf32, #tpu.memory_space<hbm>> -> memref<10000x128xf32, #tpu.memory_space<hbm>>
      tpu.enqueue_indirect_dma source(%dma_start3A_381 : memref<10000x128xf32, #tpu.memory_space<hbm>>) target(%dma_start3A_378 : memref<40x128xf32, #tpu.memory_space<vmem>>) offsets(%arg7 : memref<40xi32, #tpu.memory_space<vmem>>) semaphore(%arg25 : memref<!tpu.dma_semaphore, #tpu.memory_space<semaphore_mem>>)
      %dma_wait3A_382 = arith.constant 2 : i32
      %dma_wait3A_383 = arith.constant 0 : i32
      %dma_wait3A_384 = arith.constant 0 : i32
      %dma_wait3A_385 = tpu.memref_slice %arg16[%dma_wait3A_382, %dma_wait3A_383, %dma_wait3A_384] : memref<5x40x128xf32, #tpu.memory_space<vmem>> -> memref<1x40x128xf32, #tpu.memory_space<vmem>>
      %dma_wait3A_386 = tpu.memref_squeeze %dma_wait3A_385 : memref<1x40x128xf32, #tpu.memory_space<vmem>> -> memref<40x128xf32, #tpu.memory_space<vmem>>
      %dma_wait3A_387 = arith.constant 0 : i32
      %dma_wait3A_388 = arith.constant 0 : i32
      %dma_wait3A_389 = tpu.memref_slice %arg18[%dma_wait3A_387, %dma_wait3A_388] : memref<10112x128xf32, #tpu.memory_space<vmem_shared>> -> memref<10112x128xf32, #tpu.memory_space<vmem_shared>>
      tpu.wait_indirect_dma semaphore(%arg31 : memref<!tpu.dma_semaphore, #tpu.memory_space<semaphore_mem>>) src(%dma_wait3A_386 : memref<40x128xf32, #tpu.memory_space<vmem>>) dst(%dma_wait3A_389 : memref<10112x128xf32, #tpu.memory_space<vmem_shared>>)
      %add3A_390 = arith.constant 1 : i32
      %add3A_391 = arith.addi %add3A_235, %add3A_390 : i32
      %mul3A_392 = arith.constant 5 : i32
      %mul3A_393 = arith.muli %add3A_391, %mul3A_392 : i32
      %mul3A_394 = arith.constant 40 : i32
      %mul3A_395 = arith.muli %mul3A_393, %mul3A_394 : i32
      %add3A_396 = arith.addi %mul3A_4, %mul3A_395 : i32
      %add3A_397 = arith.constant 80 : i32
      %add3A_398 = arith.addi %add3A_396, %add3A_397 : i32
      %dma_start3A_399 = tpu.memref_slice %arg3[%add3A_398] : memref<320000xi32, #tpu.memory_space<hbm>> -> memref<40xi32, #tpu.memory_space<hbm>>
      %dma_start3A_400 = tpu.memref_slice %arg3[%add3A_398] : memref<320000xi32, #tpu.memory_space<hbm>> -> memref<40xi32, #tpu.memory_space<hbm>>
      tpu.enqueue_dma source(%dma_start3A_400 : memref<40xi32, #tpu.memory_space<hbm>>) target(%arg8 : memref<40xi32, #tpu.memory_space<vmem>>) target_semaphore(%arg21 : memref<!tpu.dma_semaphore, #tpu.memory_space<semaphore_mem>>)
      %dma_start3A_401 = tpu.memref_slice %arg4[%add3A_398] : memref<320000xi32, #tpu.memory_space<hbm>> -> memref<40xi32, #tpu.memory_space<hbm>>
      %dma_start3A_402 = tpu.memref_slice %arg4[%add3A_398] : memref<320000xi32, #tpu.memory_space<hbm>> -> memref<40xi32, #tpu.memory_space<hbm>>
      tpu.enqueue_dma source(%dma_start3A_402 : memref<40xi32, #tpu.memory_space<hbm>>) target(%arg13 : memref<40xi32, #tpu.memory_space<vmem>>) target_semaphore(%arg21 : memref<!tpu.dma_semaphore, #tpu.memory_space<semaphore_mem>>)
      %dma_wait3A_403 = tpu.memref_slice %arg3[%add3A_398] : memref<320000xi32, #tpu.memory_space<hbm>> -> memref<40xi32, #tpu.memory_space<hbm>>
      %dma_wait3A_404 = tpu.memref_slice %arg3[%add3A_398] : memref<320000xi32, #tpu.memory_space<hbm>> -> memref<40xi32, #tpu.memory_space<hbm>>
      tpu.wait_dma2 semaphore(%arg21 : memref<!tpu.dma_semaphore, #tpu.memory_space<semaphore_mem>>) src(%dma_wait3A_404 : memref<40xi32, #tpu.memory_space<hbm>>) dst(%arg8 : memref<40xi32, #tpu.memory_space<vmem>>)
      %dma_wait3A_405 = tpu.memref_slice %arg4[%add3A_398] : memref<320000xi32, #tpu.memory_space<hbm>> -> memref<40xi32, #tpu.memory_space<hbm>>
      %dma_wait3A_406 = tpu.memref_slice %arg4[%add3A_398] : memref<320000xi32, #tpu.memory_space<hbm>> -> memref<40xi32, #tpu.memory_space<hbm>>
      tpu.wait_dma2 semaphore(%arg21 : memref<!tpu.dma_semaphore, #tpu.memory_space<semaphore_mem>>) src(%dma_wait3A_406 : memref<40xi32, #tpu.memory_space<hbm>>) dst(%arg13 : memref<40xi32, #tpu.memory_space<vmem>>)
      %dma_start3A_407 = arith.constant 2 : i32
      %dma_start3A_408 = arith.constant 0 : i32
      %dma_start3A_409 = arith.constant 0 : i32
      %dma_start3A_410 = tpu.memref_slice %arg16[%dma_start3A_407, %dma_start3A_408, %dma_start3A_409] : memref<5x40x128xf32, #tpu.memory_space<vmem>> -> memref<1x40x128xf32, #tpu.memory_space<vmem>>
      %dma_start3A_411 = tpu.memref_squeeze %dma_start3A_410 : memref<1x40x128xf32, #tpu.memory_space<vmem>> -> memref<40x128xf32, #tpu.memory_space<vmem>>
      %dma_start3A_412 = arith.constant 0 : i32
      %dma_start3A_413 = arith.constant 0 : i32
      %dma_start3A_414 = tpu.memref_slice %arg2[%dma_start3A_412, %dma_start3A_413] : memref<10000x128xf32, #tpu.memory_space<hbm>> -> memref<10000x128xf32, #tpu.memory_space<hbm>>
      tpu.enqueue_indirect_dma source(%dma_start3A_414 : memref<10000x128xf32, #tpu.memory_space<hbm>>) target(%dma_start3A_411 : memref<40x128xf32, #tpu.memory_space<vmem>>) offsets(%arg8 : memref<40xi32, #tpu.memory_space<vmem>>) semaphore(%arg26 : memref<!tpu.dma_semaphore, #tpu.memory_space<semaphore_mem>>)
      %dma_wait3A_415 = arith.constant 3 : i32
      %dma_wait3A_416 = arith.constant 0 : i32
      %dma_wait3A_417 = arith.constant 0 : i32
      %dma_wait3A_418 = tpu.memref_slice %arg16[%dma_wait3A_415, %dma_wait3A_416, %dma_wait3A_417] : memref<5x40x128xf32, #tpu.memory_space<vmem>> -> memref<1x40x128xf32, #tpu.memory_space<vmem>>
      %dma_wait3A_419 = tpu.memref_squeeze %dma_wait3A_418 : memref<1x40x128xf32, #tpu.memory_space<vmem>> -> memref<40x128xf32, #tpu.memory_space<vmem>>
      %dma_wait3A_420 = arith.constant 0 : i32
      %dma_wait3A_421 = arith.constant 0 : i32
      %dma_wait3A_422 = tpu.memref_slice %arg18[%dma_wait3A_420, %dma_wait3A_421] : memref<10112x128xf32, #tpu.memory_space<vmem_shared>> -> memref<10112x128xf32, #tpu.memory_space<vmem_shared>>
      tpu.wait_indirect_dma semaphore(%arg32 : memref<!tpu.dma_semaphore, #tpu.memory_space<semaphore_mem>>) src(%dma_wait3A_419 : memref<40x128xf32, #tpu.memory_space<vmem>>) dst(%dma_wait3A_422 : memref<10112x128xf32, #tpu.memory_space<vmem_shared>>)
      %add3A_423 = arith.constant 1 : i32
      %add3A_424 = arith.addi %add3A_235, %add3A_423 : i32
      %mul3A_425 = arith.constant 5 : i32
      %mul3A_426 = arith.muli %add3A_424, %mul3A_425 : i32
      %mul3A_427 = arith.constant 40 : i32
      %mul3A_428 = arith.muli %mul3A_426, %mul3A_427 : i32
      %add3A_429 = arith.addi %mul3A_4, %mul3A_428 : i32
      %add3A_430 = arith.constant 120 : i32
      %add3A_431 = arith.addi %add3A_429, %add3A_430 : i32
      %dma_start3A_432 = tpu.memref_slice %arg3[%add3A_431] : memref<320000xi32, #tpu.memory_space<hbm>> -> memref<40xi32, #tpu.memory_space<hbm>>
      %dma_start3A_433 = tpu.memref_slice %arg3[%add3A_431] : memref<320000xi32, #tpu.memory_space<hbm>> -> memref<40xi32, #tpu.memory_space<hbm>>
      tpu.enqueue_dma source(%dma_start3A_433 : memref<40xi32, #tpu.memory_space<hbm>>) target(%arg9 : memref<40xi32, #tpu.memory_space<vmem>>) target_semaphore(%arg22 : memref<!tpu.dma_semaphore, #tpu.memory_space<semaphore_mem>>)
      %dma_start3A_434 = tpu.memref_slice %arg4[%add3A_431] : memref<320000xi32, #tpu.memory_space<hbm>> -> memref<40xi32, #tpu.memory_space<hbm>>
      %dma_start3A_435 = tpu.memref_slice %arg4[%add3A_431] : memref<320000xi32, #tpu.memory_space<hbm>> -> memref<40xi32, #tpu.memory_space<hbm>>
      tpu.enqueue_dma source(%dma_start3A_435 : memref<40xi32, #tpu.memory_space<hbm>>) target(%arg14 : memref<40xi32, #tpu.memory_space<vmem>>) target_semaphore(%arg22 : memref<!tpu.dma_semaphore, #tpu.memory_space<semaphore_mem>>)
      %dma_wait3A_436 = tpu.memref_slice %arg3[%add3A_431] : memref<320000xi32, #tpu.memory_space<hbm>> -> memref<40xi32, #tpu.memory_space<hbm>>
      %dma_wait3A_437 = tpu.memref_slice %arg3[%add3A_431] : memref<320000xi32, #tpu.memory_space<hbm>> -> memref<40xi32, #tpu.memory_space<hbm>>
      tpu.wait_dma2 semaphore(%arg22 : memref<!tpu.dma_semaphore, #tpu.memory_space<semaphore_mem>>) src(%dma_wait3A_437 : memref<40xi32, #tpu.memory_space<hbm>>) dst(%arg9 : memref<40xi32, #tpu.memory_space<vmem>>)
      %dma_wait3A_438 = tpu.memref_slice %arg4[%add3A_431] : memref<320000xi32, #tpu.memory_space<hbm>> -> memref<40xi32, #tpu.memory_space<hbm>>
      %dma_wait3A_439 = tpu.memref_slice %arg4[%add3A_431] : memref<320000xi32, #tpu.memory_space<hbm>> -> memref<40xi32, #tpu.memory_space<hbm>>
      tpu.wait_dma2 semaphore(%arg22 : memref<!tpu.dma_semaphore, #tpu.memory_space<semaphore_mem>>) src(%dma_wait3A_439 : memref<40xi32, #tpu.memory_space<hbm>>) dst(%arg14 : memref<40xi32, #tpu.memory_space<vmem>>)
      %dma_start3A_440 = arith.constant 3 : i32
      %dma_start3A_441 = arith.constant 0 : i32
      %dma_start3A_442 = arith.constant 0 : i32
      %dma_start3A_443 = tpu.memref_slice %arg16[%dma_start3A_440, %dma_start3A_441, %dma_start3A_442] : memref<5x40x128xf32, #tpu.memory_space<vmem>> -> memref<1x40x128xf32, #tpu.memory_space<vmem>>
      %dma_start3A_444 = tpu.memref_squeeze %dma_start3A_443 : memref<1x40x128xf32, #tpu.memory_space<vmem>> -> memref<40x128xf32, #tpu.memory_space<vmem>>
      %dma_start3A_445 = arith.constant 0 : i32
      %dma_start3A_446 = arith.constant 0 : i32
      %dma_start3A_447 = tpu.memref_slice %arg2[%dma_start3A_445, %dma_start3A_446] : memref<10000x128xf32, #tpu.memory_space<hbm>> -> memref<10000x128xf32, #tpu.memory_space<hbm>>
      tpu.enqueue_indirect_dma source(%dma_start3A_447 : memref<10000x128xf32, #tpu.memory_space<hbm>>) target(%dma_start3A_444 : memref<40x128xf32, #tpu.memory_space<vmem>>) offsets(%arg9 : memref<40xi32, #tpu.memory_space<vmem>>) semaphore(%arg27 : memref<!tpu.dma_semaphore, #tpu.memory_space<semaphore_mem>>)
      %dma_wait3A_448 = arith.constant 4 : i32
      %dma_wait3A_449 = arith.constant 0 : i32
      %dma_wait3A_450 = arith.constant 0 : i32
      %dma_wait3A_451 = tpu.memref_slice %arg16[%dma_wait3A_448, %dma_wait3A_449, %dma_wait3A_450] : memref<5x40x128xf32, #tpu.memory_space<vmem>> -> memref<1x40x128xf32, #tpu.memory_space<vmem>>
      %dma_wait3A_452 = tpu.memref_squeeze %dma_wait3A_451 : memref<1x40x128xf32, #tpu.memory_space<vmem>> -> memref<40x128xf32, #tpu.memory_space<vmem>>
      %dma_wait3A_453 = arith.constant 0 : i32
      %dma_wait3A_454 = arith.constant 0 : i32
      %dma_wait3A_455 = tpu.memref_slice %arg18[%dma_wait3A_453, %dma_wait3A_454] : memref<10112x128xf32, #tpu.memory_space<vmem_shared>> -> memref<10112x128xf32, #tpu.memory_space<vmem_shared>>
      tpu.wait_indirect_dma semaphore(%arg33 : memref<!tpu.dma_semaphore, #tpu.memory_space<semaphore_mem>>) src(%dma_wait3A_452 : memref<40x128xf32, #tpu.memory_space<vmem>>) dst(%dma_wait3A_455 : memref<10112x128xf32, #tpu.memory_space<vmem_shared>>)
      %add3A_456 = arith.constant 1 : i32
      %add3A_457 = arith.addi %add3A_235, %add3A_456 : i32
      %mul3A_458 = arith.constant 5 : i32
      %mul3A_459 = arith.muli %add3A_457, %mul3A_458 : i32
      %mul3A_460 = arith.constant 40 : i32
      %mul3A_461 = arith.muli %mul3A_459, %mul3A_460 : i32
      %add3A_462 = arith.addi %mul3A_4, %mul3A_461 : i32
      %add3A_463 = arith.constant 160 : i32
      %add3A_464 = arith.addi %add3A_462, %add3A_463 : i32
      %dma_start3A_465 = tpu.memref_slice %arg3[%add3A_464] : memref<320000xi32, #tpu.memory_space<hbm>> -> memref<40xi32, #tpu.memory_space<hbm>>
      %dma_start3A_466 = tpu.memref_slice %arg3[%add3A_464] : memref<320000xi32, #tpu.memory_space<hbm>> -> memref<40xi32, #tpu.memory_space<hbm>>
      tpu.enqueue_dma source(%dma_start3A_466 : memref<40xi32, #tpu.memory_space<hbm>>) target(%arg10 : memref<40xi32, #tpu.memory_space<vmem>>) target_semaphore(%arg23 : memref<!tpu.dma_semaphore, #tpu.memory_space<semaphore_mem>>)
      %dma_start3A_467 = tpu.memref_slice %arg4[%add3A_464] : memref<320000xi32, #tpu.memory_space<hbm>> -> memref<40xi32, #tpu.memory_space<hbm>>
      %dma_start3A_468 = tpu.memref_slice %arg4[%add3A_464] : memref<320000xi32, #tpu.memory_space<hbm>> -> memref<40xi32, #tpu.memory_space<hbm>>
      tpu.enqueue_dma source(%dma_start3A_468 : memref<40xi32, #tpu.memory_space<hbm>>) target(%arg15 : memref<40xi32, #tpu.memory_space<vmem>>) target_semaphore(%arg23 : memref<!tpu.dma_semaphore, #tpu.memory_space<semaphore_mem>>)
      %dma_wait3A_469 = tpu.memref_slice %arg3[%add3A_464] : memref<320000xi32, #tpu.memory_space<hbm>> -> memref<40xi32, #tpu.memory_space<hbm>>
      %dma_wait3A_470 = tpu.memref_slice %arg3[%add3A_464] : memref<320000xi32, #tpu.memory_space<hbm>> -> memref<40xi32, #tpu.memory_space<hbm>>
      tpu.wait_dma2 semaphore(%arg23 : memref<!tpu.dma_semaphore, #tpu.memory_space<semaphore_mem>>) src(%dma_wait3A_470 : memref<40xi32, #tpu.memory_space<hbm>>) dst(%arg10 : memref<40xi32, #tpu.memory_space<vmem>>)
      %dma_wait3A_471 = tpu.memref_slice %arg4[%add3A_464] : memref<320000xi32, #tpu.memory_space<hbm>> -> memref<40xi32, #tpu.memory_space<hbm>>
      %dma_wait3A_472 = tpu.memref_slice %arg4[%add3A_464] : memref<320000xi32, #tpu.memory_space<hbm>> -> memref<40xi32, #tpu.memory_space<hbm>>
      tpu.wait_dma2 semaphore(%arg23 : memref<!tpu.dma_semaphore, #tpu.memory_space<semaphore_mem>>) src(%dma_wait3A_472 : memref<40xi32, #tpu.memory_space<hbm>>) dst(%arg15 : memref<40xi32, #tpu.memory_space<vmem>>)
      %dma_start3A_473 = arith.constant 4 : i32
      %dma_start3A_474 = arith.constant 0 : i32
      %dma_start3A_475 = arith.constant 0 : i32
      %dma_start3A_476 = tpu.memref_slice %arg16[%dma_start3A_473, %dma_start3A_474, %dma_start3A_475] : memref<5x40x128xf32, #tpu.memory_space<vmem>> -> memref<1x40x128xf32, #tpu.memory_space<vmem>>
      %dma_start3A_477 = tpu.memref_squeeze %dma_start3A_476 : memref<1x40x128xf32, #tpu.memory_space<vmem>> -> memref<40x128xf32, #tpu.memory_space<vmem>>
      %dma_start3A_478 = arith.constant 0 : i32
      %dma_start3A_479 = arith.constant 0 : i32
      %dma_start3A_480 = tpu.memref_slice %arg2[%dma_start3A_478, %dma_start3A_479] : memref<10000x128xf32, #tpu.memory_space<hbm>> -> memref<10000x128xf32, #tpu.memory_space<hbm>>
      tpu.enqueue_indirect_dma source(%dma_start3A_480 : memref<10000x128xf32, #tpu.memory_space<hbm>>) target(%dma_start3A_477 : memref<40x128xf32, #tpu.memory_space<vmem>>) offsets(%arg10 : memref<40xi32, #tpu.memory_space<vmem>>) semaphore(%arg28 : memref<!tpu.dma_semaphore, #tpu.memory_space<semaphore_mem>>)
    }
    %scan3A_109 = arith.constant 49 : i32
    %dma_wait3A_110 = arith.constant 0 : i32
    %dma_wait3A_111 = arith.constant 0 : i32
    %dma_wait3A_112 = arith.constant 0 : i32
    %dma_wait3A_113 = tpu.memref_slice %arg16[%dma_wait3A_110, %dma_wait3A_111, %dma_wait3A_112] : memref<5x40x128xf32, #tpu.memory_space<vmem>> -> memref<1x40x128xf32, #tpu.memory_space<vmem>>
    %dma_wait3A_114 = tpu.memref_squeeze %dma_wait3A_113 : memref<1x40x128xf32, #tpu.memory_space<vmem>> -> memref<40x128xf32, #tpu.memory_space<vmem>>
    %dma_wait3A_115 = arith.constant 0 : i32
    %dma_wait3A_116 = arith.constant 0 : i32
    %dma_wait3A_117 = tpu.memref_slice %arg2[%dma_wait3A_115, %dma_wait3A_116] : memref<10000x128xf32, #tpu.memory_space<hbm>> -> memref<10000x128xf32, #tpu.memory_space<hbm>>
    tpu.wait_indirect_dma semaphore(%arg24 : memref<!tpu.dma_semaphore, #tpu.memory_space<semaphore_mem>>) src(%dma_wait3A_117 : memref<10000x128xf32, #tpu.memory_space<hbm>>) dst(%dma_wait3A_114 : memref<40x128xf32, #tpu.memory_space<vmem>>)
    %dma_start3A_118 = arith.constant 0 : i32
    %dma_start3A_119 = arith.constant 0 : i32
    %dma_start3A_120 = arith.constant 0 : i32
    %dma_start3A_121 = tpu.memref_slice %arg16[%dma_start3A_118, %dma_start3A_119, %dma_start3A_120] : memref<5x40x128xf32, #tpu.memory_space<vmem>> -> memref<1x40x128xf32, #tpu.memory_space<vmem>>
    %dma_start3A_122 = tpu.memref_squeeze %dma_start3A_121 : memref<1x40x128xf32, #tpu.memory_space<vmem>> -> memref<40x128xf32, #tpu.memory_space<vmem>>
    %dma_start3A_123 = arith.constant 0 : i32
    %dma_start3A_124 = arith.constant 0 : i32
    %dma_start3A_125 = tpu.memref_slice %arg18[%dma_start3A_123, %dma_start3A_124] : memref<10112x128xf32, #tpu.memory_space<vmem_shared>> -> memref<10112x128xf32, #tpu.memory_space<vmem_shared>>
    tpu.enqueue_indirect_dma source(%dma_start3A_122 : memref<40x128xf32, #tpu.memory_space<vmem>>) target(%dma_start3A_125 : memref<10112x128xf32, #tpu.memory_space<vmem_shared>>) offsets(%arg11 : memref<40xi32, #tpu.memory_space<vmem>>) semaphore(%arg29 : memref<!tpu.dma_semaphore, #tpu.memory_space<semaphore_mem>>) {add = true}
    %dma_wait3A_126 = arith.constant 1 : i32
    %dma_wait3A_127 = arith.constant 0 : i32
    %dma_wait3A_128 = arith.constant 0 : i32
    %dma_wait3A_129 = tpu.memref_slice %arg16[%dma_wait3A_126, %dma_wait3A_127, %dma_wait3A_128] : memref<5x40x128xf32, #tpu.memory_space<vmem>> -> memref<1x40x128xf32, #tpu.memory_space<vmem>>
    %dma_wait3A_130 = tpu.memref_squeeze %dma_wait3A_129 : memref<1x40x128xf32, #tpu.memory_space<vmem>> -> memref<40x128xf32, #tpu.memory_space<vmem>>
    %dma_wait3A_131 = arith.constant 0 : i32
    %dma_wait3A_132 = arith.constant 0 : i32
    %dma_wait3A_133 = tpu.memref_slice %arg2[%dma_wait3A_131, %dma_wait3A_132] : memref<10000x128xf32, #tpu.memory_space<hbm>> -> memref<10000x128xf32, #tpu.memory_space<hbm>>
    tpu.wait_indirect_dma semaphore(%arg25 : memref<!tpu.dma_semaphore, #tpu.memory_space<semaphore_mem>>) src(%dma_wait3A_133 : memref<10000x128xf32, #tpu.memory_space<hbm>>) dst(%dma_wait3A_130 : memref<40x128xf32, #tpu.memory_space<vmem>>)
    %dma_start3A_134 = arith.constant 1 : i32
    %dma_start3A_135 = arith.constant 0 : i32
    %dma_start3A_136 = arith.constant 0 : i32
    %dma_start3A_137 = tpu.memref_slice %arg16[%dma_start3A_134, %dma_start3A_135, %dma_start3A_136] : memref<5x40x128xf32, #tpu.memory_space<vmem>> -> memref<1x40x128xf32, #tpu.memory_space<vmem>>
    %dma_start3A_138 = tpu.memref_squeeze %dma_start3A_137 : memref<1x40x128xf32, #tpu.memory_space<vmem>> -> memref<40x128xf32, #tpu.memory_space<vmem>>
    %dma_start3A_139 = arith.constant 0 : i32
    %dma_start3A_140 = arith.constant 0 : i32
    %dma_start3A_141 = tpu.memref_slice %arg18[%dma_start3A_139, %dma_start3A_140] : memref<10112x128xf32, #tpu.memory_space<vmem_shared>> -> memref<10112x128xf32, #tpu.memory_space<vmem_shared>>
    tpu.enqueue_indirect_dma source(%dma_start3A_138 : memref<40x128xf32, #tpu.memory_space<vmem>>) target(%dma_start3A_141 : memref<10112x128xf32, #tpu.memory_space<vmem_shared>>) offsets(%arg12 : memref<40xi32, #tpu.memory_space<vmem>>) semaphore(%arg30 : memref<!tpu.dma_semaphore, #tpu.memory_space<semaphore_mem>>) {add = true}
    %dma_wait3A_142 = arith.constant 2 : i32
    %dma_wait3A_143 = arith.constant 0 : i32
    %dma_wait3A_144 = arith.constant 0 : i32
    %dma_wait3A_145 = tpu.memref_slice %arg16[%dma_wait3A_142, %dma_wait3A_143, %dma_wait3A_144] : memref<5x40x128xf32, #tpu.memory_space<vmem>> -> memref<1x40x128xf32, #tpu.memory_space<vmem>>
    %dma_wait3A_146 = tpu.memref_squeeze %dma_wait3A_145 : memref<1x40x128xf32, #tpu.memory_space<vmem>> -> memref<40x128xf32, #tpu.memory_space<vmem>>
    %dma_wait3A_147 = arith.constant 0 : i32
    %dma_wait3A_148 = arith.constant 0 : i32
    %dma_wait3A_149 = tpu.memref_slice %arg2[%dma_wait3A_147, %dma_wait3A_148] : memref<10000x128xf32, #tpu.memory_space<hbm>> -> memref<10000x128xf32, #tpu.memory_space<hbm>>
    tpu.wait_indirect_dma semaphore(%arg26 : memref<!tpu.dma_semaphore, #tpu.memory_space<semaphore_mem>>) src(%dma_wait3A_149 : memref<10000x128xf32, #tpu.memory_space<hbm>>) dst(%dma_wait3A_146 : memref<40x128xf32, #tpu.memory_space<vmem>>)
    %dma_start3A_150 = arith.constant 2 : i32
    %dma_start3A_151 = arith.constant 0 : i32
    %dma_start3A_152 = arith.constant 0 : i32
    %dma_start3A_153 = tpu.memref_slice %arg16[%dma_start3A_150, %dma_start3A_151, %dma_start3A_152] : memref<5x40x128xf32, #tpu.memory_space<vmem>> -> memref<1x40x128xf32, #tpu.memory_space<vmem>>
    %dma_start3A_154 = tpu.memref_squeeze %dma_start3A_153 : memref<1x40x128xf32, #tpu.memory_space<vmem>> -> memref<40x128xf32, #tpu.memory_space<vmem>>
    %dma_start3A_155 = arith.constant 0 : i32
    %dma_start3A_156 = arith.constant 0 : i32
    %dma_start3A_157 = tpu.memref_slice %arg18[%dma_start3A_155, %dma_start3A_156] : memref<10112x128xf32, #tpu.memory_space<vmem_shared>> -> memref<10112x128xf32, #tpu.memory_space<vmem_shared>>
    tpu.enqueue_indirect_dma source(%dma_start3A_154 : memref<40x128xf32, #tpu.memory_space<vmem>>) target(%dma_start3A_157 : memref<10112x128xf32, #tpu.memory_space<vmem_shared>>) offsets(%arg13 : memref<40xi32, #tpu.memory_space<vmem>>) semaphore(%arg31 : memref<!tpu.dma_semaphore, #tpu.memory_space<semaphore_mem>>) {add = true}
    %dma_wait3A_158 = arith.constant 3 : i32
    %dma_wait3A_159 = arith.constant 0 : i32
    %dma_wait3A_160 = arith.constant 0 : i32
    %dma_wait3A_161 = tpu.memref_slice %arg16[%dma_wait3A_158, %dma_wait3A_159, %dma_wait3A_160] : memref<5x40x128xf32, #tpu.memory_space<vmem>> -> memref<1x40x128xf32, #tpu.memory_space<vmem>>
    %dma_wait3A_162 = tpu.memref_squeeze %dma_wait3A_161 : memref<1x40x128xf32, #tpu.memory_space<vmem>> -> memref<40x128xf32, #tpu.memory_space<vmem>>
    %dma_wait3A_163 = arith.constant 0 : i32
    %dma_wait3A_164 = arith.constant 0 : i32
    %dma_wait3A_165 = tpu.memref_slice %arg2[%dma_wait3A_163, %dma_wait3A_164] : memref<10000x128xf32, #tpu.memory_space<hbm>> -> memref<10000x128xf32, #tpu.memory_space<hbm>>
    tpu.wait_indirect_dma semaphore(%arg27 : memref<!tpu.dma_semaphore, #tpu.memory_space<semaphore_mem>>) src(%dma_wait3A_165 : memref<10000x128xf32, #tpu.memory_space<hbm>>) dst(%dma_wait3A_162 : memref<40x128xf32, #tpu.memory_space<vmem>>)
    %dma_start3A_166 = arith.constant 3 : i32
    %dma_start3A_167 = arith.constant 0 : i32
    %dma_start3A_168 = arith.constant 0 : i32
    %dma_start3A_169 = tpu.memref_slice %arg16[%dma_start3A_166, %dma_start3A_167, %dma_start3A_168] : memref<5x40x128xf32, #tpu.memory_space<vmem>> -> memref<1x40x128xf32, #tpu.memory_space<vmem>>
    %dma_start3A_170 = tpu.memref_squeeze %dma_start3A_169 : memref<1x40x128xf32, #tpu.memory_space<vmem>> -> memref<40x128xf32, #tpu.memory_space<vmem>>
    %dma_start3A_171 = arith.constant 0 : i32
    %dma_start3A_172 = arith.constant 0 : i32
    %dma_start3A_173 = tpu.memref_slice %arg18[%dma_start3A_171, %dma_start3A_172] : memref<10112x128xf32, #tpu.memory_space<vmem_shared>> -> memref<10112x128xf32, #tpu.memory_space<vmem_shared>>
    tpu.enqueue_indirect_dma source(%dma_start3A_170 : memref<40x128xf32, #tpu.memory_space<vmem>>) target(%dma_start3A_173 : memref<10112x128xf32, #tpu.memory_space<vmem_shared>>) offsets(%arg14 : memref<40xi32, #tpu.memory_space<vmem>>) semaphore(%arg32 : memref<!tpu.dma_semaphore, #tpu.memory_space<semaphore_mem>>) {add = true}
    %dma_wait3A_174 = arith.constant 4 : i32
    %dma_wait3A_175 = arith.constant 0 : i32
    %dma_wait3A_176 = arith.constant 0 : i32
    %dma_wait3A_177 = tpu.memref_slice %arg16[%dma_wait3A_174, %dma_wait3A_175, %dma_wait3A_176] : memref<5x40x128xf32, #tpu.memory_space<vmem>> -> memref<1x40x128xf32, #tpu.memory_space<vmem>>
    %dma_wait3A_178 = tpu.memref_squeeze %dma_wait3A_177 : memref<1x40x128xf32, #tpu.memory_space<vmem>> -> memref<40x128xf32, #tpu.memory_space<vmem>>
    %dma_wait3A_179 = arith.constant 0 : i32
    %dma_wait3A_180 = arith.constant 0 : i32
    %dma_wait3A_181 = tpu.memref_slice %arg2[%dma_wait3A_179, %dma_wait3A_180] : memref<10000x128xf32, #tpu.memory_space<hbm>> -> memref<10000x128xf32, #tpu.memory_space<hbm>>
    tpu.wait_indirect_dma semaphore(%arg28 : memref<!tpu.dma_semaphore, #tpu.memory_space<semaphore_mem>>) src(%dma_wait3A_181 : memref<10000x128xf32, #tpu.memory_space<hbm>>) dst(%dma_wait3A_178 : memref<40x128xf32, #tpu.memory_space<vmem>>)
    %dma_start3A_182 = arith.constant 4 : i32
    %dma_start3A_183 = arith.constant 0 : i32
    %dma_start3A_184 = arith.constant 0 : i32
    %dma_start3A_185 = tpu.memref_slice %arg16[%dma_start3A_182, %dma_start3A_183, %dma_start3A_184] : memref<5x40x128xf32, #tpu.memory_space<vmem>> -> memref<1x40x128xf32, #tpu.memory_space<vmem>>
    %dma_start3A_186 = tpu.memref_squeeze %dma_start3A_185 : memref<1x40x128xf32, #tpu.memory_space<vmem>> -> memref<40x128xf32, #tpu.memory_space<vmem>>
    %dma_start3A_187 = arith.constant 0 : i32
    %dma_start3A_188 = arith.constant 0 : i32
    %dma_start3A_189 = tpu.memref_slice %arg18[%dma_start3A_187, %dma_start3A_188] : memref<10112x128xf32, #tpu.memory_space<vmem_shared>> -> memref<10112x128xf32, #tpu.memory_space<vmem_shared>>
    tpu.enqueue_indirect_dma source(%dma_start3A_186 : memref<40x128xf32, #tpu.memory_space<vmem>>) target(%dma_start3A_189 : memref<10112x128xf32, #tpu.memory_space<vmem_shared>>) offsets(%arg15 : memref<40xi32, #tpu.memory_space<vmem>>) semaphore(%arg33 : memref<!tpu.dma_semaphore, #tpu.memory_space<semaphore_mem>>) {add = true}
    %dma_wait3A_190 = arith.constant 0 : i32
    %dma_wait3A_191 = arith.constant 0 : i32
    %dma_wait3A_192 = arith.constant 0 : i32
    %dma_wait3A_193 = tpu.memref_slice %arg16[%dma_wait3A_190, %dma_wait3A_191, %dma_wait3A_192] : memref<5x40x128xf32, #tpu.memory_space<vmem>> -> memref<1x40x128xf32, #tpu.memory_space<vmem>>
    %dma_wait3A_194 = tpu.memref_squeeze %dma_wait3A_193 : memref<1x40x128xf32, #tpu.memory_space<vmem>> -> memref<40x128xf32, #tpu.memory_space<vmem>>
    %dma_wait3A_195 = arith.constant 0 : i32
    %dma_wait3A_196 = arith.constant 0 : i32
    %dma_wait3A_197 = tpu.memref_slice %arg18[%dma_wait3A_195, %dma_wait3A_196] : memref<10112x128xf32, #tpu.memory_space<vmem_shared>> -> memref<10112x128xf32, #tpu.memory_space<vmem_shared>>
    tpu.wait_indirect_dma semaphore(%arg29 : memref<!tpu.dma_semaphore, #tpu.memory_space<semaphore_mem>>) src(%dma_wait3A_194 : memref<40x128xf32, #tpu.memory_space<vmem>>) dst(%dma_wait3A_197 : memref<10112x128xf32, #tpu.memory_space<vmem_shared>>)
    %dma_wait3A_198 = arith.constant 1 : i32
    %dma_wait3A_199 = arith.constant 0 : i32
    %dma_wait3A_200 = arith.constant 0 : i32
    %dma_wait3A_201 = tpu.memref_slice %arg16[%dma_wait3A_198, %dma_wait3A_199, %dma_wait3A_200] : memref<5x40x128xf32, #tpu.memory_space<vmem>> -> memref<1x40x128xf32, #tpu.memory_space<vmem>>
    %dma_wait3A_202 = tpu.memref_squeeze %dma_wait3A_201 : memref<1x40x128xf32, #tpu.memory_space<vmem>> -> memref<40x128xf32, #tpu.memory_space<vmem>>
    %dma_wait3A_203 = arith.constant 0 : i32
    %dma_wait3A_204 = arith.constant 0 : i32
    %dma_wait3A_205 = tpu.memref_slice %arg18[%dma_wait3A_203, %dma_wait3A_204] : memref<10112x128xf32, #tpu.memory_space<vmem_shared>> -> memref<10112x128xf32, #tpu.memory_space<vmem_shared>>
    tpu.wait_indirect_dma semaphore(%arg30 : memref<!tpu.dma_semaphore, #tpu.memory_space<semaphore_mem>>) src(%dma_wait3A_202 : memref<40x128xf32, #tpu.memory_space<vmem>>) dst(%dma_wait3A_205 : memref<10112x128xf32, #tpu.memory_space<vmem_shared>>)
    %dma_wait3A_206 = arith.constant 2 : i32
    %dma_wait3A_207 = arith.constant 0 : i32
    %dma_wait3A_208 = arith.constant 0 : i32
    %dma_wait3A_209 = tpu.memref_slice %arg16[%dma_wait3A_206, %dma_wait3A_207, %dma_wait3A_208] : memref<5x40x128xf32, #tpu.memory_space<vmem>> -> memref<1x40x128xf32, #tpu.memory_space<vmem>>
    %dma_wait3A_210 = tpu.memref_squeeze %dma_wait3A_209 : memref<1x40x128xf32, #tpu.memory_space<vmem>> -> memref<40x128xf32, #tpu.memory_space<vmem>>
    %dma_wait3A_211 = arith.constant 0 : i32
    %dma_wait3A_212 = arith.constant 0 : i32
    %dma_wait3A_213 = tpu.memref_slice %arg18[%dma_wait3A_211, %dma_wait3A_212] : memref<10112x128xf32, #tpu.memory_space<vmem_shared>> -> memref<10112x128xf32, #tpu.memory_space<vmem_shared>>
    tpu.wait_indirect_dma semaphore(%arg31 : memref<!tpu.dma_semaphore, #tpu.memory_space<semaphore_mem>>) src(%dma_wait3A_210 : memref<40x128xf32, #tpu.memory_space<vmem>>) dst(%dma_wait3A_213 : memref<10112x128xf32, #tpu.memory_space<vmem_shared>>)
    %dma_wait3A_214 = arith.constant 3 : i32
    %dma_wait3A_215 = arith.constant 0 : i32
    %dma_wait3A_216 = arith.constant 0 : i32
    %dma_wait3A_217 = tpu.memref_slice %arg16[%dma_wait3A_214, %dma_wait3A_215, %dma_wait3A_216] : memref<5x40x128xf32, #tpu.memory_space<vmem>> -> memref<1x40x128xf32, #tpu.memory_space<vmem>>
    %dma_wait3A_218 = tpu.memref_squeeze %dma_wait3A_217 : memref<1x40x128xf32, #tpu.memory_space<vmem>> -> memref<40x128xf32, #tpu.memory_space<vmem>>
    %dma_wait3A_219 = arith.constant 0 : i32
    %dma_wait3A_220 = arith.constant 0 : i32
    %dma_wait3A_221 = tpu.memref_slice %arg18[%dma_wait3A_219, %dma_wait3A_220] : memref<10112x128xf32, #tpu.memory_space<vmem_shared>> -> memref<10112x128xf32, #tpu.memory_space<vmem_shared>>
    tpu.wait_indirect_dma semaphore(%arg32 : memref<!tpu.dma_semaphore, #tpu.memory_space<semaphore_mem>>) src(%dma_wait3A_218 : memref<40x128xf32, #tpu.memory_space<vmem>>) dst(%dma_wait3A_221 : memref<10112x128xf32, #tpu.memory_space<vmem_shared>>)
    %dma_wait3A_222 = arith.constant 4 : i32
    %dma_wait3A_223 = arith.constant 0 : i32
    %dma_wait3A_224 = arith.constant 0 : i32
    %dma_wait3A_225 = tpu.memref_slice %arg16[%dma_wait3A_222, %dma_wait3A_223, %dma_wait3A_224] : memref<5x40x128xf32, #tpu.memory_space<vmem>> -> memref<1x40x128xf32, #tpu.memory_space<vmem>>
    %dma_wait3A_226 = tpu.memref_squeeze %dma_wait3A_225 : memref<1x40x128xf32, #tpu.memory_space<vmem>> -> memref<40x128xf32, #tpu.memory_space<vmem>>
    %dma_wait3A_227 = arith.constant 0 : i32
    %dma_wait3A_228 = arith.constant 0 : i32
    %dma_wait3A_229 = tpu.memref_slice %arg18[%dma_wait3A_227, %dma_wait3A_228] : memref<10112x128xf32, #tpu.memory_space<vmem_shared>> -> memref<10112x128xf32, #tpu.memory_space<vmem_shared>>
    tpu.wait_indirect_dma semaphore(%arg33 : memref<!tpu.dma_semaphore, #tpu.memory_space<semaphore_mem>>) src(%dma_wait3A_226 : memref<40x128xf32, #tpu.memory_space<vmem>>) dst(%dma_wait3A_229 : memref<10112x128xf32, #tpu.memory_space<vmem_shared>>)
    %barrier3A_230 = arith.constant 0 : index
    tpu.barrier barrier_id(%barrier3A_230)
    "tpu.region"() ({
      %run_scoped3A = tpu.sem_alloc : memref<!tpu.dma_semaphore, #tpu.memory_space<semaphore_mem>>
      %dma_start3A_231 = arith.constant 0 : i32
      %dma_start3A_232 = tpu.memref_slice %arg5[%arg0, %mul3A_2, %dma_start3A_231] : memref<2x10112x128xf32, #tpu.memory_space<hbm>> -> memref<1x632x128xf32, #tpu.memory_space<hbm>>
      %dma_start3A_233 = tpu.memref_squeeze %dma_start3A_232 : memref<1x632x128xf32, #tpu.memory_space<hbm>> -> memref<632x128xf32, #tpu.memory_space<hbm>>
      %dma_start3A_234 = arith.constant 0 : i32
      %dma_start3A_235 = tpu.memref_slice %arg18[%mul3A_2, %dma_start3A_234] : memref<10112x128xf32, #tpu.memory_space<vmem_shared>> -> memref<632x128xf32, #tpu.memory_space<vmem_shared>>
      tpu.enqueue_dma source(%dma_start3A_235 : memref<632x128xf32, #tpu.memory_space<vmem_shared>>) target(%dma_start3A_233 : memref<632x128xf32, #tpu.memory_space<hbm>>) target_semaphore(%run_scoped3A : memref<!tpu.dma_semaphore, #tpu.memory_space<semaphore_mem>>)
      %dma_wait3A_236 = arith.constant 0 : i32
      %dma_wait3A_237 = tpu.memref_slice %arg5[%arg0, %mul3A_2, %dma_wait3A_236] : memref<2x10112x128xf32, #tpu.memory_space<hbm>> -> memref<1x632x128xf32, #tpu.memory_space<hbm>>
      %dma_wait3A_238 = tpu.memref_squeeze %dma_wait3A_237 : memref<1x632x128xf32, #tpu.memory_space<hbm>> -> memref<632x128xf32, #tpu.memory_space<hbm>>
      %dma_wait3A_239 = arith.constant 0 : i32
      %dma_wait3A_240 = tpu.memref_slice %arg18[%mul3A_2, %dma_wait3A_239] : memref<10112x128xf32, #tpu.memory_space<vmem_shared>> -> memref<632x128xf32, #tpu.memory_space<vmem_shared>>
      tpu.wait_dma2 semaphore(%run_scoped3A : memref<!tpu.dma_semaphore, #tpu.memory_space<semaphore_mem>>) src(%dma_wait3A_240 : memref<632x128xf32, #tpu.memory_space<vmem_shared>>) dst(%dma_wait3A_238 : memref<632x128xf32, #tpu.memory_space<hbm>>)
      tpu.yield
    }) : () -> ()
    return
  }
}

module attributes {stable_mosaic.version = 14 : i64} {
  func.func @_pre_body(%arg0: memref<10000x128xf32, #tpu.memory_space<vmem>>, %arg1: memref<128x128xf32, #tpu.memory_space<vmem>>, %arg2: memref<128xf32, #tpu.memory_space<vmem>>, %arg3: memref<32x10000xf32, #tpu.memory_space<vmem>>, %arg4: memref<128x128xf32, #tpu.memory_space<vmem>>, %arg5: memref<10000x128xf32, #tpu.memory_space<vmem>>, %arg6: memref<10000x128xf32, #tpu.memory_space<vmem>>, %arg7: memref<10000xf32, #tpu.memory_space<vmem>>) attributes {dimension_semantics = [], scalar_prefetch = 0 : i64, scratch_operands = 0 : i64, tpu.core_type = #tpu.core_type<tc>} {
    %get3A = arith.constant 0 : index
    %get3A_0 = arith.constant 0 : index
    %get3A_1 = vector.load %arg3[%get3A, %get3A_0] : memref<32x10000xf32, #tpu.memory_space<vmem>>, vector<32x10000xf32>
    %reduce_sum3A = arith.constant dense<0.000000e+00> : vector<10000xf32>
    %reduce_sum3A_2 = vector.multi_reduction <add>, %get3A_1, %reduce_sum3A [0] : vector<32x10000xf32> to vector<10000xf32>
    %add3A = arith.constant 1.000000e+00 : f32
    %add3A_3 = vector.broadcast %add3A : f32 to vector<10000xf32>
    %add3A_4 = arith.addf %reduce_sum3A_2, %add3A_3 : vector<10000xf32>
    %max3A = arith.constant 1.000000e+00 : f32
    %max3A_5 = vector.broadcast %max3A : f32 to vector<10000xf32>
    %max3A_6 = arith.maximumf %add3A_4, %max3A_5 : vector<10000xf32>
    %rsqrt3A = math.rsqrt %max3A_6 : vector<10000xf32>
    %get3A_7 = arith.constant 0 : index
    %get3A_8 = arith.constant 0 : index
    %get3A_9 = vector.load %arg0[%get3A_7, %get3A_8] : memref<10000x128xf32, #tpu.memory_space<vmem>>, vector<10000x128xf32>
    %get3A_10 = arith.constant 0 : index
    %get3A_11 = arith.constant 0 : index
    %get3A_12 = vector.load %arg1[%get3A_10, %get3A_11] : memref<128x128xf32, #tpu.memory_space<vmem>>, vector<128x128xf32>
    %dot_general3A = arith.constant dense<0.000000e+00> : vector<10000x128xf32>
    %dot_general3A_13 = tpu.matmul %get3A_9, %get3A_12, %dot_general3A {dimension_numbers = #tpu.dot_dimension_numbers<[1], [0], [0], [1], [0, 0, 1, 1], [], []>, transpose_lhs_hint = false} : vector<10000x128xf32>, vector<128x128xf32>, vector<10000x128xf32> -> vector<10000x128xf32>
    %get3A_14 = arith.constant 0 : index
    %get3A_15 = vector.load %arg2[%get3A_14] : memref<128xf32, #tpu.memory_space<vmem>>, vector<128xf32>
    %broadcast_in_dim3A = vector.shape_cast %get3A_15 : vector<128xf32> to vector<1x128xf32>
    %add3A_16 = vector.broadcast %broadcast_in_dim3A : vector<1x128xf32> to vector<10000x128xf32>
    %add3A_17 = arith.addf %dot_general3A_13, %add3A_16 : vector<10000x128xf32>
    %max3A_18 = arith.constant 0.000000e+00 : f32
    %max3A_19 = vector.broadcast %max3A_18 : f32 to vector<10000x128xf32>
    %max3A_20 = arith.maximumf %add3A_17, %max3A_19 : vector<10000x128xf32>
    %get3A_21 = arith.constant 0 : index
    %get3A_22 = arith.constant 0 : index
    %get3A_23 = vector.load %arg4[%get3A_21, %get3A_22] : memref<128x128xf32, #tpu.memory_space<vmem>>, vector<128x128xf32>
    %dot_general3A_24 = arith.constant dense<0.000000e+00> : vector<10000x128xf32>
    %dot_general3A_25 = tpu.matmul %max3A_20, %get3A_23, %dot_general3A_24 {dimension_numbers = #tpu.dot_dimension_numbers<[1], [0], [0], [1], [0, 0, 1, 1], [], []>, transpose_lhs_hint = false} : vector<10000x128xf32>, vector<128x128xf32>, vector<10000x128xf32> -> vector<10000x128xf32>
    %swap3A = arith.constant 0 : index
    %swap3A_26 = arith.constant 0 : index
    %swap3A_27 = vector.load %arg5[%swap3A, %swap3A_26] : memref<10000x128xf32, #tpu.memory_space<vmem>>, vector<10000x128xf32>
    tpu.vector_store %arg5[%swap3A, %swap3A_26], %max3A_20 {strides = array<i32>} : memref<10000x128xf32, #tpu.memory_space<vmem>>, vector<10000x128xf32>,
    %broadcast_in_dim3A_28 = vector.shape_cast %rsqrt3A : vector<10000xf32> to vector<10000x1xf32>
    %mul3A = vector.broadcast %broadcast_in_dim3A_28 : vector<10000x1xf32> to vector<10000x128xf32>
    %mul3A_29 = arith.mulf %dot_general3A_25, %mul3A : vector<10000x128xf32>
    %swap3A_30 = arith.constant 0 : index
    %swap3A_31 = arith.constant 0 : index
    %swap3A_32 = vector.load %arg6[%swap3A_30, %swap3A_31] : memref<10000x128xf32, #tpu.memory_space<vmem>>, vector<10000x128xf32>
    tpu.vector_store %arg6[%swap3A_30, %swap3A_31], %mul3A_29 {strides = array<i32>} : memref<10000x128xf32, #tpu.memory_space<vmem>>, vector<10000x128xf32>,
    %swap3A_33 = arith.constant 0 : index
    %swap3A_34 = vector.load %arg7[%swap3A_33] : memref<10000xf32, #tpu.memory_space<vmem>>, vector<10000xf32>
    tpu.vector_store %arg7[%swap3A_33], %rsqrt3A {strides = array<i32>} : memref<10000xf32, #tpu.memory_space<vmem>>, vector<10000xf32>,
    return
  }
}

module attributes {stable_mosaic.version = 14 : i64} {
  func.func @_post_body(%arg0: memref<2x10112x128xf32, #tpu.memory_space<vmem>>, %arg1: memref<10000x128xf32, #tpu.memory_space<vmem>>, %arg2: memref<10000xf32, #tpu.memory_space<vmem>>, %arg3: memref<128xf32, #tpu.memory_space<vmem>>, %arg4: memref<128xf32, #tpu.memory_space<vmem>>, %arg5: memref<128xf32, #tpu.memory_space<vmem>>, %arg6: memref<128x128xf32, #tpu.memory_space<vmem>>, %arg7: memref<10000x128xf32, #tpu.memory_space<vmem>>, %arg8: memref<10000x128xf32, #tpu.memory_space<vmem>>) attributes {dimension_semantics = [], scalar_prefetch = 0 : i64, scratch_operands = 0 : i64, tpu.core_type = #tpu.core_type<tc>} {
    %get3A = arith.constant 0 : index
    %get3A_0 = vector.load %arg2[%get3A] : memref<10000xf32, #tpu.memory_space<vmem>>, vector<10000xf32>
    %get3A_1 = arith.constant 0 : index
    %get3A_2 = arith.constant 0 : index
    %get3A_3 = vector.load %arg1[%get3A_1, %get3A_2] : memref<10000x128xf32, #tpu.memory_space<vmem>>, vector<10000x128xf32>
    %get3A_4 = arith.constant 0 : index
    %get3A_5 = arith.constant 0 : index
    %get3A_6 = arith.constant 0 : index
    %get3A_7 = vector.load %arg0[%get3A_4, %get3A_5, %get3A_6] : memref<2x10112x128xf32, #tpu.memory_space<vmem>>, vector<1x10000x128xf32>
    %get3A_8 = vector.shape_cast %get3A_7 : vector<1x10000x128xf32> to vector<10000x128xf32>
    %get3A_9 = arith.constant 1 : index
    %get3A_10 = arith.constant 0 : index
    %get3A_11 = arith.constant 0 : index
    %get3A_12 = vector.load %arg0[%get3A_9, %get3A_10, %get3A_11] : memref<2x10112x128xf32, #tpu.memory_space<vmem>>, vector<1x10000x128xf32>
    %get3A_13 = vector.shape_cast %get3A_12 : vector<1x10000x128xf32> to vector<10000x128xf32>
    %add3A = arith.addf %get3A_8, %get3A_13 : vector<10000x128xf32>
    %add3A_14 = arith.addf %add3A, %get3A_3 : vector<10000x128xf32>
    %broadcast_in_dim3A = vector.shape_cast %get3A_0 : vector<10000xf32> to vector<10000x1xf32>
    %mul3A = vector.broadcast %broadcast_in_dim3A : vector<10000x1xf32> to vector<10000x128xf32>
    %mul3A_15 = arith.mulf %add3A_14, %mul3A : vector<10000x128xf32>
    %get3A_16 = arith.constant 0 : index
    %get3A_17 = vector.load %arg5[%get3A_16] : memref<128xf32, #tpu.memory_space<vmem>>, vector<128xf32>
    %broadcast_in_dim3A_18 = vector.shape_cast %get3A_17 : vector<128xf32> to vector<1x128xf32>
    %add3A_19 = vector.broadcast %broadcast_in_dim3A_18 : vector<1x128xf32> to vector<10000x128xf32>
    %add3A_20 = arith.addf %mul3A_15, %add3A_19 : vector<10000x128xf32>
    %reduce_sum3A = arith.constant dense<0.000000e+00> : vector<128xf32>
    %reduce_sum3A_21 = vector.multi_reduction <add>, %add3A_20, %reduce_sum3A [0] : vector<10000x128xf32> to vector<128xf32>
    %div3A = arith.constant 1.000000e+04 : f32
    %div3A_22 = vector.broadcast %div3A : f32 to vector<128xf32>
    %div3A_23 = arith.divf %reduce_sum3A_21, %div3A_22 : vector<128xf32>
    %broadcast_in_dim3A_24 = vector.shape_cast %div3A_23 : vector<128xf32> to vector<1x128xf32>
    %sub3A = vector.broadcast %broadcast_in_dim3A_24 : vector<1x128xf32> to vector<10000x128xf32>
    %sub3A_25 = arith.subf %add3A_20, %sub3A : vector<10000x128xf32>
    %mul3A_26 = arith.mulf %sub3A_25, %sub3A_25 : vector<10000x128xf32>
    %reduce_sum3A_27 = arith.constant dense<0.000000e+00> : vector<128xf32>
    %reduce_sum3A_28 = vector.multi_reduction <add>, %mul3A_26, %reduce_sum3A_27 [0] : vector<10000x128xf32> to vector<128xf32>
    %div3A_29 = arith.constant 1.000000e+04 : f32
    %div3A_30 = vector.broadcast %div3A_29 : f32 to vector<128xf32>
    %div3A_31 = arith.divf %reduce_sum3A_28, %div3A_30 : vector<128xf32>
    %add3A_32 = arith.constant 9.99999974E-6 : f32
    %add3A_33 = vector.broadcast %add3A_32 : f32 to vector<128xf32>
    %add3A_34 = arith.addf %div3A_31, %add3A_33 : vector<128xf32>
    %rsqrt3A = math.rsqrt %add3A_34 : vector<128xf32>
    %broadcast_in_dim3A_35 = vector.shape_cast %rsqrt3A : vector<128xf32> to vector<1x128xf32>
    %mul3A_36 = vector.broadcast %broadcast_in_dim3A_35 : vector<1x128xf32> to vector<10000x128xf32>
    %mul3A_37 = arith.mulf %sub3A_25, %mul3A_36 : vector<10000x128xf32>
    %get3A_38 = arith.constant 0 : index
    %get3A_39 = vector.load %arg3[%get3A_38] : memref<128xf32, #tpu.memory_space<vmem>>, vector<128xf32>
    %broadcast_in_dim3A_40 = vector.shape_cast %get3A_39 : vector<128xf32> to vector<1x128xf32>
    %mul3A_41 = vector.broadcast %broadcast_in_dim3A_40 : vector<1x128xf32> to vector<10000x128xf32>
    %mul3A_42 = arith.mulf %mul3A_37, %mul3A_41 : vector<10000x128xf32>
    %get3A_43 = arith.constant 0 : index
    %get3A_44 = vector.load %arg4[%get3A_43] : memref<128xf32, #tpu.memory_space<vmem>>, vector<128xf32>
    %broadcast_in_dim3A_45 = vector.shape_cast %get3A_44 : vector<128xf32> to vector<1x128xf32>
    %add3A_46 = vector.broadcast %broadcast_in_dim3A_45 : vector<1x128xf32> to vector<10000x128xf32>
    %add3A_47 = arith.addf %mul3A_42, %add3A_46 : vector<10000x128xf32>
    %max3A = arith.constant 0.000000e+00 : f32
    %max3A_48 = vector.broadcast %max3A : f32 to vector<10000x128xf32>
    %max3A_49 = arith.maximumf %add3A_47, %max3A_48 : vector<10000x128xf32>
    %swap3A = arith.constant 0 : index
    %swap3A_50 = arith.constant 0 : index
    %swap3A_51 = vector.load %arg7[%swap3A, %swap3A_50] : memref<10000x128xf32, #tpu.memory_space<vmem>>, vector<10000x128xf32>
    tpu.vector_store %arg7[%swap3A, %swap3A_50], %max3A_49 {strides = array<i32>} : memref<10000x128xf32, #tpu.memory_space<vmem>>, vector<10000x128xf32>,
    %get3A_52 = arith.constant 0 : index
    %get3A_53 = arith.constant 0 : index
    %get3A_54 = vector.load %arg6[%get3A_52, %get3A_53] : memref<128x128xf32, #tpu.memory_space<vmem>>, vector<128x128xf32>
    %dot_general3A = arith.constant dense<0.000000e+00> : vector<10000x128xf32>
    %dot_general3A_55 = tpu.matmul %max3A_49, %get3A_54, %dot_general3A {dimension_numbers = #tpu.dot_dimension_numbers<[1], [0], [0], [1], [0, 0, 1, 1], [], []>, transpose_lhs_hint = false} : vector<10000x128xf32>, vector<128x128xf32>, vector<10000x128xf32> -> vector<10000x128xf32>
    %broadcast_in_dim3A_56 = vector.shape_cast %get3A_0 : vector<10000xf32> to vector<10000x1xf32>
    %mul3A_57 = vector.broadcast %broadcast_in_dim3A_56 : vector<10000x1xf32> to vector<10000x128xf32>
    %mul3A_58 = arith.mulf %dot_general3A_55, %mul3A_57 : vector<10000x128xf32>
    %swap3A_59 = arith.constant 0 : index
    %swap3A_60 = arith.constant 0 : index
    %swap3A_61 = vector.load %arg8[%swap3A_59, %swap3A_60] : memref<10000x128xf32, #tpu.memory_space<vmem>>, vector<10000x128xf32>
    tpu.vector_store %arg8[%swap3A_59, %swap3A_60], %mul3A_58 {strides = array<i32>} : memref<10000x128xf32, #tpu.memory_space<vmem>>, vector<10000x128xf32>,
    return
  }
}

module attributes {stable_mosaic.version = 14 : i64} {
  func.func @_post_body(%arg0: memref<2x10112x128xf32, #tpu.memory_space<vmem>>, %arg1: memref<10000x128xf32, #tpu.memory_space<vmem>>, %arg2: memref<10000x128xf32, #tpu.memory_space<vmem>>, %arg3: memref<10000xf32, #tpu.memory_space<vmem>>, %arg4: memref<128xf32, #tpu.memory_space<vmem>>, %arg5: memref<128xf32, #tpu.memory_space<vmem>>, %arg6: memref<128xf32, #tpu.memory_space<vmem>>, %arg7: memref<128x128xf32, #tpu.memory_space<vmem>>, %arg8: memref<10000x128xf32, #tpu.memory_space<vmem>>, %arg9: memref<10000x128xf32, #tpu.memory_space<vmem>>) attributes {dimension_semantics = [], scalar_prefetch = 0 : i64, scratch_operands = 0 : i64, tpu.core_type = #tpu.core_type<tc>} {
    %get3A = arith.constant 0 : index
    %get3A_0 = vector.load %arg3[%get3A] : memref<10000xf32, #tpu.memory_space<vmem>>, vector<10000xf32>
    %get3A_1 = arith.constant 0 : index
    %get3A_2 = arith.constant 0 : index
    %get3A_3 = vector.load %arg1[%get3A_1, %get3A_2] : memref<10000x128xf32, #tpu.memory_space<vmem>>, vector<10000x128xf32>
    %get3A_4 = arith.constant 0 : index
    %get3A_5 = arith.constant 0 : index
    %get3A_6 = arith.constant 0 : index
    %get3A_7 = vector.load %arg0[%get3A_4, %get3A_5, %get3A_6] : memref<2x10112x128xf32, #tpu.memory_space<vmem>>, vector<1x10000x128xf32>
    %get3A_8 = vector.shape_cast %get3A_7 : vector<1x10000x128xf32> to vector<10000x128xf32>
    %get3A_9 = arith.constant 1 : index
    %get3A_10 = arith.constant 0 : index
    %get3A_11 = arith.constant 0 : index
    %get3A_12 = vector.load %arg0[%get3A_9, %get3A_10, %get3A_11] : memref<2x10112x128xf32, #tpu.memory_space<vmem>>, vector<1x10000x128xf32>
    %get3A_13 = vector.shape_cast %get3A_12 : vector<1x10000x128xf32> to vector<10000x128xf32>
    %add3A = arith.addf %get3A_8, %get3A_13 : vector<10000x128xf32>
    %add3A_14 = arith.addf %add3A, %get3A_3 : vector<10000x128xf32>
    %broadcast_in_dim3A = vector.shape_cast %get3A_0 : vector<10000xf32> to vector<10000x1xf32>
    %mul3A = vector.broadcast %broadcast_in_dim3A : vector<10000x1xf32> to vector<10000x128xf32>
    %mul3A_15 = arith.mulf %add3A_14, %mul3A : vector<10000x128xf32>
    %get3A_16 = arith.constant 0 : index
    %get3A_17 = vector.load %arg6[%get3A_16] : memref<128xf32, #tpu.memory_space<vmem>>, vector<128xf32>
    %broadcast_in_dim3A_18 = vector.shape_cast %get3A_17 : vector<128xf32> to vector<1x128xf32>
    %add3A_19 = vector.broadcast %broadcast_in_dim3A_18 : vector<1x128xf32> to vector<10000x128xf32>
    %add3A_20 = arith.addf %mul3A_15, %add3A_19 : vector<10000x128xf32>
    %reduce_sum3A = arith.constant dense<0.000000e+00> : vector<128xf32>
    %reduce_sum3A_21 = vector.multi_reduction <add>, %add3A_20, %reduce_sum3A [0] : vector<10000x128xf32> to vector<128xf32>
    %div3A = arith.constant 1.000000e+04 : f32
    %div3A_22 = vector.broadcast %div3A : f32 to vector<128xf32>
    %div3A_23 = arith.divf %reduce_sum3A_21, %div3A_22 : vector<128xf32>
    %broadcast_in_dim3A_24 = vector.shape_cast %div3A_23 : vector<128xf32> to vector<1x128xf32>
    %sub3A = vector.broadcast %broadcast_in_dim3A_24 : vector<1x128xf32> to vector<10000x128xf32>
    %sub3A_25 = arith.subf %add3A_20, %sub3A : vector<10000x128xf32>
    %mul3A_26 = arith.mulf %sub3A_25, %sub3A_25 : vector<10000x128xf32>
    %reduce_sum3A_27 = arith.constant dense<0.000000e+00> : vector<128xf32>
    %reduce_sum3A_28 = vector.multi_reduction <add>, %mul3A_26, %reduce_sum3A_27 [0] : vector<10000x128xf32> to vector<128xf32>
    %div3A_29 = arith.constant 1.000000e+04 : f32
    %div3A_30 = vector.broadcast %div3A_29 : f32 to vector<128xf32>
    %div3A_31 = arith.divf %reduce_sum3A_28, %div3A_30 : vector<128xf32>
    %add3A_32 = arith.constant 9.99999974E-6 : f32
    %add3A_33 = vector.broadcast %add3A_32 : f32 to vector<128xf32>
    %add3A_34 = arith.addf %div3A_31, %add3A_33 : vector<128xf32>
    %rsqrt3A = math.rsqrt %add3A_34 : vector<128xf32>
    %broadcast_in_dim3A_35 = vector.shape_cast %rsqrt3A : vector<128xf32> to vector<1x128xf32>
    %mul3A_36 = vector.broadcast %broadcast_in_dim3A_35 : vector<1x128xf32> to vector<10000x128xf32>
    %mul3A_37 = arith.mulf %sub3A_25, %mul3A_36 : vector<10000x128xf32>
    %get3A_38 = arith.constant 0 : index
    %get3A_39 = vector.load %arg4[%get3A_38] : memref<128xf32, #tpu.memory_space<vmem>>, vector<128xf32>
    %broadcast_in_dim3A_40 = vector.shape_cast %get3A_39 : vector<128xf32> to vector<1x128xf32>
    %mul3A_41 = vector.broadcast %broadcast_in_dim3A_40 : vector<1x128xf32> to vector<10000x128xf32>
    %mul3A_42 = arith.mulf %mul3A_37, %mul3A_41 : vector<10000x128xf32>
    %get3A_43 = arith.constant 0 : index
    %get3A_44 = vector.load %arg5[%get3A_43] : memref<128xf32, #tpu.memory_space<vmem>>, vector<128xf32>
    %broadcast_in_dim3A_45 = vector.shape_cast %get3A_44 : vector<128xf32> to vector<1x128xf32>
    %add3A_46 = vector.broadcast %broadcast_in_dim3A_45 : vector<1x128xf32> to vector<10000x128xf32>
    %add3A_47 = arith.addf %mul3A_42, %add3A_46 : vector<10000x128xf32>
    %max3A = arith.constant 0.000000e+00 : f32
    %max3A_48 = vector.broadcast %max3A : f32 to vector<10000x128xf32>
    %max3A_49 = arith.maximumf %add3A_47, %max3A_48 : vector<10000x128xf32>
    %get3A_50 = arith.constant 0 : index
    %get3A_51 = arith.constant 0 : index
    %get3A_52 = vector.load %arg2[%get3A_50, %get3A_51] : memref<10000x128xf32, #tpu.memory_space<vmem>>, vector<10000x128xf32>
    %add3A_53 = arith.addf %max3A_49, %get3A_52 : vector<10000x128xf32>
    %swap3A = arith.constant 0 : index
    %swap3A_54 = arith.constant 0 : index
    %swap3A_55 = vector.load %arg8[%swap3A, %swap3A_54] : memref<10000x128xf32, #tpu.memory_space<vmem>>, vector<10000x128xf32>
    tpu.vector_store %arg8[%swap3A, %swap3A_54], %add3A_53 {strides = array<i32>} : memref<10000x128xf32, #tpu.memory_space<vmem>>, vector<10000x128xf32>,
    %get3A_56 = arith.constant 0 : index
    %get3A_57 = arith.constant 0 : index
    %get3A_58 = vector.load %arg7[%get3A_56, %get3A_57] : memref<128x128xf32, #tpu.memory_space<vmem>>, vector<128x128xf32>
    %dot_general3A = arith.constant dense<0.000000e+00> : vector<10000x128xf32>
    %dot_general3A_59 = tpu.matmul %add3A_53, %get3A_58, %dot_general3A {dimension_numbers = #tpu.dot_dimension_numbers<[1], [0], [0], [1], [0, 0, 1, 1], [], []>, transpose_lhs_hint = false} : vector<10000x128xf32>, vector<128x128xf32>, vector<10000x128xf32> -> vector<10000x128xf32>
    %broadcast_in_dim3A_60 = vector.shape_cast %get3A_0 : vector<10000xf32> to vector<10000x1xf32>
    %mul3A_61 = vector.broadcast %broadcast_in_dim3A_60 : vector<10000x1xf32> to vector<10000x128xf32>
    %mul3A_62 = arith.mulf %dot_general3A_59, %mul3A_61 : vector<10000x128xf32>
    %swap3A_63 = arith.constant 0 : index
    %swap3A_64 = arith.constant 0 : index
    %swap3A_65 = vector.load %arg9[%swap3A_63, %swap3A_64] : memref<10000x128xf32, #tpu.memory_space<vmem>>, vector<10000x128xf32>
    tpu.vector_store %arg9[%swap3A_63, %swap3A_64], %mul3A_62 {strides = array<i32>} : memref<10000x128xf32, #tpu.memory_space<vmem>>, vector<10000x128xf32>,
    return
  }
}

module attributes {stable_mosaic.version = 14 : i64} {
  func.func @_post_body(%arg0: memref<2x10112x128xf32, #tpu.memory_space<vmem>>, %arg1: memref<10000x128xf32, #tpu.memory_space<vmem>>, %arg2: memref<10000x128xf32, #tpu.memory_space<vmem>>, %arg3: memref<10000xf32, #tpu.memory_space<vmem>>, %arg4: memref<128xf32, #tpu.memory_space<vmem>>, %arg5: memref<128xf32, #tpu.memory_space<vmem>>, %arg6: memref<128xf32, #tpu.memory_space<vmem>>, %arg7: memref<128x10xf32, #tpu.memory_space<vmem>>, %arg8: memref<10xf32, #tpu.memory_space<vmem>>, %arg9: memref<10000x10xf32, #tpu.memory_space<vmem>>) attributes {dimension_semantics = [], scalar_prefetch = 0 : i64, scratch_operands = 0 : i64, tpu.core_type = #tpu.core_type<tc>} {
    %get3A = arith.constant 0 : index
    %get3A_0 = vector.load %arg3[%get3A] : memref<10000xf32, #tpu.memory_space<vmem>>, vector<10000xf32>
    %get3A_1 = arith.constant 0 : index
    %get3A_2 = arith.constant 0 : index
    %get3A_3 = vector.load %arg1[%get3A_1, %get3A_2] : memref<10000x128xf32, #tpu.memory_space<vmem>>, vector<10000x128xf32>
    %get3A_4 = arith.constant 0 : index
    %get3A_5 = arith.constant 0 : index
    %get3A_6 = arith.constant 0 : index
    %get3A_7 = vector.load %arg0[%get3A_4, %get3A_5, %get3A_6] : memref<2x10112x128xf32, #tpu.memory_space<vmem>>, vector<1x10000x128xf32>
    %get3A_8 = vector.shape_cast %get3A_7 : vector<1x10000x128xf32> to vector<10000x128xf32>
    %get3A_9 = arith.constant 1 : index
    %get3A_10 = arith.constant 0 : index
    %get3A_11 = arith.constant 0 : index
    %get3A_12 = vector.load %arg0[%get3A_9, %get3A_10, %get3A_11] : memref<2x10112x128xf32, #tpu.memory_space<vmem>>, vector<1x10000x128xf32>
    %get3A_13 = vector.shape_cast %get3A_12 : vector<1x10000x128xf32> to vector<10000x128xf32>
    %add3A = arith.addf %get3A_8, %get3A_13 : vector<10000x128xf32>
    %add3A_14 = arith.addf %add3A, %get3A_3 : vector<10000x128xf32>
    %broadcast_in_dim3A = vector.shape_cast %get3A_0 : vector<10000xf32> to vector<10000x1xf32>
    %mul3A = vector.broadcast %broadcast_in_dim3A : vector<10000x1xf32> to vector<10000x128xf32>
    %mul3A_15 = arith.mulf %add3A_14, %mul3A : vector<10000x128xf32>
    %get3A_16 = arith.constant 0 : index
    %get3A_17 = vector.load %arg6[%get3A_16] : memref<128xf32, #tpu.memory_space<vmem>>, vector<128xf32>
    %broadcast_in_dim3A_18 = vector.shape_cast %get3A_17 : vector<128xf32> to vector<1x128xf32>
    %add3A_19 = vector.broadcast %broadcast_in_dim3A_18 : vector<1x128xf32> to vector<10000x128xf32>
    %add3A_20 = arith.addf %mul3A_15, %add3A_19 : vector<10000x128xf32>
    %reduce_sum3A = arith.constant dense<0.000000e+00> : vector<128xf32>
    %reduce_sum3A_21 = vector.multi_reduction <add>, %add3A_20, %reduce_sum3A [0] : vector<10000x128xf32> to vector<128xf32>
    %div3A = arith.constant 1.000000e+04 : f32
    %div3A_22 = vector.broadcast %div3A : f32 to vector<128xf32>
    %div3A_23 = arith.divf %reduce_sum3A_21, %div3A_22 : vector<128xf32>
    %broadcast_in_dim3A_24 = vector.shape_cast %div3A_23 : vector<128xf32> to vector<1x128xf32>
    %sub3A = vector.broadcast %broadcast_in_dim3A_24 : vector<1x128xf32> to vector<10000x128xf32>
    %sub3A_25 = arith.subf %add3A_20, %sub3A : vector<10000x128xf32>
    %mul3A_26 = arith.mulf %sub3A_25, %sub3A_25 : vector<10000x128xf32>
    %reduce_sum3A_27 = arith.constant dense<0.000000e+00> : vector<128xf32>
    %reduce_sum3A_28 = vector.multi_reduction <add>, %mul3A_26, %reduce_sum3A_27 [0] : vector<10000x128xf32> to vector<128xf32>
    %div3A_29 = arith.constant 1.000000e+04 : f32
    %div3A_30 = vector.broadcast %div3A_29 : f32 to vector<128xf32>
    %div3A_31 = arith.divf %reduce_sum3A_28, %div3A_30 : vector<128xf32>
    %add3A_32 = arith.constant 9.99999974E-6 : f32
    %add3A_33 = vector.broadcast %add3A_32 : f32 to vector<128xf32>
    %add3A_34 = arith.addf %div3A_31, %add3A_33 : vector<128xf32>
    %rsqrt3A = math.rsqrt %add3A_34 : vector<128xf32>
    %broadcast_in_dim3A_35 = vector.shape_cast %rsqrt3A : vector<128xf32> to vector<1x128xf32>
    %mul3A_36 = vector.broadcast %broadcast_in_dim3A_35 : vector<1x128xf32> to vector<10000x128xf32>
    %mul3A_37 = arith.mulf %sub3A_25, %mul3A_36 : vector<10000x128xf32>
    %get3A_38 = arith.constant 0 : index
    %get3A_39 = vector.load %arg4[%get3A_38] : memref<128xf32, #tpu.memory_space<vmem>>, vector<128xf32>
    %broadcast_in_dim3A_40 = vector.shape_cast %get3A_39 : vector<128xf32> to vector<1x128xf32>
    %mul3A_41 = vector.broadcast %broadcast_in_dim3A_40 : vector<1x128xf32> to vector<10000x128xf32>
    %mul3A_42 = arith.mulf %mul3A_37, %mul3A_41 : vector<10000x128xf32>
    %get3A_43 = arith.constant 0 : index
    %get3A_44 = vector.load %arg5[%get3A_43] : memref<128xf32, #tpu.memory_space<vmem>>, vector<128xf32>
    %broadcast_in_dim3A_45 = vector.shape_cast %get3A_44 : vector<128xf32> to vector<1x128xf32>
    %add3A_46 = vector.broadcast %broadcast_in_dim3A_45 : vector<1x128xf32> to vector<10000x128xf32>
    %add3A_47 = arith.addf %mul3A_42, %add3A_46 : vector<10000x128xf32>
    %max3A = arith.constant 0.000000e+00 : f32
    %max3A_48 = vector.broadcast %max3A : f32 to vector<10000x128xf32>
    %max3A_49 = arith.maximumf %add3A_47, %max3A_48 : vector<10000x128xf32>
    %get3A_50 = arith.constant 0 : index
    %get3A_51 = arith.constant 0 : index
    %get3A_52 = vector.load %arg2[%get3A_50, %get3A_51] : memref<10000x128xf32, #tpu.memory_space<vmem>>, vector<10000x128xf32>
    %add3A_53 = arith.addf %max3A_49, %get3A_52 : vector<10000x128xf32>
    %get3A_54 = arith.constant 0 : index
    %get3A_55 = arith.constant 0 : index
    %get3A_56 = vector.load %arg7[%get3A_54, %get3A_55] : memref<128x10xf32, #tpu.memory_space<vmem>>, vector<128x10xf32>
    %dot_general3A = arith.constant dense<0.000000e+00> : vector<10000x10xf32>
    %dot_general3A_57 = tpu.matmul %add3A_53, %get3A_56, %dot_general3A {dimension_numbers = #tpu.dot_dimension_numbers<[1], [0], [0], [1], [0, 0, 1, 1], [], []>, transpose_lhs_hint = false} : vector<10000x128xf32>, vector<128x10xf32>, vector<10000x10xf32> -> vector<10000x10xf32>
    %get3A_58 = arith.constant 0 : index
    %get3A_59 = vector.load %arg8[%get3A_58] : memref<10xf32, #tpu.memory_space<vmem>>, vector<10xf32>
    %broadcast_in_dim3A_60 = vector.shape_cast %get3A_59 : vector<10xf32> to vector<1x10xf32>
    %add3A_61 = vector.broadcast %broadcast_in_dim3A_60 : vector<1x10xf32> to vector<10000x10xf32>
    %add3A_62 = arith.addf %dot_general3A_57, %add3A_61 : vector<10000x10xf32>
    %swap3A = arith.constant 0 : index
    %swap3A_63 = arith.constant 0 : index
    %swap3A_64 = vector.load %arg9[%swap3A, %swap3A_63] : memref<10000x10xf32, #tpu.memory_space<vmem>>, vector<10000x10xf32>
    tpu.vector_store %arg9[%swap3A, %swap3A_63], %add3A_62 {strides = array<i32>} : memref<10000x10xf32, #tpu.memory_space<vmem>>, vector<10000x10xf32>,
    return
  }
}

</mosaic_0001>

<sc_bundles>
// kernel: kernel.10.cloned.1.call-start
scs
__scs_entry_jumppad:
0x0: {  	(pc) =	sbr.rel $0x88, $3  }
0x1: {  	(tag) =	ssettag $0x0;
	lr =	simm.s32 $0x1  }
0x2: {  	[smem:$0x3F97] =	sst lr;
	_ =	strace $0xD0000000  }
0x3: {  	_ = 	snop  }
0x4: {  	_ = 	snop  }
0x5: {  	_ = 	snop  }
0x6: {  	_ = 	snop  }
0x7: {  	_ = 	snop  }
__scs_overlays_trampoline_lowered:
0x8: {  	[smem:$0x3FA6] =	sst s0  }
0x9: {  	[smem:$0x3FA7] =	sst s1  }
0xa: {  	[smem:$0x3FA8] =	sst s2  }
0xb: {  	[smem:$0x3FA9] =	sst s3  }
0xc: {  	[smem:$0x3FAA] =	sst s4  }
0xd: {  	[smem:$0x3FAB] =	sst s5  }
0xe: {  	[smem:$0x3FAC] =	sst s6  }
0xf: {  	[smem:$0x3FAD] =	sst s7  }
0x10: {  	[smem:$0x3FAE] =	sst s8  }
0x11: {  	[smem:$0x3FAF] =	sst s9;
	s0 =	simm.s32 @!p0 $0x0  }
0x12: {  	s1 =	sld [smem:$0x3F95];
	s0 =	simm.s32 @p0 $0x1  }
0x13: {  	[smem:$0x3FB0] =	sst s0;
	s0 =	simm.s32 @!p1 $0x0  }
0x14: {  	s2 =	sld [smem:$0x3F94];
	s0 =	simm.s32 @p1 $0x1  }
0x15: {  	[smem:$0x3FB1] =	sst s0;
	s0 =	simm.s32 @!p2 $0x0  }
0x16: {  	s3 =	sld [smem:$0x3FDB];
	s0 =	simm.s32 @p2 $0x1  }
0x17: {  	s4 =	simm.s32 $0x1BF5;
	[smem:$0x3FB3] =	sst s0  }
0x18: {  	s0 =	sld [smem:$0x3F96];
	_ =	swait.ge [sflag:s4], $0x0  }
0x19: {  	s7 =	sld [smem:$0x3F97]  }
0x1a: {  	s8 =	sadd.s32 $0xFFFFE003, lr  }
0x1b: {  	s9 =	sadd.s32 $0xFFFFFEF7, lr;
	s5 =	simm.s32 $0xFFFFFFFF;
	p2 =	slt.u32 s8, $0xFFFFF086  }
0x1c: {  	p1 =	slt.u32 s9, $0xF7A;
	s5 =	simm.s32 @!p2 $0x0  }
0x1d: {  	s5 =	simm.s32 @p1 $0x1;
	p0 =	seq.s32 s7, s2  }
0x1e: {  	s7 =	smul.u32 @!p0 $0xF7A, s2;
	p2 =	seq.s32 @!p0 s5, $0x0  }
0x1f: {  	s9 =	smul.u32 $0xF7A, s1;
	s8 =	simm.s32 @!p0 $0x1BF5;
	p2 =	por !p2, p0  }
0x20: {  	[sflag:s8] =	ssyncset.s32 @!p0 $0xFFFFF086;
	s6 =	sadd.s32 @!p0 s3, s7;
	s7 =	simm.s32 @!p0 $0x108  }
0x21: {  	s3 =	sadd.s32 s3, s9;
	s6 =	sadd.s32 @!p0 $0x88, s6;
	s7 =	simm.s32 @p2 $0x1082  }
0x22: {  	[simem:s7], [sflag:s8] =	dma.local @!p0 [hbm:s6], $0xF7A  }
0x23: {  	s9 =	sor.u32 $0xD0000000, s2;
	s6 =	simm.s32 $0x108;
	_ =	swait.ge @!p0 [sflag:s8], $0x0  }
0x24: {  	s3 =	sadd.s32 $0x88, s3;
	s6 =	simm.s32 @!p1 $0x1082;
	[sflag:s4] =	ssyncset.s32 $0xFFFFF086  }
0x25: {  	[simem:s6], [sflag:s4] =	dma.local [hbm:s3], $0xF7A  }
0x26: {  	[smem:$0x3F97] =	sst s1;
	(tag) =	ssettag s2;
	_ =	strace s9  }
0x27: {  	s1 =	sld [smem:$0x3FA7]  }
0x28: {  	s2 =	sld [smem:$0x3FA8]  }
0x29: {  	s4 =	sld [smem:$0x3FAA]  }
0x2a: {  	p0 =	seq.s32 s5, $0x0;
	s5 =	sld [smem:$0x3FAB]  }
0x2b: {  	s6 =	sld [smem:$0x3FAC]  }
0x2c: {  	s7 =	sld [smem:$0x3FAD]  }
0x2d: {  	s3 =	simm.s32 $0x108;
	s8 =	sld [smem:$0x3FAE]  }
0x2e: {  	s3 =	simm.s32 @!p0 $0x1082;
	s9 =	sld [smem:$0x3FAF]  }
0x2f: {  	lr =	sadd.s32 s0, s3;
	s0 =	sld [smem:$0x3FA6]  }
0x30: {  	s3 =	sld [smem:$0x3FA9]  }
0x31: {  	[smem:$0x3FB2] =	sst s10  }
0x32: {  	s10 =	sld [smem:$0x3FB0];
	_ =	sdelay $0x3  }
0x33: {  	p0 =	seq.s32 s10, $0x1;
	s10 =	sld [smem:$0x3FB2];
	_ =	sdelay $0x3  }
0x34: {  	[smem:$0x3FB2] =	sst s10  }
0x35: {  	s10 =	sld [smem:$0x3FB1];
	_ =	sdelay $0x3  }
0x36: {  	p1 =	seq.s32 s10, $0x1;
	s10 =	sld [smem:$0x3FB2];
	_ =	sdelay $0x3  }
0x37: {  	[smem:$0x3FB2] =	sst s10  }
0x38: {  	s10 =	sld [smem:$0x3FB3]  }
0x39: {  	_ = 	snop;
	(pc) =	sbr.ind lr, $3  }
0x3a: {  	_ = 	snop  }
0x3b: {  	_ = 	snop  }
0x3c: {  	p2 =	seq.s32 s10, $0x1;
	s10 =	sld [smem:$0x3FB2]  }
0x3d: {  	_ =	shalt  }
0x3e: {  	_ =	shalt  }
0x3f: {  	_ =	shalt  }
0x40: {  	_ =	shalt  }
0x41: {  	_ =	shalt  }
0x42: {  	_ =	shalt  }
0x43: {  	_ =	shalt  }
0x44: {  	_ =	shalt  }
0x45: {  	_ =	shalt  }
0x46: {  	_ =	shalt  }
0x47: {  	_ =	shalt  }
0x48: {  	_ =	shalt  }
0x49: {  	_ =	shalt  }
0x4a: {  	_ =	shalt  }
0x4b: {  	_ =	shalt  }
0x4c: {  	_ =	shalt  }
0x4d: {  	_ =	shalt  }
0x4e: {  	_ =	shalt  }
0x4f: {  	_ =	shalt  }
0x50: {  	_ =	shalt  }
0x51: {  	_ =	shalt  }
0x52: {  	_ =	shalt  }
0x53: {  	_ =	shalt  }
0x54: {  	_ =	shalt  }
0x55: {  	_ =	shalt  }
0x56: {  	_ =	shalt  }
0x57: {  	_ =	shalt  }
0x58: {  	_ =	shalt  }
0x59: {  	_ =	shalt  }
0x5a: {  	_ =	shalt  }
0x5b: {  	_ =	shalt  }
0x5c: {  	_ =	shalt  }
0x5d: {  	_ =	shalt  }
0x5e: {  	_ =	shalt  }
0x5f: {  	_ =	shalt  }
0x60: {  	_ =	shalt  }
0x61: {  	_ =	shalt  }
0x62: {  	_ =	shalt  }
0x63: {  	_ =	shalt  }
0x64: {  	_ =	shalt  }
0x65: {  	_ =	shalt  }
0x66: {  	_ =	shalt  }
0x67: {  	_ =	shalt  }
0x68: {  	_ =	shalt  }
0x69: {  	_ =	shalt  }
0x6a: {  	_ =	shalt  }
0x6b: {  	_ =	shalt  }
0x6c: {  	_ =	shalt  }
0x6d: {  	_ =	shalt  }
0x6e: {  	_ =	shalt  }
0x6f: {  	_ =	shalt  }
0x70: {  	_ =	shalt  }
0x71: {  	_ =	shalt  }
0x72: {  	_ =	shalt  }
0x73: {  	_ =	shalt  }
0x74: {  	_ =	shalt  }
0x75: {  	_ =	shalt  }
0x76: {  	_ =	shalt  }
0x77: {  	_ =	shalt  }
0x78: {  	_ =	shalt  }
0x79: {  	_ =	shalt  }
0x7a: {  	_ =	shalt  }
0x7b: {  	_ =	shalt  }
0x7c: {  	_ =	shalt  }
0x7d: {  	_ =	shalt  }
0x7e: {  	_ =	shalt  }
0x7f: {  	_ =	shalt  }
0x80: {  	_ =	shalt  }
0x81: {  	_ =	shalt  }
0x82: {  	_ =	shalt  }
0x83: {  	_ =	shalt  }
0x84: {  	_ =	shalt  }
0x85: {  	_ =	shalt  }
0x86: {  	_ =	shalt  }
0x87: {  	_ =	shalt  }
.Lfunc_end0:
.L_simem_size_0:
called_computation_lowered:
.L_overlay_start_0:
0x88: {  	s2 =	sld [smem:$0x3FD9]  }
0x89: {  	s3 =	sld [smem:$0x3FFE];
	_ =	sdelay $0x1  }
0x8a: {  	s1 =	srdreg.scid  }
0x8b: {  	s0 =	sand.u32 $0x1, s1  }
0x8c: {  	s16 =	sshll.u32 s0, $0xA;
	s2 =	sadd.s32 s3, s2  }
0x8d: {  	s2 =	sadd.s32 s2, s16  }
0x8e: {  	[smem:$0x3FBE] =	sst s2  }
0x8f: {  	_ = 	snop  }
0x90: {  	(tm) =	ssettm $0x1  }
0x91: {  	s17 =	sld [smem:$0x3FFB];
	_ =	sdelay $0x3  }
0x92: {  	_ =	strace s17  }
0x93: {  	s2 =	sld [smem:$0x3FFC];
	_ =	sdelay $0x3  }
0x94: {  	_ =	strace s2  }
0x95: {  	s2 =	sld [smem:$0x3FFD];
	_ =	sdelay $0x3  }
0x96: {  	_ =	strace s2  }
0x97: {  	_ =	strace $0x8FFFFFFF  }
0x98: {  	s18 =	sld [smem:$0x3FDB];
	_ =	sdelay $0x1  }
0x99: {  	s19 =	simm.s32 $_scs_section_size  }
0x9a: {  	s4 =	simm.s32 $_size__tile_overlayer_lowered;
	s5 =	simm.s32 $_tile_overlayer_lowered  }
0x9b: {  	s22 =	simm.s32 $0x1BFF;
	s21 =	sshll.u32 s5, $0x1;
	s2 =	sadd.s32 s19, s18  }
0x9c: {  	s6 =	simm.s32 $0x0;
	s20 =	sshll.u32 s4, $0x1;
	s4 =	sadd.s32 s21, s2  }
0x9d: {  	[timem:s6], [sflag:s22] =	dma.local [hbm:s4], s20  }
0x9e: {  	_ =	swait.ge [sflag:s22], s20  }
0x9f: {  	s3 =	ssub.s32 $0x0, s20;
	[sflag:s22] =	ssyncset.done $0x0  }
0xa0: {  	[sflag:s22] =	ssyncadd.s32 s3;
	_ =	sdelay $0x1  }
0xa1: {  	s23 =	simm.s32 $0x1B8B  }
0xa2: {  	_ =	swait.ge [sflag:s23], $0x1  }
0xa3: {  	[sflag:s23] =	ssyncset.done $0x0  }
0xa4: {  	s25 =	simm.s32 $0x1B8E;
	s24 =	sld [smem:$0x3FFE];
	[sflag:s23] =	ssyncadd.s32 $0xFFFFFFFF  }
0xa5: {  	s26 =	simm.s32 $execute0_lowered;
	[smem:$0x3FD2] =	sst s25  }
0xa6: {  	s4 =	sshll.u32 s26, $0x1;
	_ =	strace $0x80000046;
	[dreg:$0x1] =	wrdreg $0xFFFFFFFF  }
0xa7: {  	s28 =	simm.s32 $_size_execute0_lowered;
	s2 =	sadd.s32 s2, s4;
	[dreg:$0x0] =	wrdreg $0x0  }
0xa8: {  	s4 =	sshll.u32 s28, $0x1;
	[dreg:$0x2] =	wrdreg s2  }
0xa9: {  	[dreg:$0x3] =	wrdreg s4  }
0xaa: {  	[dreg:$0x4] =	wrdreg $0xC0  }
0xab: {  	_ =	task [dreg:s6], $0x5FFFF  }
0xac: {  	[dreg:$0x1] =	wrdreg $0xFFFFFFFF  }
0xad: {  	[dreg:$0x0] =	wrdreg $0x60  }
0xae: {  	[dreg:$0x2] =	wrdreg s24  }
0xaf: {  	[dreg:$0x3] =	wrdreg $0x9  }
0xb0: {  	_ =	task.clear_ibuf [dreg:s6], $0x4FFFF;
	_ =	strace $0x90000046  }
0xb1: {  	s29 =	simm.s32 $0x9;
	_ =	strace $0x80000048  }
0xb2: {  	_ =	swait.ge [sflag:s29], $0x1  }
0xb3: {  	[sflag:s29] =	ssyncadd.s32 $0xFFFFFFFF  }
0xb4: {  	_ =	strace $0x90000048  }
0xb5: {  	_ =	sfence  }
0xb6: {  	s30 =	sld [smem:$0x0];
	_ =	sdelay $0x2  }
0xb7: {  	s31 =	sshll.u32 s1, $0xD;
	s1 =	sshrl.u32 s1, $0x2  }
0xb8: {  	s3 =	sand.u32 $0x4000, s31;
	s1 =	sadd.s32 s1, s30  }
0xb9: {  	s0 =	sor.u32 s3, s0;
	s1 =	sshll.u32 s1, $0x11  }
0xba: {  	s0 =	sor.u32 s1, s0  }
0xbb: {  	s0 =	sadd.s32 $0x8F2B, s0  }
0xbc: {  	[sflag:s0] =	ssyncadd.remote.s32 $0x1  }
0xbd: {  	_ =	sfence.sel $0xFFFF  }
0xbe: {  	[dreg:$0x0] =	wrdreg $0xFFFFFFFF;
	(pc) =	sbr.abs _section_cstart, $3  }
0xbf: {  	[dreg:$0x1] =	wrdreg $0xFFFFFFFF  }
0xc0: {  	_ =	task.clear_ibuf [dreg:s6], $0x2FFFF;
	_ =	strace $0x9FFFFFFF  }
0xc1: {  	(tm) =	ssettm $0x7FFFFFFF  }
tec
execute0_lowered:
.L_overlay_start_1:
0x0: {  	(tag) =	ssettag $0x1  }
0x1: {  	s1 =	srdreg.scid  }
0x2: {  	s0 =	stileid.u32;
	s3 =	rddreg [dreg:$0x0]  }
0x3: {  	s10 =	simm.s32 $0x1;
	s2 =	sand.u32 $0x1, s1;
	s30 =	sshll.u32 s0, $0x1  }
0x4: {  	s11 =	simm.s32 $0x800;
	s12 =	simm.s32 $0x2;
	s1 =	sor.u32 s2, s30  }
0x5: {  	s13 =	simm.s32 $0x0;
	s5 =	ssub.s32 $0x2, s2;
	s4 =	smul.u32 $0x2710, s1  }
0x6: {  	s2 =	simm.s32 $0x0;
	s1 =	rddreg [dreg:$0x1];
	s6 =	sshrl.u32 s5, $0x1  }
0x7: {  	[smem:$0x7FF] =	sst s2;
	s31 =	ssub.s32 s5, s6;
	s4 =	sshrl.u32 s4, $0x3  }
0x8: {  	_ =	strace $0x80000047;
	s9 =	sadd.s32 s4, s3;
	s4 =	smax.u32 s31, $0x1  }
0x9: {  	s3 =	sadd.s32 $0x17400, s9;
	s5 =	sadd.s32 $0xD600, s9;
	s6 =	sadd.s32 $0xD6FA, s9  }
0xa: {  	v0 =	vimm.f32 $0.0e+00;
	v1 =	vimm.f32 $1.000000000e+00;
	s7 =	sadd.s32 $0xD7F4, s9;
	s8 =	sadd.s32 $0xD8EE, s9;
	s9 =	sadd.s32 $0xD9E8, s9  }
.LBB2_1:
0xb: {  	s14 =	simm.s32 $0x40;
	s15 =	simm.s32 $0x0  }
.LBB2_2:
0xc: {  	p0 =	sne.s32 s14, $0x9C00;
	[tilespmem:s15+$0x800] =	vst v0;
	s15 =	smov.u32 s14;
	s14 =	sadd.s32 $0x40, s14  }
.Ltmp0:
0xd: {  	(pc) =	sbr.rel @p0 .LBB2_2-.Ltmp0, $2  }
0xe: {  	_ =	sdelay $0x2  }
0xf: {  	s15 =	sshra.s32 s15, $0x2  }
0x10: {  	[tilespmem:s15+$0x800] =	vst v0;
	s14 =	simm.s32 $0x0  }
0x11: {  	[tilespmem:s14], [sflag:$0x1] =	stream.linear.gather [hbm4b:s5+s14], $0x7D0, $0x38;
	[tilespmem:$0x2F80] =	vst v63  }
0x12: {  	_ =	swait.ge [sflag:s10], $0x7D0  }
0x13: {  	[sflag:s10] =	ssyncset.done $0x0  }
0x14: {  	s15 =	simm.s32 $0x0;
	s14 =	simm.s32 $0x40;
	[sflag:s10] =	ssyncadd.s32 $0xFFFFF830  }
.LBB2_4:
0x15: {  	p0 =	sne.s32 s14, $0x1F00;
	v2 =	vld [tilespmem:s15+$0x0];
	_ =	sdelay $0x3  }
.Ltmp1:
0x16: {  	(pc) =	sbr.rel @p0 .LBB2_4-.Ltmp1, $2  }
0x17: {  	_ =	sdelay $0x2  }
0x18: {  	s15 =	sshra.s32 s14, $0x2;
	s14 =	sadd.s32 $0x40, s14;
	[tilespmem:v2+s11+$0x0] =	vst.idx.add.f32.msk $0xffff, v1  }
0x19: {  	v2 =	vld [tilespmem:s15+$0x0];
	_ =	sdelay $0x7  }
0x1a: {  	s14 =	simm.s32 $0x0;
	[tilespmem:v2+s11+$0x0] =	vst.idx.add.f32.msk $0xffff, v1  }
0x1b: {  	[tilespmem:s14], [sflag:$0x1] =	stream.linear.gather [hbm4b:s6+s14], $0x7D0, $0x38;
	[tilespmem:$0x2F80] =	vst v63  }
0x1c: {  	_ =	swait.ge [sflag:s10], $0x7D0  }
0x1d: {  	[sflag:s10] =	ssyncset.done $0x0  }
0x1e: {  	s15 =	simm.s32 $0x0;
	s14 =	simm.s32 $0x40;
	[sflag:s10] =	ssyncadd.s32 $0xFFFFF830  }
.LBB2_6:
0x1f: {  	p0 =	sne.s32 s14, $0x1F00;
	v2 =	vld [tilespmem:s15+$0x0];
	_ =	sdelay $0x3  }
.Ltmp2:
0x20: {  	(pc) =	sbr.rel @p0 .LBB2_6-.Ltmp2, $2  }
0x21: {  	_ =	sdelay $0x2  }
0x22: {  	s15 =	sshra.s32 s14, $0x2;
	s14 =	sadd.s32 $0x40, s14;
	[tilespmem:v2+s11+$0x0] =	vst.idx.add.f32.msk $0xffff, v1  }
0x23: {  	v2 =	vld [tilespmem:s15+$0x0];
	_ =	sdelay $0x7  }
0x24: {  	s14 =	simm.s32 $0x0;
	[tilespmem:v2+s11+$0x0] =	vst.idx.add.f32.msk $0xffff, v1  }
0x25: {  	[tilespmem:s14], [sflag:$0x1] =	stream.linear.gather [hbm4b:s7+s14], $0x7D0, $0x38;
	[tilespmem:$0x2F80] =	vst v63  }
0x26: {  	_ =	swait.ge [sflag:s10], $0x7D0  }
0x27: {  	[sflag:s10] =	ssyncset.done $0x0  }
0x28: {  	s15 =	simm.s32 $0x0;
	s14 =	simm.s32 $0x40;
	[sflag:s10] =	ssyncadd.s32 $0xFFFFF830  }
.LBB2_8:
0x29: {  	p0 =	sne.s32 s14, $0x1F00;
	v2 =	vld [tilespmem:s15+$0x0];
	_ =	sdelay $0x3  }
.Ltmp3:
0x2a: {  	(pc) =	sbr.rel @p0 .LBB2_8-.Ltmp3, $2  }
0x2b: {  	_ =	sdelay $0x2  }
0x2c: {  	s15 =	sshra.s32 s14, $0x2;
	s14 =	sadd.s32 $0x40, s14;
	[tilespmem:v2+s11+$0x0] =	vst.idx.add.f32.msk $0xffff, v1  }
0x2d: {  	v2 =	vld [tilespmem:s15+$0x0];
	_ =	sdelay $0x7  }
0x2e: {  	s14 =	simm.s32 $0x0;
	[tilespmem:v2+s11+$0x0] =	vst.idx.add.f32.msk $0xffff, v1  }
0x2f: {  	[tilespmem:s14], [sflag:$0x1] =	stream.linear.gather [hbm4b:s8+s14], $0x7D0, $0x38;
	[tilespmem:$0x2F80] =	vst v63  }
0x30: {  	_ =	swait.ge [sflag:s10], $0x7D0  }
0x31: {  	[sflag:s10] =	ssyncset.done $0x0  }
0x32: {  	s15 =	simm.s32 $0x0;
	s14 =	simm.s32 $0x40;
	[sflag:s10] =	ssyncadd.s32 $0xFFFFF830  }
.LBB2_10:
0x33: {  	p0 =	sne.s32 s14, $0x1F00;
	v2 =	vld [tilespmem:s15+$0x0];
	_ =	sdelay $0x3  }
.Ltmp4:
0x34: {  	(pc) =	sbr.rel @p0 .LBB2_10-.Ltmp4, $2  }
0x35: {  	_ =	sdelay $0x2  }
0x36: {  	s15 =	sshra.s32 s14, $0x2;
	s14 =	sadd.s32 $0x40, s14;
	[tilespmem:v2+s11+$0x0] =	vst.idx.add.f32.msk $0xffff, v1  }
0x37: {  	v2 =	vld [tilespmem:s15+$0x0];
	_ =	sdelay $0x7  }
0x38: {  	s14 =	simm.s32 $0x0;
	[tilespmem:v2+s11+$0x0] =	vst.idx.add.f32.msk $0xffff, v1  }
0x39: {  	[tilespmem:s14], [sflag:$0x1] =	stream.linear.gather [hbm4b:s9+s14], $0x7D0, $0x38;
	[tilespmem:$0x2F80] =	vst v63  }
0x3a: {  	_ =	swait.ge [sflag:s10], $0x7D0  }
0x3b: {  	[sflag:s10] =	ssyncset.done $0x0  }
0x3c: {  	s15 =	simm.s32 $0x0;
	s14 =	simm.s32 $0x40;
	[sflag:s10] =	ssyncadd.s32 $0xFFFFF830  }
.LBB2_12:
0x3d: {  	p0 =	sne.s32 s14, $0x1F00;
	v2 =	vld [tilespmem:s15+$0x0];
	_ =	sdelay $0x3  }
.Ltmp5:
0x3e: {  	(pc) =	sbr.rel @p0 .LBB2_12-.Ltmp5, $2  }
0x3f: {  	_ =	sdelay $0x2  }
0x40: {  	s15 =	sshra.s32 s14, $0x2;
	s14 =	sadd.s32 $0x40, s14;
	[tilespmem:v2+s11+$0x0] =	vst.idx.add.f32.msk $0xffff, v1  }
0x41: {  	v2 =	vld [tilespmem:s15+$0x0];
	_ =	sdelay $0x5  }
0x42: {  	s13 =	sadd.s32 $0x1, s13  }
0x43: {  	p0 =	sne.s32 s13, s4  }
.Ltmp6:
0x44: {  	[tilespmem:v2+s11+$0x0] =	vst.idx.add.f32.msk $0xffff, v1;
	(pc) =	sbr.rel @p0 .LBB2_1-.Ltmp6, $4  }
0x45: {  	[hbm4b:s3+s2] =	stream.linear.scatter [tilespmem:s11], [sflag:$0x2], $0x2710, $0x38;
	[tilespmem:$0x2F80] =	vst v63  }
0x46: {  	_ =	swait.ge [sflag:s12], $0x2710  }
0x47: {  	[sflag:s12] =	ssyncset.done $0x0  }
0x48: {  	[sflag:s12] =	ssyncadd.s32 $0xFFFFD8F0  }
0x49: {  	_ =	sfence.sel $0x180000  }
0x4a: {  	[bflag:$0x0] =	sbarrier.arrive $0xFFFF  }
0x4b: {  	p0 =	sne.s32 s0, $0x0;
	_ =	strace $0x90000047  }
0x4c: {  	s0 =	sadd.s32 @!p0 $0x100000, s1;
	[bflag:$0x2] =	sbarrier.arrive $0xFFFF  }
0x4d: {  	[sflag:s0] =	ssyncadd.tile.s32 @!p0 $0x1;
	_ =	shalt  }
.Lfunc_end2:
_tile_overlayer_lowered:
.L_overlay_start_2:
0x4e: {  	(tag) =	ssettag $0x2  }
0x4f: {  	s0 =	rddreg [dreg:$0x0];
	s2 =	stileid.u32  }
0x50: {  	s1 =	rddreg [dreg:$0x1];
	p0 =	sne.s32 s2, $0x0  }
0x51: {  	s3 =	rddreg [dreg:$0x2];
	[bflag:$0x3] =	sbarrier.arrive $0xFFFF;
	s2 =	simm.s32 @!p0 $0x1C02  }
0x52: {  	[timem:s3], [sflag:s2] =	dma.local @!p0 [hbm:s0], s1  }
0x53: {  	s0 =	simm.s32 @!p0 $0x2  }
0x54: {  	_ =	swait.ge @!p0 [sflag:s0], s1  }
0x55: {  	s1 =	ssub.s32 @!p0 $0x0, s1;
	[sflag:s0] =	ssyncset.done @!p0 $0x0  }
0x56: {  	[sflag:s0] =	ssyncadd.s32 @!p0 s1  }
0x57: {  	[bflag:$0x3] =	sbarrier.arrive $0xFFFF  }
0x58: {  	_ =	shalt  }

// kernel: kernel.13.cloned.1.call-start
scs
__scs_entry_jumppad:
0x0: {  	(pc) =	sbr.rel $0x88, $3  }
0x1: {  	(tag) =	ssettag $0x0;
	lr =	simm.s32 $0x1  }
0x2: {  	[smem:$0x3F97] =	sst lr;
	_ =	strace $0xD0000000  }
0x3: {  	_ = 	snop  }
0x4: {  	_ = 	snop  }
0x5: {  	_ = 	snop  }
0x6: {  	_ = 	snop  }
0x7: {  	_ = 	snop  }
__scs_overlays_trampoline_lowered:
0x8: {  	[smem:$0x3FA6] =	sst s0  }
0x9: {  	[smem:$0x3FA7] =	sst s1  }
0xa: {  	[smem:$0x3FA8] =	sst s2  }
0xb: {  	[smem:$0x3FA9] =	sst s3  }
0xc: {  	[smem:$0x3FAA] =	sst s4  }
0xd: {  	[smem:$0x3FAB] =	sst s5  }
0xe: {  	[smem:$0x3FAC] =	sst s6  }
0xf: {  	[smem:$0x3FAD] =	sst s7  }
0x10: {  	[smem:$0x3FAE] =	sst s8  }
0x11: {  	[smem:$0x3FAF] =	sst s9;
	s0 =	simm.s32 @!p0 $0x0  }
0x12: {  	s1 =	sld [smem:$0x3F95];
	s0 =	simm.s32 @p0 $0x1  }
0x13: {  	[smem:$0x3FB0] =	sst s0;
	s0 =	simm.s32 @!p1 $0x0  }
0x14: {  	s2 =	sld [smem:$0x3F94];
	s0 =	simm.s32 @p1 $0x1  }
0x15: {  	[smem:$0x3FB1] =	sst s0;
	s0 =	simm.s32 @!p2 $0x0  }
0x16: {  	s3 =	sld [smem:$0x3FDB];
	s0 =	simm.s32 @p2 $0x1  }
0x17: {  	s4 =	simm.s32 $0x1BF5;
	[smem:$0x3FB3] =	sst s0  }
0x18: {  	s0 =	sld [smem:$0x3F96];
	_ =	swait.ge [sflag:s4], $0x0  }
0x19: {  	s7 =	sld [smem:$0x3F97]  }
0x1a: {  	s8 =	sadd.s32 $0xFFFFE003, lr  }
0x1b: {  	s9 =	sadd.s32 $0xFFFFFEF7, lr;
	s5 =	simm.s32 $0xFFFFFFFF;
	p2 =	slt.u32 s8, $0xFFFFF086  }
0x1c: {  	p1 =	slt.u32 s9, $0xF7A;
	s5 =	simm.s32 @!p2 $0x0  }
0x1d: {  	s5 =	simm.s32 @p1 $0x1;
	p0 =	seq.s32 s7, s2  }
0x1e: {  	s7 =	smul.u32 @!p0 $0xF7A, s2;
	p2 =	seq.s32 @!p0 s5, $0x0  }
0x1f: {  	s9 =	smul.u32 $0xF7A, s1;
	s8 =	simm.s32 @!p0 $0x1BF5;
	p2 =	por !p2, p0  }
0x20: {  	[sflag:s8] =	ssyncset.s32 @!p0 $0xFFFFF086;
	s6 =	sadd.s32 @!p0 s3, s7;
	s7 =	simm.s32 @!p0 $0x108  }
0x21: {  	s3 =	sadd.s32 s3, s9;
	s6 =	sadd.s32 @!p0 $0x88, s6;
	s7 =	simm.s32 @p2 $0x1082  }
0x22: {  	[simem:s7], [sflag:s8] =	dma.local @!p0 [hbm:s6], $0xF7A  }
0x23: {  	s9 =	sor.u32 $0xD0000000, s2;
	s6 =	simm.s32 $0x108;
	_ =	swait.ge @!p0 [sflag:s8], $0x0  }
0x24: {  	s3 =	sadd.s32 $0x88, s3;
	s6 =	simm.s32 @!p1 $0x1082;
	[sflag:s4] =	ssyncset.s32 $0xFFFFF086  }
0x25: {  	[simem:s6], [sflag:s4] =	dma.local [hbm:s3], $0xF7A  }
0x26: {  	[smem:$0x3F97] =	sst s1;
	(tag) =	ssettag s2;
	_ =	strace s9  }
0x27: {  	s1 =	sld [smem:$0x3FA7]  }
0x28: {  	s2 =	sld [smem:$0x3FA8]  }
0x29: {  	s4 =	sld [smem:$0x3FAA]  }
0x2a: {  	p0 =	seq.s32 s5, $0x0;
	s5 =	sld [smem:$0x3FAB]  }
0x2b: {  	s6 =	sld [smem:$0x3FAC]  }
0x2c: {  	s7 =	sld [smem:$0x3FAD]  }
0x2d: {  	s3 =	simm.s32 $0x108;
	s8 =	sld [smem:$0x3FAE]  }
0x2e: {  	s3 =	simm.s32 @!p0 $0x1082;
	s9 =	sld [smem:$0x3FAF]  }
0x2f: {  	lr =	sadd.s32 s0, s3;
	s0 =	sld [smem:$0x3FA6]  }
0x30: {  	s3 =	sld [smem:$0x3FA9]  }
0x31: {  	[smem:$0x3FB2] =	sst s10  }
0x32: {  	s10 =	sld [smem:$0x3FB0];
	_ =	sdelay $0x3  }
0x33: {  	p0 =	seq.s32 s10, $0x1;
	s10 =	sld [smem:$0x3FB2];
	_ =	sdelay $0x3  }
0x34: {  	[smem:$0x3FB2] =	sst s10  }
0x35: {  	s10 =	sld [smem:$0x3FB1];
	_ =	sdelay $0x3  }
0x36: {  	p1 =	seq.s32 s10, $0x1;
	s10 =	sld [smem:$0x3FB2];
	_ =	sdelay $0x3  }
0x37: {  	[smem:$0x3FB2] =	sst s10  }
0x38: {  	s10 =	sld [smem:$0x3FB3]  }
0x39: {  	_ = 	snop;
	(pc) =	sbr.ind lr, $3  }
0x3a: {  	_ = 	snop  }
0x3b: {  	_ = 	snop  }
0x3c: {  	p2 =	seq.s32 s10, $0x1;
	s10 =	sld [smem:$0x3FB2]  }
0x3d: {  	_ =	shalt  }
0x3e: {  	_ =	shalt  }
0x3f: {  	_ =	shalt  }
0x40: {  	_ =	shalt  }
0x41: {  	_ =	shalt  }
0x42: {  	_ =	shalt  }
0x43: {  	_ =	shalt  }
0x44: {  	_ =	shalt  }
0x45: {  	_ =	shalt  }
0x46: {  	_ =	shalt  }
0x47: {  	_ =	shalt  }
0x48: {  	_ =	shalt  }
0x49: {  	_ =	shalt  }
0x4a: {  	_ =	shalt  }
0x4b: {  	_ =	shalt  }
0x4c: {  	_ =	shalt  }
0x4d: {  	_ =	shalt  }
0x4e: {  	_ =	shalt  }
0x4f: {  	_ =	shalt  }
0x50: {  	_ =	shalt  }
0x51: {  	_ =	shalt  }
0x52: {  	_ =	shalt  }
0x53: {  	_ =	shalt  }
0x54: {  	_ =	shalt  }
0x55: {  	_ =	shalt  }
0x56: {  	_ =	shalt  }
0x57: {  	_ =	shalt  }
0x58: {  	_ =	shalt  }
0x59: {  	_ =	shalt  }
0x5a: {  	_ =	shalt  }
0x5b: {  	_ =	shalt  }
0x5c: {  	_ =	shalt  }
0x5d: {  	_ =	shalt  }
0x5e: {  	_ =	shalt  }
0x5f: {  	_ =	shalt  }
0x60: {  	_ =	shalt  }
0x61: {  	_ =	shalt  }
0x62: {  	_ =	shalt  }
0x63: {  	_ =	shalt  }
0x64: {  	_ =	shalt  }
0x65: {  	_ =	shalt  }
0x66: {  	_ =	shalt  }
0x67: {  	_ =	shalt  }
0x68: {  	_ =	shalt  }
0x69: {  	_ =	shalt  }
0x6a: {  	_ =	shalt  }
0x6b: {  	_ =	shalt  }
0x6c: {  	_ =	shalt  }
0x6d: {  	_ =	shalt  }
0x6e: {  	_ =	shalt  }
0x6f: {  	_ =	shalt  }
0x70: {  	_ =	shalt  }
0x71: {  	_ =	shalt  }
0x72: {  	_ =	shalt  }
0x73: {  	_ =	shalt  }
0x74: {  	_ =	shalt  }
0x75: {  	_ =	shalt  }
0x76: {  	_ =	shalt  }
0x77: {  	_ =	shalt  }
0x78: {  	_ =	shalt  }
0x79: {  	_ =	shalt  }
0x7a: {  	_ =	shalt  }
0x7b: {  	_ =	shalt  }
0x7c: {  	_ =	shalt  }
0x7d: {  	_ =	shalt  }
0x7e: {  	_ =	shalt  }
0x7f: {  	_ =	shalt  }
0x80: {  	_ =	shalt  }
0x81: {  	_ =	shalt  }
0x82: {  	_ =	shalt  }
0x83: {  	_ =	shalt  }
0x84: {  	_ =	shalt  }
0x85: {  	_ =	shalt  }
0x86: {  	_ =	shalt  }
0x87: {  	_ =	shalt  }
.Lfunc_end0:
.L_simem_size_0:
called_computation.1_lowered:
.L_overlay_start_0:
0x88: {  	s2 =	sld [smem:$0x3FD9]  }
0x89: {  	s3 =	sld [smem:$0x3FFE];
	_ =	sdelay $0x1  }
0x8a: {  	s1 =	srdreg.scid  }
0x8b: {  	s0 =	sand.u32 $0x1, s1  }
0x8c: {  	s16 =	sshll.u32 s0, $0xA;
	s2 =	sadd.s32 s3, s2  }
0x8d: {  	s2 =	sadd.s32 s2, s16  }
0x8e: {  	[smem:$0x3FBE] =	sst s2  }
0x8f: {  	_ = 	snop  }
0x90: {  	(tm) =	ssettm $0x1  }
0x91: {  	s17 =	sld [smem:$0x3FFB];
	_ =	sdelay $0x3  }
0x92: {  	_ =	strace s17  }
0x93: {  	s2 =	sld [smem:$0x3FFC];
	_ =	sdelay $0x3  }
0x94: {  	_ =	strace s2  }
0x95: {  	s2 =	sld [smem:$0x3FFD];
	_ =	sdelay $0x3  }
0x96: {  	_ =	strace s2  }
0x97: {  	_ =	strace $0x8FFFFFFF  }
0x98: {  	s18 =	sld [smem:$0x3FDB];
	_ =	sdelay $0x1  }
0x99: {  	s19 =	simm.s32 $_scs_section_size  }
0x9a: {  	s4 =	simm.s32 $_size__tile_overlayer_lowered;
	s5 =	simm.s32 $_tile_overlayer_lowered  }
0x9b: {  	s22 =	simm.s32 $0x1BFF;
	s21 =	sshll.u32 s5, $0x1;
	s2 =	sadd.s32 s19, s18  }
0x9c: {  	s6 =	simm.s32 $0x0;
	s20 =	sshll.u32 s4, $0x1;
	s4 =	sadd.s32 s21, s2  }
0x9d: {  	[timem:s6], [sflag:s22] =	dma.local [hbm:s4], s20  }
0x9e: {  	_ =	swait.ge [sflag:s22], s20  }
0x9f: {  	s3 =	ssub.s32 $0x0, s20;
	[sflag:s22] =	ssyncset.done $0x0  }
0xa0: {  	[sflag:s22] =	ssyncadd.s32 s3;
	_ =	sdelay $0x1  }
0xa1: {  	s23 =	simm.s32 $0x1B8B  }
0xa2: {  	_ =	swait.ge [sflag:s23], $0x1  }
0xa3: {  	[sflag:s23] =	ssyncset.done $0x0  }
0xa4: {  	s25 =	simm.s32 $0x1B8E;
	s24 =	sld [smem:$0x3FFE];
	[sflag:s23] =	ssyncadd.s32 $0xFFFFFFFF  }
0xa5: {  	s26 =	simm.s32 $execute0_lowered;
	[smem:$0x3FD2] =	sst s25  }
0xa6: {  	s4 =	sshll.u32 s26, $0x1;
	_ =	strace $0x80000049;
	[dreg:$0x1] =	wrdreg $0xFFFFFFFF  }
0xa7: {  	s28 =	simm.s32 $_size_execute0_lowered;
	s2 =	sadd.s32 s2, s4;
	[dreg:$0x0] =	wrdreg $0x0  }
0xa8: {  	s4 =	sshll.u32 s28, $0x1;
	[dreg:$0x2] =	wrdreg s2  }
0xa9: {  	[dreg:$0x3] =	wrdreg s4  }
0xaa: {  	[dreg:$0x4] =	wrdreg $0xC0  }
0xab: {  	_ =	task [dreg:s6], $0x5FFFF  }
0xac: {  	[dreg:$0x1] =	wrdreg $0xFFFFFFFF  }
0xad: {  	[dreg:$0x0] =	wrdreg $0x60  }
0xae: {  	[dreg:$0x2] =	wrdreg s24  }
0xaf: {  	[dreg:$0x3] =	wrdreg $0x75000  }
0xb0: {  	[dreg:$0x4] =	wrdreg $0x9  }
0xb1: {  	_ =	task.clear_ibuf [dreg:s6], $0x5FFFF;
	_ =	strace $0x90000049  }
0xb2: {  	s29 =	simm.s32 $0x9;
	_ =	strace $0x8000004B  }
0xb3: {  	_ =	swait.ge [sflag:s29], $0x1  }
0xb4: {  	[sflag:s29] =	ssyncadd.s32 $0xFFFFFFFF  }
0xb5: {  	_ =	strace $0x9000004B  }
0xb6: {  	_ =	sfence  }
0xb7: {  	s30 =	sld [smem:$0x0];
	_ =	sdelay $0x2  }
0xb8: {  	s31 =	sshll.u32 s1, $0xD;
	s1 =	sshrl.u32 s1, $0x2  }
0xb9: {  	s3 =	sand.u32 $0x4000, s31;
	s1 =	sadd.s32 s1, s30  }
0xba: {  	s0 =	sor.u32 s3, s0;
	s1 =	sshll.u32 s1, $0x11  }
0xbb: {  	s0 =	sor.u32 s1, s0  }
0xbc: {  	s0 =	sadd.s32 $0x8F2B, s0  }
0xbd: {  	[sflag:s0] =	ssyncadd.remote.s32 $0x1  }
0xbe: {  	_ =	sfence.sel $0xFFFF  }
0xbf: {  	[dreg:$0x0] =	wrdreg $0xFFFFFFFF;
	(pc) =	sbr.abs _section_cstart, $3  }
0xc0: {  	[dreg:$0x1] =	wrdreg $0xFFFFFFFF  }
0xc1: {  	_ =	task.clear_ibuf [dreg:s6], $0x2FFFF;
	_ =	strace $0x9FFFFFFF  }
0xc2: {  	(tm) =	ssettm $0x7FFFFFFF  }
0xc3: {  	_ =	shalt  }
tec
execute0_lowered:
.L_overlay_start_1:
0x0: {  	(tag) =	ssettag $0x1  }
0x1: {  	s0 =	rddreg [dreg:$0x0]  }
0x2: {  	s1 =	rddreg [dreg:$0x1];
	s3 =	simm.s32 $0x0  }
0x3: {  	s2 =	srdreg.scid;
	s10 =	stileid.u32;
	s31 =	simm.s32 $0x2  }
0x4: {  	[smem:$0x7FF] =	sst s3;
	s2 =	sand.u32 $0x1, s2;
	s6 =	smul.u32 $0x13C00, s10  }
0x5: {  	s4 =	sadd.s32 $0x17400, s0;
	s11 =	sadd.s32 $0x3800, s0;
	s7 =	smul.u32 $0x4F000, s10  }
0x6: {  	s29 =	sadd.s32 $0xD600, s0;
	s20 =	sshll.u32 s10, $0x1;
	s24 =	smul.u32 $0x4E20, s10  }
0x7: {  	s5 =	smul.u32 $0x13C000, s2;
	_ =	strace $0x8000004A;
	s8 =	ssub.s32 $0x2, s2  }
0x8: {  	s10 =	smov.u32 s11;
	[dreg:$0xb] =	wrdreg s29;
	s9 =	sshrl.u32 s8, $0x1  }
0x9: {  	s7 =	sshrl.u32 s7, $0x2;
	s5 =	sadd.s32 s6, s5;
	s6 =	sor.u32 s2, s20  }
0xa: {  	s12 =	sadd.s32 s7, s1;
	s2 =	smul.u32 $0x2710, s2;
	s5 =	sshrl.u32 s5, $0x3  }
0xb: {  	s6 =	smul.u32 $0x2710, s6;
	s7 =	sadd.s32 $0x13800, s12;
	s0 =	sadd.s32 s5, s0  }
0xc: {  	s5 =	ssub.s32 s8, s9;
	[dreg:$0xd] =	wrdreg s7;
	s2 =	sadd.s32 s2, s24  }
0xd: {  	s21 =	sshrl.u32 s6, $0x3;
	s22 =	sadd.s32 $0x28, s6;
	s6 =	sadd.s32 $0x78, s6  }
0xe: {  	s13 =	sadd.s32 $0x168, s2;
	s9 =	sadd.s32 $0x140, s2;
	s0 =	sadd.s32 $0x3E600, s0  }
0xf: {  	s20 =	sadd.s32 $0x118, s2;
	s5 =	smax.u32 s5, $0x1;
	[dreg:$0x18] =	wrdreg s0  }
0x10: {  	s24 =	sadd.s32 $0xF0, s2;
	s2 =	sadd.s32 $0xC8, s2;
	[dreg:$0x19] =	wrdreg s5  }
0x11: {  	s23 =	sadd.s32 s11, s21;
	s8 =	sshrl.u32 s22, $0x3;
	[dreg:$0x1a] =	wrdreg s2  }
0x12: {  	s25 =	sadd.s32 s29, s21;
	s28 =	sadd.s32 $0xA, s21;
	[dreg:$0xe] =	wrdreg s23  }
0x13: {  	s6 =	sshrl.u32 s6, $0x3;
	[dreg:$0xf] =	wrdreg s25;
	s26 =	sadd.s32 s10, s8  }
0x14: {  	s14 =	sadd.s32 $0x14, s21;
	s8 =	sadd.s32 s29, s8;
	[dreg:$0x10] =	wrdreg s26  }
0x15: {  	s15 =	sshrl.u32 s13, $0x3;
	s30 =	sadd.s32 s10, s28;
	[dreg:$0x11] =	wrdreg s8  }
0x16: {  	s18 =	sshrl.u32 s9, $0x3;
	s11 =	sadd.s32 s10, s6;
	[dreg:$0x12] =	wrdreg s30  }
0x17: {  	s22 =	sshrl.u32 s20, $0x3;
	s6 =	sadd.s32 s29, s6;
	[dreg:$0x14] =	wrdreg s11  }
0x18: {  	s9 =	simm.s32 $0x3;
	s16 =	sadd.s32 s10, s14;
	[dreg:$0x15] =	wrdreg s6  }
0x19: {  	s13 =	simm.s32 $0x4;
	s17 =	sadd.s32 s15, s29;
	[dreg:$0x16] =	wrdreg s16  }
0x1a: {  	s2 =	simm.s32 $0x0;
	s7 =	sadd.s32 s15, s10;
	[dreg:$0x3] =	wrdreg s17  }
0x1b: {  	s19 =	sadd.s32 s18, s29;
	s21 =	sadd.s32 s18, s10;
	[dreg:$0x4] =	wrdreg s7  }
0x1c: {  	s23 =	sadd.s32 s22, s29;
	s25 =	sadd.s32 s22, s10;
	[dreg:$0x5] =	wrdreg s19  }
0x1d: {  	s15 =	simm.s32 $0x80;
	s18 =	simm.s32 $0x1900;
	[dreg:$0x6] =	wrdreg s21  }
0x1e: {  	s22 =	simm.s32 $0x280;
	s8 =	sadd.s32 s29, s28;
	[dreg:$0x7] =	wrdreg s23  }
0x1f: {  	s26 =	sshrl.u32 s24, $0x3;
	s6 =	sadd.s32 s29, s14;
	[dreg:$0x8] =	wrdreg s25  }
0x20: {  	s11 =	simm.s32 $0x6900;
	s23 =	simm.s32 $0x10;
	s25 =	simm.s32 $0x1  }
0x21: {  	s14 =	simm.s32 $0x500;
	s16 =	simm.s32 $0x300;
	[dreg:$0x13] =	wrdreg s8  }
0x22: {  	s19 =	simm.s32 $0x2D00;
	[dreg:$0x17] =	wrdreg s6;
	s28 =	sadd.s32 s26, s29  }
0x23: {  	s17 =	simm.s32 $0x5;
	s30 =	sadd.s32 s26, s10;
	[dreg:$0x9] =	wrdreg s28  }
0x24: {  	s24 =	simm.s32 $0xB;
	s8 =	smov.u32 s12;
	[dreg:$0xa] =	wrdreg s30  }
0x25: {  	v0 =	vimm.f32 $0.0e+00;
	s7 =	simm.s32 $0x300;
	s26 =	simm.s32 $0x28;
	[dreg:$0xc] =	wrdreg s8  }
.LBB2_1:
0x26: {  	[dreg:$0x1b] =	wrdreg s2;
	s0 =	simm.s32 $0x70;
	s2 =	simm.s32 $0x3C0  }
.LBB2_2:
0x27: {  	p0 =	sne.s32 s2, $0x2FC0;
	[tilespmem:s0+$0x6900] =	vst v0  }
0x28: {  	[tilespmem:s0+$0x6890] =	vst v0  }
0x29: {  	[tilespmem:s0+$0x68A0] =	vst v0  }
.Ltmp0:
0x2a: {  	[tilespmem:s0+$0x68B0] =	vst v0;
	(pc) =	sbr.rel @p0 .LBB2_2-.Ltmp0, $4  }
0x2b: {  	[tilespmem:s0+$0x68C0] =	vst v0  }
0x2c: {  	[tilespmem:s0+$0x68D0] =	vst v0  }
0x2d: {  	[tilespmem:s0+$0x68E0] =	vst v0  }
0x2e: {  	[tilespmem:s0+$0x68F0] =	vst v0;
	s0 =	sshra.s32 s2, $0x2;
	s2 =	sadd.s32 $0x200, s2  }
0x2f: {  	[tilespmem:s0+$0x6900] =	vst v0  }
0x30: {  	[tilespmem:s0+$0x6890] =	vst v0  }
0x31: {  	[tilespmem:s0+$0x68A0] =	vst v0  }
0x32: {  	[tilespmem:s0+$0x68B0] =	vst v0  }
0x33: {  	[tilespmem:s0+$0x68C0] =	vst v0  }
0x34: {  	[tilespmem:s0+$0x68D0] =	vst v0  }
0x35: {  	[tilespmem:s0+$0x68E0] =	vst v0  }
0x36: {  	[tilespmem:s0+$0x68F0] =	vst v0;
	s30 =	sadd.s32 $0x0, s8  }
0x37: {  	[spmem:s30] =	stream.linear.scatter [tilespmem:s11], [sflag:$0x10], $0xC00, $0x38;
	[tilespmem:$0x1B100] =	vst v63  }
0x38: {  	s0 =	simm.s32 $0x3000;
	s28 =	simm.s32 $0x280;
	_ =	swait.ge [sflag:s23], $0xC00  }
.LBB2_4:
0x39: {  	s2 =	sshra.s32 s0, $0x2;
	[sflag:s23] =	ssyncset.done $0x0;
	p0 =	sne.s32 s0, $0x4B000  }
.Ltmp1:
0x3a: {  	s2 =	sadd.s32 s2, s8;
	[sflag:s23] =	ssyncadd.s32 $0xFFFFF400;
	(pc) =	sbr.rel @p0 .LBB2_4-.Ltmp1, $3  }
0x3b: {  	[spmem:s2] =	stream.linear.scatter [tilespmem:s11], [sflag:$0x10], $0xC00, $0x38;
	[tilespmem:$0x1B100] =	vst v63  }
0x3c: {  	s0 =	sadd.s32 $0x3000, s0;
	_ =	sdelay $0x1  }
0x3d: {  	_ =	swait.ge [sflag:s23], $0xC00  }
0x3e: {  	[sflag:s23] =	ssyncset.done $0x0  }
0x3f: {  	s0 =	rddreg [dreg:$0xd];
	[sflag:s23] =	ssyncadd.s32 $0xFFFFF400  }
0x40: {  	[spmem:s0] =	stream.linear.scatter [tilespmem:s11], [sflag:$0x10], $0x400, $0x38;
	[tilespmem:$0x1B100] =	vst v63  }
0x41: {  	_ =	swait.ge [sflag:s23], $0x400  }
0x42: {  	[sflag:s23] =	ssyncset.done $0x0  }
0x43: {  	s0 =	simm.s32 $0x0;
	s2 =	rddreg [dreg:$0xe];
	[sflag:s23] =	ssyncadd.s32 $0xFFFFFC00  }
0x44: {  	[tilespmem:s0], [sflag:$0x1] =	stream.linear.gather [hbm4b:s2+s0], $0x28, $0x38;
	[tilespmem:$0x1B100] =	vst v63  }
0x45: {  	s20 =	rddreg [dreg:$0xf]  }
0x46: {  	[tilespmem:s28], [sflag:$0x1] =	stream.linear.gather [hbm4b:s20+s0], $0x28, $0x38;
	[tilespmem:$0x1B100] =	vst v63  }
0x47: {  	_ =	swait.ge [sflag:s25], $0x28  }
0x48: {  	[sflag:s25] =	ssyncset.done $0x0  }
0x49: {  	[sflag:s25] =	ssyncadd.s32 $0xFFFFFFD8  }
0x4a: {  	_ =	swait.ge [sflag:s25], $0x28  }
0x4b: {  	[sflag:s25] =	ssyncset.done $0x0  }
0x4c: {  	[sflag:s25] =	ssyncadd.s32 $0xFFFFFFD8  }
0x4d: {  	[tilespmem:s14], [sflag:$0x6] =	stream.indirect.gather [hbm4b:s4+s26], $0x80, s0, s26, $0xb8;
	[tilespmem:$0x1B100] =	vst v63  }
0x4e: {  	s21 =	rddreg [dreg:$0x10]  }
0x4f: {  	[tilespmem:s15], [sflag:$0x2] =	stream.linear.gather [hbm4b:s21+s0], $0x28, $0x38;
	[tilespmem:$0x1B100] =	vst v63  }
0x50: {  	s23 =	rddreg [dreg:$0x11]  }
0x51: {  	[tilespmem:s16], [sflag:$0x2] =	stream.linear.gather [hbm4b:s23+s0], $0x28, $0x38;
	[tilespmem:$0x1B100] =	vst v63  }
0x52: {  	_ =	swait.ge [sflag:s31], $0x28  }
0x53: {  	[sflag:s31] =	ssyncset.done $0x0  }
0x54: {  	[sflag:s31] =	ssyncadd.s32 $0xFFFFFFD8  }
0x55: {  	_ =	swait.ge [sflag:s31], $0x28  }
0x56: {  	[sflag:s31] =	ssyncset.done $0x0  }
0x57: {  	[sflag:s31] =	ssyncadd.s32 $0xFFFFFFD8  }
0x58: {  	[tilespmem:s18], [sflag:$0x7] =	stream.indirect.gather [hbm4b:s4+s26], $0x80, s15, s26, $0xb8;
	[tilespmem:$0x1B100] =	vst v63  }
0x59: {  	s12 =	simm.s32 $0x100;
	s5 =	rddreg [dreg:$0x12]  }
0x5a: {  	[tilespmem:s12], [sflag:$0x3] =	stream.linear.gather [hbm4b:s5+s0], $0x28, $0x38;
	[tilespmem:$0x1B100] =	vst v63  }
0x5b: {  	s11 =	simm.s32 $0x380;
	s6 =	rddreg [dreg:$0x13]  }
0x5c: {  	[tilespmem:s11], [sflag:$0x3] =	stream.linear.gather [hbm4b:s6+s0], $0x28, $0x38;
	[tilespmem:$0x1B100] =	vst v63  }
0x5d: {  	_ =	swait.ge [sflag:s9], $0x28  }
0x5e: {  	[sflag:s9] =	ssyncset.done $0x0  }
0x5f: {  	[sflag:s9] =	ssyncadd.s32 $0xFFFFFFD8  }
0x60: {  	_ =	swait.ge [sflag:s9], $0x28  }
0x61: {  	[sflag:s9] =	ssyncset.done $0x0  }
0x62: {  	[sflag:s9] =	ssyncadd.s32 $0xFFFFFFD8  }
0x63: {  	[tilespmem:s19], [sflag:$0x8] =	stream.indirect.gather [hbm4b:s4+s26], $0x80, s12, s26, $0xb8;
	[tilespmem:$0x1B100] =	vst v63  }
0x64: {  	s30 =	simm.s32 $0x180;
	s8 =	rddreg [dreg:$0x14]  }
0x65: {  	[tilespmem:s30], [sflag:$0x4] =	stream.linear.gather [hbm4b:s8+s0], $0x28, $0x38;
	[tilespmem:$0x1B100] =	vst v63  }
0x66: {  	s23 =	simm.s32 $0x400;
	s20 =	rddreg [dreg:$0x15]  }
0x67: {  	[tilespmem:s23], [sflag:$0x4] =	stream.linear.gather [hbm4b:s20+s0], $0x28, $0x38;
	[tilespmem:$0x1B100] =	vst v63  }
0x68: {  	_ =	swait.ge [sflag:s13], $0x28  }
0x69: {  	[sflag:s13] =	ssyncset.done $0x0  }
0x6a: {  	[sflag:s13] =	ssyncadd.s32 $0xFFFFFFD8  }
0x6b: {  	_ =	swait.ge [sflag:s13], $0x28  }
0x6c: {  	[sflag:s13] =	ssyncset.done $0x0  }
0x6d: {  	s20 =	simm.s32 $0x4100;
	[sflag:s13] =	ssyncadd.s32 $0xFFFFFFD8  }
0x6e: {  	[tilespmem:s20], [sflag:$0x9] =	stream.indirect.gather [hbm4b:s4+s26], $0x80, s30, s26, $0xb8;
	[tilespmem:$0x1B100] =	vst v63  }
0x6f: {  	s5 =	simm.s32 $0x200;
	s21 =	rddreg [dreg:$0x16]  }
0x70: {  	[tilespmem:s5], [sflag:$0x5] =	stream.linear.gather [hbm4b:s21+s0], $0x28, $0x38;
	[tilespmem:$0x1B100] =	vst v63  }
0x71: {  	s8 =	simm.s32 $0x480;
	s6 =	rddreg [dreg:$0x17]  }
0x72: {  	[tilespmem:s8], [sflag:$0x5] =	stream.linear.gather [hbm4b:s6+s0], $0x28, $0x38;
	[tilespmem:$0x1B100] =	vst v63  }
0x73: {  	_ =	swait.ge [sflag:s17], $0x28  }
0x74: {  	[sflag:s17] =	ssyncset.done $0x0  }
0x75: {  	[sflag:s17] =	ssyncadd.s32 $0xFFFFFFD8  }
0x76: {  	_ =	swait.ge [sflag:s17], $0x28  }
0x77: {  	[sflag:s17] =	ssyncset.done $0x0  }
0x78: {  	s0 =	simm.s32 $0x5500;
	[sflag:s17] =	ssyncadd.s32 $0xFFFFFFD8  }
0x79: {  	[tilespmem:s0], [sflag:$0xA] =	stream.indirect.gather [hbm4b:s4+s26], $0x80, s5, s26, $0xb8;
	[tilespmem:$0x1B100] =	vst v63  }
0x7a: {  	s21 =	simm.s32 $0x6;
	[bflag:$0x0] =	sbarrier.arrive $0xFFFF  }
0x7b: {  	_ =	swait.ge [sflag:s21], $0x1400  }
0x7c: {  	[sflag:s21] =	ssyncset.done $0x0  }
0x7d: {  	s6 =	simm.s32 $0x7;
	[sflag:s21] =	ssyncadd.s32 $0xFFFFEC00  }
0x7e: {  	[spmem:s1] =	stream.indirect.scatter.add.f32 [tilespmem:s14], [sflag:$0xB], $0x80, s28, s26, $0xb8;
	[tilespmem:$0x1B100] =	vst v63  }
0x7f: {  	_ =	swait.ge [sflag:s6], $0x1400  }
0x80: {  	[sflag:s6] =	ssyncset.done $0x0  }
0x81: {  	s21 =	simm.s32 $0x8;
	[sflag:s6] =	ssyncadd.s32 $0xFFFFEC00  }
0x82: {  	[spmem:s1] =	stream.indirect.scatter.add.f32 [tilespmem:s18], [sflag:$0xC], $0x80, s16, s26, $0xb8;
	[tilespmem:$0x1B100] =	vst v63  }
0x83: {  	_ =	swait.ge [sflag:s21], $0x1400  }
0x84: {  	[sflag:s21] =	ssyncset.done $0x0  }
0x85: {  	s6 =	simm.s32 $0x9;
	[sflag:s21] =	ssyncadd.s32 $0xFFFFEC00  }
0x86: {  	[spmem:s1] =	stream.indirect.scatter.add.f32 [tilespmem:s19], [sflag:$0xD], $0x80, s11, s26, $0xb8;
	[tilespmem:$0x1B100] =	vst v63  }
0x87: {  	_ =	swait.ge [sflag:s6], $0x1400  }
0x88: {  	[sflag:s6] =	ssyncset.done $0x0  }
0x89: {  	s21 =	simm.s32 $0xA;
	[sflag:s6] =	ssyncadd.s32 $0xFFFFEC00  }
0x8a: {  	[spmem:s1] =	stream.indirect.scatter.add.f32 [tilespmem:s20], [sflag:$0xE], $0x80, s23, s26, $0xb8;
	[tilespmem:$0x1B100] =	vst v63  }
0x8b: {  	_ =	swait.ge [sflag:s21], $0x1400  }
0x8c: {  	[sflag:s21] =	ssyncset.done $0x0  }
0x8d: {  	[sflag:s21] =	ssyncadd.s32 $0xFFFFEC00  }
0x8e: {  	[spmem:s1] =	stream.indirect.scatter.add.f32 [tilespmem:s0], [sflag:$0xF], $0x80, s8, s26, $0xb8;
	[tilespmem:$0x1B100] =	vst v63  }
0x8f: {  	_ =	swait.ge [sflag:s24], $0x1400  }
0x90: {  	s8 =	rddreg [dreg:$0x1a]  }
0x91: {  	[sflag:s24] =	ssyncset.done $0x0;
	s6 =	sshrl.u32 s8, $0x3  }
0x92: {  	[sflag:s24] =	ssyncadd.s32 $0xFFFFEC00;
	s21 =	sadd.s32 s10, s6  }
0x93: {  	[tilespmem:s3], [sflag:$0x1] =	stream.linear.gather [hbm4b:s21+s3], $0x28, $0x38;
	[tilespmem:$0x1B100] =	vst v63  }
0x94: {  	s0 =	sadd.s32 s29, s6  }
0x95: {  	[tilespmem:s28], [sflag:$0x1] =	stream.linear.gather [hbm4b:s0+s3], $0x28, $0x38;
	[tilespmem:$0x1B100] =	vst v63  }
0x96: {  	_ =	swait.ge [sflag:s25], $0x28  }
0x97: {  	[sflag:s25] =	ssyncset.done $0x0  }
0x98: {  	[sflag:s25] =	ssyncadd.s32 $0xFFFFFFD8  }
0x99: {  	_ =	swait.ge [sflag:s25], $0x28  }
0x9a: {  	[sflag:s25] =	ssyncset.done $0x0  }
0x9b: {  	s28 =	simm.s32 $0xC;
	[sflag:s25] =	ssyncadd.s32 $0xFFFFFFD8  }
0x9c: {  	[tilespmem:s14], [sflag:$0x6] =	stream.indirect.gather [hbm4b:s4+s26], $0x80, s3, s26, $0xb8;
	[tilespmem:$0x1B100] =	vst v63  }
0x9d: {  	_ =	swait.ge [sflag:s28], $0x1400  }
0x9e: {  	s2 =	rddreg [dreg:$0xa];
	[sflag:s28] =	ssyncset.done $0x0  }
0x9f: {  	s6 =	rddreg [dreg:$0x9];
	[sflag:s28] =	ssyncadd.s32 $0xFFFFEC00;
	s0 =	sadd.s32 $0x0, s2  }
0xa0: {  	[tilespmem:s15], [sflag:$0x2] =	stream.linear.gather [hbm4b:s0+s3], $0x28, $0x38;
	[tilespmem:$0x1B100] =	vst v63  }
0xa1: {  	s14 =	sadd.s32 $0x0, s6  }
0xa2: {  	[tilespmem:s16], [sflag:$0x2] =	stream.linear.gather [hbm4b:s14+s3], $0x28, $0x38;
	[tilespmem:$0x1B100] =	vst v63  }
0xa3: {  	_ =	swait.ge [sflag:s31], $0x28  }
0xa4: {  	[sflag:s31] =	ssyncset.done $0x0  }
0xa5: {  	[sflag:s31] =	ssyncadd.s32 $0xFFFFFFD8  }
0xa6: {  	_ =	swait.ge [sflag:s31], $0x28  }
0xa7: {  	[sflag:s31] =	ssyncset.done $0x0  }
0xa8: {  	s29 =	simm.s32 $0xD;
	[sflag:s31] =	ssyncadd.s32 $0xFFFFFFD8  }
0xa9: {  	[tilespmem:s18], [sflag:$0x7] =	stream.indirect.gather [hbm4b:s4+s26], $0x80, s15, s26, $0xb8;
	[tilespmem:$0x1B100] =	vst v63  }
0xaa: {  	_ =	swait.ge [sflag:s29], $0x1400  }
0xab: {  	s18 =	rddreg [dreg:$0x8];
	[sflag:s29] =	ssyncset.done $0x0  }
0xac: {  	s21 =	rddreg [dreg:$0x7];
	[sflag:s29] =	ssyncadd.s32 $0xFFFFEC00;
	s0 =	sadd.s32 $0x0, s18  }
0xad: {  	[tilespmem:s12], [sflag:$0x3] =	stream.linear.gather [hbm4b:s0+s3], $0x28, $0x38;
	[tilespmem:$0x1B100] =	vst v63  }
0xae: {  	s2 =	sadd.s32 $0x0, s21  }
0xaf: {  	[tilespmem:s11], [sflag:$0x3] =	stream.linear.gather [hbm4b:s2+s3], $0x28, $0x38;
	[tilespmem:$0x1B100] =	vst v63  }
0xb0: {  	_ =	swait.ge [sflag:s9], $0x28  }
0xb1: {  	[sflag:s9] =	ssyncset.done $0x0  }
0xb2: {  	[sflag:s9] =	ssyncadd.s32 $0xFFFFFFD8  }
0xb3: {  	_ =	swait.ge [sflag:s9], $0x28  }
0xb4: {  	[sflag:s9] =	ssyncset.done $0x0  }
0xb5: {  	[sflag:s9] =	ssyncadd.s32 $0xFFFFFFD8  }
0xb6: {  	[tilespmem:s19], [sflag:$0x8] =	stream.indirect.gather [hbm4b:s4+s26], $0x80, s12, s26, $0xb8;
	[tilespmem:$0x1B100] =	vst v63  }
0xb7: {  	s12 =	simm.s32 $0xE  }
0xb8: {  	_ =	swait.ge [sflag:s12], $0x1400  }
0xb9: {  	s6 =	rddreg [dreg:$0x6];
	[sflag:s12] =	ssyncset.done $0x0  }
0xba: {  	s14 =	rddreg [dreg:$0x5];
	[sflag:s12] =	ssyncadd.s32 $0xFFFFEC00;
	s0 =	sadd.s32 $0x0, s6  }
0xbb: {  	[tilespmem:s30], [sflag:$0x4] =	stream.linear.gather [hbm4b:s0+s3], $0x28, $0x38;
	[tilespmem:$0x1B100] =	vst v63  }
0xbc: {  	s15 =	sadd.s32 $0x0, s14  }
0xbd: {  	[tilespmem:s23], [sflag:$0x4] =	stream.linear.gather [hbm4b:s15+s3], $0x28, $0x38;
	[tilespmem:$0x1B100] =	vst v63  }
0xbe: {  	_ =	swait.ge [sflag:s13], $0x28  }
0xbf: {  	[sflag:s13] =	ssyncset.done $0x0  }
0xc0: {  	[sflag:s13] =	ssyncadd.s32 $0xFFFFFFD8  }
0xc1: {  	_ =	swait.ge [sflag:s13], $0x28  }
0xc2: {  	[sflag:s13] =	ssyncset.done $0x0  }
0xc3: {  	s23 =	simm.s32 $0xF;
	[sflag:s13] =	ssyncadd.s32 $0xFFFFFFD8  }
0xc4: {  	[tilespmem:s20], [sflag:$0x9] =	stream.indirect.gather [hbm4b:s4+s26], $0x80, s30, s26, $0xb8;
	[tilespmem:$0x1B100] =	vst v63  }
0xc5: {  	_ =	swait.ge [sflag:s23], $0x1400  }
0xc6: {  	s16 =	rddreg [dreg:$0x4];
	[sflag:s23] =	ssyncset.done $0x0  }
0xc7: {  	s18 =	rddreg [dreg:$0x3];
	[sflag:s23] =	ssyncadd.s32 $0xFFFFEC00;
	s0 =	sadd.s32 $0x0, s16  }
0xc8: {  	[tilespmem:s5], [sflag:$0x5] =	stream.linear.gather [hbm4b:s0+s3], $0x28, $0x38;
	[tilespmem:$0x1B100] =	vst v63  }
0xc9: {  	s20 =	simm.s32 $0x480;
	s21 =	sadd.s32 $0x0, s18  }
0xca: {  	[tilespmem:s20], [sflag:$0x5] =	stream.linear.gather [hbm4b:s21+s3], $0x28, $0x38;
	[tilespmem:$0x1B100] =	vst v63  }
0xcb: {  	_ =	swait.ge [sflag:s17], $0x28  }
0xcc: {  	[sflag:s17] =	ssyncset.done $0x0  }
0xcd: {  	[sflag:s17] =	ssyncadd.s32 $0xFFFFFFD8  }
0xce: {  	_ =	swait.ge [sflag:s17], $0x28  }
0xcf: {  	s30 =	simm.s32 $0x19;
	[sflag:s17] =	ssyncset.done $0x0  }
0xd0: {  	s0 =	sadd.s32 $0xC8, s8;
	s8 =	simm.s32 $0x200;
	[sflag:s17] =	ssyncadd.s32 $0xFFFFFFD8  }
.LBB2_6:
0xd1: {  	s14 =	simm.s32 $0x5500;
	s5 =	simm.s32 $0x6  }
0xd2: {  	[tilespmem:s14], [sflag:$0xA] =	stream.indirect.gather [hbm4b:s4+s26], $0x80, s8, s26, $0xb8;
	[tilespmem:$0x1B100] =	vst v63  }
0xd3: {  	_ =	swait.ge [sflag:s5], $0x1400  }
0xd4: {  	s6 =	simm.s32 $0x500;
	[sflag:s5] =	ssyncset.done $0x0  }
0xd5: {  	s21 =	simm.s32 $0x280;
	s8 =	simm.s32 $0x7;
	[sflag:s5] =	ssyncadd.s32 $0xFFFFEC00  }
0xd6: {  	[spmem:s1] =	stream.indirect.scatter.add.f32 [tilespmem:s6], [sflag:$0xB], $0x80, s21, s26, $0xb8;
	[tilespmem:$0x1B100] =	vst v63  }
0xd7: {  	_ =	swait.ge [sflag:s8], $0x1400  }
0xd8: {  	[sflag:s8] =	ssyncset.done $0x0  }
0xd9: {  	s16 =	simm.s32 $0x1900;
	s15 =	simm.s32 $0x8;
	[sflag:s8] =	ssyncadd.s32 $0xFFFFEC00  }
0xda: {  	[spmem:s1] =	stream.indirect.scatter.add.f32 [tilespmem:s16], [sflag:$0xC], $0x80, s7, s26, $0xb8;
	[tilespmem:$0x1B100] =	vst v63  }
0xdb: {  	_ =	swait.ge [sflag:s15], $0x1400  }
0xdc: {  	[sflag:s15] =	ssyncset.done $0x0  }
0xdd: {  	s18 =	simm.s32 $0x9;
	[sflag:s15] =	ssyncadd.s32 $0xFFFFEC00  }
0xde: {  	[spmem:s1] =	stream.indirect.scatter.add.f32 [tilespmem:s19], [sflag:$0xD], $0x80, s11, s26, $0xb8;
	[tilespmem:$0x1B100] =	vst v63  }
0xdf: {  	_ =	swait.ge [sflag:s18], $0x1400  }
0xe0: {  	s15 =	simm.s32 $0x4100;
	[sflag:s18] =	ssyncset.done $0x0  }
0xe1: {  	s19 =	simm.s32 $0xA;
	[sflag:s18] =	ssyncadd.s32 $0xFFFFEC00;
	s18 =	simm.s32 $0x400  }
0xe2: {  	[spmem:s1] =	stream.indirect.scatter.add.f32 [tilespmem:s15], [sflag:$0xE], $0x80, s18, s26, $0xb8;
	[tilespmem:$0x1B100] =	vst v63  }
0xe3: {  	_ =	swait.ge [sflag:s19], $0x1400  }
0xe4: {  	[sflag:s19] =	ssyncset.done $0x0  }
0xe5: {  	[sflag:s19] =	ssyncadd.s32 $0xFFFFEC00  }
0xe6: {  	[spmem:s1] =	stream.indirect.scatter.add.f32 [tilespmem:s14], [sflag:$0xF], $0x80, s20, s26, $0xb8;
	[tilespmem:$0x1B100] =	vst v63  }
0xe7: {  	_ =	swait.ge [sflag:s24], $0x1400  }
0xe8: {  	s8 =	sshrl.u32 s0, $0x3;
	[sflag:s24] =	ssyncset.done $0x0  }
0xe9: {  	s5 =	sadd.s32 s10, s8;
	s14 =	rddreg [dreg:$0xb];
	[sflag:s24] =	ssyncadd.s32 $0xFFFFEC00  }
0xea: {  	[tilespmem:s3], [sflag:$0x1] =	stream.linear.gather [hbm4b:s5+s3], $0x28, $0x38;
	[tilespmem:$0x1B100] =	vst v63  }
0xeb: {  	s8 =	sadd.s32 s14, s8  }
0xec: {  	[tilespmem:s21], [sflag:$0x1] =	stream.linear.gather [hbm4b:s8+s3], $0x28, $0x38;
	[tilespmem:$0x1B100] =	vst v63  }
0xed: {  	_ =	swait.ge [sflag:s25], $0x28  }
0xee: {  	[sflag:s25] =	ssyncset.done $0x0  }
0xef: {  	[sflag:s25] =	ssyncadd.s32 $0xFFFFFFD8  }
0xf0: {  	_ =	swait.ge [sflag:s25], $0x28  }
0xf1: {  	[sflag:s25] =	ssyncset.done $0x0  }
0xf2: {  	[sflag:s25] =	ssyncadd.s32 $0xFFFFFFD8  }
0xf3: {  	[tilespmem:s6], [sflag:$0x6] =	stream.indirect.gather [hbm4b:s4+s26], $0x80, s3, s26, $0xb8;
	[tilespmem:$0x1B100] =	vst v63  }
0xf4: {  	s2 =	smov.u32 s30;
	_ =	swait.ge [sflag:s28], $0x1400  }
0xf5: {  	s14 =	simm.s32 $0x80;
	s5 =	rddreg [dreg:$0xa];
	[sflag:s28] =	ssyncset.done $0x0  }
0xf6: {  	s6 =	rddreg [dreg:$0x9];
	[sflag:s28] =	ssyncadd.s32 $0xFFFFEC00;
	s8 =	sadd.s32 s2, s5  }
0xf7: {  	[tilespmem:s14], [sflag:$0x2] =	stream.linear.gather [hbm4b:s8+s3], $0x28, $0x38;
	[tilespmem:$0x1B100] =	vst v63  }
0xf8: {  	s11 =	smov.u32 s10;
	s10 =	sadd.s32 s2, s6  }
0xf9: {  	[tilespmem:s7], [sflag:$0x2] =	stream.linear.gather [hbm4b:s10+s3], $0x28, $0x38;
	[tilespmem:$0x1B100] =	vst v63  }
0xfa: {  	_ =	swait.ge [sflag:s31], $0x28  }
0xfb: {  	[sflag:s31] =	ssyncset.done $0x0  }
0xfc: {  	[sflag:s31] =	ssyncadd.s32 $0xFFFFFFD8  }
0xfd: {  	_ =	swait.ge [sflag:s31], $0x28  }
0xfe: {  	[sflag:s31] =	ssyncset.done $0x0  }
0xff: {  	[sflag:s31] =	ssyncadd.s32 $0xFFFFFFD8  }
0x100: {  	[tilespmem:s16], [sflag:$0x7] =	stream.indirect.gather [hbm4b:s4+s26], $0x80, s14, s26, $0xb8;
	[tilespmem:$0x1B100] =	vst v63  }
0x101: {  	_ =	swait.ge [sflag:s29], $0x1400  }
0x102: {  	s14 =	rddreg [dreg:$0x8]  }
0x103: {  	[sflag:s29] =	ssyncset.done $0x0;
	s16 =	rddreg [dreg:$0x7]  }
0x104: {  	[sflag:s29] =	ssyncadd.s32 $0xFFFFEC00;
	s8 =	sadd.s32 s2, s14;
	s14 =	simm.s32 $0x100  }
0x105: {  	[tilespmem:s14], [sflag:$0x3] =	stream.linear.gather [hbm4b:s8+s3], $0x28, $0x38;
	[tilespmem:$0x1B100] =	vst v63  }
0x106: {  	s19 =	simm.s32 $0x380;
	s16 =	sadd.s32 s2, s16  }
0x107: {  	[tilespmem:s19], [sflag:$0x3] =	stream.linear.gather [hbm4b:s16+s3], $0x28, $0x38;
	[tilespmem:$0x1B100] =	vst v63  }
0x108: {  	_ =	swait.ge [sflag:s9], $0x28  }
0x109: {  	[sflag:s9] =	ssyncset.done $0x0  }
0x10a: {  	[sflag:s9] =	ssyncadd.s32 $0xFFFFFFD8  }
0x10b: {  	_ =	swait.ge [sflag:s9], $0x28  }
0x10c: {  	[sflag:s9] =	ssyncset.done $0x0  }
0x10d: {  	s19 =	simm.s32 $0x2D00;
	[sflag:s9] =	ssyncadd.s32 $0xFFFFFFD8  }
0x10e: {  	[tilespmem:s19], [sflag:$0x8] =	stream.indirect.gather [hbm4b:s4+s26], $0x80, s14, s26, $0xb8;
	[tilespmem:$0x1B100] =	vst v63  }
0x10f: {  	_ =	swait.ge [sflag:s12], $0x1400  }
0x110: {  	s16 =	simm.s32 $0x180;
	s10 =	rddreg [dreg:$0x6];
	[sflag:s12] =	ssyncset.done $0x0  }
0x111: {  	s14 =	rddreg [dreg:$0x5];
	[sflag:s12] =	ssyncadd.s32 $0xFFFFEC00;
	s8 =	sadd.s32 s2, s10  }
0x112: {  	[tilespmem:s16], [sflag:$0x4] =	stream.linear.gather [hbm4b:s8+s3], $0x28, $0x38;
	[tilespmem:$0x1B100] =	vst v63  }
0x113: {  	s10 =	sadd.s32 s2, s14  }
0x114: {  	[tilespmem:s18], [sflag:$0x4] =	stream.linear.gather [hbm4b:s10+s3], $0x28, $0x38;
	[tilespmem:$0x1B100] =	vst v63  }
0x115: {  	_ =	swait.ge [sflag:s13], $0x28  }
0x116: {  	[sflag:s13] =	ssyncset.done $0x0  }
0x117: {  	[sflag:s13] =	ssyncadd.s32 $0xFFFFFFD8  }
0x118: {  	_ =	swait.ge [sflag:s13], $0x28  }
0x119: {  	[sflag:s13] =	ssyncset.done $0x0  }
0x11a: {  	[sflag:s13] =	ssyncadd.s32 $0xFFFFFFD8  }
0x11b: {  	[tilespmem:s15], [sflag:$0x9] =	stream.indirect.gather [hbm4b:s4+s26], $0x80, s16, s26, $0xb8;
	[tilespmem:$0x1B100] =	vst v63  }
0x11c: {  	_ =	swait.ge [sflag:s23], $0x1400  }
0x11d: {  	s20 =	simm.s32 $0x200;
	s15 =	rddreg [dreg:$0x4];
	[sflag:s23] =	ssyncset.done $0x0  }
0x11e: {  	s16 =	rddreg [dreg:$0x3];
	[sflag:s23] =	ssyncadd.s32 $0xFFFFEC00;
	s8 =	sadd.s32 s2, s15  }
0x11f: {  	[tilespmem:s20], [sflag:$0x5] =	stream.linear.gather [hbm4b:s8+s3], $0x28, $0x38;
	[tilespmem:$0x1B100] =	vst v63  }
0x120: {  	s2 =	sadd.s32 s2, s16;
	s20 =	simm.s32 $0x480  }
0x121: {  	[tilespmem:s20], [sflag:$0x5] =	stream.linear.gather [hbm4b:s2+s3], $0x28, $0x38;
	[tilespmem:$0x1B100] =	vst v63  }
0x122: {  	p0 =	sne.s32 s30, $0x4B0;
	s30 =	sadd.s32 $0x19, s30;
	_ =	swait.ge [sflag:s17], $0x28  }
.Ltmp2:
0x123: {  	s0 =	sadd.s32 $0xC8, s0;
	[sflag:s17] =	ssyncset.done $0x0;
	(pc) =	sbr.rel @p0 .LBB2_6-.Ltmp2, $4  }
0x124: {  	s21 =	simm.s32 $0x500;
	s6 =	simm.s32 $0x300;
	[sflag:s17] =	ssyncadd.s32 $0xFFFFFFD8  }
0x125: {  	s5 =	simm.s32 $0x1900;
	s14 =	simm.s32 $0x400;
	_ =	swait.ge [sflag:s17], $0x28  }
0x126: {  	s18 =	simm.s32 $0x4100;
	s10 =	smov.u32 s11;
	[sflag:s17] =	ssyncset.done $0x0  }
0x127: {  	s11 =	simm.s32 $0x380;
	s8 =	simm.s32 $0x200;
	[sflag:s17] =	ssyncadd.s32 $0xFFFFFFD8  }
0x128: {  	s0 =	simm.s32 $0x5500;
	s2 =	simm.s32 $0x6  }
0x129: {  	[tilespmem:s0], [sflag:$0xA] =	stream.indirect.gather [hbm4b:s4+s26], $0x80, s8, s26, $0xb8;
	[tilespmem:$0x1B100] =	vst v63  }
0x12a: {  	_ =	swait.ge [sflag:s2], $0x1400  }
0x12b: {  	[sflag:s2] =	ssyncset.done $0x0  }
0x12c: {  	s8 =	simm.s32 $0x7;
	[sflag:s2] =	ssyncadd.s32 $0xFFFFEC00  }
0x12d: {  	[spmem:s1] =	stream.indirect.scatter.add.f32 [tilespmem:s21], [sflag:$0xB], $0x80, s22, s26, $0xb8;
	[tilespmem:$0x1B100] =	vst v63  }
0x12e: {  	_ =	swait.ge [sflag:s8], $0x1400  }
0x12f: {  	[sflag:s8] =	ssyncset.done $0x0  }
0x130: {  	s15 =	simm.s32 $0x8;
	[sflag:s8] =	ssyncadd.s32 $0xFFFFEC00  }
0x131: {  	[spmem:s1] =	stream.indirect.scatter.add.f32 [tilespmem:s5], [sflag:$0xC], $0x80, s6, s26, $0xb8;
	[tilespmem:$0x1B100] =	vst v63  }
0x132: {  	_ =	swait.ge [sflag:s15], $0x1400  }
0x133: {  	[sflag:s15] =	ssyncset.done $0x0  }
0x134: {  	s16 =	simm.s32 $0x9;
	[sflag:s15] =	ssyncadd.s32 $0xFFFFEC00  }
0x135: {  	[spmem:s1] =	stream.indirect.scatter.add.f32 [tilespmem:s19], [sflag:$0xD], $0x80, s11, s26, $0xb8;
	[tilespmem:$0x1B100] =	vst v63  }
0x136: {  	_ =	swait.ge [sflag:s16], $0x1400  }
0x137: {  	[sflag:s16] =	ssyncset.done $0x0  }
0x138: {  	[sflag:s16] =	ssyncadd.s32 $0xFFFFEC00  }
0x139: {  	[spmem:s1] =	stream.indirect.scatter.add.f32 [tilespmem:s18], [sflag:$0xE], $0x80, s14, s26, $0xb8;
	[tilespmem:$0x1B100] =	vst v63  }
0x13a: {  	s18 =	simm.s32 $0xA  }
0x13b: {  	_ =	swait.ge [sflag:s18], $0x1400  }
0x13c: {  	[sflag:s18] =	ssyncset.done $0x0  }
0x13d: {  	[sflag:s18] =	ssyncadd.s32 $0xFFFFEC00  }
0x13e: {  	[spmem:s1] =	stream.indirect.scatter.add.f32 [tilespmem:s0], [sflag:$0xF], $0x80, s20, s26, $0xb8;
	[tilespmem:$0x1B100] =	vst v63  }
0x13f: {  	_ =	swait.ge [sflag:s24], $0x1400  }
0x140: {  	[sflag:s24] =	ssyncset.done $0x0  }
0x141: {  	[sflag:s24] =	ssyncadd.s32 $0xFFFFEC00  }
0x142: {  	_ =	swait.ge [sflag:s28], $0x1400  }
0x143: {  	[sflag:s28] =	ssyncset.done $0x0  }
0x144: {  	[sflag:s28] =	ssyncadd.s32 $0xFFFFEC00  }
0x145: {  	_ =	swait.ge [sflag:s29], $0x1400  }
0x146: {  	[sflag:s29] =	ssyncset.done $0x0  }
0x147: {  	[sflag:s29] =	ssyncadd.s32 $0xFFFFEC00  }
0x148: {  	_ =	swait.ge [sflag:s12], $0x1400  }
0x149: {  	[sflag:s12] =	ssyncset.done $0x0  }
0x14a: {  	[sflag:s12] =	ssyncadd.s32 $0xFFFFEC00  }
0x14b: {  	_ =	swait.ge [sflag:s23], $0x1400  }
0x14c: {  	[sflag:s23] =	ssyncset.done $0x0  }
0x14d: {  	[sflag:s23] =	ssyncadd.s32 $0xFFFFEC00  }
0x14e: {  	s20 =	stileid.u32;
	[bflag:$0x0] =	sbarrier.arrive $0xFFFF  }
0x14f: {  	s0 =	sshll.u32 s20, $0x6;
	s8 =	rddreg [dreg:$0xc]  }
0x150: {  	s0 =	sor.u32 $0x1C10, s0;
	s23 =	rddreg [dreg:$0x18];
	s21 =	sshrl.u32 s8, $0x3  }
0x151: {  	[hbm:s23], [sflag:s0] =	dma.local [spmem:s21], $0x2780  }
0x152: {  	s23 =	simm.s32 $0x10  }
0x153: {  	_ =	swait.ge [sflag:s23], $0x2780  }
0x154: {  	s28 =	rddreg [dreg:$0x1b]  }
0x155: {  	s30 =	rddreg [dreg:$0x19];
	s2 =	sadd.s32 $0x1, s28  }
0x156: {  	p0 =	sne.s32 s2, s30  }
.Ltmp3:
0x157: {  	_ = 	snop;
	(pc) =	sbr.rel @p0 .LBB2_1-.Ltmp3, $4  }
0x158: {  	_ = 	snop  }
0x159: {  	s15 =	simm.s32 $0x80;
	s11 =	simm.s32 $0x6900  }
0x15a: {  	s16 =	simm.s32 $0x300;
	s14 =	simm.s32 $0x500;
	[sflag:s23] =	ssyncset.done $0x0  }
0x15b: {  	s18 =	simm.s32 $0x1900;
	s29 =	rddreg [dreg:$0xb];
	[sflag:s23] =	ssyncadd.s32 $0xFFFFD880  }
0x15c: {  	_ =	sfence.sel $0x180000  }
0x15d: {  	[bflag:$0x0] =	sbarrier.arrive $0xFFFF  }
0x15e: {  	_ =	strace $0x9000004A  }
0x15f: {  	s0 =	stileid.u32;
	[bflag:$0x2] =	sbarrier.arrive $0xFFFF  }
0x160: {  	p0 =	sne.s32 s0, $0x0;
	s0 =	rddreg [dreg:$0x2]  }
0x161: {  	s0 =	sadd.s32 @!p0 $0x100000, s0  }
0x162: {  	[sflag:s0] =	ssyncadd.tile.s32 @!p0 $0x1;
	_ =	shalt  }
.Lfunc_end2:
_tile_overlayer_lowered:
.L_overlay_start_2:
0x163: {  	(tag) =	ssettag $0x2  }
0x164: {  	s0 =	rddreg [dreg:$0x0];
	s2 =	stileid.u32  }
0x165: {  	s1 =	rddreg [dreg:$0x1];
	p0 =	sne.s32 s2, $0x0  }
0x166: {  	s3 =	rddreg [dreg:$0x2];
	[bflag:$0x3] =	sbarrier.arrive $0xFFFF;
	s2 =	simm.s32 @!p0 $0x1C10  }
0x167: {  	[timem:s3], [sflag:s2] =	dma.local @!p0 [hbm:s0], s1  }
0x168: {  	s0 =	simm.s32 @!p0 $0x10  }
0x169: {  	_ =	swait.ge @!p0 [sflag:s0], s1  }
0x16a: {  	s1 =	ssub.s32 @!p0 $0x0, s1;
	[sflag:s0] =	ssyncset.done @!p0 $0x0  }
0x16b: {  	[sflag:s0] =	ssyncadd.s32 @!p0 s1  }
0x16c: {  	[bflag:$0x3] =	sbarrier.arrive $0xFFFF  }
0x16d: {  	_ =	shalt  }

// kernel: kernel.16.cloned.1.call-start
scs
__scs_entry_jumppad:
0x0: {  	(pc) =	sbr.rel $0x88, $3  }
0x1: {  	(tag) =	ssettag $0x0;
	lr =	simm.s32 $0x1  }
0x2: {  	[smem:$0x3F97] =	sst lr;
	_ =	strace $0xD0000000  }
0x3: {  	_ = 	snop  }
0x4: {  	_ = 	snop  }
0x5: {  	_ = 	snop  }
0x6: {  	_ = 	snop  }
0x7: {  	_ = 	snop  }
__scs_overlays_trampoline_lowered:
0x8: {  	[smem:$0x3FA6] =	sst s0  }
0x9: {  	[smem:$0x3FA7] =	sst s1  }
0xa: {  	[smem:$0x3FA8] =	sst s2  }
0xb: {  	[smem:$0x3FA9] =	sst s3  }
0xc: {  	[smem:$0x3FAA] =	sst s4  }
0xd: {  	[smem:$0x3FAB] =	sst s5  }
0xe: {  	[smem:$0x3FAC] =	sst s6  }
0xf: {  	[smem:$0x3FAD] =	sst s7  }
0x10: {  	[smem:$0x3FAE] =	sst s8  }
0x11: {  	[smem:$0x3FAF] =	sst s9;
	s0 =	simm.s32 @!p0 $0x0  }
0x12: {  	s1 =	sld [smem:$0x3F95];
	s0 =	simm.s32 @p0 $0x1  }
0x13: {  	[smem:$0x3FB0] =	sst s0;
	s0 =	simm.s32 @!p1 $0x0  }
0x14: {  	s2 =	sld [smem:$0x3F94];
	s0 =	simm.s32 @p1 $0x1  }
0x15: {  	[smem:$0x3FB1] =	sst s0;
	s0 =	simm.s32 @!p2 $0x0  }
0x16: {  	s3 =	sld [smem:$0x3FDB];
	s0 =	simm.s32 @p2 $0x1  }
0x17: {  	s4 =	simm.s32 $0x1BF5;
	[smem:$0x3FB3] =	sst s0  }
0x18: {  	s0 =	sld [smem:$0x3F96];
	_ =	swait.ge [sflag:s4], $0x0  }
0x19: {  	s7 =	sld [smem:$0x3F97]  }
0x1a: {  	s8 =	sadd.s32 $0xFFFFE003, lr  }
0x1b: {  	s9 =	sadd.s32 $0xFFFFFEF7, lr;
	s5 =	simm.s32 $0xFFFFFFFF;
	p2 =	slt.u32 s8, $0xFFFFF086  }
0x1c: {  	p1 =	slt.u32 s9, $0xF7A;
	s5 =	simm.s32 @!p2 $0x0  }
0x1d: {  	s5 =	simm.s32 @p1 $0x1;
	p0 =	seq.s32 s7, s2  }
0x1e: {  	s7 =	smul.u32 @!p0 $0xF7A, s2;
	p2 =	seq.s32 @!p0 s5, $0x0  }
0x1f: {  	s9 =	smul.u32 $0xF7A, s1;
	s8 =	simm.s32 @!p0 $0x1BF5;
	p2 =	por !p2, p0  }
0x20: {  	[sflag:s8] =	ssyncset.s32 @!p0 $0xFFFFF086;
	s6 =	sadd.s32 @!p0 s3, s7;
	s7 =	simm.s32 @!p0 $0x108  }
0x21: {  	s3 =	sadd.s32 s3, s9;
	s6 =	sadd.s32 @!p0 $0x88, s6;
	s7 =	simm.s32 @p2 $0x1082  }
0x22: {  	[simem:s7], [sflag:s8] =	dma.local @!p0 [hbm:s6], $0xF7A  }
0x23: {  	s9 =	sor.u32 $0xD0000000, s2;
	s6 =	simm.s32 $0x108;
	_ =	swait.ge @!p0 [sflag:s8], $0x0  }
0x24: {  	s3 =	sadd.s32 $0x88, s3;
	s6 =	simm.s32 @!p1 $0x1082;
	[sflag:s4] =	ssyncset.s32 $0xFFFFF086  }
0x25: {  	[simem:s6], [sflag:s4] =	dma.local [hbm:s3], $0xF7A  }
0x26: {  	[smem:$0x3F97] =	sst s1;
	(tag) =	ssettag s2;
	_ =	strace s9  }
0x27: {  	s1 =	sld [smem:$0x3FA7]  }
0x28: {  	s2 =	sld [smem:$0x3FA8]  }
0x29: {  	s4 =	sld [smem:$0x3FAA]  }
0x2a: {  	p0 =	seq.s32 s5, $0x0;
	s5 =	sld [smem:$0x3FAB]  }
0x2b: {  	s6 =	sld [smem:$0x3FAC]  }
0x2c: {  	s7 =	sld [smem:$0x3FAD]  }
0x2d: {  	s3 =	simm.s32 $0x108;
	s8 =	sld [smem:$0x3FAE]  }
0x2e: {  	s3 =	simm.s32 @!p0 $0x1082;
	s9 =	sld [smem:$0x3FAF]  }
0x2f: {  	lr =	sadd.s32 s0, s3;
	s0 =	sld [smem:$0x3FA6]  }
0x30: {  	s3 =	sld [smem:$0x3FA9]  }
0x31: {  	[smem:$0x3FB2] =	sst s10  }
0x32: {  	s10 =	sld [smem:$0x3FB0];
	_ =	sdelay $0x3  }
0x33: {  	p0 =	seq.s32 s10, $0x1;
	s10 =	sld [smem:$0x3FB2];
	_ =	sdelay $0x3  }
0x34: {  	[smem:$0x3FB2] =	sst s10  }
0x35: {  	s10 =	sld [smem:$0x3FB1];
	_ =	sdelay $0x3  }
0x36: {  	p1 =	seq.s32 s10, $0x1;
	s10 =	sld [smem:$0x3FB2];
	_ =	sdelay $0x3  }
0x37: {  	[smem:$0x3FB2] =	sst s10  }
0x38: {  	s10 =	sld [smem:$0x3FB3]  }
0x39: {  	_ = 	snop;
	(pc) =	sbr.ind lr, $3  }
0x3a: {  	_ = 	snop  }
0x3b: {  	_ = 	snop  }
0x3c: {  	p2 =	seq.s32 s10, $0x1;
	s10 =	sld [smem:$0x3FB2]  }
0x3d: {  	_ =	shalt  }
0x3e: {  	_ =	shalt  }
0x3f: {  	_ =	shalt  }
0x40: {  	_ =	shalt  }
0x41: {  	_ =	shalt  }
0x42: {  	_ =	shalt  }
0x43: {  	_ =	shalt  }
0x44: {  	_ =	shalt  }
0x45: {  	_ =	shalt  }
0x46: {  	_ =	shalt  }
0x47: {  	_ =	shalt  }
0x48: {  	_ =	shalt  }
0x49: {  	_ =	shalt  }
0x4a: {  	_ =	shalt  }
0x4b: {  	_ =	shalt  }
0x4c: {  	_ =	shalt  }
0x4d: {  	_ =	shalt  }
0x4e: {  	_ =	shalt  }
0x4f: {  	_ =	shalt  }
0x50: {  	_ =	shalt  }
0x51: {  	_ =	shalt  }
0x52: {  	_ =	shalt  }
0x53: {  	_ =	shalt  }
0x54: {  	_ =	shalt  }
0x55: {  	_ =	shalt  }
0x56: {  	_ =	shalt  }
0x57: {  	_ =	shalt  }
0x58: {  	_ =	shalt  }
0x59: {  	_ =	shalt  }
0x5a: {  	_ =	shalt  }
0x5b: {  	_ =	shalt  }
0x5c: {  	_ =	shalt  }
0x5d: {  	_ =	shalt  }
0x5e: {  	_ =	shalt  }
0x5f: {  	_ =	shalt  }
0x60: {  	_ =	shalt  }
0x61: {  	_ =	shalt  }
0x62: {  	_ =	shalt  }
0x63: {  	_ =	shalt  }
0x64: {  	_ =	shalt  }
0x65: {  	_ =	shalt  }
0x66: {  	_ =	shalt  }
0x67: {  	_ =	shalt  }
0x68: {  	_ =	shalt  }
0x69: {  	_ =	shalt  }
0x6a: {  	_ =	shalt  }
0x6b: {  	_ =	shalt  }
0x6c: {  	_ =	shalt  }
0x6d: {  	_ =	shalt  }
0x6e: {  	_ =	shalt  }
0x6f: {  	_ =	shalt  }
0x70: {  	_ =	shalt  }
0x71: {  	_ =	shalt  }
0x72: {  	_ =	shalt  }
0x73: {  	_ =	shalt  }
0x74: {  	_ =	shalt  }
0x75: {  	_ =	shalt  }
0x76: {  	_ =	shalt  }
0x77: {  	_ =	shalt  }
0x78: {  	_ =	shalt  }
0x79: {  	_ =	shalt  }
0x7a: {  	_ =	shalt  }
0x7b: {  	_ =	shalt  }
0x7c: {  	_ =	shalt  }
0x7d: {  	_ =	shalt  }
0x7e: {  	_ =	shalt  }
0x7f: {  	_ =	shalt  }
0x80: {  	_ =	shalt  }
0x81: {  	_ =	shalt  }
0x82: {  	_ =	shalt  }
0x83: {  	_ =	shalt  }
0x84: {  	_ =	shalt  }
0x85: {  	_ =	shalt  }
0x86: {  	_ =	shalt  }
0x87: {  	_ =	shalt  }
.Lfunc_end0:
.L_simem_size_0:
called_computation.2_lowered:
.L_overlay_start_0:
0x88: {  	s2 =	sld [smem:$0x3FD9]  }
0x89: {  	s3 =	sld [smem:$0x3FFE];
	_ =	sdelay $0x1  }
0x8a: {  	s1 =	srdreg.scid  }
0x8b: {  	s0 =	sand.u32 $0x1, s1  }
0x8c: {  	s16 =	sshll.u32 s0, $0xA;
	s2 =	sadd.s32 s3, s2  }
0x8d: {  	s2 =	sadd.s32 s2, s16  }
0x8e: {  	[smem:$0x3FBE] =	sst s2  }
0x8f: {  	_ = 	snop  }
0x90: {  	(tm) =	ssettm $0x1  }
0x91: {  	s17 =	sld [smem:$0x3FFB];
	_ =	sdelay $0x3  }
0x92: {  	_ =	strace s17  }
0x93: {  	s2 =	sld [smem:$0x3FFC];
	_ =	sdelay $0x3  }
0x94: {  	_ =	strace s2  }
0x95: {  	s2 =	sld [smem:$0x3FFD];
	_ =	sdelay $0x3  }
0x96: {  	_ =	strace s2  }
0x97: {  	_ =	strace $0x8FFFFFFF  }
0x98: {  	s18 =	sld [smem:$0x3FDB];
	_ =	sdelay $0x1  }
0x99: {  	s19 =	simm.s32 $_scs_section_size  }
0x9a: {  	s4 =	simm.s32 $_size__tile_overlayer_lowered;
	s5 =	simm.s32 $_tile_overlayer_lowered  }
0x9b: {  	s22 =	simm.s32 $0x1BFF;
	s21 =	sshll.u32 s5, $0x1;
	s2 =	sadd.s32 s19, s18  }
0x9c: {  	s6 =	simm.s32 $0x0;
	s20 =	sshll.u32 s4, $0x1;
	s4 =	sadd.s32 s21, s2  }
0x9d: {  	[timem:s6], [sflag:s22] =	dma.local [hbm:s4], s20  }
0x9e: {  	_ =	swait.ge [sflag:s22], s20  }
0x9f: {  	s3 =	ssub.s32 $0x0, s20;
	[sflag:s22] =	ssyncset.done $0x0  }
0xa0: {  	[sflag:s22] =	ssyncadd.s32 s3;
	_ =	sdelay $0x1  }
0xa1: {  	s23 =	simm.s32 $0x1B8B  }
0xa2: {  	_ =	swait.ge [sflag:s23], $0x1  }
0xa3: {  	[sflag:s23] =	ssyncset.done $0x0  }
0xa4: {  	s25 =	simm.s32 $0x1B8E;
	s24 =	sld [smem:$0x3FFE];
	[sflag:s23] =	ssyncadd.s32 $0xFFFFFFFF  }
0xa5: {  	s26 =	simm.s32 $execute0_lowered;
	[smem:$0x3FD2] =	sst s25  }
0xa6: {  	s4 =	sshll.u32 s26, $0x1;
	_ =	strace $0x8000004C;
	[dreg:$0x1] =	wrdreg $0xFFFFFFFF  }
0xa7: {  	s28 =	simm.s32 $_size_execute0_lowered;
	s2 =	sadd.s32 s2, s4;
	[dreg:$0x0] =	wrdreg $0x0  }
0xa8: {  	s4 =	sshll.u32 s28, $0x1;
	[dreg:$0x2] =	wrdreg s2  }
0xa9: {  	[dreg:$0x3] =	wrdreg s4  }
0xaa: {  	[dreg:$0x4] =	wrdreg $0xC0  }
0xab: {  	_ =	task [dreg:s6], $0x5FFFF  }
0xac: {  	[dreg:$0x1] =	wrdreg $0xFFFFFFFF  }
0xad: {  	[dreg:$0x0] =	wrdreg $0x60  }
0xae: {  	[dreg:$0x2] =	wrdreg s24  }
0xaf: {  	[dreg:$0x3] =	wrdreg $0x75000  }
0xb0: {  	[dreg:$0x4] =	wrdreg $0x9  }
0xb1: {  	_ =	task.clear_ibuf [dreg:s6], $0x5FFFF;
	_ =	strace $0x9000004C  }
0xb2: {  	s29 =	simm.s32 $0x9;
	_ =	strace $0x8000004E  }
0xb3: {  	_ =	swait.ge [sflag:s29], $0x1  }
0xb4: {  	[sflag:s29] =	ssyncadd.s32 $0xFFFFFFFF  }
0xb5: {  	_ =	strace $0x9000004E  }
0xb6: {  	_ =	sfence  }
0xb7: {  	s30 =	sld [smem:$0x0];
	_ =	sdelay $0x2  }
0xb8: {  	s31 =	sshll.u32 s1, $0xD;
	s1 =	sshrl.u32 s1, $0x2  }
0xb9: {  	s3 =	sand.u32 $0x4000, s31;
	s1 =	sadd.s32 s1, s30  }
0xba: {  	s0 =	sor.u32 s3, s0;
	s1 =	sshll.u32 s1, $0x11  }
0xbb: {  	s0 =	sor.u32 s1, s0  }
0xbc: {  	s0 =	sadd.s32 $0x8F2B, s0  }
0xbd: {  	[sflag:s0] =	ssyncadd.remote.s32 $0x1  }
0xbe: {  	_ =	sfence.sel $0xFFFF  }
0xbf: {  	[dreg:$0x0] =	wrdreg $0xFFFFFFFF;
	(pc) =	sbr.abs _section_cstart, $3  }
0xc0: {  	[dreg:$0x1] =	wrdreg $0xFFFFFFFF  }
0xc1: {  	_ =	task.clear_ibuf [dreg:s6], $0x2FFFF;
	_ =	strace $0x9FFFFFFF  }
0xc2: {  	(tm) =	ssettm $0x7FFFFFFF  }
0xc3: {  	_ =	shalt  }
tec
execute0_lowered:
.L_overlay_start_1:
0x0: {  	(tag) =	ssettag $0x1  }
0x1: {  	s0 =	rddreg [dreg:$0x0]  }
0x2: {  	s1 =	rddreg [dreg:$0x1];
	s3 =	simm.s32 $0x0  }
0x3: {  	s2 =	srdreg.scid;
	s10 =	stileid.u32;
	s31 =	simm.s32 $0x2  }
0x4: {  	[smem:$0x7FF] =	sst s3;
	s2 =	sand.u32 $0x1, s2;
	s6 =	smul.u32 $0x13C00, s10  }
0x5: {  	s4 =	sadd.s32 $0x17400, s0;
	s11 =	sadd.s32 $0x3800, s0;
	s7 =	smul.u32 $0x4F000, s10  }
0x6: {  	s29 =	sadd.s32 $0xD600, s0;
	s20 =	sshll.u32 s10, $0x1;
	s24 =	smul.u32 $0x4E20, s10  }
0x7: {  	s5 =	smul.u32 $0x13C000, s2;
	_ =	strace $0x8000004D;
	s8 =	ssub.s32 $0x2, s2  }
0x8: {  	s10 =	smov.u32 s11;
	[dreg:$0xb] =	wrdreg s29;
	s9 =	sshrl.u32 s8, $0x1  }
0x9: {  	s7 =	sshrl.u32 s7, $0x2;
	s5 =	sadd.s32 s6, s5;
	s6 =	sor.u32 s2, s20  }
0xa: {  	s12 =	sadd.s32 s7, s1;
	s2 =	smul.u32 $0x2710, s2;
	s5 =	sshrl.u32 s5, $0x3  }
0xb: {  	s6 =	smul.u32 $0x2710, s6;
	s7 =	sadd.s32 $0x13800, s12;
	s0 =	sadd.s32 s5, s0  }
0xc: {  	s5 =	ssub.s32 s8, s9;
	[dreg:$0xd] =	wrdreg s7;
	s2 =	sadd.s32 s2, s24  }
0xd: {  	s21 =	sshrl.u32 s6, $0x3;
	s22 =	sadd.s32 $0x28, s6;
	s6 =	sadd.s32 $0x78, s6  }
0xe: {  	s13 =	sadd.s32 $0x168, s2;
	s9 =	sadd.s32 $0x140, s2;
	s0 =	sadd.s32 $0x3E600, s0  }
0xf: {  	s20 =	sadd.s32 $0x118, s2;
	s5 =	smax.u32 s5, $0x1;
	[dreg:$0x18] =	wrdreg s0  }
0x10: {  	s24 =	sadd.s32 $0xF0, s2;
	s2 =	sadd.s32 $0xC8, s2;
	[dreg:$0x19] =	wrdreg s5  }
0x11: {  	s23 =	sadd.s32 s11, s21;
	s8 =	sshrl.u32 s22, $0x3;
	[dreg:$0x1a] =	wrdreg s2  }
0x12: {  	s25 =	sadd.s32 s29, s21;
	s28 =	sadd.s32 $0xA, s21;
	[dreg:$0xe] =	wrdreg s23  }
0x13: {  	s6 =	sshrl.u32 s6, $0x3;
	[dreg:$0xf] =	wrdreg s25;
	s26 =	sadd.s32 s10, s8  }
0x14: {  	s14 =	sadd.s32 $0x14, s21;
	s8 =	sadd.s32 s29, s8;
	[dreg:$0x10] =	wrdreg s26  }
0x15: {  	s15 =	sshrl.u32 s13, $0x3;
	s30 =	sadd.s32 s10, s28;
	[dreg:$0x11] =	wrdreg s8  }
0x16: {  	s18 =	sshrl.u32 s9, $0x3;
	s11 =	sadd.s32 s10, s6;
	[dreg:$0x12] =	wrdreg s30  }
0x17: {  	s22 =	sshrl.u32 s20, $0x3;
	s6 =	sadd.s32 s29, s6;
	[dreg:$0x14] =	wrdreg s11  }
0x18: {  	s9 =	simm.s32 $0x3;
	s16 =	sadd.s32 s10, s14;
	[dreg:$0x15] =	wrdreg s6  }
0x19: {  	s13 =	simm.s32 $0x4;
	s17 =	sadd.s32 s15, s29;
	[dreg:$0x16] =	wrdreg s16  }
0x1a: {  	s2 =	simm.s32 $0x0;
	s7 =	sadd.s32 s15, s10;
	[dreg:$0x3] =	wrdreg s17  }
0x1b: {  	s19 =	sadd.s32 s18, s29;
	s21 =	sadd.s32 s18, s10;
	[dreg:$0x4] =	wrdreg s7  }
0x1c: {  	s23 =	sadd.s32 s22, s29;
	s25 =	sadd.s32 s22, s10;
	[dreg:$0x5] =	wrdreg s19  }
0x1d: {  	s15 =	simm.s32 $0x80;
	s18 =	simm.s32 $0x1900;
	[dreg:$0x6] =	wrdreg s21  }
0x1e: {  	s22 =	simm.s32 $0x280;
	s8 =	sadd.s32 s29, s28;
	[dreg:$0x7] =	wrdreg s23  }
0x1f: {  	s26 =	sshrl.u32 s24, $0x3;
	s6 =	sadd.s32 s29, s14;
	[dreg:$0x8] =	wrdreg s25  }
0x20: {  	s11 =	simm.s32 $0x6900;
	s23 =	simm.s32 $0x10;
	s25 =	simm.s32 $0x1  }
0x21: {  	s14 =	simm.s32 $0x500;
	s16 =	simm.s32 $0x300;
	[dreg:$0x13] =	wrdreg s8  }
0x22: {  	s19 =	simm.s32 $0x2D00;
	[dreg:$0x17] =	wrdreg s6;
	s28 =	sadd.s32 s26, s29  }
0x23: {  	s17 =	simm.s32 $0x5;
	s30 =	sadd.s32 s26, s10;
	[dreg:$0x9] =	wrdreg s28  }
0x24: {  	s24 =	simm.s32 $0xB;
	s8 =	smov.u32 s12;
	[dreg:$0xa] =	wrdreg s30  }
0x25: {  	v0 =	vimm.f32 $0.0e+00;
	s7 =	simm.s32 $0x300;
	s26 =	simm.s32 $0x28;
	[dreg:$0xc] =	wrdreg s8  }
.LBB2_1:
0x26: {  	[dreg:$0x1b] =	wrdreg s2;
	s0 =	simm.s32 $0x70;
	s2 =	simm.s32 $0x3C0  }
.LBB2_2:
0x27: {  	p0 =	sne.s32 s2, $0x2FC0;
	[tilespmem:s0+$0x6900] =	vst v0  }
0x28: {  	[tilespmem:s0+$0x6890] =	vst v0  }
0x29: {  	[tilespmem:s0+$0x68A0] =	vst v0  }
.Ltmp0:
0x2a: {  	[tilespmem:s0+$0x68B0] =	vst v0;
	(pc) =	sbr.rel @p0 .LBB2_2-.Ltmp0, $4  }
0x2b: {  	[tilespmem:s0+$0x68C0] =	vst v0  }
0x2c: {  	[tilespmem:s0+$0x68D0] =	vst v0  }
0x2d: {  	[tilespmem:s0+$0x68E0] =	vst v0  }
0x2e: {  	[tilespmem:s0+$0x68F0] =	vst v0;
	s0 =	sshra.s32 s2, $0x2;
	s2 =	sadd.s32 $0x200, s2  }
0x2f: {  	[tilespmem:s0+$0x6900] =	vst v0  }
0x30: {  	[tilespmem:s0+$0x6890] =	vst v0  }
0x31: {  	[tilespmem:s0+$0x68A0] =	vst v0  }
0x32: {  	[tilespmem:s0+$0x68B0] =	vst v0  }
0x33: {  	[tilespmem:s0+$0x68C0] =	vst v0  }
0x34: {  	[tilespmem:s0+$0x68D0] =	vst v0  }
0x35: {  	[tilespmem:s0+$0x68E0] =	vst v0  }
0x36: {  	[tilespmem:s0+$0x68F0] =	vst v0;
	s30 =	sadd.s32 $0x0, s8  }
0x37: {  	[spmem:s30] =	stream.linear.scatter [tilespmem:s11], [sflag:$0x10], $0xC00, $0x38;
	[tilespmem:$0x1B100] =	vst v63  }
0x38: {  	s0 =	simm.s32 $0x3000;
	s28 =	simm.s32 $0x280;
	_ =	swait.ge [sflag:s23], $0xC00  }
.LBB2_4:
0x39: {  	s2 =	sshra.s32 s0, $0x2;
	[sflag:s23] =	ssyncset.done $0x0;
	p0 =	sne.s32 s0, $0x4B000  }
.Ltmp1:
0x3a: {  	s2 =	sadd.s32 s2, s8;
	[sflag:s23] =	ssyncadd.s32 $0xFFFFF400;
	(pc) =	sbr.rel @p0 .LBB2_4-.Ltmp1, $3  }
0x3b: {  	[spmem:s2] =	stream.linear.scatter [tilespmem:s11], [sflag:$0x10], $0xC00, $0x38;
	[tilespmem:$0x1B100] =	vst v63  }
0x3c: {  	s0 =	sadd.s32 $0x3000, s0;
	_ =	sdelay $0x1  }
0x3d: {  	_ =	swait.ge [sflag:s23], $0xC00  }
0x3e: {  	[sflag:s23] =	ssyncset.done $0x0  }
0x3f: {  	s0 =	rddreg [dreg:$0xd];
	[sflag:s23] =	ssyncadd.s32 $0xFFFFF400  }
0x40: {  	[spmem:s0] =	stream.linear.scatter [tilespmem:s11], [sflag:$0x10], $0x400, $0x38;
	[tilespmem:$0x1B100] =	vst v63  }
0x41: {  	_ =	swait.ge [sflag:s23], $0x400  }
0x42: {  	[sflag:s23] =	ssyncset.done $0x0  }
0x43: {  	s0 =	simm.s32 $0x0;
	s2 =	rddreg [dreg:$0xe];
	[sflag:s23] =	ssyncadd.s32 $0xFFFFFC00  }
0x44: {  	[tilespmem:s0], [sflag:$0x1] =	stream.linear.gather [hbm4b:s2+s0], $0x28, $0x38;
	[tilespmem:$0x1B100] =	vst v63  }
0x45: {  	s20 =	rddreg [dreg:$0xf]  }
0x46: {  	[tilespmem:s28], [sflag:$0x1] =	stream.linear.gather [hbm4b:s20+s0], $0x28, $0x38;
	[tilespmem:$0x1B100] =	vst v63  }
0x47: {  	_ =	swait.ge [sflag:s25], $0x28  }
0x48: {  	[sflag:s25] =	ssyncset.done $0x0  }
0x49: {  	[sflag:s25] =	ssyncadd.s32 $0xFFFFFFD8  }
0x4a: {  	_ =	swait.ge [sflag:s25], $0x28  }
0x4b: {  	[sflag:s25] =	ssyncset.done $0x0  }
0x4c: {  	[sflag:s25] =	ssyncadd.s32 $0xFFFFFFD8  }
0x4d: {  	[tilespmem:s14], [sflag:$0x6] =	stream.indirect.gather [hbm4b:s4+s26], $0x80, s0, s26, $0xb8;
	[tilespmem:$0x1B100] =	vst v63  }
0x4e: {  	s21 =	rddreg [dreg:$0x10]  }
0x4f: {  	[tilespmem:s15], [sflag:$0x2] =	stream.linear.gather [hbm4b:s21+s0], $0x28, $0x38;
	[tilespmem:$0x1B100] =	vst v63  }
0x50: {  	s23 =	rddreg [dreg:$0x11]  }
0x51: {  	[tilespmem:s16], [sflag:$0x2] =	stream.linear.gather [hbm4b:s23+s0], $0x28, $0x38;
	[tilespmem:$0x1B100] =	vst v63  }
0x52: {  	_ =	swait.ge [sflag:s31], $0x28  }
0x53: {  	[sflag:s31] =	ssyncset.done $0x0  }
0x54: {  	[sflag:s31] =	ssyncadd.s32 $0xFFFFFFD8  }
0x55: {  	_ =	swait.ge [sflag:s31], $0x28  }
0x56: {  	[sflag:s31] =	ssyncset.done $0x0  }
0x57: {  	[sflag:s31] =	ssyncadd.s32 $0xFFFFFFD8  }
0x58: {  	[tilespmem:s18], [sflag:$0x7] =	stream.indirect.gather [hbm4b:s4+s26], $0x80, s15, s26, $0xb8;
	[tilespmem:$0x1B100] =	vst v63  }
0x59: {  	s12 =	simm.s32 $0x100;
	s5 =	rddreg [dreg:$0x12]  }
0x5a: {  	[tilespmem:s12], [sflag:$0x3] =	stream.linear.gather [hbm4b:s5+s0], $0x28, $0x38;
	[tilespmem:$0x1B100] =	vst v63  }
0x5b: {  	s11 =	simm.s32 $0x380;
	s6 =	rddreg [dreg:$0x13]  }
0x5c: {  	[tilespmem:s11], [sflag:$0x3] =	stream.linear.gather [hbm4b:s6+s0], $0x28, $0x38;
	[tilespmem:$0x1B100] =	vst v63  }
0x5d: {  	_ =	swait.ge [sflag:s9], $0x28  }
0x5e: {  	[sflag:s9] =	ssyncset.done $0x0  }
0x5f: {  	[sflag:s9] =	ssyncadd.s32 $0xFFFFFFD8  }
0x60: {  	_ =	swait.ge [sflag:s9], $0x28  }
0x61: {  	[sflag:s9] =	ssyncset.done $0x0  }
0x62: {  	[sflag:s9] =	ssyncadd.s32 $0xFFFFFFD8  }
0x63: {  	[tilespmem:s19], [sflag:$0x8] =	stream.indirect.gather [hbm4b:s4+s26], $0x80, s12, s26, $0xb8;
	[tilespmem:$0x1B100] =	vst v63  }
0x64: {  	s30 =	simm.s32 $0x180;
	s8 =	rddreg [dreg:$0x14]  }
0x65: {  	[tilespmem:s30], [sflag:$0x4] =	stream.linear.gather [hbm4b:s8+s0], $0x28, $0x38;
	[tilespmem:$0x1B100] =	vst v63  }
0x66: {  	s23 =	simm.s32 $0x400;
	s20 =	rddreg [dreg:$0x15]  }
0x67: {  	[tilespmem:s23], [sflag:$0x4] =	stream.linear.gather [hbm4b:s20+s0], $0x28, $0x38;
	[tilespmem:$0x1B100] =	vst v63  }
0x68: {  	_ =	swait.ge [sflag:s13], $0x28  }
0x69: {  	[sflag:s13] =	ssyncset.done $0x0  }
0x6a: {  	[sflag:s13] =	ssyncadd.s32 $0xFFFFFFD8  }
0x6b: {  	_ =	swait.ge [sflag:s13], $0x28  }
0x6c: {  	[sflag:s13] =	ssyncset.done $0x0  }
0x6d: {  	s20 =	simm.s32 $0x4100;
	[sflag:s13] =	ssyncadd.s32 $0xFFFFFFD8  }
0x6e: {  	[tilespmem:s20], [sflag:$0x9] =	stream.indirect.gather [hbm4b:s4+s26], $0x80, s30, s26, $0xb8;
	[tilespmem:$0x1B100] =	vst v63  }
0x6f: {  	s5 =	simm.s32 $0x200;
	s21 =	rddreg [dreg:$0x16]  }
0x70: {  	[tilespmem:s5], [sflag:$0x5] =	stream.linear.gather [hbm4b:s21+s0], $0x28, $0x38;
	[tilespmem:$0x1B100] =	vst v63  }
0x71: {  	s8 =	simm.s32 $0x480;
	s6 =	rddreg [dreg:$0x17]  }
0x72: {  	[tilespmem:s8], [sflag:$0x5] =	stream.linear.gather [hbm4b:s6+s0], $0x28, $0x38;
	[tilespmem:$0x1B100] =	vst v63  }
0x73: {  	_ =	swait.ge [sflag:s17], $0x28  }
0x74: {  	[sflag:s17] =	ssyncset.done $0x0  }
0x75: {  	[sflag:s17] =	ssyncadd.s32 $0xFFFFFFD8  }
0x76: {  	_ =	swait.ge [sflag:s17], $0x28  }
0x77: {  	[sflag:s17] =	ssyncset.done $0x0  }
0x78: {  	s0 =	simm.s32 $0x5500;
	[sflag:s17] =	ssyncadd.s32 $0xFFFFFFD8  }
0x79: {  	[tilespmem:s0], [sflag:$0xA] =	stream.indirect.gather [hbm4b:s4+s26], $0x80, s5, s26, $0xb8;
	[tilespmem:$0x1B100] =	vst v63  }
0x7a: {  	s21 =	simm.s32 $0x6;
	[bflag:$0x0] =	sbarrier.arrive $0xFFFF  }
0x7b: {  	_ =	swait.ge [sflag:s21], $0x1400  }
0x7c: {  	[sflag:s21] =	ssyncset.done $0x0  }
0x7d: {  	s6 =	simm.s32 $0x7;
	[sflag:s21] =	ssyncadd.s32 $0xFFFFEC00  }
0x7e: {  	[spmem:s1] =	stream.indirect.scatter.add.f32 [tilespmem:s14], [sflag:$0xB], $0x80, s28, s26, $0xb8;
	[tilespmem:$0x1B100] =	vst v63  }
0x7f: {  	_ =	swait.ge [sflag:s6], $0x1400  }
0x80: {  	[sflag:s6] =	ssyncset.done $0x0  }
0x81: {  	s21 =	simm.s32 $0x8;
	[sflag:s6] =	ssyncadd.s32 $0xFFFFEC00  }
0x82: {  	[spmem:s1] =	stream.indirect.scatter.add.f32 [tilespmem:s18], [sflag:$0xC], $0x80, s16, s26, $0xb8;
	[tilespmem:$0x1B100] =	vst v63  }
0x83: {  	_ =	swait.ge [sflag:s21], $0x1400  }
0x84: {  	[sflag:s21] =	ssyncset.done $0x0  }
0x85: {  	s6 =	simm.s32 $0x9;
	[sflag:s21] =	ssyncadd.s32 $0xFFFFEC00  }
0x86: {  	[spmem:s1] =	stream.indirect.scatter.add.f32 [tilespmem:s19], [sflag:$0xD], $0x80, s11, s26, $0xb8;
	[tilespmem:$0x1B100] =	vst v63  }
0x87: {  	_ =	swait.ge [sflag:s6], $0x1400  }
0x88: {  	[sflag:s6] =	ssyncset.done $0x0  }
0x89: {  	s21 =	simm.s32 $0xA;
	[sflag:s6] =	ssyncadd.s32 $0xFFFFEC00  }
0x8a: {  	[spmem:s1] =	stream.indirect.scatter.add.f32 [tilespmem:s20], [sflag:$0xE], $0x80, s23, s26, $0xb8;
	[tilespmem:$0x1B100] =	vst v63  }
0x8b: {  	_ =	swait.ge [sflag:s21], $0x1400  }
0x8c: {  	[sflag:s21] =	ssyncset.done $0x0  }
0x8d: {  	[sflag:s21] =	ssyncadd.s32 $0xFFFFEC00  }
0x8e: {  	[spmem:s1] =	stream.indirect.scatter.add.f32 [tilespmem:s0], [sflag:$0xF], $0x80, s8, s26, $0xb8;
	[tilespmem:$0x1B100] =	vst v63  }
0x8f: {  	_ =	swait.ge [sflag:s24], $0x1400  }
0x90: {  	s8 =	rddreg [dreg:$0x1a]  }
0x91: {  	[sflag:s24] =	ssyncset.done $0x0;
	s6 =	sshrl.u32 s8, $0x3  }
0x92: {  	[sflag:s24] =	ssyncadd.s32 $0xFFFFEC00;
	s21 =	sadd.s32 s10, s6  }
0x93: {  	[tilespmem:s3], [sflag:$0x1] =	stream.linear.gather [hbm4b:s21+s3], $0x28, $0x38;
	[tilespmem:$0x1B100] =	vst v63  }
0x94: {  	s0 =	sadd.s32 s29, s6  }
0x95: {  	[tilespmem:s28], [sflag:$0x1] =	stream.linear.gather [hbm4b:s0+s3], $0x28, $0x38;
	[tilespmem:$0x1B100] =	vst v63  }
0x96: {  	_ =	swait.ge [sflag:s25], $0x28  }
0x97: {  	[sflag:s25] =	ssyncset.done $0x0  }
0x98: {  	[sflag:s25] =	ssyncadd.s32 $0xFFFFFFD8  }
0x99: {  	_ =	swait.ge [sflag:s25], $0x28  }
0x9a: {  	[sflag:s25] =	ssyncset.done $0x0  }
0x9b: {  	s28 =	simm.s32 $0xC;
	[sflag:s25] =	ssyncadd.s32 $0xFFFFFFD8  }
0x9c: {  	[tilespmem:s14], [sflag:$0x6] =	stream.indirect.gather [hbm4b:s4+s26], $0x80, s3, s26, $0xb8;
	[tilespmem:$0x1B100] =	vst v63  }
0x9d: {  	_ =	swait.ge [sflag:s28], $0x1400  }
0x9e: {  	s2 =	rddreg [dreg:$0xa];
	[sflag:s28] =	ssyncset.done $0x0  }
0x9f: {  	s6 =	rddreg [dreg:$0x9];
	[sflag:s28] =	ssyncadd.s32 $0xFFFFEC00;
	s0 =	sadd.s32 $0x0, s2  }
0xa0: {  	[tilespmem:s15], [sflag:$0x2] =	stream.linear.gather [hbm4b:s0+s3], $0x28, $0x38;
	[tilespmem:$0x1B100] =	vst v63  }
0xa1: {  	s14 =	sadd.s32 $0x0, s6  }
0xa2: {  	[tilespmem:s16], [sflag:$0x2] =	stream.linear.gather [hbm4b:s14+s3], $0x28, $0x38;
	[tilespmem:$0x1B100] =	vst v63  }
0xa3: {  	_ =	swait.ge [sflag:s31], $0x28  }
0xa4: {  	[sflag:s31] =	ssyncset.done $0x0  }
0xa5: {  	[sflag:s31] =	ssyncadd.s32 $0xFFFFFFD8  }
0xa6: {  	_ =	swait.ge [sflag:s31], $0x28  }
0xa7: {  	[sflag:s31] =	ssyncset.done $0x0  }
0xa8: {  	s29 =	simm.s32 $0xD;
	[sflag:s31] =	ssyncadd.s32 $0xFFFFFFD8  }
0xa9: {  	[tilespmem:s18], [sflag:$0x7] =	stream.indirect.gather [hbm4b:s4+s26], $0x80, s15, s26, $0xb8;
	[tilespmem:$0x1B100] =	vst v63  }
0xaa: {  	_ =	swait.ge [sflag:s29], $0x1400  }
0xab: {  	s18 =	rddreg [dreg:$0x8];
	[sflag:s29] =	ssyncset.done $0x0  }
0xac: {  	s21 =	rddreg [dreg:$0x7];
	[sflag:s29] =	ssyncadd.s32 $0xFFFFEC00;
	s0 =	sadd.s32 $0x0, s18  }
0xad: {  	[tilespmem:s12], [sflag:$0x3] =	stream.linear.gather [hbm4b:s0+s3], $0x28, $0x38;
	[tilespmem:$0x1B100] =	vst v63  }
0xae: {  	s2 =	sadd.s32 $0x0, s21  }
0xaf: {  	[tilespmem:s11], [sflag:$0x3] =	stream.linear.gather [hbm4b:s2+s3], $0x28, $0x38;
	[tilespmem:$0x1B100] =	vst v63  }
0xb0: {  	_ =	swait.ge [sflag:s9], $0x28  }
0xb1: {  	[sflag:s9] =	ssyncset.done $0x0  }
0xb2: {  	[sflag:s9] =	ssyncadd.s32 $0xFFFFFFD8  }
0xb3: {  	_ =	swait.ge [sflag:s9], $0x28  }
0xb4: {  	[sflag:s9] =	ssyncset.done $0x0  }
0xb5: {  	[sflag:s9] =	ssyncadd.s32 $0xFFFFFFD8  }
0xb6: {  	[tilespmem:s19], [sflag:$0x8] =	stream.indirect.gather [hbm4b:s4+s26], $0x80, s12, s26, $0xb8;
	[tilespmem:$0x1B100] =	vst v63  }
0xb7: {  	s12 =	simm.s32 $0xE  }
0xb8: {  	_ =	swait.ge [sflag:s12], $0x1400  }
0xb9: {  	s6 =	rddreg [dreg:$0x6];
	[sflag:s12] =	ssyncset.done $0x0  }
0xba: {  	s14 =	rddreg [dreg:$0x5];
	[sflag:s12] =	ssyncadd.s32 $0xFFFFEC00;
	s0 =	sadd.s32 $0x0, s6  }
0xbb: {  	[tilespmem:s30], [sflag:$0x4] =	stream.linear.gather [hbm4b:s0+s3], $0x28, $0x38;
	[tilespmem:$0x1B100] =	vst v63  }
0xbc: {  	s15 =	sadd.s32 $0x0, s14  }
0xbd: {  	[tilespmem:s23], [sflag:$0x4] =	stream.linear.gather [hbm4b:s15+s3], $0x28, $0x38;
	[tilespmem:$0x1B100] =	vst v63  }
0xbe: {  	_ =	swait.ge [sflag:s13], $0x28  }
0xbf: {  	[sflag:s13] =	ssyncset.done $0x0  }
0xc0: {  	[sflag:s13] =	ssyncadd.s32 $0xFFFFFFD8  }
0xc1: {  	_ =	swait.ge [sflag:s13], $0x28  }
0xc2: {  	[sflag:s13] =	ssyncset.done $0x0  }
0xc3: {  	s23 =	simm.s32 $0xF;
	[sflag:s13] =	ssyncadd.s32 $0xFFFFFFD8  }
0xc4: {  	[tilespmem:s20], [sflag:$0x9] =	stream.indirect.gather [hbm4b:s4+s26], $0x80, s30, s26, $0xb8;
	[tilespmem:$0x1B100] =	vst v63  }
0xc5: {  	_ =	swait.ge [sflag:s23], $0x1400  }
0xc6: {  	s16 =	rddreg [dreg:$0x4];
	[sflag:s23] =	ssyncset.done $0x0  }
0xc7: {  	s18 =	rddreg [dreg:$0x3];
	[sflag:s23] =	ssyncadd.s32 $0xFFFFEC00;
	s0 =	sadd.s32 $0x0, s16  }
0xc8: {  	[tilespmem:s5], [sflag:$0x5] =	stream.linear.gather [hbm4b:s0+s3], $0x28, $0x38;
	[tilespmem:$0x1B100] =	vst v63  }
0xc9: {  	s20 =	simm.s32 $0x480;
	s21 =	sadd.s32 $0x0, s18  }
0xca: {  	[tilespmem:s20], [sflag:$0x5] =	stream.linear.gather [hbm4b:s21+s3], $0x28, $0x38;
	[tilespmem:$0x1B100] =	vst v63  }
0xcb: {  	_ =	swait.ge [sflag:s17], $0x28  }
0xcc: {  	[sflag:s17] =	ssyncset.done $0x0  }
0xcd: {  	[sflag:s17] =	ssyncadd.s32 $0xFFFFFFD8  }
0xce: {  	_ =	swait.ge [sflag:s17], $0x28  }
0xcf: {  	s30 =	simm.s32 $0x19;
	[sflag:s17] =	ssyncset.done $0x0  }
0xd0: {  	s0 =	sadd.s32 $0xC8, s8;
	s8 =	simm.s32 $0x200;
	[sflag:s17] =	ssyncadd.s32 $0xFFFFFFD8  }
.LBB2_6:
0xd1: {  	s14 =	simm.s32 $0x5500;
	s5 =	simm.s32 $0x6  }
0xd2: {  	[tilespmem:s14], [sflag:$0xA] =	stream.indirect.gather [hbm4b:s4+s26], $0x80, s8, s26, $0xb8;
	[tilespmem:$0x1B100] =	vst v63  }
0xd3: {  	_ =	swait.ge [sflag:s5], $0x1400  }
0xd4: {  	s6 =	simm.s32 $0x500;
	[sflag:s5] =	ssyncset.done $0x0  }
0xd5: {  	s21 =	simm.s32 $0x280;
	s8 =	simm.s32 $0x7;
	[sflag:s5] =	ssyncadd.s32 $0xFFFFEC00  }
0xd6: {  	[spmem:s1] =	stream.indirect.scatter.add.f32 [tilespmem:s6], [sflag:$0xB], $0x80, s21, s26, $0xb8;
	[tilespmem:$0x1B100] =	vst v63  }
0xd7: {  	_ =	swait.ge [sflag:s8], $0x1400  }
0xd8: {  	[sflag:s8] =	ssyncset.done $0x0  }
0xd9: {  	s16 =	simm.s32 $0x1900;
	s15 =	simm.s32 $0x8;
	[sflag:s8] =	ssyncadd.s32 $0xFFFFEC00  }
0xda: {  	[spmem:s1] =	stream.indirect.scatter.add.f32 [tilespmem:s16], [sflag:$0xC], $0x80, s7, s26, $0xb8;
	[tilespmem:$0x1B100] =	vst v63  }
0xdb: {  	_ =	swait.ge [sflag:s15], $0x1400  }
0xdc: {  	[sflag:s15] =	ssyncset.done $0x0  }
0xdd: {  	s18 =	simm.s32 $0x9;
	[sflag:s15] =	ssyncadd.s32 $0xFFFFEC00  }
0xde: {  	[spmem:s1] =	stream.indirect.scatter.add.f32 [tilespmem:s19], [sflag:$0xD], $0x80, s11, s26, $0xb8;
	[tilespmem:$0x1B100] =	vst v63  }
0xdf: {  	_ =	swait.ge [sflag:s18], $0x1400  }
0xe0: {  	s15 =	simm.s32 $0x4100;
	[sflag:s18] =	ssyncset.done $0x0  }
0xe1: {  	s19 =	simm.s32 $0xA;
	[sflag:s18] =	ssyncadd.s32 $0xFFFFEC00;
	s18 =	simm.s32 $0x400  }
0xe2: {  	[spmem:s1] =	stream.indirect.scatter.add.f32 [tilespmem:s15], [sflag:$0xE], $0x80, s18, s26, $0xb8;
	[tilespmem:$0x1B100] =	vst v63  }
0xe3: {  	_ =	swait.ge [sflag:s19], $0x1400  }
0xe4: {  	[sflag:s19] =	ssyncset.done $0x0  }
0xe5: {  	[sflag:s19] =	ssyncadd.s32 $0xFFFFEC00  }
0xe6: {  	[spmem:s1] =	stream.indirect.scatter.add.f32 [tilespmem:s14], [sflag:$0xF], $0x80, s20, s26, $0xb8;
	[tilespmem:$0x1B100] =	vst v63  }
0xe7: {  	_ =	swait.ge [sflag:s24], $0x1400  }
0xe8: {  	s8 =	sshrl.u32 s0, $0x3;
	[sflag:s24] =	ssyncset.done $0x0  }
0xe9: {  	s5 =	sadd.s32 s10, s8;
	s14 =	rddreg [dreg:$0xb];
	[sflag:s24] =	ssyncadd.s32 $0xFFFFEC00  }
0xea: {  	[tilespmem:s3], [sflag:$0x1] =	stream.linear.gather [hbm4b:s5+s3], $0x28, $0x38;
	[tilespmem:$0x1B100] =	vst v63  }
0xeb: {  	s8 =	sadd.s32 s14, s8  }
0xec: {  	[tilespmem:s21], [sflag:$0x1] =	stream.linear.gather [hbm4b:s8+s3], $0x28, $0x38;
	[tilespmem:$0x1B100] =	vst v63  }
0xed: {  	_ =	swait.ge [sflag:s25], $0x28  }
0xee: {  	[sflag:s25] =	ssyncset.done $0x0  }
0xef: {  	[sflag:s25] =	ssyncadd.s32 $0xFFFFFFD8  }
0xf0: {  	_ =	swait.ge [sflag:s25], $0x28  }
0xf1: {  	[sflag:s25] =	ssyncset.done $0x0  }
0xf2: {  	[sflag:s25] =	ssyncadd.s32 $0xFFFFFFD8  }
0xf3: {  	[tilespmem:s6], [sflag:$0x6] =	stream.indirect.gather [hbm4b:s4+s26], $0x80, s3, s26, $0xb8;
	[tilespmem:$0x1B100] =	vst v63  }
0xf4: {  	s2 =	smov.u32 s30;
	_ =	swait.ge [sflag:s28], $0x1400  }
0xf5: {  	s14 =	simm.s32 $0x80;
	s5 =	rddreg [dreg:$0xa];
	[sflag:s28] =	ssyncset.done $0x0  }
0xf6: {  	s6 =	rddreg [dreg:$0x9];
	[sflag:s28] =	ssyncadd.s32 $0xFFFFEC00;
	s8 =	sadd.s32 s2, s5  }
0xf7: {  	[tilespmem:s14], [sflag:$0x2] =	stream.linear.gather [hbm4b:s8+s3], $0x28, $0x38;
	[tilespmem:$0x1B100] =	vst v63  }
0xf8: {  	s11 =	smov.u32 s10;
	s10 =	sadd.s32 s2, s6  }
0xf9: {  	[tilespmem:s7], [sflag:$0x2] =	stream.linear.gather [hbm4b:s10+s3], $0x28, $0x38;
	[tilespmem:$0x1B100] =	vst v63  }
0xfa: {  	_ =	swait.ge [sflag:s31], $0x28  }
0xfb: {  	[sflag:s31] =	ssyncset.done $0x0  }
0xfc: {  	[sflag:s31] =	ssyncadd.s32 $0xFFFFFFD8  }
0xfd: {  	_ =	swait.ge [sflag:s31], $0x28  }
0xfe: {  	[sflag:s31] =	ssyncset.done $0x0  }
0xff: {  	[sflag:s31] =	ssyncadd.s32 $0xFFFFFFD8  }
0x100: {  	[tilespmem:s16], [sflag:$0x7] =	stream.indirect.gather [hbm4b:s4+s26], $0x80, s14, s26, $0xb8;
	[tilespmem:$0x1B100] =	vst v63  }
0x101: {  	_ =	swait.ge [sflag:s29], $0x1400  }
0x102: {  	s14 =	rddreg [dreg:$0x8]  }
0x103: {  	[sflag:s29] =	ssyncset.done $0x0;
	s16 =	rddreg [dreg:$0x7]  }
0x104: {  	[sflag:s29] =	ssyncadd.s32 $0xFFFFEC00;
	s8 =	sadd.s32 s2, s14;
	s14 =	simm.s32 $0x100  }
0x105: {  	[tilespmem:s14], [sflag:$0x3] =	stream.linear.gather [hbm4b:s8+s3], $0x28, $0x38;
	[tilespmem:$0x1B100] =	vst v63  }
0x106: {  	s19 =	simm.s32 $0x380;
	s16 =	sadd.s32 s2, s16  }
0x107: {  	[tilespmem:s19], [sflag:$0x3] =	stream.linear.gather [hbm4b:s16+s3], $0x28, $0x38;
	[tilespmem:$0x1B100] =	vst v63  }
0x108: {  	_ =	swait.ge [sflag:s9], $0x28  }
0x109: {  	[sflag:s9] =	ssyncset.done $0x0  }
0x10a: {  	[sflag:s9] =	ssyncadd.s32 $0xFFFFFFD8  }
0x10b: {  	_ =	swait.ge [sflag:s9], $0x28  }
0x10c: {  	[sflag:s9] =	ssyncset.done $0x0  }
0x10d: {  	s19 =	simm.s32 $0x2D00;
	[sflag:s9] =	ssyncadd.s32 $0xFFFFFFD8  }
0x10e: {  	[tilespmem:s19], [sflag:$0x8] =	stream.indirect.gather [hbm4b:s4+s26], $0x80, s14, s26, $0xb8;
	[tilespmem:$0x1B100] =	vst v63  }
0x10f: {  	_ =	swait.ge [sflag:s12], $0x1400  }
0x110: {  	s16 =	simm.s32 $0x180;
	s10 =	rddreg [dreg:$0x6];
	[sflag:s12] =	ssyncset.done $0x0  }
0x111: {  	s14 =	rddreg [dreg:$0x5];
	[sflag:s12] =	ssyncadd.s32 $0xFFFFEC00;
	s8 =	sadd.s32 s2, s10  }
0x112: {  	[tilespmem:s16], [sflag:$0x4] =	stream.linear.gather [hbm4b:s8+s3], $0x28, $0x38;
	[tilespmem:$0x1B100] =	vst v63  }
0x113: {  	s10 =	sadd.s32 s2, s14  }
0x114: {  	[tilespmem:s18], [sflag:$0x4] =	stream.linear.gather [hbm4b:s10+s3], $0x28, $0x38;
	[tilespmem:$0x1B100] =	vst v63  }
0x115: {  	_ =	swait.ge [sflag:s13], $0x28  }
0x116: {  	[sflag:s13] =	ssyncset.done $0x0  }
0x117: {  	[sflag:s13] =	ssyncadd.s32 $0xFFFFFFD8  }
0x118: {  	_ =	swait.ge [sflag:s13], $0x28  }
0x119: {  	[sflag:s13] =	ssyncset.done $0x0  }
0x11a: {  	[sflag:s13] =	ssyncadd.s32 $0xFFFFFFD8  }
0x11b: {  	[tilespmem:s15], [sflag:$0x9] =	stream.indirect.gather [hbm4b:s4+s26], $0x80, s16, s26, $0xb8;
	[tilespmem:$0x1B100] =	vst v63  }
0x11c: {  	_ =	swait.ge [sflag:s23], $0x1400  }
0x11d: {  	s20 =	simm.s32 $0x200;
	s15 =	rddreg [dreg:$0x4];
	[sflag:s23] =	ssyncset.done $0x0  }
0x11e: {  	s16 =	rddreg [dreg:$0x3];
	[sflag:s23] =	ssyncadd.s32 $0xFFFFEC00;
	s8 =	sadd.s32 s2, s15  }
0x11f: {  	[tilespmem:s20], [sflag:$0x5] =	stream.linear.gather [hbm4b:s8+s3], $0x28, $0x38;
	[tilespmem:$0x1B100] =	vst v63  }
0x120: {  	s2 =	sadd.s32 s2, s16;
	s20 =	simm.s32 $0x480  }
0x121: {  	[tilespmem:s20], [sflag:$0x5] =	stream.linear.gather [hbm4b:s2+s3], $0x28, $0x38;
	[tilespmem:$0x1B100] =	vst v63  }
0x122: {  	p0 =	sne.s32 s30, $0x4B0;
	s30 =	sadd.s32 $0x19, s30;
	_ =	swait.ge [sflag:s17], $0x28  }
.Ltmp2:
0x123: {  	s0 =	sadd.s32 $0xC8, s0;
	[sflag:s17] =	ssyncset.done $0x0;
	(pc) =	sbr.rel @p0 .LBB2_6-.Ltmp2, $4  }
0x124: {  	s21 =	simm.s32 $0x500;
	s6 =	simm.s32 $0x300;
	[sflag:s17] =	ssyncadd.s32 $0xFFFFFFD8  }
0x125: {  	s5 =	simm.s32 $0x1900;
	s14 =	simm.s32 $0x400;
	_ =	swait.ge [sflag:s17], $0x28  }
0x126: {  	s18 =	simm.s32 $0x4100;
	s10 =	smov.u32 s11;
	[sflag:s17] =	ssyncset.done $0x0  }
0x127: {  	s11 =	simm.s32 $0x380;
	s8 =	simm.s32 $0x200;
	[sflag:s17] =	ssyncadd.s32 $0xFFFFFFD8  }
0x128: {  	s0 =	simm.s32 $0x5500;
	s2 =	simm.s32 $0x6  }
0x129: {  	[tilespmem:s0], [sflag:$0xA] =	stream.indirect.gather [hbm4b:s4+s26], $0x80, s8, s26, $0xb8;
	[tilespmem:$0x1B100] =	vst v63  }
0x12a: {  	_ =	swait.ge [sflag:s2], $0x1400  }
0x12b: {  	[sflag:s2] =	ssyncset.done $0x0  }
0x12c: {  	s8 =	simm.s32 $0x7;
	[sflag:s2] =	ssyncadd.s32 $0xFFFFEC00  }
0x12d: {  	[spmem:s1] =	stream.indirect.scatter.add.f32 [tilespmem:s21], [sflag:$0xB], $0x80, s22, s26, $0xb8;
	[tilespmem:$0x1B100] =	vst v63  }
0x12e: {  	_ =	swait.ge [sflag:s8], $0x1400  }
0x12f: {  	[sflag:s8] =	ssyncset.done $0x0  }
0x130: {  	s15 =	simm.s32 $0x8;
	[sflag:s8] =	ssyncadd.s32 $0xFFFFEC00  }
0x131: {  	[spmem:s1] =	stream.indirect.scatter.add.f32 [tilespmem:s5], [sflag:$0xC], $0x80, s6, s26, $0xb8;
	[tilespmem:$0x1B100] =	vst v63  }
0x132: {  	_ =	swait.ge [sflag:s15], $0x1400  }
0x133: {  	[sflag:s15] =	ssyncset.done $0x0  }
0x134: {  	s16 =	simm.s32 $0x9;
	[sflag:s15] =	ssyncadd.s32 $0xFFFFEC00  }
0x135: {  	[spmem:s1] =	stream.indirect.scatter.add.f32 [tilespmem:s19], [sflag:$0xD], $0x80, s11, s26, $0xb8;
	[tilespmem:$0x1B100] =	vst v63  }
0x136: {  	_ =	swait.ge [sflag:s16], $0x1400  }
0x137: {  	[sflag:s16] =	ssyncset.done $0x0  }
0x138: {  	[sflag:s16] =	ssyncadd.s32 $0xFFFFEC00  }
0x139: {  	[spmem:s1] =	stream.indirect.scatter.add.f32 [tilespmem:s18], [sflag:$0xE], $0x80, s14, s26, $0xb8;
	[tilespmem:$0x1B100] =	vst v63  }
0x13a: {  	s18 =	simm.s32 $0xA  }
0x13b: {  	_ =	swait.ge [sflag:s18], $0x1400  }
0x13c: {  	[sflag:s18] =	ssyncset.done $0x0  }
0x13d: {  	[sflag:s18] =	ssyncadd.s32 $0xFFFFEC00  }
0x13e: {  	[spmem:s1] =	stream.indirect.scatter.add.f32 [tilespmem:s0], [sflag:$0xF], $0x80, s20, s26, $0xb8;
	[tilespmem:$0x1B100] =	vst v63  }
0x13f: {  	_ =	swait.ge [sflag:s24], $0x1400  }
0x140: {  	[sflag:s24] =	ssyncset.done $0x0  }
0x141: {  	[sflag:s24] =	ssyncadd.s32 $0xFFFFEC00  }
0x142: {  	_ =	swait.ge [sflag:s28], $0x1400  }
0x143: {  	[sflag:s28] =	ssyncset.done $0x0  }
0x144: {  	[sflag:s28] =	ssyncadd.s32 $0xFFFFEC00  }
0x145: {  	_ =	swait.ge [sflag:s29], $0x1400  }
0x146: {  	[sflag:s29] =	ssyncset.done $0x0  }
0x147: {  	[sflag:s29] =	ssyncadd.s32 $0xFFFFEC00  }
0x148: {  	_ =	swait.ge [sflag:s12], $0x1400  }
0x149: {  	[sflag:s12] =	ssyncset.done $0x0  }
0x14a: {  	[sflag:s12] =	ssyncadd.s32 $0xFFFFEC00  }
0x14b: {  	_ =	swait.ge [sflag:s23], $0x1400  }
0x14c: {  	[sflag:s23] =	ssyncset.done $0x0  }
0x14d: {  	[sflag:s23] =	ssyncadd.s32 $0xFFFFEC00  }
0x14e: {  	s20 =	stileid.u32;
	[bflag:$0x0] =	sbarrier.arrive $0xFFFF  }
0x14f: {  	s0 =	sshll.u32 s20, $0x6;
	s8 =	rddreg [dreg:$0xc]  }
0x150: {  	s0 =	sor.u32 $0x1C10, s0;
	s23 =	rddreg [dreg:$0x18];
	s21 =	sshrl.u32 s8, $0x3  }
0x151: {  	[hbm:s23], [sflag:s0] =	dma.local [spmem:s21], $0x2780  }
0x152: {  	s23 =	simm.s32 $0x10  }
0x153: {  	_ =	swait.ge [sflag:s23], $0x2780  }
0x154: {  	s28 =	rddreg [dreg:$0x1b]  }
0x155: {  	s30 =	rddreg [dreg:$0x19];
	s2 =	sadd.s32 $0x1, s28  }
0x156: {  	p0 =	sne.s32 s2, s30  }
.Ltmp3:
0x157: {  	_ = 	snop;
	(pc) =	sbr.rel @p0 .LBB2_1-.Ltmp3, $4  }
0x158: {  	_ = 	snop  }
0x159: {  	s15 =	simm.s32 $0x80;
	s11 =	simm.s32 $0x6900  }
0x15a: {  	s16 =	simm.s32 $0x300;
	s14 =	simm.s32 $0x500;
	[sflag:s23] =	ssyncset.done $0x0  }
0x15b: {  	s18 =	simm.s32 $0x1900;
	s29 =	rddreg [dreg:$0xb];
	[sflag:s23] =	ssyncadd.s32 $0xFFFFD880  }
0x15c: {  	_ =	sfence.sel $0x180000  }
0x15d: {  	[bflag:$0x0] =	sbarrier.arrive $0xFFFF  }
0x15e: {  	_ =	strace $0x9000004D  }
0x15f: {  	s0 =	stileid.u32;
	[bflag:$0x2] =	sbarrier.arrive $0xFFFF  }
0x160: {  	p0 =	sne.s32 s0, $0x0;
	s0 =	rddreg [dreg:$0x2]  }
0x161: {  	s0 =	sadd.s32 @!p0 $0x100000, s0  }
0x162: {  	[sflag:s0] =	ssyncadd.tile.s32 @!p0 $0x1;
	_ =	shalt  }
.Lfunc_end2:
_tile_overlayer_lowered:
.L_overlay_start_2:
0x163: {  	(tag) =	ssettag $0x2  }
0x164: {  	s0 =	rddreg [dreg:$0x0];
	s2 =	stileid.u32  }
0x165: {  	s1 =	rddreg [dreg:$0x1];
	p0 =	sne.s32 s2, $0x0  }
0x166: {  	s3 =	rddreg [dreg:$0x2];
	[bflag:$0x3] =	sbarrier.arrive $0xFFFF;
	s2 =	simm.s32 @!p0 $0x1C10  }
0x167: {  	[timem:s3], [sflag:s2] =	dma.local @!p0 [hbm:s0], s1  }
0x168: {  	s0 =	simm.s32 @!p0 $0x10  }
0x169: {  	_ =	swait.ge @!p0 [sflag:s0], s1  }
0x16a: {  	s1 =	ssub.s32 @!p0 $0x0, s1;
	[sflag:s0] =	ssyncset.done @!p0 $0x0  }
0x16b: {  	[sflag:s0] =	ssyncadd.s32 @!p0 s1  }
0x16c: {  	[bflag:$0x3] =	sbarrier.arrive $0xFFFF  }
0x16d: {  	_ =	shalt  }

// kernel: kernel.19.cloned.1.call-start
scs
__scs_entry_jumppad:
0x0: {  	(pc) =	sbr.rel $0x88, $3  }
0x1: {  	(tag) =	ssettag $0x0;
	lr =	simm.s32 $0x1  }
0x2: {  	[smem:$0x3F97] =	sst lr;
	_ =	strace $0xD0000000  }
0x3: {  	_ = 	snop  }
0x4: {  	_ = 	snop  }
0x5: {  	_ = 	snop  }
0x6: {  	_ = 	snop  }
0x7: {  	_ = 	snop  }
__scs_overlays_trampoline_lowered:
0x8: {  	[smem:$0x3FA6] =	sst s0  }
0x9: {  	[smem:$0x3FA7] =	sst s1  }
0xa: {  	[smem:$0x3FA8] =	sst s2  }
0xb: {  	[smem:$0x3FA9] =	sst s3  }
0xc: {  	[smem:$0x3FAA] =	sst s4  }
0xd: {  	[smem:$0x3FAB] =	sst s5  }
0xe: {  	[smem:$0x3FAC] =	sst s6  }
0xf: {  	[smem:$0x3FAD] =	sst s7  }
0x10: {  	[smem:$0x3FAE] =	sst s8  }
0x11: {  	[smem:$0x3FAF] =	sst s9;
	s0 =	simm.s32 @!p0 $0x0  }
0x12: {  	s1 =	sld [smem:$0x3F95];
	s0 =	simm.s32 @p0 $0x1  }
0x13: {  	[smem:$0x3FB0] =	sst s0;
	s0 =	simm.s32 @!p1 $0x0  }
0x14: {  	s2 =	sld [smem:$0x3F94];
	s0 =	simm.s32 @p1 $0x1  }
0x15: {  	[smem:$0x3FB1] =	sst s0;
	s0 =	simm.s32 @!p2 $0x0  }
0x16: {  	s3 =	sld [smem:$0x3FDB];
	s0 =	simm.s32 @p2 $0x1  }
0x17: {  	s4 =	simm.s32 $0x1BF5;
	[smem:$0x3FB3] =	sst s0  }
0x18: {  	s0 =	sld [smem:$0x3F96];
	_ =	swait.ge [sflag:s4], $0x0  }
0x19: {  	s7 =	sld [smem:$0x3F97]  }
0x1a: {  	s8 =	sadd.s32 $0xFFFFE003, lr  }
0x1b: {  	s9 =	sadd.s32 $0xFFFFFEF7, lr;
	s5 =	simm.s32 $0xFFFFFFFF;
	p2 =	slt.u32 s8, $0xFFFFF086  }
0x1c: {  	p1 =	slt.u32 s9, $0xF7A;
	s5 =	simm.s32 @!p2 $0x0  }
0x1d: {  	s5 =	simm.s32 @p1 $0x1;
	p0 =	seq.s32 s7, s2  }
0x1e: {  	s7 =	smul.u32 @!p0 $0xF7A, s2;
	p2 =	seq.s32 @!p0 s5, $0x0  }
0x1f: {  	s9 =	smul.u32 $0xF7A, s1;
	s8 =	simm.s32 @!p0 $0x1BF5;
	p2 =	por !p2, p0  }
0x20: {  	[sflag:s8] =	ssyncset.s32 @!p0 $0xFFFFF086;
	s6 =	sadd.s32 @!p0 s3, s7;
	s7 =	simm.s32 @!p0 $0x108  }
0x21: {  	s3 =	sadd.s32 s3, s9;
	s6 =	sadd.s32 @!p0 $0x88, s6;
	s7 =	simm.s32 @p2 $0x1082  }
0x22: {  	[simem:s7], [sflag:s8] =	dma.local @!p0 [hbm:s6], $0xF7A  }
0x23: {  	s9 =	sor.u32 $0xD0000000, s2;
	s6 =	simm.s32 $0x108;
	_ =	swait.ge @!p0 [sflag:s8], $0x0  }
0x24: {  	s3 =	sadd.s32 $0x88, s3;
	s6 =	simm.s32 @!p1 $0x1082;
	[sflag:s4] =	ssyncset.s32 $0xFFFFF086  }
0x25: {  	[simem:s6], [sflag:s4] =	dma.local [hbm:s3], $0xF7A  }
0x26: {  	[smem:$0x3F97] =	sst s1;
	(tag) =	ssettag s2;
	_ =	strace s9  }
0x27: {  	s1 =	sld [smem:$0x3FA7]  }
0x28: {  	s2 =	sld [smem:$0x3FA8]  }
0x29: {  	s4 =	sld [smem:$0x3FAA]  }
0x2a: {  	p0 =	seq.s32 s5, $0x0;
	s5 =	sld [smem:$0x3FAB]  }
0x2b: {  	s6 =	sld [smem:$0x3FAC]  }
0x2c: {  	s7 =	sld [smem:$0x3FAD]  }
0x2d: {  	s3 =	simm.s32 $0x108;
	s8 =	sld [smem:$0x3FAE]  }
0x2e: {  	s3 =	simm.s32 @!p0 $0x1082;
	s9 =	sld [smem:$0x3FAF]  }
0x2f: {  	lr =	sadd.s32 s0, s3;
	s0 =	sld [smem:$0x3FA6]  }
0x30: {  	s3 =	sld [smem:$0x3FA9]  }
0x31: {  	[smem:$0x3FB2] =	sst s10  }
0x32: {  	s10 =	sld [smem:$0x3FB0];
	_ =	sdelay $0x3  }
0x33: {  	p0 =	seq.s32 s10, $0x1;
	s10 =	sld [smem:$0x3FB2];
	_ =	sdelay $0x3  }
0x34: {  	[smem:$0x3FB2] =	sst s10  }
0x35: {  	s10 =	sld [smem:$0x3FB1];
	_ =	sdelay $0x3  }
0x36: {  	p1 =	seq.s32 s10, $0x1;
	s10 =	sld [smem:$0x3FB2];
	_ =	sdelay $0x3  }
0x37: {  	[smem:$0x3FB2] =	sst s10  }
0x38: {  	s10 =	sld [smem:$0x3FB3]  }
0x39: {  	_ = 	snop;
	(pc) =	sbr.ind lr, $3  }
0x3a: {  	_ = 	snop  }
0x3b: {  	_ = 	snop  }
0x3c: {  	p2 =	seq.s32 s10, $0x1;
	s10 =	sld [smem:$0x3FB2]  }
0x3d: {  	_ =	shalt  }
0x3e: {  	_ =	shalt  }
0x3f: {  	_ =	shalt  }
0x40: {  	_ =	shalt  }
0x41: {  	_ =	shalt  }
0x42: {  	_ =	shalt  }
0x43: {  	_ =	shalt  }
0x44: {  	_ =	shalt  }
0x45: {  	_ =	shalt  }
0x46: {  	_ =	shalt  }
0x47: {  	_ =	shalt  }
0x48: {  	_ =	shalt  }
0x49: {  	_ =	shalt  }
0x4a: {  	_ =	shalt  }
0x4b: {  	_ =	shalt  }
0x4c: {  	_ =	shalt  }
0x4d: {  	_ =	shalt  }
0x4e: {  	_ =	shalt  }
0x4f: {  	_ =	shalt  }
0x50: {  	_ =	shalt  }
0x51: {  	_ =	shalt  }
0x52: {  	_ =	shalt  }
0x53: {  	_ =	shalt  }
0x54: {  	_ =	shalt  }
0x55: {  	_ =	shalt  }
0x56: {  	_ =	shalt  }
0x57: {  	_ =	shalt  }
0x58: {  	_ =	shalt  }
0x59: {  	_ =	shalt  }
0x5a: {  	_ =	shalt  }
0x5b: {  	_ =	shalt  }
0x5c: {  	_ =	shalt  }
0x5d: {  	_ =	shalt  }
0x5e: {  	_ =	shalt  }
0x5f: {  	_ =	shalt  }
0x60: {  	_ =	shalt  }
0x61: {  	_ =	shalt  }
0x62: {  	_ =	shalt  }
0x63: {  	_ =	shalt  }
0x64: {  	_ =	shalt  }
0x65: {  	_ =	shalt  }
0x66: {  	_ =	shalt  }
0x67: {  	_ =	shalt  }
0x68: {  	_ =	shalt  }
0x69: {  	_ =	shalt  }
0x6a: {  	_ =	shalt  }
0x6b: {  	_ =	shalt  }
0x6c: {  	_ =	shalt  }
0x6d: {  	_ =	shalt  }
0x6e: {  	_ =	shalt  }
0x6f: {  	_ =	shalt  }
0x70: {  	_ =	shalt  }
0x71: {  	_ =	shalt  }
0x72: {  	_ =	shalt  }
0x73: {  	_ =	shalt  }
0x74: {  	_ =	shalt  }
0x75: {  	_ =	shalt  }
0x76: {  	_ =	shalt  }
0x77: {  	_ =	shalt  }
0x78: {  	_ =	shalt  }
0x79: {  	_ =	shalt  }
0x7a: {  	_ =	shalt  }
0x7b: {  	_ =	shalt  }
0x7c: {  	_ =	shalt  }
0x7d: {  	_ =	shalt  }
0x7e: {  	_ =	shalt  }
0x7f: {  	_ =	shalt  }
0x80: {  	_ =	shalt  }
0x81: {  	_ =	shalt  }
0x82: {  	_ =	shalt  }
0x83: {  	_ =	shalt  }
0x84: {  	_ =	shalt  }
0x85: {  	_ =	shalt  }
0x86: {  	_ =	shalt  }
0x87: {  	_ =	shalt  }
.Lfunc_end0:
.L_simem_size_0:
called_computation.3_lowered:
.L_overlay_start_0:
0x88: {  	s2 =	sld [smem:$0x3FD9]  }
0x89: {  	s3 =	sld [smem:$0x3FFE];
	_ =	sdelay $0x1  }
0x8a: {  	s1 =	srdreg.scid  }
0x8b: {  	s0 =	sand.u32 $0x1, s1  }
0x8c: {  	s16 =	sshll.u32 s0, $0xA;
	s2 =	sadd.s32 s3, s2  }
0x8d: {  	s2 =	sadd.s32 s2, s16  }
0x8e: {  	[smem:$0x3FBE] =	sst s2  }
0x8f: {  	_ = 	snop  }
0x90: {  	(tm) =	ssettm $0x1  }
0x91: {  	s17 =	sld [smem:$0x3FFB];
	_ =	sdelay $0x3  }
0x92: {  	_ =	strace s17  }
0x93: {  	s2 =	sld [smem:$0x3FFC];
	_ =	sdelay $0x3  }
0x94: {  	_ =	strace s2  }
0x95: {  	s2 =	sld [smem:$0x3FFD];
	_ =	sdelay $0x3  }
0x96: {  	_ =	strace s2  }
0x97: {  	_ =	strace $0x8FFFFFFF  }
0x98: {  	s18 =	sld [smem:$0x3FDB];
	_ =	sdelay $0x1  }
0x99: {  	s19 =	simm.s32 $_scs_section_size  }
0x9a: {  	s4 =	simm.s32 $_size__tile_overlayer_lowered;
	s5 =	simm.s32 $_tile_overlayer_lowered  }
0x9b: {  	s22 =	simm.s32 $0x1BFF;
	s21 =	sshll.u32 s5, $0x1;
	s2 =	sadd.s32 s19, s18  }
0x9c: {  	s6 =	simm.s32 $0x0;
	s20 =	sshll.u32 s4, $0x1;
	s4 =	sadd.s32 s21, s2  }
0x9d: {  	[timem:s6], [sflag:s22] =	dma.local [hbm:s4], s20  }
0x9e: {  	_ =	swait.ge [sflag:s22], s20  }
0x9f: {  	s3 =	ssub.s32 $0x0, s20;
	[sflag:s22] =	ssyncset.done $0x0  }
0xa0: {  	[sflag:s22] =	ssyncadd.s32 s3;
	_ =	sdelay $0x1  }
0xa1: {  	s23 =	simm.s32 $0x1B8B  }
0xa2: {  	_ =	swait.ge [sflag:s23], $0x1  }
0xa3: {  	[sflag:s23] =	ssyncset.done $0x0  }
0xa4: {  	s25 =	simm.s32 $0x1B8E;
	s24 =	sld [smem:$0x3FFE];
	[sflag:s23] =	ssyncadd.s32 $0xFFFFFFFF  }
0xa5: {  	s26 =	simm.s32 $execute0_lowered;
	[smem:$0x3FD2] =	sst s25  }
0xa6: {  	s4 =	sshll.u32 s26, $0x1;
	_ =	strace $0x8000004F;
	[dreg:$0x1] =	wrdreg $0xFFFFFFFF  }
0xa7: {  	s28 =	simm.s32 $_size_execute0_lowered;
	s2 =	sadd.s32 s2, s4;
	[dreg:$0x0] =	wrdreg $0x0  }
0xa8: {  	s4 =	sshll.u32 s28, $0x1;
	[dreg:$0x2] =	wrdreg s2  }
0xa9: {  	[dreg:$0x3] =	wrdreg s4  }
0xaa: {  	[dreg:$0x4] =	wrdreg $0xC0  }
0xab: {  	_ =	task [dreg:s6], $0x5FFFF  }
0xac: {  	[dreg:$0x1] =	wrdreg $0xFFFFFFFF  }
0xad: {  	[dreg:$0x0] =	wrdreg $0x60  }
0xae: {  	[dreg:$0x2] =	wrdreg s24  }
0xaf: {  	[dreg:$0x3] =	wrdreg $0x75000  }
0xb0: {  	[dreg:$0x4] =	wrdreg $0x9  }
0xb1: {  	_ =	task.clear_ibuf [dreg:s6], $0x5FFFF;
	_ =	strace $0x9000004F  }
0xb2: {  	s29 =	simm.s32 $0x9;
	_ =	strace $0x80000051  }
0xb3: {  	_ =	swait.ge [sflag:s29], $0x1  }
0xb4: {  	[sflag:s29] =	ssyncadd.s32 $0xFFFFFFFF  }
0xb5: {  	_ =	strace $0x90000051  }
0xb6: {  	_ =	sfence  }
0xb7: {  	s30 =	sld [smem:$0x0];
	_ =	sdelay $0x2  }
0xb8: {  	s31 =	sshll.u32 s1, $0xD;
	s1 =	sshrl.u32 s1, $0x2  }
0xb9: {  	s3 =	sand.u32 $0x4000, s31;
	s1 =	sadd.s32 s1, s30  }
0xba: {  	s0 =	sor.u32 s3, s0;
	s1 =	sshll.u32 s1, $0x11  }
0xbb: {  	s0 =	sor.u32 s1, s0  }
0xbc: {  	s0 =	sadd.s32 $0x8F2B, s0  }
0xbd: {  	[sflag:s0] =	ssyncadd.remote.s32 $0x1  }
0xbe: {  	_ =	sfence.sel $0xFFFF  }
0xbf: {  	[dreg:$0x0] =	wrdreg $0xFFFFFFFF;
	(pc) =	sbr.abs _section_cstart, $3  }
0xc0: {  	[dreg:$0x1] =	wrdreg $0xFFFFFFFF  }
0xc1: {  	_ =	task.clear_ibuf [dreg:s6], $0x2FFFF;
	_ =	strace $0x9FFFFFFF  }
0xc2: {  	(tm) =	ssettm $0x7FFFFFFF  }
0xc3: {  	_ =	shalt  }
tec
execute0_lowered:
.L_overlay_start_1:
0x0: {  	(tag) =	ssettag $0x1  }
0x1: {  	s0 =	rddreg [dreg:$0x0]  }
0x2: {  	s1 =	rddreg [dreg:$0x1];
	s3 =	simm.s32 $0x0  }
0x3: {  	s2 =	srdreg.scid;
	s10 =	stileid.u32;
	s31 =	simm.s32 $0x2  }
0x4: {  	[smem:$0x7FF] =	sst s3;
	s2 =	sand.u32 $0x1, s2;
	s6 =	smul.u32 $0x13C00, s10  }
0x5: {  	s4 =	sadd.s32 $0x17400, s0;
	s11 =	sadd.s32 $0x3800, s0;
	s7 =	smul.u32 $0x4F000, s10  }
0x6: {  	s29 =	sadd.s32 $0xD600, s0;
	s20 =	sshll.u32 s10, $0x1;
	s24 =	smul.u32 $0x4E20, s10  }
0x7: {  	s5 =	smul.u32 $0x13C000, s2;
	_ =	strace $0x80000050;
	s8 =	ssub.s32 $0x2, s2  }
0x8: {  	s10 =	smov.u32 s11;
	[dreg:$0xb] =	wrdreg s29;
	s9 =	sshrl.u32 s8, $0x1  }
0x9: {  	s7 =	sshrl.u32 s7, $0x2;
	s5 =	sadd.s32 s6, s5;
	s6 =	sor.u32 s2, s20  }
0xa: {  	s12 =	sadd.s32 s7, s1;
	s2 =	smul.u32 $0x2710, s2;
	s5 =	sshrl.u32 s5, $0x3  }
0xb: {  	s6 =	smul.u32 $0x2710, s6;
	s7 =	sadd.s32 $0x13800, s12;
	s0 =	sadd.s32 s5, s0  }
0xc: {  	s5 =	ssub.s32 s8, s9;
	[dreg:$0xd] =	wrdreg s7;
	s2 =	sadd.s32 s2, s24  }
0xd: {  	s21 =	sshrl.u32 s6, $0x3;
	s22 =	sadd.s32 $0x28, s6;
	s6 =	sadd.s32 $0x78, s6  }
0xe: {  	s13 =	sadd.s32 $0x168, s2;
	s9 =	sadd.s32 $0x140, s2;
	s0 =	sadd.s32 $0x3E600, s0  }
0xf: {  	s20 =	sadd.s32 $0x118, s2;
	s5 =	smax.u32 s5, $0x1;
	[dreg:$0x18] =	wrdreg s0  }
0x10: {  	s24 =	sadd.s32 $0xF0, s2;
	s2 =	sadd.s32 $0xC8, s2;
	[dreg:$0x19] =	wrdreg s5  }
0x11: {  	s23 =	sadd.s32 s11, s21;
	s8 =	sshrl.u32 s22, $0x3;
	[dreg:$0x1a] =	wrdreg s2  }
0x12: {  	s25 =	sadd.s32 s29, s21;
	s28 =	sadd.s32 $0xA, s21;
	[dreg:$0xe] =	wrdreg s23  }
0x13: {  	s6 =	sshrl.u32 s6, $0x3;
	[dreg:$0xf] =	wrdreg s25;
	s26 =	sadd.s32 s10, s8  }
0x14: {  	s14 =	sadd.s32 $0x14, s21;
	s8 =	sadd.s32 s29, s8;
	[dreg:$0x10] =	wrdreg s26  }
0x15: {  	s15 =	sshrl.u32 s13, $0x3;
	s30 =	sadd.s32 s10, s28;
	[dreg:$0x11] =	wrdreg s8  }
0x16: {  	s18 =	sshrl.u32 s9, $0x3;
	s11 =	sadd.s32 s10, s6;
	[dreg:$0x12] =	wrdreg s30  }
0x17: {  	s22 =	sshrl.u32 s20, $0x3;
	s6 =	sadd.s32 s29, s6;
	[dreg:$0x14] =	wrdreg s11  }
0x18: {  	s9 =	simm.s32 $0x3;
	s16 =	sadd.s32 s10, s14;
	[dreg:$0x15] =	wrdreg s6  }
0x19: {  	s13 =	simm.s32 $0x4;
	s17 =	sadd.s32 s15, s29;
	[dreg:$0x16] =	wrdreg s16  }
0x1a: {  	s2 =	simm.s32 $0x0;
	s7 =	sadd.s32 s15, s10;
	[dreg:$0x3] =	wrdreg s17  }
0x1b: {  	s19 =	sadd.s32 s18, s29;
	s21 =	sadd.s32 s18, s10;
	[dreg:$0x4] =	wrdreg s7  }
0x1c: {  	s23 =	sadd.s32 s22, s29;
	s25 =	sadd.s32 s22, s10;
	[dreg:$0x5] =	wrdreg s19  }
0x1d: {  	s15 =	simm.s32 $0x80;
	s18 =	simm.s32 $0x1900;
	[dreg:$0x6] =	wrdreg s21  }
0x1e: {  	s22 =	simm.s32 $0x280;
	s8 =	sadd.s32 s29, s28;
	[dreg:$0x7] =	wrdreg s23  }
0x1f: {  	s26 =	sshrl.u32 s24, $0x3;
	s6 =	sadd.s32 s29, s14;
	[dreg:$0x8] =	wrdreg s25  }
0x20: {  	s11 =	simm.s32 $0x6900;
	s23 =	simm.s32 $0x10;
	s25 =	simm.s32 $0x1  }
0x21: {  	s14 =	simm.s32 $0x500;
	s16 =	simm.s32 $0x300;
	[dreg:$0x13] =	wrdreg s8  }
0x22: {  	s19 =	simm.s32 $0x2D00;
	[dreg:$0x17] =	wrdreg s6;
	s28 =	sadd.s32 s26, s29  }
0x23: {  	s17 =	simm.s32 $0x5;
	s30 =	sadd.s32 s26, s10;
	[dreg:$0x9] =	wrdreg s28  }
0x24: {  	s24 =	simm.s32 $0xB;
	s8 =	smov.u32 s12;
	[dreg:$0xa] =	wrdreg s30  }
0x25: {  	v0 =	vimm.f32 $0.0e+00;
	s7 =	simm.s32 $0x300;
	s26 =	simm.s32 $0x28;
	[dreg:$0xc] =	wrdreg s8  }
.LBB2_1:
0x26: {  	[dreg:$0x1b] =	wrdreg s2;
	s0 =	simm.s32 $0x70;
	s2 =	simm.s32 $0x3C0  }
.LBB2_2:
0x27: {  	p0 =	sne.s32 s2, $0x2FC0;
	[tilespmem:s0+$0x6900] =	vst v0  }
0x28: {  	[tilespmem:s0+$0x6890] =	vst v0  }
0x29: {  	[tilespmem:s0+$0x68A0] =	vst v0  }
.Ltmp0:
0x2a: {  	[tilespmem:s0+$0x68B0] =	vst v0;
	(pc) =	sbr.rel @p0 .LBB2_2-.Ltmp0, $4  }
0x2b: {  	[tilespmem:s0+$0x68C0] =	vst v0  }
0x2c: {  	[tilespmem:s0+$0x68D0] =	vst v0  }
0x2d: {  	[tilespmem:s0+$0x68E0] =	vst v0  }
0x2e: {  	[tilespmem:s0+$0x68F0] =	vst v0;
	s0 =	sshra.s32 s2, $0x2;
	s2 =	sadd.s32 $0x200, s2  }
0x2f: {  	[tilespmem:s0+$0x6900] =	vst v0  }
0x30: {  	[tilespmem:s0+$0x6890] =	vst v0  }
0x31: {  	[tilespmem:s0+$0x68A0] =	vst v0  }
0x32: {  	[tilespmem:s0+$0x68B0] =	vst v0  }
0x33: {  	[tilespmem:s0+$0x68C0] =	vst v0  }
0x34: {  	[tilespmem:s0+$0x68D0] =	vst v0  }
0x35: {  	[tilespmem:s0+$0x68E0] =	vst v0  }
0x36: {  	[tilespmem:s0+$0x68F0] =	vst v0;
	s30 =	sadd.s32 $0x0, s8  }
0x37: {  	[spmem:s30] =	stream.linear.scatter [tilespmem:s11], [sflag:$0x10], $0xC00, $0x38;
	[tilespmem:$0x1B100] =	vst v63  }
0x38: {  	s0 =	simm.s32 $0x3000;
	s28 =	simm.s32 $0x280;
	_ =	swait.ge [sflag:s23], $0xC00  }
.LBB2_4:
0x39: {  	s2 =	sshra.s32 s0, $0x2;
	[sflag:s23] =	ssyncset.done $0x0;
	p0 =	sne.s32 s0, $0x4B000  }
.Ltmp1:
0x3a: {  	s2 =	sadd.s32 s2, s8;
	[sflag:s23] =	ssyncadd.s32 $0xFFFFF400;
	(pc) =	sbr.rel @p0 .LBB2_4-.Ltmp1, $3  }
0x3b: {  	[spmem:s2] =	stream.linear.scatter [tilespmem:s11], [sflag:$0x10], $0xC00, $0x38;
	[tilespmem:$0x1B100] =	vst v63  }
0x3c: {  	s0 =	sadd.s32 $0x3000, s0;
	_ =	sdelay $0x1  }
0x3d: {  	_ =	swait.ge [sflag:s23], $0xC00  }
0x3e: {  	[sflag:s23] =	ssyncset.done $0x0  }
0x3f: {  	s0 =	rddreg [dreg:$0xd];
	[sflag:s23] =	ssyncadd.s32 $0xFFFFF400  }
0x40: {  	[spmem:s0] =	stream.linear.scatter [tilespmem:s11], [sflag:$0x10], $0x400, $0x38;
	[tilespmem:$0x1B100] =	vst v63  }
0x41: {  	_ =	swait.ge [sflag:s23], $0x400  }
0x42: {  	[sflag:s23] =	ssyncset.done $0x0  }
0x43: {  	s0 =	simm.s32 $0x0;
	s2 =	rddreg [dreg:$0xe];
	[sflag:s23] =	ssyncadd.s32 $0xFFFFFC00  }
0x44: {  	[tilespmem:s0], [sflag:$0x1] =	stream.linear.gather [hbm4b:s2+s0], $0x28, $0x38;
	[tilespmem:$0x1B100] =	vst v63  }
0x45: {  	s20 =	rddreg [dreg:$0xf]  }
0x46: {  	[tilespmem:s28], [sflag:$0x1] =	stream.linear.gather [hbm4b:s20+s0], $0x28, $0x38;
	[tilespmem:$0x1B100] =	vst v63  }
0x47: {  	_ =	swait.ge [sflag:s25], $0x28  }
0x48: {  	[sflag:s25] =	ssyncset.done $0x0  }
0x49: {  	[sflag:s25] =	ssyncadd.s32 $0xFFFFFFD8  }
0x4a: {  	_ =	swait.ge [sflag:s25], $0x28  }
0x4b: {  	[sflag:s25] =	ssyncset.done $0x0  }
0x4c: {  	[sflag:s25] =	ssyncadd.s32 $0xFFFFFFD8  }
0x4d: {  	[tilespmem:s14], [sflag:$0x6] =	stream.indirect.gather [hbm4b:s4+s26], $0x80, s0, s26, $0xb8;
	[tilespmem:$0x1B100] =	vst v63  }
0x4e: {  	s21 =	rddreg [dreg:$0x10]  }
0x4f: {  	[tilespmem:s15], [sflag:$0x2] =	stream.linear.gather [hbm4b:s21+s0], $0x28, $0x38;
	[tilespmem:$0x1B100] =	vst v63  }
0x50: {  	s23 =	rddreg [dreg:$0x11]  }
0x51: {  	[tilespmem:s16], [sflag:$0x2] =	stream.linear.gather [hbm4b:s23+s0], $0x28, $0x38;
	[tilespmem:$0x1B100] =	vst v63  }
0x52: {  	_ =	swait.ge [sflag:s31], $0x28  }
0x53: {  	[sflag:s31] =	ssyncset.done $0x0  }
0x54: {  	[sflag:s31] =	ssyncadd.s32 $0xFFFFFFD8  }
0x55: {  	_ =	swait.ge [sflag:s31], $0x28  }
0x56: {  	[sflag:s31] =	ssyncset.done $0x0  }
0x57: {  	[sflag:s31] =	ssyncadd.s32 $0xFFFFFFD8  }
0x58: {  	[tilespmem:s18], [sflag:$0x7] =	stream.indirect.gather [hbm4b:s4+s26], $0x80, s15, s26, $0xb8;
	[tilespmem:$0x1B100] =	vst v63  }
0x59: {  	s12 =	simm.s32 $0x100;
	s5 =	rddreg [dreg:$0x12]  }
0x5a: {  	[tilespmem:s12], [sflag:$0x3] =	stream.linear.gather [hbm4b:s5+s0], $0x28, $0x38;
	[tilespmem:$0x1B100] =	vst v63  }
0x5b: {  	s11 =	simm.s32 $0x380;
	s6 =	rddreg [dreg:$0x13]  }
0x5c: {  	[tilespmem:s11], [sflag:$0x3] =	stream.linear.gather [hbm4b:s6+s0], $0x28, $0x38;
	[tilespmem:$0x1B100] =	vst v63  }
0x5d: {  	_ =	swait.ge [sflag:s9], $0x28  }
0x5e: {  	[sflag:s9] =	ssyncset.done $0x0  }
0x5f: {  	[sflag:s9] =	ssyncadd.s32 $0xFFFFFFD8  }
0x60: {  	_ =	swait.ge [sflag:s9], $0x28  }
0x61: {  	[sflag:s9] =	ssyncset.done $0x0  }
0x62: {  	[sflag:s9] =	ssyncadd.s32 $0xFFFFFFD8  }
0x63: {  	[tilespmem:s19], [sflag:$0x8] =	stream.indirect.gather [hbm4b:s4+s26], $0x80, s12, s26, $0xb8;
	[tilespmem:$0x1B100] =	vst v63  }
0x64: {  	s30 =	simm.s32 $0x180;
	s8 =	rddreg [dreg:$0x14]  }
0x65: {  	[tilespmem:s30], [sflag:$0x4] =	stream.linear.gather [hbm4b:s8+s0], $0x28, $0x38;
	[tilespmem:$0x1B100] =	vst v63  }
0x66: {  	s23 =	simm.s32 $0x400;
	s20 =	rddreg [dreg:$0x15]  }
0x67: {  	[tilespmem:s23], [sflag:$0x4] =	stream.linear.gather [hbm4b:s20+s0], $0x28, $0x38;
	[tilespmem:$0x1B100] =	vst v63  }
0x68: {  	_ =	swait.ge [sflag:s13], $0x28  }
0x69: {  	[sflag:s13] =	ssyncset.done $0x0  }
0x6a: {  	[sflag:s13] =	ssyncadd.s32 $0xFFFFFFD8  }
0x6b: {  	_ =	swait.ge [sflag:s13], $0x28  }
0x6c: {  	[sflag:s13] =	ssyncset.done $0x0  }
0x6d: {  	s20 =	simm.s32 $0x4100;
	[sflag:s13] =	ssyncadd.s32 $0xFFFFFFD8  }
0x6e: {  	[tilespmem:s20], [sflag:$0x9] =	stream.indirect.gather [hbm4b:s4+s26], $0x80, s30, s26, $0xb8;
	[tilespmem:$0x1B100] =	vst v63  }
0x6f: {  	s5 =	simm.s32 $0x200;
	s21 =	rddreg [dreg:$0x16]  }
0x70: {  	[tilespmem:s5], [sflag:$0x5] =	stream.linear.gather [hbm4b:s21+s0], $0x28, $0x38;
	[tilespmem:$0x1B100] =	vst v63  }
0x71: {  	s8 =	simm.s32 $0x480;
	s6 =	rddreg [dreg:$0x17]  }
0x72: {  	[tilespmem:s8], [sflag:$0x5] =	stream.linear.gather [hbm4b:s6+s0], $0x28, $0x38;
	[tilespmem:$0x1B100] =	vst v63  }
0x73: {  	_ =	swait.ge [sflag:s17], $0x28  }
0x74: {  	[sflag:s17] =	ssyncset.done $0x0  }
0x75: {  	[sflag:s17] =	ssyncadd.s32 $0xFFFFFFD8  }
0x76: {  	_ =	swait.ge [sflag:s17], $0x28  }
0x77: {  	[sflag:s17] =	ssyncset.done $0x0  }
0x78: {  	s0 =	simm.s32 $0x5500;
	[sflag:s17] =	ssyncadd.s32 $0xFFFFFFD8  }
0x79: {  	[tilespmem:s0], [sflag:$0xA] =	stream.indirect.gather [hbm4b:s4+s26], $0x80, s5, s26, $0xb8;
	[tilespmem:$0x1B100] =	vst v63  }
0x7a: {  	s21 =	simm.s32 $0x6;
	[bflag:$0x0] =	sbarrier.arrive $0xFFFF  }
0x7b: {  	_ =	swait.ge [sflag:s21], $0x1400  }
0x7c: {  	[sflag:s21] =	ssyncset.done $0x0  }
0x7d: {  	s6 =	simm.s32 $0x7;
	[sflag:s21] =	ssyncadd.s32 $0xFFFFEC00  }
0x7e: {  	[spmem:s1] =	stream.indirect.scatter.add.f32 [tilespmem:s14], [sflag:$0xB], $0x80, s28, s26, $0xb8;
	[tilespmem:$0x1B100] =	vst v63  }
0x7f: {  	_ =	swait.ge [sflag:s6], $0x1400  }
0x80: {  	[sflag:s6] =	ssyncset.done $0x0  }
0x81: {  	s21 =	simm.s32 $0x8;
	[sflag:s6] =	ssyncadd.s32 $0xFFFFEC00  }
0x82: {  	[spmem:s1] =	stream.indirect.scatter.add.f32 [tilespmem:s18], [sflag:$0xC], $0x80, s16, s26, $0xb8;
	[tilespmem:$0x1B100] =	vst v63  }
0x83: {  	_ =	swait.ge [sflag:s21], $0x1400  }
0x84: {  	[sflag:s21] =	ssyncset.done $0x0  }
0x85: {  	s6 =	simm.s32 $0x9;
	[sflag:s21] =	ssyncadd.s32 $0xFFFFEC00  }
0x86: {  	[spmem:s1] =	stream.indirect.scatter.add.f32 [tilespmem:s19], [sflag:$0xD], $0x80, s11, s26, $0xb8;
	[tilespmem:$0x1B100] =	vst v63  }
0x87: {  	_ =	swait.ge [sflag:s6], $0x1400  }
0x88: {  	[sflag:s6] =	ssyncset.done $0x0  }
0x89: {  	s21 =	simm.s32 $0xA;
	[sflag:s6] =	ssyncadd.s32 $0xFFFFEC00  }
0x8a: {  	[spmem:s1] =	stream.indirect.scatter.add.f32 [tilespmem:s20], [sflag:$0xE], $0x80, s23, s26, $0xb8;
	[tilespmem:$0x1B100] =	vst v63  }
0x8b: {  	_ =	swait.ge [sflag:s21], $0x1400  }
0x8c: {  	[sflag:s21] =	ssyncset.done $0x0  }
0x8d: {  	[sflag:s21] =	ssyncadd.s32 $0xFFFFEC00  }
0x8e: {  	[spmem:s1] =	stream.indirect.scatter.add.f32 [tilespmem:s0], [sflag:$0xF], $0x80, s8, s26, $0xb8;
	[tilespmem:$0x1B100] =	vst v63  }
0x8f: {  	_ =	swait.ge [sflag:s24], $0x1400  }
0x90: {  	s8 =	rddreg [dreg:$0x1a]  }
0x91: {  	[sflag:s24] =	ssyncset.done $0x0;
	s6 =	sshrl.u32 s8, $0x3  }
0x92: {  	[sflag:s24] =	ssyncadd.s32 $0xFFFFEC00;
	s21 =	sadd.s32 s10, s6  }
0x93: {  	[tilespmem:s3], [sflag:$0x1] =	stream.linear.gather [hbm4b:s21+s3], $0x28, $0x38;
	[tilespmem:$0x1B100] =	vst v63  }
0x94: {  	s0 =	sadd.s32 s29, s6  }
0x95: {  	[tilespmem:s28], [sflag:$0x1] =	stream.linear.gather [hbm4b:s0+s3], $0x28, $0x38;
	[tilespmem:$0x1B100] =	vst v63  }
0x96: {  	_ =	swait.ge [sflag:s25], $0x28  }
0x97: {  	[sflag:s25] =	ssyncset.done $0x0  }
0x98: {  	[sflag:s25] =	ssyncadd.s32 $0xFFFFFFD8  }
0x99: {  	_ =	swait.ge [sflag:s25], $0x28  }
0x9a: {  	[sflag:s25] =	ssyncset.done $0x0  }
0x9b: {  	s28 =	simm.s32 $0xC;
	[sflag:s25] =	ssyncadd.s32 $0xFFFFFFD8  }
0x9c: {  	[tilespmem:s14], [sflag:$0x6] =	stream.indirect.gather [hbm4b:s4+s26], $0x80, s3, s26, $0xb8;
	[tilespmem:$0x1B100] =	vst v63  }
0x9d: {  	_ =	swait.ge [sflag:s28], $0x1400  }
0x9e: {  	s2 =	rddreg [dreg:$0xa];
	[sflag:s28] =	ssyncset.done $0x0  }
0x9f: {  	s6 =	rddreg [dreg:$0x9];
	[sflag:s28] =	ssyncadd.s32 $0xFFFFEC00;
	s0 =	sadd.s32 $0x0, s2  }
0xa0: {  	[tilespmem:s15], [sflag:$0x2] =	stream.linear.gather [hbm4b:s0+s3], $0x28, $0x38;
	[tilespmem:$0x1B100] =	vst v63  }
0xa1: {  	s14 =	sadd.s32 $0x0, s6  }
0xa2: {  	[tilespmem:s16], [sflag:$0x2] =	stream.linear.gather [hbm4b:s14+s3], $0x28, $0x38;
	[tilespmem:$0x1B100] =	vst v63  }
0xa3: {  	_ =	swait.ge [sflag:s31], $0x28  }
0xa4: {  	[sflag:s31] =	ssyncset.done $0x0  }
0xa5: {  	[sflag:s31] =	ssyncadd.s32 $0xFFFFFFD8  }
0xa6: {  	_ =	swait.ge [sflag:s31], $0x28  }
0xa7: {  	[sflag:s31] =	ssyncset.done $0x0  }
0xa8: {  	s29 =	simm.s32 $0xD;
	[sflag:s31] =	ssyncadd.s32 $0xFFFFFFD8  }
0xa9: {  	[tilespmem:s18], [sflag:$0x7] =	stream.indirect.gather [hbm4b:s4+s26], $0x80, s15, s26, $0xb8;
	[tilespmem:$0x1B100] =	vst v63  }
0xaa: {  	_ =	swait.ge [sflag:s29], $0x1400  }
0xab: {  	s18 =	rddreg [dreg:$0x8];
	[sflag:s29] =	ssyncset.done $0x0  }
0xac: {  	s21 =	rddreg [dreg:$0x7];
	[sflag:s29] =	ssyncadd.s32 $0xFFFFEC00;
	s0 =	sadd.s32 $0x0, s18  }
0xad: {  	[tilespmem:s12], [sflag:$0x3] =	stream.linear.gather [hbm4b:s0+s3], $0x28, $0x38;
	[tilespmem:$0x1B100] =	vst v63  }
0xae: {  	s2 =	sadd.s32 $0x0, s21  }
0xaf: {  	[tilespmem:s11], [sflag:$0x3] =	stream.linear.gather [hbm4b:s2+s3], $0x28, $0x38;
	[tilespmem:$0x1B100] =	vst v63  }
0xb0: {  	_ =	swait.ge [sflag:s9], $0x28  }
0xb1: {  	[sflag:s9] =	ssyncset.done $0x0  }
0xb2: {  	[sflag:s9] =	ssyncadd.s32 $0xFFFFFFD8  }
0xb3: {  	_ =	swait.ge [sflag:s9], $0x28  }
0xb4: {  	[sflag:s9] =	ssyncset.done $0x0  }
0xb5: {  	[sflag:s9] =	ssyncadd.s32 $0xFFFFFFD8  }
0xb6: {  	[tilespmem:s19], [sflag:$0x8] =	stream.indirect.gather [hbm4b:s4+s26], $0x80, s12, s26, $0xb8;
	[tilespmem:$0x1B100] =	vst v63  }
0xb7: {  	s12 =	simm.s32 $0xE  }
0xb8: {  	_ =	swait.ge [sflag:s12], $0x1400  }
0xb9: {  	s6 =	rddreg [dreg:$0x6];
	[sflag:s12] =	ssyncset.done $0x0  }
0xba: {  	s14 =	rddreg [dreg:$0x5];
	[sflag:s12] =	ssyncadd.s32 $0xFFFFEC00;
	s0 =	sadd.s32 $0x0, s6  }
0xbb: {  	[tilespmem:s30], [sflag:$0x4] =	stream.linear.gather [hbm4b:s0+s3], $0x28, $0x38;
	[tilespmem:$0x1B100] =	vst v63  }
0xbc: {  	s15 =	sadd.s32 $0x0, s14  }
0xbd: {  	[tilespmem:s23], [sflag:$0x4] =	stream.linear.gather [hbm4b:s15+s3], $0x28, $0x38;
	[tilespmem:$0x1B100] =	vst v63  }
0xbe: {  	_ =	swait.ge [sflag:s13], $0x28  }
0xbf: {  	[sflag:s13] =	ssyncset.done $0x0  }
0xc0: {  	[sflag:s13] =	ssyncadd.s32 $0xFFFFFFD8  }
0xc1: {  	_ =	swait.ge [sflag:s13], $0x28  }
0xc2: {  	[sflag:s13] =	ssyncset.done $0x0  }
0xc3: {  	s23 =	simm.s32 $0xF;
	[sflag:s13] =	ssyncadd.s32 $0xFFFFFFD8  }
0xc4: {  	[tilespmem:s20], [sflag:$0x9] =	stream.indirect.gather [hbm4b:s4+s26], $0x80, s30, s26, $0xb8;
	[tilespmem:$0x1B100] =	vst v63  }
0xc5: {  	_ =	swait.ge [sflag:s23], $0x1400  }
0xc6: {  	s16 =	rddreg [dreg:$0x4];
	[sflag:s23] =	ssyncset.done $0x0  }
0xc7: {  	s18 =	rddreg [dreg:$0x3];
	[sflag:s23] =	ssyncadd.s32 $0xFFFFEC00;
	s0 =	sadd.s32 $0x0, s16  }
0xc8: {  	[tilespmem:s5], [sflag:$0x5] =	stream.linear.gather [hbm4b:s0+s3], $0x28, $0x38;
	[tilespmem:$0x1B100] =	vst v63  }
0xc9: {  	s20 =	simm.s32 $0x480;
	s21 =	sadd.s32 $0x0, s18  }
0xca: {  	[tilespmem:s20], [sflag:$0x5] =	stream.linear.gather [hbm4b:s21+s3], $0x28, $0x38;
	[tilespmem:$0x1B100] =	vst v63  }
0xcb: {  	_ =	swait.ge [sflag:s17], $0x28  }
0xcc: {  	[sflag:s17] =	ssyncset.done $0x0  }
0xcd: {  	[sflag:s17] =	ssyncadd.s32 $0xFFFFFFD8  }
0xce: {  	_ =	swait.ge [sflag:s17], $0x28  }
0xcf: {  	s30 =	simm.s32 $0x19;
	[sflag:s17] =	ssyncset.done $0x0  }
0xd0: {  	s0 =	sadd.s32 $0xC8, s8;
	s8 =	simm.s32 $0x200;
	[sflag:s17] =	ssyncadd.s32 $0xFFFFFFD8  }
.LBB2_6:
0xd1: {  	s14 =	simm.s32 $0x5500;
	s5 =	simm.s32 $0x6  }
0xd2: {  	[tilespmem:s14], [sflag:$0xA] =	stream.indirect.gather [hbm4b:s4+s26], $0x80, s8, s26, $0xb8;
	[tilespmem:$0x1B100] =	vst v63  }
0xd3: {  	_ =	swait.ge [sflag:s5], $0x1400  }
0xd4: {  	s6 =	simm.s32 $0x500;
	[sflag:s5] =	ssyncset.done $0x0  }
0xd5: {  	s21 =	simm.s32 $0x280;
	s8 =	simm.s32 $0x7;
	[sflag:s5] =	ssyncadd.s32 $0xFFFFEC00  }
0xd6: {  	[spmem:s1] =	stream.indirect.scatter.add.f32 [tilespmem:s6], [sflag:$0xB], $0x80, s21, s26, $0xb8;
	[tilespmem:$0x1B100] =	vst v63  }
0xd7: {  	_ =	swait.ge [sflag:s8], $0x1400  }
0xd8: {  	[sflag:s8] =	ssyncset.done $0x0  }
0xd9: {  	s16 =	simm.s32 $0x1900;
	s15 =	simm.s32 $0x8;
	[sflag:s8] =	ssyncadd.s32 $0xFFFFEC00  }
0xda: {  	[spmem:s1] =	stream.indirect.scatter.add.f32 [tilespmem:s16], [sflag:$0xC], $0x80, s7, s26, $0xb8;
	[tilespmem:$0x1B100] =	vst v63  }
0xdb: {  	_ =	swait.ge [sflag:s15], $0x1400  }
0xdc: {  	[sflag:s15] =	ssyncset.done $0x0  }
0xdd: {  	s18 =	simm.s32 $0x9;
	[sflag:s15] =	ssyncadd.s32 $0xFFFFEC00  }
0xde: {  	[spmem:s1] =	stream.indirect.scatter.add.f32 [tilespmem:s19], [sflag:$0xD], $0x80, s11, s26, $0xb8;
	[tilespmem:$0x1B100] =	vst v63  }
0xdf: {  	_ =	swait.ge [sflag:s18], $0x1400  }
0xe0: {  	s15 =	simm.s32 $0x4100;
	[sflag:s18] =	ssyncset.done $0x0  }
0xe1: {  	s19 =	simm.s32 $0xA;
	[sflag:s18] =	ssyncadd.s32 $0xFFFFEC00;
	s18 =	simm.s32 $0x400  }
0xe2: {  	[spmem:s1] =	stream.indirect.scatter.add.f32 [tilespmem:s15], [sflag:$0xE], $0x80, s18, s26, $0xb8;
	[tilespmem:$0x1B100] =	vst v63  }
0xe3: {  	_ =	swait.ge [sflag:s19], $0x1400  }
0xe4: {  	[sflag:s19] =	ssyncset.done $0x0  }
0xe5: {  	[sflag:s19] =	ssyncadd.s32 $0xFFFFEC00  }
0xe6: {  	[spmem:s1] =	stream.indirect.scatter.add.f32 [tilespmem:s14], [sflag:$0xF], $0x80, s20, s26, $0xb8;
	[tilespmem:$0x1B100] =	vst v63  }
0xe7: {  	_ =	swait.ge [sflag:s24], $0x1400  }
0xe8: {  	s8 =	sshrl.u32 s0, $0x3;
	[sflag:s24] =	ssyncset.done $0x0  }
0xe9: {  	s5 =	sadd.s32 s10, s8;
	s14 =	rddreg [dreg:$0xb];
	[sflag:s24] =	ssyncadd.s32 $0xFFFFEC00  }
0xea: {  	[tilespmem:s3], [sflag:$0x1] =	stream.linear.gather [hbm4b:s5+s3], $0x28, $0x38;
	[tilespmem:$0x1B100] =	vst v63  }
0xeb: {  	s8 =	sadd.s32 s14, s8  }
0xec: {  	[tilespmem:s21], [sflag:$0x1] =	stream.linear.gather [hbm4b:s8+s3], $0x28, $0x38;
	[tilespmem:$0x1B100] =	vst v63  }
0xed: {  	_ =	swait.ge [sflag:s25], $0x28  }
0xee: {  	[sflag:s25] =	ssyncset.done $0x0  }
0xef: {  	[sflag:s25] =	ssyncadd.s32 $0xFFFFFFD8  }
0xf0: {  	_ =	swait.ge [sflag:s25], $0x28  }
0xf1: {  	[sflag:s25] =	ssyncset.done $0x0  }
0xf2: {  	[sflag:s25] =	ssyncadd.s32 $0xFFFFFFD8  }
0xf3: {  	[tilespmem:s6], [sflag:$0x6] =	stream.indirect.gather [hbm4b:s4+s26], $0x80, s3, s26, $0xb8;
	[tilespmem:$0x1B100] =	vst v63  }
0xf4: {  	s2 =	smov.u32 s30;
	_ =	swait.ge [sflag:s28], $0x1400  }
0xf5: {  	s14 =	simm.s32 $0x80;
	s5 =	rddreg [dreg:$0xa];
	[sflag:s28] =	ssyncset.done $0x0  }
0xf6: {  	s6 =	rddreg [dreg:$0x9];
	[sflag:s28] =	ssyncadd.s32 $0xFFFFEC00;
	s8 =	sadd.s32 s2, s5  }
0xf7: {  	[tilespmem:s14], [sflag:$0x2] =	stream.linear.gather [hbm4b:s8+s3], $0x28, $0x38;
	[tilespmem:$0x1B100] =	vst v63  }
0xf8: {  	s11 =	smov.u32 s10;
	s10 =	sadd.s32 s2, s6  }
0xf9: {  	[tilespmem:s7], [sflag:$0x2] =	stream.linear.gather [hbm4b:s10+s3], $0x28, $0x38;
	[tilespmem:$0x1B100] =	vst v63  }
0xfa: {  	_ =	swait.ge [sflag:s31], $0x28  }
0xfb: {  	[sflag:s31] =	ssyncset.done $0x0  }
0xfc: {  	[sflag:s31] =	ssyncadd.s32 $0xFFFFFFD8  }
0xfd: {  	_ =	swait.ge [sflag:s31], $0x28  }
0xfe: {  	[sflag:s31] =	ssyncset.done $0x0  }
0xff: {  	[sflag:s31] =	ssyncadd.s32 $0xFFFFFFD8  }
0x100: {  	[tilespmem:s16], [sflag:$0x7] =	stream.indirect.gather [hbm4b:s4+s26], $0x80, s14, s26, $0xb8;
	[tilespmem:$0x1B100] =	vst v63  }
0x101: {  	_ =	swait.ge [sflag:s29], $0x1400  }
0x102: {  	s14 =	rddreg [dreg:$0x8]  }
0x103: {  	[sflag:s29] =	ssyncset.done $0x0;
	s16 =	rddreg [dreg:$0x7]  }
0x104: {  	[sflag:s29] =	ssyncadd.s32 $0xFFFFEC00;
	s8 =	sadd.s32 s2, s14;
	s14 =	simm.s32 $0x100  }
0x105: {  	[tilespmem:s14], [sflag:$0x3] =	stream.linear.gather [hbm4b:s8+s3], $0x28, $0x38;
	[tilespmem:$0x1B100] =	vst v63  }
0x106: {  	s19 =	simm.s32 $0x380;
	s16 =	sadd.s32 s2, s16  }
0x107: {  	[tilespmem:s19], [sflag:$0x3] =	stream.linear.gather [hbm4b:s16+s3], $0x28, $0x38;
	[tilespmem:$0x1B100] =	vst v63  }
0x108: {  	_ =	swait.ge [sflag:s9], $0x28  }
0x109: {  	[sflag:s9] =	ssyncset.done $0x0  }
0x10a: {  	[sflag:s9] =	ssyncadd.s32 $0xFFFFFFD8  }
0x10b: {  	_ =	swait.ge [sflag:s9], $0x28  }
0x10c: {  	[sflag:s9] =	ssyncset.done $0x0  }
0x10d: {  	s19 =	simm.s32 $0x2D00;
	[sflag:s9] =	ssyncadd.s32 $0xFFFFFFD8  }
0x10e: {  	[tilespmem:s19], [sflag:$0x8] =	stream.indirect.gather [hbm4b:s4+s26], $0x80, s14, s26, $0xb8;
	[tilespmem:$0x1B100] =	vst v63  }
0x10f: {  	_ =	swait.ge [sflag:s12], $0x1400  }
0x110: {  	s16 =	simm.s32 $0x180;
	s10 =	rddreg [dreg:$0x6];
	[sflag:s12] =	ssyncset.done $0x0  }
0x111: {  	s14 =	rddreg [dreg:$0x5];
	[sflag:s12] =	ssyncadd.s32 $0xFFFFEC00;
	s8 =	sadd.s32 s2, s10  }
0x112: {  	[tilespmem:s16], [sflag:$0x4] =	stream.linear.gather [hbm4b:s8+s3], $0x28, $0x38;
	[tilespmem:$0x1B100] =	vst v63  }
0x113: {  	s10 =	sadd.s32 s2, s14  }
0x114: {  	[tilespmem:s18], [sflag:$0x4] =	stream.linear.gather [hbm4b:s10+s3], $0x28, $0x38;
	[tilespmem:$0x1B100] =	vst v63  }
0x115: {  	_ =	swait.ge [sflag:s13], $0x28  }
0x116: {  	[sflag:s13] =	ssyncset.done $0x0  }
0x117: {  	[sflag:s13] =	ssyncadd.s32 $0xFFFFFFD8  }
0x118: {  	_ =	swait.ge [sflag:s13], $0x28  }
0x119: {  	[sflag:s13] =	ssyncset.done $0x0  }
0x11a: {  	[sflag:s13] =	ssyncadd.s32 $0xFFFFFFD8  }
0x11b: {  	[tilespmem:s15], [sflag:$0x9] =	stream.indirect.gather [hbm4b:s4+s26], $0x80, s16, s26, $0xb8;
	[tilespmem:$0x1B100] =	vst v63  }
0x11c: {  	_ =	swait.ge [sflag:s23], $0x1400  }
0x11d: {  	s20 =	simm.s32 $0x200;
	s15 =	rddreg [dreg:$0x4];
	[sflag:s23] =	ssyncset.done $0x0  }
0x11e: {  	s16 =	rddreg [dreg:$0x3];
	[sflag:s23] =	ssyncadd.s32 $0xFFFFEC00;
	s8 =	sadd.s32 s2, s15  }
0x11f: {  	[tilespmem:s20], [sflag:$0x5] =	stream.linear.gather [hbm4b:s8+s3], $0x28, $0x38;
	[tilespmem:$0x1B100] =	vst v63  }
0x120: {  	s2 =	sadd.s32 s2, s16;
	s20 =	simm.s32 $0x480  }
0x121: {  	[tilespmem:s20], [sflag:$0x5] =	stream.linear.gather [hbm4b:s2+s3], $0x28, $0x38;
	[tilespmem:$0x1B100] =	vst v63  }
0x122: {  	p0 =	sne.s32 s30, $0x4B0;
	s30 =	sadd.s32 $0x19, s30;
	_ =	swait.ge [sflag:s17], $0x28  }
.Ltmp2:
0x123: {  	s0 =	sadd.s32 $0xC8, s0;
	[sflag:s17] =	ssyncset.done $0x0;
	(pc) =	sbr.rel @p0 .LBB2_6-.Ltmp2, $4  }
0x124: {  	s21 =	simm.s32 $0x500;
	s6 =	simm.s32 $0x300;
	[sflag:s17] =	ssyncadd.s32 $0xFFFFFFD8  }
0x125: {  	s5 =	simm.s32 $0x1900;
	s14 =	simm.s32 $0x400;
	_ =	swait.ge [sflag:s17], $0x28  }
0x126: {  	s18 =	simm.s32 $0x4100;
	s10 =	smov.u32 s11;
	[sflag:s17] =	ssyncset.done $0x0  }
0x127: {  	s11 =	simm.s32 $0x380;
	s8 =	simm.s32 $0x200;
	[sflag:s17] =	ssyncadd.s32 $0xFFFFFFD8  }
0x128: {  	s0 =	simm.s32 $0x5500;
	s2 =	simm.s32 $0x6  }
0x129: {  	[tilespmem:s0], [sflag:$0xA] =	stream.indirect.gather [hbm4b:s4+s26], $0x80, s8, s26, $0xb8;
	[tilespmem:$0x1B100] =	vst v63  }
0x12a: {  	_ =	swait.ge [sflag:s2], $0x1400  }
0x12b: {  	[sflag:s2] =	ssyncset.done $0x0  }
0x12c: {  	s8 =	simm.s32 $0x7;
	[sflag:s2] =	ssyncadd.s32 $0xFFFFEC00  }
0x12d: {  	[spmem:s1] =	stream.indirect.scatter.add.f32 [tilespmem:s21], [sflag:$0xB], $0x80, s22, s26, $0xb8;
	[tilespmem:$0x1B100] =	vst v63  }
0x12e: {  	_ =	swait.ge [sflag:s8], $0x1400  }
0x12f: {  	[sflag:s8] =	ssyncset.done $0x0  }
0x130: {  	s15 =	simm.s32 $0x8;
	[sflag:s8] =	ssyncadd.s32 $0xFFFFEC00  }
0x131: {  	[spmem:s1] =	stream.indirect.scatter.add.f32 [tilespmem:s5], [sflag:$0xC], $0x80, s6, s26, $0xb8;
	[tilespmem:$0x1B100] =	vst v63  }
0x132: {  	_ =	swait.ge [sflag:s15], $0x1400  }
0x133: {  	[sflag:s15] =	ssyncset.done $0x0  }
0x134: {  	s16 =	simm.s32 $0x9;
	[sflag:s15] =	ssyncadd.s32 $0xFFFFEC00  }
0x135: {  	[spmem:s1] =	stream.indirect.scatter.add.f32 [tilespmem:s19], [sflag:$0xD], $0x80, s11, s26, $0xb8;
	[tilespmem:$0x1B100] =	vst v63  }
0x136: {  	_ =	swait.ge [sflag:s16], $0x1400  }
0x137: {  	[sflag:s16] =	ssyncset.done $0x0  }
0x138: {  	[sflag:s16] =	ssyncadd.s32 $0xFFFFEC00  }
0x139: {  	[spmem:s1] =	stream.indirect.scatter.add.f32 [tilespmem:s18], [sflag:$0xE], $0x80, s14, s26, $0xb8;
	[tilespmem:$0x1B100] =	vst v63  }
0x13a: {  	s18 =	simm.s32 $0xA  }
0x13b: {  	_ =	swait.ge [sflag:s18], $0x1400  }
0x13c: {  	[sflag:s18] =	ssyncset.done $0x0  }
0x13d: {  	[sflag:s18] =	ssyncadd.s32 $0xFFFFEC00  }
0x13e: {  	[spmem:s1] =	stream.indirect.scatter.add.f32 [tilespmem:s0], [sflag:$0xF], $0x80, s20, s26, $0xb8;
	[tilespmem:$0x1B100] =	vst v63  }
0x13f: {  	_ =	swait.ge [sflag:s24], $0x1400  }
0x140: {  	[sflag:s24] =	ssyncset.done $0x0  }
0x141: {  	[sflag:s24] =	ssyncadd.s32 $0xFFFFEC00  }
0x142: {  	_ =	swait.ge [sflag:s28], $0x1400  }
0x143: {  	[sflag:s28] =	ssyncset.done $0x0  }
0x144: {  	[sflag:s28] =	ssyncadd.s32 $0xFFFFEC00  }
0x145: {  	_ =	swait.ge [sflag:s29], $0x1400  }
0x146: {  	[sflag:s29] =	ssyncset.done $0x0  }
0x147: {  	[sflag:s29] =	ssyncadd.s32 $0xFFFFEC00  }
0x148: {  	_ =	swait.ge [sflag:s12], $0x1400  }
0x149: {  	[sflag:s12] =	ssyncset.done $0x0  }
0x14a: {  	[sflag:s12] =	ssyncadd.s32 $0xFFFFEC00  }
0x14b: {  	_ =	swait.ge [sflag:s23], $0x1400  }
0x14c: {  	[sflag:s23] =	ssyncset.done $0x0  }
0x14d: {  	[sflag:s23] =	ssyncadd.s32 $0xFFFFEC00  }
0x14e: {  	s20 =	stileid.u32;
	[bflag:$0x0] =	sbarrier.arrive $0xFFFF  }
0x14f: {  	s0 =	sshll.u32 s20, $0x6;
	s8 =	rddreg [dreg:$0xc]  }
0x150: {  	s0 =	sor.u32 $0x1C10, s0;
	s23 =	rddreg [dreg:$0x18];
	s21 =	sshrl.u32 s8, $0x3  }
0x151: {  	[hbm:s23], [sflag:s0] =	dma.local [spmem:s21], $0x2780  }
0x152: {  	s23 =	simm.s32 $0x10  }
0x153: {  	_ =	swait.ge [sflag:s23], $0x2780  }
0x154: {  	s28 =	rddreg [dreg:$0x1b]  }
0x155: {  	s30 =	rddreg [dreg:$0x19];
	s2 =	sadd.s32 $0x1, s28  }
0x156: {  	p0 =	sne.s32 s2, s30  }
.Ltmp3:
0x157: {  	_ = 	snop;
	(pc) =	sbr.rel @p0 .LBB2_1-.Ltmp3, $4  }
0x158: {  	_ = 	snop  }
0x159: {  	s15 =	simm.s32 $0x80;
	s11 =	simm.s32 $0x6900  }
0x15a: {  	s16 =	simm.s32 $0x300;
	s14 =	simm.s32 $0x500;
	[sflag:s23] =	ssyncset.done $0x0  }
0x15b: {  	s18 =	simm.s32 $0x1900;
	s29 =	rddreg [dreg:$0xb];
	[sflag:s23] =	ssyncadd.s32 $0xFFFFD880  }
0x15c: {  	_ =	sfence.sel $0x180000  }
0x15d: {  	[bflag:$0x0] =	sbarrier.arrive $0xFFFF  }
0x15e: {  	_ =	strace $0x90000050  }
0x15f: {  	s0 =	stileid.u32;
	[bflag:$0x2] =	sbarrier.arrive $0xFFFF  }
0x160: {  	p0 =	sne.s32 s0, $0x0;
	s0 =	rddreg [dreg:$0x2]  }
0x161: {  	s0 =	sadd.s32 @!p0 $0x100000, s0  }
0x162: {  	[sflag:s0] =	ssyncadd.tile.s32 @!p0 $0x1;
	_ =	shalt  }
.Lfunc_end2:
_tile_overlayer_lowered:
.L_overlay_start_2:
0x163: {  	(tag) =	ssettag $0x2  }
0x164: {  	s0 =	rddreg [dreg:$0x0];
	s2 =	stileid.u32  }
0x165: {  	s1 =	rddreg [dreg:$0x1];
	p0 =	sne.s32 s2, $0x0  }
0x166: {  	s3 =	rddreg [dreg:$0x2];
	[bflag:$0x3] =	sbarrier.arrive $0xFFFF;
	s2 =	simm.s32 @!p0 $0x1C10  }
0x167: {  	[timem:s3], [sflag:s2] =	dma.local @!p0 [hbm:s0], s1  }
0x168: {  	s0 =	simm.s32 @!p0 $0x10  }
0x169: {  	_ =	swait.ge @!p0 [sflag:s0], s1  }
0x16a: {  	s1 =	ssub.s32 @!p0 $0x0, s1;
	[sflag:s0] =	ssyncset.done @!p0 $0x0  }
0x16b: {  	[sflag:s0] =	ssyncadd.s32 @!p0 s1  }
0x16c: {  	[bflag:$0x3] =	sbarrier.arrive $0xFFFF  }
0x16d: {  	_ =	shalt  }

</sc_bundles>
